<compile_context>
chip_gen: v7x
topology: tpu7x:2x2x1
jax: 0.10.2.dev20260603
libtpu: 0.0.44.dev20260713+nightly
codegen_flags: <defaults>
</compile_context>

<pallas_src>
import functools

import jax
import jax.numpy as jnp
from jax import lax
from jax.experimental import pallas as pl
from jax.experimental.pallas import tpu as pltpu
from jax.experimental.pallas import tpu_sc as plsc

N = 5000
D = 256
B = 128
NB = 40
NP = NB * B
IOU_THRESH = 0.5
SCORE_THRESH = 0.2

_SC_NC = 2
_SC_NS = 16
_SC_NW = _SC_NC * _SC_NS
_ROWS_PER_W = NP // _SC_NW


def _nms_body(rows_ref, cols_ref, s_ref, gated_ref, keep_ref, coff_ref):
    offf = jnp.max(rows_ref[:, 0:4]) + 1.0
    labc = cols_ref[4:5, :]
    offc = labc * offf
    x1c = cols_ref[0:1, :] + offc
    y1c = cols_ref[1:2, :] + offc
    x2c = cols_ref[2:3, :] + offc
    y2c = cols_ref[3:4, :] + offc
    coff_ref[0:1, :] = x1c
    coff_ref[1:2, :] = y1c
    coff_ref[2:3, :] = x2c
    coff_ref[3:4, :] = y2c
    area_c = (x2c - x1c) * (y2c - y1c)
    coff_ref[4:5, :] = area_c

    keep_ref[...] = jnp.ones((NB, B), jnp.float32)

    n_above = jnp.sum((s_ref[...] >= SCORE_THRESH).astype(jnp.int32))
    nblk = (n_above + (B - 1)) // B

    tri_r = lax.broadcasted_iota(jnp.int32, (B, B), 0)
    tri_c = lax.broadcasted_iota(jnp.int32, (B, B), 1)
    trif = (tri_r < tri_c).astype(jnp.float32)

    def make_blk_body(cs, nbw):
        c0 = cs * B
        cw = nbw * B
        xc1 = coff_ref[0:1, c0:c0 + cw]
        yc1 = coff_ref[1:2, c0:c0 + cw]
        xc2 = coff_ref[2:3, c0:c0 + cw]
        yc2 = coff_ref[3:4, c0:c0 + cw]
        ac = coff_ref[4:5, c0:c0 + cw]
        blk_row = lax.broadcasted_iota(jnp.int32, (nbw, B), 0) + cs

        def blk_body(k, _):
            base = pl.multiple_of(k * B, B)
            r = rows_ref[pl.ds(base, B), :]
            offr = r[:, 4:5] * offf
            x1r = r[:, 0:1] + offr
            y1r = r[:, 1:2] + offr
            x2r = r[:, 2:3] + offr
            y2r = r[:, 3:4] + offr
            area_r = (x2r - x1r) * (y2r - y1r)

            iw = jnp.maximum(jnp.minimum(x2r, xc2) - jnp.maximum(x1r, xc1), 0.0)
            ih = jnp.minimum(y2r, yc2) - jnp.maximum(y1r, yc1)
            inter = iw * ih
            union = area_r + ac - inter
            mf = (inter > IOU_THRESH * union).astype(jnp.float32)

            x1b = coff_ref[0:1, pl.ds(base, B)]
            y1b = coff_ref[1:2, pl.ds(base, B)]
            x2b = coff_ref[2:3, pl.ds(base, B)]
            y2b = coff_ref[3:4, pl.ds(base, B)]
            area_b = coff_ref[4:5, pl.ds(base, B)]
            iwb = jnp.maximum(jnp.minimum(x2r, x2b) - jnp.maximum(x1r, x1b), 0.0)
            ihb = jnp.minimum(y2r, y2b) - jnp.maximum(y1r, y1b)
            interb = iwb * ihb
            unionb = area_r + area_b - interb
            mbf = (interb > IOU_THRESH * unionb).astype(jnp.float32) * trif

            init = keep_ref[pl.ds(k, 1), :]

            def step(kb):
                supp = lax.dot_general(kb, mbf, (((1,), (0,)), ((), ())),
                                       preferred_element_type=jnp.float32)
                return init * (supp < 0.5).astype(jnp.float32)

            def wcond(c):
                return c[1]

            def wbody(c):
                kb, _ = c
                kb1 = step(kb)
                kb2 = step(kb1)
                return (kb2, jnp.any(kb2 != kb1))

            kb, _ = lax.while_loop(wcond, wbody, (init, True))
            keep_ref[pl.ds(k, 1), :] = kb

            supp_all = lax.dot_general(kb, mf, (((1,), (0,)), ((), ())),
                                       preferred_element_type=jnp.float32)
            supp_blk = supp_all.reshape(nbw, B)
            later = (blk_row > k)
            kill = (later & (supp_blk > 0.5)).astype(jnp.float32)
            keep_ref[cs:cs + nbw, :] = keep_ref[cs:cs + nbw, :] * (1.0 - kill)
            return 0

        return blk_body

    lax.fori_loop(0, jnp.minimum(5, nblk), make_blk_body(0, NB), 0)
    lax.fori_loop(5, jnp.minimum(10, nblk), make_blk_body(5, 35), 0)
    lax.fori_loop(10, jnp.minimum(15, nblk), make_blk_body(10, 30), 0)
    lax.fori_loop(15, jnp.minimum(20, nblk), make_blk_body(15, 25), 0)
    lax.fori_loop(20, jnp.minimum(25, nblk), make_blk_body(20, 20), 0)
    lax.fori_loop(25, jnp.minimum(30, nblk), make_blk_body(25, 15), 0)
    lax.fori_loop(30, jnp.minimum(35, nblk), make_blk_body(30, 10), 0)
    lax.fori_loop(35, jnp.minimum(NB, nblk), make_blk_body(35, 5), 0)

    s = s_ref[...]
    gated_ref[...] = keep_ref[...] * s * (s >= SCORE_THRESH).astype(jnp.float32)


def _nms_call(rows, cols, s_blk):
    return pl.pallas_call(
        _nms_body,
        out_shape=jax.ShapeDtypeStruct((NB, B), jnp.float32),
        scratch_shapes=[pltpu.VMEM((NB, B), jnp.float32),
                        pltpu.VMEM((8, NP), jnp.float32)],
    )(rows, cols, s_blk)


@functools.cache
def _make_sc_gather():
    @functools.partial(
        pl.kernel,
        mesh=plsc.VectorSubcoreMesh(core_axis_name="c", subcore_axis_name="s"),
        out_type=jax.ShapeDtypeStruct((NP, D), jnp.float32),
        scratch_types=[
            pltpu.VMEM((_ROWS_PER_W,), jnp.int32),
            pltpu.VMEM((_ROWS_PER_W, D), jnp.float32),
            pltpu.SemaphoreType.DMA,
        ],
    )
    def _sc_gather(table_hbm, idx_hbm, out_hbm, idx_v, rows_v, sem):
        wid = lax.axis_index("s") * _SC_NC + lax.axis_index("c")
        base = wid * _ROWS_PER_W
        pltpu.sync_copy(idx_hbm.at[pl.ds(base, _ROWS_PER_W)], idx_v)
        pltpu.async_copy(table_hbm.at[idx_v], rows_v, sem).wait()
        pltpu.sync_copy(rows_v, out_hbm.at[pl.ds(base, _ROWS_PER_W)])

    return _sc_gather


def _scale_body(rows_ref, g_ref, out_ref):
    out_ref[...] = rows_ref[0:N, :] * g_ref[0:N, :]


def _scale_call(rows, g_col):
    return pl.pallas_call(
        _scale_body,
        out_shape=jax.ShapeDtypeStruct((N, D), jnp.float32),
    )(rows, g_col)


def kernel(boxes, scores, labels, hidden_states):
    f32 = jnp.float32
    order = jnp.argsort(-scores)
    b_s = boxes[order].astype(f32)
    s_s = scores[order].astype(f32)
    l_s = labels[order].astype(f32)

    pad = NP - N
    rows5 = jnp.concatenate([b_s, l_s[:, None]], axis=1)
    pad5 = jnp.concatenate(
        [jnp.zeros((pad, 4), f32), jnp.full((pad, 1), -1.0, f32)], axis=1)
    rows5 = jnp.concatenate([rows5, pad5], axis=0)
    rows8 = jnp.pad(rows5, ((0, 0), (0, 3)))
    cols8 = jnp.pad(rows5.T, ((0, 3), (0, 0)))
    s_p = jnp.concatenate([s_s, jnp.full((pad,), -1.0, f32)])
    s_blk = s_p.reshape(NB, B)

    gated = _nms_call(rows8, cols8, s_blk)
    g_col = gated.reshape(NP, 1)

    order_p = jnp.concatenate(
        [order.astype(jnp.int32), jnp.zeros((pad,), jnp.int32)])
    gathered = _make_sc_gather()(hidden_states.astype(f32), order_p)

    return _scale_call(gathered, g_col)

# --- scband reference (transcript-rebuilt; emitter-appended) ---
"""Pipeline reference for scband-upt-86517821212463 (READ-ONLY COPY).

The authoritative reference and input builder live on the scoring server;
editing this copy changes nothing except your own understanding.
"""

import jax, jax.numpy as jnp
import numpy as np

N = 5000
D_HIDDEN = 256
NUM_LABELS = 80
IOU_THRESH = 0.5
SCORE_THRESH = 0.2


def setup_inputs(seed: int = 0) -> dict:
    key = jax.random.key(seed)
    k1, k2, k3, k4, k5 = jax.random.split(key, 5)
    # Build realistic xyxy boxes inside a 512x512 image
    xy = jax.random.uniform(k1, (N, 2), dtype=jnp.float32) * 512.0
    wh = jax.random.uniform(k2, (N, 2), dtype=jnp.float32) * 96.0 + 4.0
    boxes = jnp.concatenate([xy, xy + wh], axis=1)
    scores = jax.random.uniform(k3, (N,), dtype=jnp.float32)
    labels = jax.random.randint(k4, (N,), 0, NUM_LABELS, dtype=jnp.int64)
    hidden_states = jax.random.normal(k5, (N, D_HIDDEN), dtype=jnp.float32)
    return {"boxes": boxes, "scores": scores, "labels": labels, "hidden_states": hidden_states}


def _box_iou(a, b):
    area_a = (a[:, 2] - a[:, 0]) * (a[:, 3] - a[:, 1])
    area_b = (b[:, 2] - b[:, 0]) * (b[:, 3] - b[:, 1])
    lt = jnp.maximum(a[:, None, :2], b[None, :, :2])
    rb = jnp.minimum(a[:, None, 2:], b[None, :, 2:])
    wh = jnp.clip(rb - lt, 0.0)
    inter = wh[..., 0] * wh[..., 1]
    union = area_a[:, None] + area_b[None, :] - inter
    return inter / jnp.maximum(union, 1e-9)


def reference(boxes, scores, labels, hidden_states):
    # Faithful jax version of UPT.prepare_region_proposals core:
    #   keep = batched_nms(bx, sc, lb, 0.5)  -> class-offset greedy NMS
    #   keep = sc >= box_score_thresh        -> score threshold
    #   gather hidden states of survivors (fixed-shape: suppressed rows zeroed)
    # Class-offset trick so boxes of different classes never overlap
    max_coord = boxes.max()
    offsets = labels.astype(boxes.dtype) * (max_coord + 1.0)
    boxes_off = boxes + offsets[:, None]
    # Sort by descending score
    order = jnp.argsort(-scores)
    b = boxes_off[order]
    s = scores[order]
    hs = hidden_states[order]
    iou = _box_iou(b, b)
    n = b.shape[0]
    idxs = jnp.arange(n)

    def body(i, keep):
        suppress = keep[i] & (idxs > i) & (iou[i] > IOU_THRESH)
        return keep & (~suppress)

    keep = jax.lax.fori_loop(0, n, body, jnp.ones((n,), dtype=bool))
    mask = keep & (s >= SCORE_THRESH)
    gated_scores = s * mask.astype(s.dtype)
    out = hs * gated_scores[:, None]
    return out

if __name__ == "__main__":
    import jax
    _d = setup_inputs()
    print(jax.jit(kernel)(*tuple(_d.values())))

</pallas_src>

<mosaic_0001>
#map = affine_map<(d0, d1) -> (0, 0)>
#map1 = affine_map<(d0, d1) -> (0)>
module attributes {stable_mosaic.version = 14 : i64} {
  func.func @_sc_gather(%arg0: i32, %arg1: i32, %arg2: memref<5000x256xf32, #tpu.memory_space<hbm>>, %arg3: memref<5120xi32, #tpu.memory_space<hbm>>, %arg4: memref<5120x256xf32, #tpu.memory_space<hbm>>, %arg5: memref<160xi32, #tpu.memory_space<vmem>>, %arg6: memref<160x256xf32, #tpu.memory_space<vmem>>, %arg7: memref<!tpu.dma_semaphore, #tpu.memory_space<semaphore_mem>>) attributes {dimension_semantics = [#tpu.dimension_semantics<core_parallel>, #tpu.dimension_semantics<subcore_parallel>], iteration_bounds = array<i64: 2, 16>, scalar_prefetch = 0 : i64, scratch_operands = 3 : i64, tpu.core_type = #tpu.core_type<sc_vector_subcore>, window_params = [{transform_indices = #map}, {transform_indices = #map1}, {transform_indices = #map}]} {
    %mul3A = arith.constant 2 : i32
    %mul3A_0 = arith.muli %arg1, %mul3A : i32
    %add3A = arith.addi %mul3A_0, %arg0 : i32
    %mul3A_1 = arith.constant 160 : i32
    %mul3A_2 = arith.muli %add3A, %mul3A_1 : i32
    "tpu.region"() ({
      %run_scoped3A = tpu.sem_alloc : memref<!tpu.dma_semaphore, #tpu.memory_space<semaphore_mem>>
      %dma_start3A_7 = tpu.memref_slice %arg3[%mul3A_2] : memref<5120xi32, #tpu.memory_space<hbm>> -> memref<160xi32, #tpu.memory_space<hbm>>
      %dma_start3A_8 = tpu.memref_slice %arg3[%mul3A_2] : memref<5120xi32, #tpu.memory_space<hbm>> -> memref<160xi32, #tpu.memory_space<hbm>>
      tpu.enqueue_dma source(%dma_start3A_8 : memref<160xi32, #tpu.memory_space<hbm>>) target(%arg5 : memref<160xi32, #tpu.memory_space<vmem>>) target_semaphore(%run_scoped3A : memref<!tpu.dma_semaphore, #tpu.memory_space<semaphore_mem>>)
      %dma_wait3A_9 = tpu.memref_slice %arg3[%mul3A_2] : memref<5120xi32, #tpu.memory_space<hbm>> -> memref<160xi32, #tpu.memory_space<hbm>>
      %dma_wait3A_10 = tpu.memref_slice %arg3[%mul3A_2] : memref<5120xi32, #tpu.memory_space<hbm>> -> memref<160xi32, #tpu.memory_space<hbm>>
      tpu.wait_dma2 semaphore(%run_scoped3A : memref<!tpu.dma_semaphore, #tpu.memory_space<semaphore_mem>>) src(%dma_wait3A_10 : memref<160xi32, #tpu.memory_space<hbm>>) dst(%arg5 : memref<160xi32, #tpu.memory_space<vmem>>)
      tpu.yield
    }) : () -> ()
    %dma_start3A = arith.constant 0 : i32
    %dma_start3A_3 = arith.constant 0 : i32
    %dma_start3A_4 = tpu.memref_slice %arg2[%dma_start3A, %dma_start3A_3] : memref<5000x256xf32, #tpu.memory_space<hbm>> -> memref<5000x256xf32, #tpu.memory_space<hbm>>
    tpu.enqueue_indirect_dma source(%dma_start3A_4 : memref<5000x256xf32, #tpu.memory_space<hbm>>) target(%arg6 : memref<160x256xf32, #tpu.memory_space<vmem>>) offsets(%arg5 : memref<160xi32, #tpu.memory_space<vmem>>) semaphore(%arg7 : memref<!tpu.dma_semaphore, #tpu.memory_space<semaphore_mem>>)
    %dma_wait3A = arith.constant 0 : i32
    %dma_wait3A_5 = arith.constant 0 : i32
    %dma_wait3A_6 = tpu.memref_slice %arg2[%dma_wait3A, %dma_wait3A_5] : memref<5000x256xf32, #tpu.memory_space<hbm>> -> memref<5000x256xf32, #tpu.memory_space<hbm>>
    tpu.wait_indirect_dma semaphore(%arg7 : memref<!tpu.dma_semaphore, #tpu.memory_space<semaphore_mem>>) src(%dma_wait3A_6 : memref<5000x256xf32, #tpu.memory_space<hbm>>) dst(%arg6 : memref<160x256xf32, #tpu.memory_space<vmem>>)
    "tpu.region"() ({
      %run_scoped3A = tpu.sem_alloc : memref<!tpu.dma_semaphore, #tpu.memory_space<semaphore_mem>>
      %dma_start3A_7 = arith.constant 0 : i32
      %dma_start3A_8 = tpu.memref_slice %arg4[%mul3A_2, %dma_start3A_7] : memref<5120x256xf32, #tpu.memory_space<hbm>> -> memref<160x256xf32, #tpu.memory_space<hbm>>
      %dma_start3A_9 = arith.constant 0 : i32
      %dma_start3A_10 = tpu.memref_slice %arg4[%mul3A_2, %dma_start3A_9] : memref<5120x256xf32, #tpu.memory_space<hbm>> -> memref<160x256xf32, #tpu.memory_space<hbm>>
      tpu.enqueue_dma source(%arg6 : memref<160x256xf32, #tpu.memory_space<vmem>>) target(%dma_start3A_10 : memref<160x256xf32, #tpu.memory_space<hbm>>) target_semaphore(%run_scoped3A : memref<!tpu.dma_semaphore, #tpu.memory_space<semaphore_mem>>)
      %dma_wait3A_11 = arith.constant 0 : i32
      %dma_wait3A_12 = tpu.memref_slice %arg4[%mul3A_2, %dma_wait3A_11] : memref<5120x256xf32, #tpu.memory_space<hbm>> -> memref<160x256xf32, #tpu.memory_space<hbm>>
      %dma_wait3A_13 = arith.constant 0 : i32
      %dma_wait3A_14 = tpu.memref_slice %arg4[%mul3A_2, %dma_wait3A_13] : memref<5120x256xf32, #tpu.memory_space<hbm>> -> memref<160x256xf32, #tpu.memory_space<hbm>>
      tpu.wait_dma2 semaphore(%run_scoped3A : memref<!tpu.dma_semaphore, #tpu.memory_space<semaphore_mem>>) src(%arg6 : memref<160x256xf32, #tpu.memory_space<vmem>>) dst(%dma_wait3A_14 : memref<160x256xf32, #tpu.memory_space<hbm>>)
      tpu.yield
    }) : () -> ()
    return
  }
}

module attributes {stable_mosaic.version = 14 : i64} {
  func.func @_nms_body(%arg0: memref<5120x8xf32, #tpu.memory_space<vmem>>, %arg1: memref<8x5120xf32, #tpu.memory_space<vmem>>, %arg2: memref<40x128xf32, #tpu.memory_space<vmem>>, %arg3: memref<40x128xf32, #tpu.memory_space<vmem>>, %arg4: memref<40x128xf32, #tpu.memory_space<vmem>>, %arg5: memref<8x5120xf32, #tpu.memory_space<vmem>>) attributes {dimension_semantics = [], scalar_prefetch = 0 : i64, scratch_operands = 2 : i64, tpu.core_type = #tpu.core_type<tc>} {
    %get3A = arith.constant 0 : index
    %get3A_0 = arith.constant 0 : index
    %get3A_1 = vector.load %arg0[%get3A, %get3A_0] : memref<5120x8xf32, #tpu.memory_space<vmem>>, vector<5120x4xf32>
    %reduce_max3A = vector.shape_cast %get3A_1 : vector<5120x4xf32> to vector<1x5120x4xf32>
    %reduce_max3A_2 = arith.constant dense<0xFF800000> : vector<1xf32>
    %reduce_max3A_3 = vector.multi_reduction <maximumf>, %reduce_max3A, %reduce_max3A_2 [1, 2] : vector<1x5120x4xf32> to vector<1xf32>
    %reduce_max3A_4 = vector.shape_cast %reduce_max3A_3 : vector<1xf32> to vector<1x1x1xf32>
    %reduce_max3A_5 = vector.extract %reduce_max3A_4[0, 0, 0] : f32 from vector<1x1x1xf32>
    %add3A = arith.constant 1.000000e+00 : f32
    %add3A_6 = arith.addf %reduce_max3A_5, %add3A : f32
    %get3A_7 = arith.constant 4 : index
    %get3A_8 = arith.constant 0 : index
    %get3A_9 = vector.load %arg1[%get3A_7, %get3A_8] : memref<8x5120xf32, #tpu.memory_space<vmem>>, vector<1x5120xf32>
    %mul3A = vector.broadcast %add3A_6 : f32 to vector<1x5120xf32>
    %mul3A_10 = arith.mulf %get3A_9, %mul3A : vector<1x5120xf32>
    %get3A_11 = arith.constant 0 : index
    %get3A_12 = arith.constant 0 : index
    %get3A_13 = vector.load %arg1[%get3A_11, %get3A_12] : memref<8x5120xf32, #tpu.memory_space<vmem>>, vector<1x5120xf32>
    %add3A_14 = arith.addf %get3A_13, %mul3A_10 : vector<1x5120xf32>
    %get3A_15 = arith.constant 1 : index
    %get3A_16 = arith.constant 0 : index
    %get3A_17 = vector.load %arg1[%get3A_15, %get3A_16] : memref<8x5120xf32, #tpu.memory_space<vmem>>, vector<1x5120xf32>
    %add3A_18 = arith.addf %get3A_17, %mul3A_10 : vector<1x5120xf32>
    %get3A_19 = arith.constant 2 : index
    %get3A_20 = arith.constant 0 : index
    %get3A_21 = vector.load %arg1[%get3A_19, %get3A_20] : memref<8x5120xf32, #tpu.memory_space<vmem>>, vector<1x5120xf32>
    %add3A_22 = arith.addf %get3A_21, %mul3A_10 : vector<1x5120xf32>
    %get3A_23 = arith.constant 3 : index
    %get3A_24 = arith.constant 0 : index
    %get3A_25 = vector.load %arg1[%get3A_23, %get3A_24] : memref<8x5120xf32, #tpu.memory_space<vmem>>, vector<1x5120xf32>
    %add3A_26 = arith.addf %get3A_25, %mul3A_10 : vector<1x5120xf32>
    %swap3A = arith.constant 0 : index
    %swap3A_27 = arith.constant 0 : index
    %swap3A_28 = vector.load %arg5[%swap3A, %swap3A_27] : memref<8x5120xf32, #tpu.memory_space<vmem>>, vector<1x5120xf32>
    tpu.vector_store %arg5[%swap3A, %swap3A_27], %add3A_14 {strides = array<i32>} : memref<8x5120xf32, #tpu.memory_space<vmem>>, vector<1x5120xf32>,
    %swap3A_29 = arith.constant 1 : index
    %swap3A_30 = arith.constant 0 : index
    %swap3A_31 = vector.load %arg5[%swap3A_29, %swap3A_30] : memref<8x5120xf32, #tpu.memory_space<vmem>>, vector<1x5120xf32>
    tpu.vector_store %arg5[%swap3A_29, %swap3A_30], %add3A_18 {strides = array<i32>} : memref<8x5120xf32, #tpu.memory_space<vmem>>, vector<1x5120xf32>,
    %swap3A_32 = arith.constant 2 : index
    %swap3A_33 = arith.constant 0 : index
    %swap3A_34 = vector.load %arg5[%swap3A_32, %swap3A_33] : memref<8x5120xf32, #tpu.memory_space<vmem>>, vector<1x5120xf32>
    tpu.vector_store %arg5[%swap3A_32, %swap3A_33], %add3A_22 {strides = array<i32>} : memref<8x5120xf32, #tpu.memory_space<vmem>>, vector<1x5120xf32>,
    %swap3A_35 = arith.constant 3 : index
    %swap3A_36 = arith.constant 0 : index
    %swap3A_37 = vector.load %arg5[%swap3A_35, %swap3A_36] : memref<8x5120xf32, #tpu.memory_space<vmem>>, vector<1x5120xf32>
    tpu.vector_store %arg5[%swap3A_35, %swap3A_36], %add3A_26 {strides = array<i32>} : memref<8x5120xf32, #tpu.memory_space<vmem>>, vector<1x5120xf32>,
    %sub3A = arith.subf %add3A_22, %add3A_14 : vector<1x5120xf32>
    %sub3A_38 = arith.subf %add3A_26, %add3A_18 : vector<1x5120xf32>
    %mul3A_39 = arith.mulf %sub3A, %sub3A_38 : vector<1x5120xf32>
    %swap3A_40 = arith.constant 4 : index
    %swap3A_41 = arith.constant 0 : index
    %swap3A_42 = vector.load %arg5[%swap3A_40, %swap3A_41] : memref<8x5120xf32, #tpu.memory_space<vmem>>, vector<1x5120xf32>
    tpu.vector_store %arg5[%swap3A_40, %swap3A_41], %mul3A_39 {strides = array<i32>} : memref<8x5120xf32, #tpu.memory_space<vmem>>, vector<1x5120xf32>,
    %broadcast_in_dim3A = arith.constant 1.000000e+00 : f32
    %broadcast_in_dim3A_43 = vector.broadcast %broadcast_in_dim3A : f32 to vector<40x128xf32>
    %swap3A_44 = arith.constant 0 : index
    %swap3A_45 = arith.constant 0 : index
    %swap3A_46 = vector.load %arg4[%swap3A_44, %swap3A_45] : memref<40x128xf32, #tpu.memory_space<vmem>>, vector<40x128xf32>
    tpu.vector_store %arg4[%swap3A_44, %swap3A_45], %broadcast_in_dim3A_43 {strides = array<i32>} : memref<40x128xf32, #tpu.memory_space<vmem>>, vector<40x128xf32>,
    %get3A_47 = arith.constant 0 : index
    %get3A_48 = arith.constant 0 : index
    %get3A_49 = vector.load %arg2[%get3A_47, %get3A_48] : memref<40x128xf32, #tpu.memory_space<vmem>>, vector<40x128xf32>
    %ge3A = arith.constant 2.000000e-01 : f32
    %ge3A_50 = vector.broadcast %ge3A : f32 to vector<40x128xf32>
    %ge3A_51 = arith.cmpf oge, %get3A_49, %ge3A_50 : vector<40x128xf32>
    %convert_element_type3A = arith.extui %ge3A_51 : vector<40x128xi1> to vector<40x128xi32>
    %reduce_sum3A = vector.shape_cast %convert_element_type3A : vector<40x128xi32> to vector<1x40x128xi32>
    %reduce_sum3A_52 = arith.constant dense<0> : vector<1xi32>
    %reduce_sum3A_53 = vector.multi_reduction <add>, %reduce_sum3A, %reduce_sum3A_52 [1, 2] : vector<1x40x128xi32> to vector<1xi32>
    %reduce_sum3A_54 = vector.shape_cast %reduce_sum3A_53 : vector<1xi32> to vector<1x1x1xi32>
    %reduce_sum3A_55 = vector.extract %reduce_sum3A_54[0, 0, 0] : i32 from vector<1x1x1xi32>
    %add3A_56 = arith.constant 127 : i32
    %add3A_57 = arith.addi %reduce_sum3A_55, %add3A_56 : i32
    %jit3A = arith.constant 128 : i32
    %div3A = arith.divsi %add3A_57, %jit3A : i32
    %sign3A = arith.constant 0 : i32
    %sign3A_58 = arith.cmpi sgt, %add3A_57, %sign3A : i32
    %sign3A_59 = arith.extui %sign3A_58 : i1 to i32
    %sign3A_60 = arith.constant 0 : i32
    %sign3A_61 = arith.cmpi slt, %add3A_57, %sign3A_60 : i32
    %sign3A_62 = arith.extui %sign3A_61 : i1 to i32
    %sign3A_63 = arith.subi %sign3A_59, %sign3A_62 : i32
    %sign3A_64 = arith.constant 0 : i32
    %sign3A_65 = arith.cmpi sgt, %jit3A, %sign3A_64 : i32
    %sign3A_66 = arith.extui %sign3A_65 : i1 to i32
    %sign3A_67 = arith.constant 0 : i32
    %sign3A_68 = arith.cmpi slt, %jit3A, %sign3A_67 : i32
    %sign3A_69 = arith.extui %sign3A_68 : i1 to i32
    %sign3A_70 = arith.subi %sign3A_66, %sign3A_69 : i32
    %ne3A = arith.cmpi ne, %sign3A_63, %sign3A_70 : i32
    %rem3A = arith.remsi %add3A_57, %jit3A : i32
    %ne3A_71 = arith.constant 0 : i32
    %ne3A_72 = arith.cmpi ne, %rem3A, %ne3A_71 : i32
    %and3A = arith.andi %ne3A, %ne3A_72 : i1
    %sub3A_73 = arith.constant 1 : i32
    %sub3A_74 = arith.subi %div3A, %sub3A_73 : i32
    %select_n3A = arith.select %and3A, %sub3A_74, %div3A : i32
    %iota3A = tpu.iota {dimensions = array<i32: 0>} : vector<128x128xi32>
    %iota3A_75 = tpu.iota {dimensions = array<i32: 1>} : vector<128x128xi32>
    %lt3A = arith.cmpi slt, %iota3A, %iota3A_75 : vector<128x128xi32>
    %convert_element_type3A_76 = arith.extui %lt3A : vector<128x128xi1> to vector<128x128xi32>
    %convert_element_type3A_77 = arith.sitofp %convert_element_type3A_76 : vector<128x128xi32> to vector<128x128xf32>
    %min3A = arith.constant 5 : i32
    %min3A_78 = arith.minsi %min3A, %select_n3A : i32
    %get3A_79 = arith.constant 0 : index
    %get3A_80 = arith.constant 0 : index
    %get3A_81 = vector.load %arg5[%get3A_79, %get3A_80] : memref<8x5120xf32, #tpu.memory_space<vmem>>, vector<1x5120xf32>
    %get3A_82 = arith.constant 1 : index
    %get3A_83 = arith.constant 0 : index
    %get3A_84 = vector.load %arg5[%get3A_82, %get3A_83] : memref<8x5120xf32, #tpu.memory_space<vmem>>, vector<1x5120xf32>
    %get3A_85 = arith.constant 2 : index
    %get3A_86 = arith.constant 0 : index
    %get3A_87 = vector.load %arg5[%get3A_85, %get3A_86] : memref<8x5120xf32, #tpu.memory_space<vmem>>, vector<1x5120xf32>
    %get3A_88 = arith.constant 3 : index
    %get3A_89 = arith.constant 0 : index
    %get3A_90 = vector.load %arg5[%get3A_88, %get3A_89] : memref<8x5120xf32, #tpu.memory_space<vmem>>, vector<1x5120xf32>
    %get3A_91 = arith.constant 4 : index
    %get3A_92 = arith.constant 0 : index
    %get3A_93 = vector.load %arg5[%get3A_91, %get3A_92] : memref<8x5120xf32, #tpu.memory_space<vmem>>, vector<1x5120xf32>
    %iota3A_94 = tpu.iota {dimensions = array<i32: 0>} : vector<40x128xi32>
    %add3A_95 = arith.constant 0 : i32
    %add3A_96 = vector.broadcast %add3A_95 : i32 to vector<40x128xi32>
    %add3A_97 = arith.addi %iota3A_94, %add3A_96 : vector<40x128xi32>
    %while3A = arith.constant 0 : i32
    %while3A_98 = arith.constant 0 : i32
    %while3A_99 = arith.subi %min3A_78, %while3A : i32
    %while3A_100 = arith.addi %while3A, %while3A_99 : i32
    %while3A_101 = arith.constant 1 : i32
    %while3A_102 = arith.divsi %while3A_99, %while3A_101 : i32
    %while3A_103 = arith.muli %while3A_102, %while3A_101 : i32
    %while3A_104 = arith.addi %while3A, %while3A_103 : i32
    %while3A_105 = arith.constant 1 : i32
    %while3A_106 = scf.for %while3A_356 = %while3A to %while3A_104 step %while3A_105 iter_args(%while3A_357 = %while3A_98) -> (i32)  : i32 {
      %mul3A_358 = arith.constant 128 : i32
      %mul3A_359 = arith.muli %while3A_356, %mul3A_358 : i32
      %multiple_of3A = tpu.assume_multiple %mul3A_359, 128 : i32
      %get3A_360 = arith.index_cast %multiple_of3A : i32 to index
      %get3A_361 = arith.constant 0 : index
      %get3A_362 = vector.load %arg0[%get3A_360, %get3A_361] : memref<5120x8xf32, #tpu.memory_space<vmem>>, vector<128x8xf32>
      %slice3A = vector.extract_strided_slice %get3A_362 {offsets = [0, 4], sizes = [128, 1], strides = [1, 1]} : vector<128x8xf32> to vector<128x1xf32>
      %mul3A_363 = vector.broadcast %add3A_6 : f32 to vector<128x1xf32>
      %mul3A_364 = arith.mulf %slice3A, %mul3A_363 : vector<128x1xf32>
      %slice3A_365 = vector.extract_strided_slice %get3A_362 {offsets = [0, 0], sizes = [128, 1], strides = [1, 1]} : vector<128x8xf32> to vector<128x1xf32>
      %add3A_366 = arith.addf %slice3A_365, %mul3A_364 : vector<128x1xf32>
      %slice3A_367 = vector.extract_strided_slice %get3A_362 {offsets = [0, 1], sizes = [128, 1], strides = [1, 1]} : vector<128x8xf32> to vector<128x1xf32>
      %add3A_368 = arith.addf %slice3A_367, %mul3A_364 : vector<128x1xf32>
      %slice3A_369 = vector.extract_strided_slice %get3A_362 {offsets = [0, 2], sizes = [128, 1], strides = [1, 1]} : vector<128x8xf32> to vector<128x1xf32>
      %add3A_370 = arith.addf %slice3A_369, %mul3A_364 : vector<128x1xf32>
      %slice3A_371 = vector.extract_strided_slice %get3A_362 {offsets = [0, 3], sizes = [128, 1], strides = [1, 1]} : vector<128x8xf32> to vector<128x1xf32>
      %add3A_372 = arith.addf %slice3A_371, %mul3A_364 : vector<128x1xf32>
      %sub3A_373 = arith.subf %add3A_370, %add3A_366 : vector<128x1xf32>
      %sub3A_374 = arith.subf %add3A_372, %add3A_368 : vector<128x1xf32>
      %mul3A_375 = arith.mulf %sub3A_373, %sub3A_374 : vector<128x1xf32>
      %min3A_376 = vector.broadcast %add3A_370 : vector<128x1xf32> to vector<128x5120xf32>
      %min3A_377 = vector.broadcast %get3A_87 : vector<1x5120xf32> to vector<128x5120xf32>
      %min3A_378 = arith.minimumf %min3A_376, %min3A_377 : vector<128x5120xf32>
      %max3A = vector.broadcast %add3A_366 : vector<128x1xf32> to vector<128x5120xf32>
      %max3A_379 = vector.broadcast %get3A_81 : vector<1x5120xf32> to vector<128x5120xf32>
      %max3A_380 = arith.maximumf %max3A, %max3A_379 : vector<128x5120xf32>
      %sub3A_381 = arith.subf %min3A_378, %max3A_380 : vector<128x5120xf32>
      %max3A_382 = arith.constant 0.000000e+00 : f32
      %max3A_383 = vector.broadcast %max3A_382 : f32 to vector<128x5120xf32>
      %max3A_384 = arith.maximumf %sub3A_381, %max3A_383 : vector<128x5120xf32>
      %min3A_385 = vector.broadcast %add3A_372 : vector<128x1xf32> to vector<128x5120xf32>
      %min3A_386 = vector.broadcast %get3A_90 : vector<1x5120xf32> to vector<128x5120xf32>
      %min3A_387 = arith.minimumf %min3A_385, %min3A_386 : vector<128x5120xf32>
      %max3A_388 = vector.broadcast %add3A_368 : vector<128x1xf32> to vector<128x5120xf32>
      %max3A_389 = vector.broadcast %get3A_84 : vector<1x5120xf32> to vector<128x5120xf32>
      %max3A_390 = arith.maximumf %max3A_388, %max3A_389 : vector<128x5120xf32>
      %sub3A_391 = arith.subf %min3A_387, %max3A_390 : vector<128x5120xf32>
      %mul3A_392 = arith.mulf %max3A_384, %sub3A_391 : vector<128x5120xf32>
      %add3A_393 = vector.broadcast %mul3A_375 : vector<128x1xf32> to vector<128x5120xf32>
      %add3A_394 = vector.broadcast %get3A_93 : vector<1x5120xf32> to vector<128x5120xf32>
      %add3A_395 = arith.addf %add3A_393, %add3A_394 : vector<128x5120xf32>
      %sub3A_396 = arith.subf %add3A_395, %mul3A_392 : vector<128x5120xf32>
      %mul3A_397 = arith.constant 5.000000e-01 : f32
      %mul3A_398 = vector.broadcast %mul3A_397 : f32 to vector<128x5120xf32>
      %mul3A_399 = arith.mulf %mul3A_398, %sub3A_396 : vector<128x5120xf32>
      %gt3A = arith.cmpf ogt, %mul3A_392, %mul3A_399 : vector<128x5120xf32>
      %convert_element_type3A_400 = arith.extui %gt3A : vector<128x5120xi1> to vector<128x5120xi32>
      %convert_element_type3A_401 = arith.sitofp %convert_element_type3A_400 : vector<128x5120xi32> to vector<128x5120xf32>
      %get3A_402 = arith.constant 0 : index
      %get3A_403 = arith.index_cast %multiple_of3A : i32 to index
      %get3A_404 = vector.load %arg5[%get3A_402, %get3A_403] : memref<8x5120xf32, #tpu.memory_space<vmem>>, vector<1x128xf32>
      %get3A_405 = arith.constant 1 : index
      %get3A_406 = arith.index_cast %multiple_of3A : i32 to index
      %get3A_407 = vector.load %arg5[%get3A_405, %get3A_406] : memref<8x5120xf32, #tpu.memory_space<vmem>>, vector<1x128xf32>
      %get3A_408 = arith.constant 2 : index
      %get3A_409 = arith.index_cast %multiple_of3A : i32 to index
      %get3A_410 = vector.load %arg5[%get3A_408, %get3A_409] : memref<8x5120xf32, #tpu.memory_space<vmem>>, vector<1x128xf32>
      %get3A_411 = arith.constant 3 : index
      %get3A_412 = arith.index_cast %multiple_of3A : i32 to index
      %get3A_413 = vector.load %arg5[%get3A_411, %get3A_412] : memref<8x5120xf32, #tpu.memory_space<vmem>>, vector<1x128xf32>
      %get3A_414 = arith.constant 4 : index
      %get3A_415 = arith.index_cast %multiple_of3A : i32 to index
      %get3A_416 = vector.load %arg5[%get3A_414, %get3A_415] : memref<8x5120xf32, #tpu.memory_space<vmem>>, vector<1x128xf32>
      %min3A_417 = vector.broadcast %add3A_370 : vector<128x1xf32> to vector<128x128xf32>
      %min3A_418 = vector.broadcast %get3A_410 : vector<1x128xf32> to vector<128x128xf32>
      %min3A_419 = arith.minimumf %min3A_417, %min3A_418 : vector<128x128xf32>
      %max3A_420 = vector.broadcast %add3A_366 : vector<128x1xf32> to vector<128x128xf32>
      %max3A_421 = vector.broadcast %get3A_404 : vector<1x128xf32> to vector<128x128xf32>
      %max3A_422 = arith.maximumf %max3A_420, %max3A_421 : vector<128x128xf32>
      %sub3A_423 = arith.subf %min3A_419, %max3A_422 : vector<128x128xf32>
      %max3A_424 = arith.constant 0.000000e+00 : f32
      %max3A_425 = vector.broadcast %max3A_424 : f32 to vector<128x128xf32>
      %max3A_426 = arith.maximumf %sub3A_423, %max3A_425 : vector<128x128xf32>
      %min3A_427 = vector.broadcast %add3A_372 : vector<128x1xf32> to vector<128x128xf32>
      %min3A_428 = vector.broadcast %get3A_413 : vector<1x128xf32> to vector<128x128xf32>
      %min3A_429 = arith.minimumf %min3A_427, %min3A_428 : vector<128x128xf32>
      %max3A_430 = vector.broadcast %add3A_368 : vector<128x1xf32> to vector<128x128xf32>
      %max3A_431 = vector.broadcast %get3A_407 : vector<1x128xf32> to vector<128x128xf32>
      %max3A_432 = arith.maximumf %max3A_430, %max3A_431 : vector<128x128xf32>
      %sub3A_433 = arith.subf %min3A_429, %max3A_432 : vector<128x128xf32>
      %mul3A_434 = arith.mulf %max3A_426, %sub3A_433 : vector<128x128xf32>
      %add3A_435 = vector.broadcast %mul3A_375 : vector<128x1xf32> to vector<128x128xf32>
      %add3A_436 = vector.broadcast %get3A_416 : vector<1x128xf32> to vector<128x128xf32>
      %add3A_437 = arith.addf %add3A_435, %add3A_436 : vector<128x128xf32>
      %sub3A_438 = arith.subf %add3A_437, %mul3A_434 : vector<128x128xf32>
      %mul3A_439 = arith.constant 5.000000e-01 : f32
      %mul3A_440 = vector.broadcast %mul3A_439 : f32 to vector<128x128xf32>
      %mul3A_441 = arith.mulf %mul3A_440, %sub3A_438 : vector<128x128xf32>
      %gt3A_442 = arith.cmpf ogt, %mul3A_434, %mul3A_441 : vector<128x128xf32>
      %convert_element_type3A_443 = arith.extui %gt3A_442 : vector<128x128xi1> to vector<128x128xi32>
      %convert_element_type3A_444 = arith.sitofp %convert_element_type3A_443 : vector<128x128xi32> to vector<128x128xf32>
      %mul3A_445 = arith.mulf %convert_element_type3A_444, %convert_element_type3A_77 : vector<128x128xf32>
      %get3A_446 = arith.index_cast %while3A_356 : i32 to index
      %get3A_447 = arith.constant 0 : index
      %get3A_448 = vector.load %arg4[%get3A_446, %get3A_447] : memref<40x128xf32, #tpu.memory_space<vmem>>, vector<1x128xf32>
      %while3A_449 = arith.constant true
      %while3A_450:2 = scf.while (%while3A_474 = %get3A_448, %while3A_475 = %while3A_449) : (vector<1x128xf32>, i1) -> (vector<1x128xf32>, i1) {
        scf.condition(%while3A_475) %while3A_474, %while3A_475 : vector<1x128xf32>, i1
      } do {
      ^bb0(%while3A_474: vector<1x128xf32>, %while3A_475: i1):
        %dot_general3A_476 = arith.constant dense<0.000000e+00> : vector<1x128xf32>
        %dot_general3A_477 = tpu.matmul %while3A_474, %mul3A_445, %dot_general3A_476 {dimension_numbers = #tpu.dot_dimension_numbers<[1], [0], [0], [1], [0, 0, 1, 1], [], []>, transpose_lhs_hint = false} : vector<1x128xf32>, vector<128x128xf32>, vector<1x128xf32> -> vector<1x128xf32>
        %lt3A_478 = arith.constant 5.000000e-01 : f32
        %lt3A_479 = vector.broadcast %lt3A_478 : f32 to vector<1x128xf32>
        %lt3A_480 = arith.cmpf olt, %dot_general3A_477, %lt3A_479 : vector<1x128xf32>
        %convert_element_type3A_481 = arith.extui %lt3A_480 : vector<1x128xi1> to vector<1x128xi32>
        %convert_element_type3A_482 = arith.sitofp %convert_element_type3A_481 : vector<1x128xi32> to vector<1x128xf32>
        %mul3A_483 = arith.mulf %get3A_448, %convert_element_type3A_482 : vector<1x128xf32>
        %dot_general3A_484 = arith.constant dense<0.000000e+00> : vector<1x128xf32>
        %dot_general3A_485 = tpu.matmul %mul3A_483, %mul3A_445, %dot_general3A_484 {dimension_numbers = #tpu.dot_dimension_numbers<[1], [0], [0], [1], [0, 0, 1, 1], [], []>, transpose_lhs_hint = false} : vector<1x128xf32>, vector<128x128xf32>, vector<1x128xf32> -> vector<1x128xf32>
        %lt3A_486 = arith.constant 5.000000e-01 : f32
        %lt3A_487 = vector.broadcast %lt3A_486 : f32 to vector<1x128xf32>
        %lt3A_488 = arith.cmpf olt, %dot_general3A_485, %lt3A_487 : vector<1x128xf32>
        %convert_element_type3A_489 = arith.extui %lt3A_488 : vector<1x128xi1> to vector<1x128xi32>
        %convert_element_type3A_490 = arith.sitofp %convert_element_type3A_489 : vector<1x128xi32> to vector<1x128xf32>
        %mul3A_491 = arith.mulf %get3A_448, %convert_element_type3A_490 : vector<1x128xf32>
        %ne3A_492 = arith.cmpf one, %mul3A_491, %mul3A_483 : vector<1x128xf32>
        %reduce_or3A = arith.constant 1.000000e+00 : f32
        %reduce_or3A_493 = arith.constant 0.000000e+00 : f32
        %reduce_or3A_494 = vector.broadcast %reduce_or3A : f32 to vector<1x128xf32>
        %reduce_or3A_495 = vector.broadcast %reduce_or3A_493 : f32 to vector<1x128xf32>
        %reduce_or3A_496 = arith.select %ne3A_492, %reduce_or3A_494, %reduce_or3A_495 : vector<1x128xi1>, vector<1x128xf32>
        %reduce_or3A_497 = vector.shape_cast %reduce_or3A_496 : vector<1x128xf32> to vector<1x1x128xf32>
        %reduce_or3A_498 = arith.constant dense<0xFF800000> : vector<1xf32>
        %reduce_or3A_499 = vector.multi_reduction <maximumf>, %reduce_or3A_497, %reduce_or3A_498 [1, 2] : vector<1x1x128xf32> to vector<1xf32>
        %reduce_or3A_500 = vector.shape_cast %reduce_or3A_499 : vector<1xf32> to vector<1x1x1xf32>
        %reduce_or3A_501 = vector.extract %reduce_or3A_500[0, 0, 0] : f32 from vector<1x1x1xf32>
        %reduce_or3A_502 = arith.constant 0.000000e+00 : f32
        %reduce_or3A_503 = arith.cmpf ogt, %reduce_or3A_501, %reduce_or3A_502 : f32
        scf.yield %mul3A_491, %reduce_or3A_503 : vector<1x128xf32>, i1
      }
      %swap3A_451 = arith.index_cast %while3A_356 : i32 to index
      %swap3A_452 = arith.constant 0 : index
      %swap3A_453 = vector.load %arg4[%swap3A_451, %swap3A_452] : memref<40x128xf32, #tpu.memory_space<vmem>>, vector<1x128xf32>
      tpu.vector_store %arg4[%swap3A_451, %swap3A_452], %while3A_450#0 {strides = array<i32>} : memref<40x128xf32, #tpu.memory_space<vmem>>, vector<1x128xf32>,
      %dot_general3A = arith.constant dense<0.000000e+00> : vector<1x5120xf32>
      %dot_general3A_454 = tpu.matmul %while3A_450#0, %convert_element_type3A_401, %dot_general3A {dimension_numbers = #tpu.dot_dimension_numbers<[1], [0], [0], [1], [0, 0, 1, 1], [], []>, transpose_lhs_hint = false} : vector<1x128xf32>, vector<128x5120xf32>, vector<1x5120xf32> -> vector<1x5120xf32>
      %reshape3A = vector.shape_cast %dot_general3A_454 : vector<1x5120xf32> to vector<40x128xf32>
      %gt3A_455 = vector.broadcast %while3A_356 : i32 to vector<40x128xi32>
      %gt3A_456 = arith.cmpi sgt, %add3A_97, %gt3A_455 : vector<40x128xi32>
      %gt3A_457 = arith.constant 5.000000e-01 : f32
      %gt3A_458 = vector.broadcast %gt3A_457 : f32 to vector<40x128xf32>
      %gt3A_459 = arith.cmpf ogt, %reshape3A, %gt3A_458 : vector<40x128xf32>
      %and3A_460 = arith.andi %gt3A_456, %gt3A_459 : vector<40x128xi1>
      %convert_element_type3A_461 = arith.extui %and3A_460 : vector<40x128xi1> to vector<40x128xi32>
      %convert_element_type3A_462 = arith.sitofp %convert_element_type3A_461 : vector<40x128xi32> to vector<40x128xf32>
      %get3A_463 = arith.constant 0 : index
      %get3A_464 = arith.constant 0 : index
      %get3A_465 = vector.load %arg4[%get3A_463, %get3A_464] : memref<40x128xf32, #tpu.memory_space<vmem>>, vector<40x128xf32>
      %sub3A_466 = arith.constant 1.000000e+00 : f32
      %sub3A_467 = vector.broadcast %sub3A_466 : f32 to vector<40x128xf32>
      %sub3A_468 = arith.subf %sub3A_467, %convert_element_type3A_462 : vector<40x128xf32>
      %mul3A_469 = arith.mulf %get3A_465, %sub3A_468 : vector<40x128xf32>
      %swap3A_470 = arith.constant 0 : index
      %swap3A_471 = arith.constant 0 : index
      %swap3A_472 = vector.load %arg4[%swap3A_470, %swap3A_471] : memref<40x128xf32, #tpu.memory_space<vmem>>, vector<40x128xf32>
      tpu.vector_store %arg4[%swap3A_470, %swap3A_471], %mul3A_469 {strides = array<i32>} : memref<40x128xf32, #tpu.memory_space<vmem>>, vector<40x128xf32>,
      %while3A_473 = arith.constant 0 : i32
      scf.yield %while3A_473 : i32
    }
    %while3A_107 = arith.constant 1 : i32
    %while3A_108 = scf.for %while3A_356 = %while3A_104 to %while3A_100 step %while3A_107 iter_args(%while3A_357 = %while3A_106) -> (i32)  : i32 {
      %mul3A_358 = arith.constant 128 : i32
      %mul3A_359 = arith.muli %while3A_356, %mul3A_358 : i32
      %multiple_of3A = tpu.assume_multiple %mul3A_359, 128 : i32
      %get3A_360 = arith.index_cast %multiple_of3A : i32 to index
      %get3A_361 = arith.constant 0 : index
      %get3A_362 = vector.load %arg0[%get3A_360, %get3A_361] : memref<5120x8xf32, #tpu.memory_space<vmem>>, vector<128x8xf32>
      %slice3A = vector.extract_strided_slice %get3A_362 {offsets = [0, 4], sizes = [128, 1], strides = [1, 1]} : vector<128x8xf32> to vector<128x1xf32>
      %mul3A_363 = vector.broadcast %add3A_6 : f32 to vector<128x1xf32>
      %mul3A_364 = arith.mulf %slice3A, %mul3A_363 : vector<128x1xf32>
      %slice3A_365 = vector.extract_strided_slice %get3A_362 {offsets = [0, 0], sizes = [128, 1], strides = [1, 1]} : vector<128x8xf32> to vector<128x1xf32>
      %add3A_366 = arith.addf %slice3A_365, %mul3A_364 : vector<128x1xf32>
      %slice3A_367 = vector.extract_strided_slice %get3A_362 {offsets = [0, 1], sizes = [128, 1], strides = [1, 1]} : vector<128x8xf32> to vector<128x1xf32>
      %add3A_368 = arith.addf %slice3A_367, %mul3A_364 : vector<128x1xf32>
      %slice3A_369 = vector.extract_strided_slice %get3A_362 {offsets = [0, 2], sizes = [128, 1], strides = [1, 1]} : vector<128x8xf32> to vector<128x1xf32>
      %add3A_370 = arith.addf %slice3A_369, %mul3A_364 : vector<128x1xf32>
      %slice3A_371 = vector.extract_strided_slice %get3A_362 {offsets = [0, 3], sizes = [128, 1], strides = [1, 1]} : vector<128x8xf32> to vector<128x1xf32>
      %add3A_372 = arith.addf %slice3A_371, %mul3A_364 : vector<128x1xf32>
      %sub3A_373 = arith.subf %add3A_370, %add3A_366 : vector<128x1xf32>
      %sub3A_374 = arith.subf %add3A_372, %add3A_368 : vector<128x1xf32>
      %mul3A_375 = arith.mulf %sub3A_373, %sub3A_374 : vector<128x1xf32>
      %min3A_376 = vector.broadcast %add3A_370 : vector<128x1xf32> to vector<128x5120xf32>
      %min3A_377 = vector.broadcast %get3A_87 : vector<1x5120xf32> to vector<128x5120xf32>
      %min3A_378 = arith.minimumf %min3A_376, %min3A_377 : vector<128x5120xf32>
      %max3A = vector.broadcast %add3A_366 : vector<128x1xf32> to vector<128x5120xf32>
      %max3A_379 = vector.broadcast %get3A_81 : vector<1x5120xf32> to vector<128x5120xf32>
      %max3A_380 = arith.maximumf %max3A, %max3A_379 : vector<128x5120xf32>
      %sub3A_381 = arith.subf %min3A_378, %max3A_380 : vector<128x5120xf32>
      %max3A_382 = arith.constant 0.000000e+00 : f32
      %max3A_383 = vector.broadcast %max3A_382 : f32 to vector<128x5120xf32>
      %max3A_384 = arith.maximumf %sub3A_381, %max3A_383 : vector<128x5120xf32>
      %min3A_385 = vector.broadcast %add3A_372 : vector<128x1xf32> to vector<128x5120xf32>
      %min3A_386 = vector.broadcast %get3A_90 : vector<1x5120xf32> to vector<128x5120xf32>
      %min3A_387 = arith.minimumf %min3A_385, %min3A_386 : vector<128x5120xf32>
      %max3A_388 = vector.broadcast %add3A_368 : vector<128x1xf32> to vector<128x5120xf32>
      %max3A_389 = vector.broadcast %get3A_84 : vector<1x5120xf32> to vector<128x5120xf32>
      %max3A_390 = arith.maximumf %max3A_388, %max3A_389 : vector<128x5120xf32>
      %sub3A_391 = arith.subf %min3A_387, %max3A_390 : vector<128x5120xf32>
      %mul3A_392 = arith.mulf %max3A_384, %sub3A_391 : vector<128x5120xf32>
      %add3A_393 = vector.broadcast %mul3A_375 : vector<128x1xf32> to vector<128x5120xf32>
      %add3A_394 = vector.broadcast %get3A_93 : vector<1x5120xf32> to vector<128x5120xf32>
      %add3A_395 = arith.addf %add3A_393, %add3A_394 : vector<128x5120xf32>
      %sub3A_396 = arith.subf %add3A_395, %mul3A_392 : vector<128x5120xf32>
      %mul3A_397 = arith.constant 5.000000e-01 : f32
      %mul3A_398 = vector.broadcast %mul3A_397 : f32 to vector<128x5120xf32>
      %mul3A_399 = arith.mulf %mul3A_398, %sub3A_396 : vector<128x5120xf32>
      %gt3A = arith.cmpf ogt, %mul3A_392, %mul3A_399 : vector<128x5120xf32>
      %convert_element_type3A_400 = arith.extui %gt3A : vector<128x5120xi1> to vector<128x5120xi32>
      %convert_element_type3A_401 = arith.sitofp %convert_element_type3A_400 : vector<128x5120xi32> to vector<128x5120xf32>
      %get3A_402 = arith.constant 0 : index
      %get3A_403 = arith.index_cast %multiple_of3A : i32 to index
      %get3A_404 = vector.load %arg5[%get3A_402, %get3A_403] : memref<8x5120xf32, #tpu.memory_space<vmem>>, vector<1x128xf32>
      %get3A_405 = arith.constant 1 : index
      %get3A_406 = arith.index_cast %multiple_of3A : i32 to index
      %get3A_407 = vector.load %arg5[%get3A_405, %get3A_406] : memref<8x5120xf32, #tpu.memory_space<vmem>>, vector<1x128xf32>
      %get3A_408 = arith.constant 2 : index
      %get3A_409 = arith.index_cast %multiple_of3A : i32 to index
      %get3A_410 = vector.load %arg5[%get3A_408, %get3A_409] : memref<8x5120xf32, #tpu.memory_space<vmem>>, vector<1x128xf32>
      %get3A_411 = arith.constant 3 : index
      %get3A_412 = arith.index_cast %multiple_of3A : i32 to index
      %get3A_413 = vector.load %arg5[%get3A_411, %get3A_412] : memref<8x5120xf32, #tpu.memory_space<vmem>>, vector<1x128xf32>
      %get3A_414 = arith.constant 4 : index
      %get3A_415 = arith.index_cast %multiple_of3A : i32 to index
      %get3A_416 = vector.load %arg5[%get3A_414, %get3A_415] : memref<8x5120xf32, #tpu.memory_space<vmem>>, vector<1x128xf32>
      %min3A_417 = vector.broadcast %add3A_370 : vector<128x1xf32> to vector<128x128xf32>
      %min3A_418 = vector.broadcast %get3A_410 : vector<1x128xf32> to vector<128x128xf32>
      %min3A_419 = arith.minimumf %min3A_417, %min3A_418 : vector<128x128xf32>
      %max3A_420 = vector.broadcast %add3A_366 : vector<128x1xf32> to vector<128x128xf32>
      %max3A_421 = vector.broadcast %get3A_404 : vector<1x128xf32> to vector<128x128xf32>
      %max3A_422 = arith.maximumf %max3A_420, %max3A_421 : vector<128x128xf32>
      %sub3A_423 = arith.subf %min3A_419, %max3A_422 : vector<128x128xf32>
      %max3A_424 = arith.constant 0.000000e+00 : f32
      %max3A_425 = vector.broadcast %max3A_424 : f32 to vector<128x128xf32>
      %max3A_426 = arith.maximumf %sub3A_423, %max3A_425 : vector<128x128xf32>
      %min3A_427 = vector.broadcast %add3A_372 : vector<128x1xf32> to vector<128x128xf32>
      %min3A_428 = vector.broadcast %get3A_413 : vector<1x128xf32> to vector<128x128xf32>
      %min3A_429 = arith.minimumf %min3A_427, %min3A_428 : vector<128x128xf32>
      %max3A_430 = vector.broadcast %add3A_368 : vector<128x1xf32> to vector<128x128xf32>
      %max3A_431 = vector.broadcast %get3A_407 : vector<1x128xf32> to vector<128x128xf32>
      %max3A_432 = arith.maximumf %max3A_430, %max3A_431 : vector<128x128xf32>
      %sub3A_433 = arith.subf %min3A_429, %max3A_432 : vector<128x128xf32>
      %mul3A_434 = arith.mulf %max3A_426, %sub3A_433 : vector<128x128xf32>
      %add3A_435 = vector.broadcast %mul3A_375 : vector<128x1xf32> to vector<128x128xf32>
      %add3A_436 = vector.broadcast %get3A_416 : vector<1x128xf32> to vector<128x128xf32>
      %add3A_437 = arith.addf %add3A_435, %add3A_436 : vector<128x128xf32>
      %sub3A_438 = arith.subf %add3A_437, %mul3A_434 : vector<128x128xf32>
      %mul3A_439 = arith.constant 5.000000e-01 : f32
      %mul3A_440 = vector.broadcast %mul3A_439 : f32 to vector<128x128xf32>
      %mul3A_441 = arith.mulf %mul3A_440, %sub3A_438 : vector<128x128xf32>
      %gt3A_442 = arith.cmpf ogt, %mul3A_434, %mul3A_441 : vector<128x128xf32>
      %convert_element_type3A_443 = arith.extui %gt3A_442 : vector<128x128xi1> to vector<128x128xi32>
      %convert_element_type3A_444 = arith.sitofp %convert_element_type3A_443 : vector<128x128xi32> to vector<128x128xf32>
      %mul3A_445 = arith.mulf %convert_element_type3A_444, %convert_element_type3A_77 : vector<128x128xf32>
      %get3A_446 = arith.index_cast %while3A_356 : i32 to index
      %get3A_447 = arith.constant 0 : index
      %get3A_448 = vector.load %arg4[%get3A_446, %get3A_447] : memref<40x128xf32, #tpu.memory_space<vmem>>, vector<1x128xf32>
      %while3A_449 = arith.constant true
      %while3A_450:2 = scf.while (%while3A_474 = %get3A_448, %while3A_475 = %while3A_449) : (vector<1x128xf32>, i1) -> (vector<1x128xf32>, i1) {
        scf.condition(%while3A_475) %while3A_474, %while3A_475 : vector<1x128xf32>, i1
      } do {
      ^bb0(%while3A_474: vector<1x128xf32>, %while3A_475: i1):
        %dot_general3A_476 = arith.constant dense<0.000000e+00> : vector<1x128xf32>
        %dot_general3A_477 = tpu.matmul %while3A_474, %mul3A_445, %dot_general3A_476 {dimension_numbers = #tpu.dot_dimension_numbers<[1], [0], [0], [1], [0, 0, 1, 1], [], []>, transpose_lhs_hint = false} : vector<1x128xf32>, vector<128x128xf32>, vector<1x128xf32> -> vector<1x128xf32>
        %lt3A_478 = arith.constant 5.000000e-01 : f32
        %lt3A_479 = vector.broadcast %lt3A_478 : f32 to vector<1x128xf32>
        %lt3A_480 = arith.cmpf olt, %dot_general3A_477, %lt3A_479 : vector<1x128xf32>
        %convert_element_type3A_481 = arith.extui %lt3A_480 : vector<1x128xi1> to vector<1x128xi32>
        %convert_element_type3A_482 = arith.sitofp %convert_element_type3A_481 : vector<1x128xi32> to vector<1x128xf32>
        %mul3A_483 = arith.mulf %get3A_448, %convert_element_type3A_482 : vector<1x128xf32>
        %dot_general3A_484 = arith.constant dense<0.000000e+00> : vector<1x128xf32>
        %dot_general3A_485 = tpu.matmul %mul3A_483, %mul3A_445, %dot_general3A_484 {dimension_numbers = #tpu.dot_dimension_numbers<[1], [0], [0], [1], [0, 0, 1, 1], [], []>, transpose_lhs_hint = false} : vector<1x128xf32>, vector<128x128xf32>, vector<1x128xf32> -> vector<1x128xf32>
        %lt3A_486 = arith.constant 5.000000e-01 : f32
        %lt3A_487 = vector.broadcast %lt3A_486 : f32 to vector<1x128xf32>
        %lt3A_488 = arith.cmpf olt, %dot_general3A_485, %lt3A_487 : vector<1x128xf32>
        %convert_element_type3A_489 = arith.extui %lt3A_488 : vector<1x128xi1> to vector<1x128xi32>
        %convert_element_type3A_490 = arith.sitofp %convert_element_type3A_489 : vector<1x128xi32> to vector<1x128xf32>
        %mul3A_491 = arith.mulf %get3A_448, %convert_element_type3A_490 : vector<1x128xf32>
        %ne3A_492 = arith.cmpf one, %mul3A_491, %mul3A_483 : vector<1x128xf32>
        %reduce_or3A = arith.constant 1.000000e+00 : f32
        %reduce_or3A_493 = arith.constant 0.000000e+00 : f32
        %reduce_or3A_494 = vector.broadcast %reduce_or3A : f32 to vector<1x128xf32>
        %reduce_or3A_495 = vector.broadcast %reduce_or3A_493 : f32 to vector<1x128xf32>
        %reduce_or3A_496 = arith.select %ne3A_492, %reduce_or3A_494, %reduce_or3A_495 : vector<1x128xi1>, vector<1x128xf32>
        %reduce_or3A_497 = vector.shape_cast %reduce_or3A_496 : vector<1x128xf32> to vector<1x1x128xf32>
        %reduce_or3A_498 = arith.constant dense<0xFF800000> : vector<1xf32>
        %reduce_or3A_499 = vector.multi_reduction <maximumf>, %reduce_or3A_497, %reduce_or3A_498 [1, 2] : vector<1x1x128xf32> to vector<1xf32>
        %reduce_or3A_500 = vector.shape_cast %reduce_or3A_499 : vector<1xf32> to vector<1x1x1xf32>
        %reduce_or3A_501 = vector.extract %reduce_or3A_500[0, 0, 0] : f32 from vector<1x1x1xf32>
        %reduce_or3A_502 = arith.constant 0.000000e+00 : f32
        %reduce_or3A_503 = arith.cmpf ogt, %reduce_or3A_501, %reduce_or3A_502 : f32
        scf.yield %mul3A_491, %reduce_or3A_503 : vector<1x128xf32>, i1
      }
      %swap3A_451 = arith.index_cast %while3A_356 : i32 to index
      %swap3A_452 = arith.constant 0 : index
      %swap3A_453 = vector.load %arg4[%swap3A_451, %swap3A_452] : memref<40x128xf32, #tpu.memory_space<vmem>>, vector<1x128xf32>
      tpu.vector_store %arg4[%swap3A_451, %swap3A_452], %while3A_450#0 {strides = array<i32>} : memref<40x128xf32, #tpu.memory_space<vmem>>, vector<1x128xf32>,
      %dot_general3A = arith.constant dense<0.000000e+00> : vector<1x5120xf32>
      %dot_general3A_454 = tpu.matmul %while3A_450#0, %convert_element_type3A_401, %dot_general3A {dimension_numbers = #tpu.dot_dimension_numbers<[1], [0], [0], [1], [0, 0, 1, 1], [], []>, transpose_lhs_hint = false} : vector<1x128xf32>, vector<128x5120xf32>, vector<1x5120xf32> -> vector<1x5120xf32>
      %reshape3A = vector.shape_cast %dot_general3A_454 : vector<1x5120xf32> to vector<40x128xf32>
      %gt3A_455 = vector.broadcast %while3A_356 : i32 to vector<40x128xi32>
      %gt3A_456 = arith.cmpi sgt, %add3A_97, %gt3A_455 : vector<40x128xi32>
      %gt3A_457 = arith.constant 5.000000e-01 : f32
      %gt3A_458 = vector.broadcast %gt3A_457 : f32 to vector<40x128xf32>
      %gt3A_459 = arith.cmpf ogt, %reshape3A, %gt3A_458 : vector<40x128xf32>
      %and3A_460 = arith.andi %gt3A_456, %gt3A_459 : vector<40x128xi1>
      %convert_element_type3A_461 = arith.extui %and3A_460 : vector<40x128xi1> to vector<40x128xi32>
      %convert_element_type3A_462 = arith.sitofp %convert_element_type3A_461 : vector<40x128xi32> to vector<40x128xf32>
      %get3A_463 = arith.constant 0 : index
      %get3A_464 = arith.constant 0 : index
      %get3A_465 = vector.load %arg4[%get3A_463, %get3A_464] : memref<40x128xf32, #tpu.memory_space<vmem>>, vector<40x128xf32>
      %sub3A_466 = arith.constant 1.000000e+00 : f32
      %sub3A_467 = vector.broadcast %sub3A_466 : f32 to vector<40x128xf32>
      %sub3A_468 = arith.subf %sub3A_467, %convert_element_type3A_462 : vector<40x128xf32>
      %mul3A_469 = arith.mulf %get3A_465, %sub3A_468 : vector<40x128xf32>
      %swap3A_470 = arith.constant 0 : index
      %swap3A_471 = arith.constant 0 : index
      %swap3A_472 = vector.load %arg4[%swap3A_470, %swap3A_471] : memref<40x128xf32, #tpu.memory_space<vmem>>, vector<40x128xf32>
      tpu.vector_store %arg4[%swap3A_470, %swap3A_471], %mul3A_469 {strides = array<i32>} : memref<40x128xf32, #tpu.memory_space<vmem>>, vector<40x128xf32>,
      %while3A_473 = arith.constant 0 : i32
      scf.yield %while3A_473 : i32
    }
    %min3A_109 = arith.constant 10 : i32
    %min3A_110 = arith.minsi %min3A_109, %select_n3A : i32
    %get3A_111 = arith.constant 0 : index
    %get3A_112 = arith.constant 640 : index
    %get3A_113 = vector.load %arg5[%get3A_111, %get3A_112] : memref<8x5120xf32, #tpu.memory_space<vmem>>, vector<1x4480xf32>
    %get3A_114 = arith.constant 1 : index
    %get3A_115 = arith.constant 640 : index
    %get3A_116 = vector.load %arg5[%get3A_114, %get3A_115] : memref<8x5120xf32, #tpu.memory_space<vmem>>, vector<1x4480xf32>
    %get3A_117 = arith.constant 2 : index
    %get3A_118 = arith.constant 640 : index
    %get3A_119 = vector.load %arg5[%get3A_117, %get3A_118] : memref<8x5120xf32, #tpu.memory_space<vmem>>, vector<1x4480xf32>
    %get3A_120 = arith.constant 3 : index
    %get3A_121 = arith.constant 640 : index
    %get3A_122 = vector.load %arg5[%get3A_120, %get3A_121] : memref<8x5120xf32, #tpu.memory_space<vmem>>, vector<1x4480xf32>
    %get3A_123 = arith.constant 4 : index
    %get3A_124 = arith.constant 640 : index
    %get3A_125 = vector.load %arg5[%get3A_123, %get3A_124] : memref<8x5120xf32, #tpu.memory_space<vmem>>, vector<1x4480xf32>
    %iota3A_126 = tpu.iota {dimensions = array<i32: 0>} : vector<35x128xi32>
    %add3A_127 = arith.constant 5 : i32
    %add3A_128 = vector.broadcast %add3A_127 : i32 to vector<35x128xi32>
    %add3A_129 = arith.addi %iota3A_126, %add3A_128 : vector<35x128xi32>
    %while3A_130 = arith.constant 5 : i32
    %while3A_131 = arith.constant 0 : i32
    %while3A_132 = arith.subi %min3A_110, %while3A_130 : i32
    %while3A_133 = arith.addi %while3A_130, %while3A_132 : i32
    %while3A_134 = arith.constant 1 : i32
    %while3A_135 = arith.divsi %while3A_132, %while3A_134 : i32
    %while3A_136 = arith.muli %while3A_135, %while3A_134 : i32
    %while3A_137 = arith.addi %while3A_130, %while3A_136 : i32
    %while3A_138 = arith.constant 1 : i32
    %while3A_139 = scf.for %while3A_356 = %while3A_130 to %while3A_137 step %while3A_138 iter_args(%while3A_357 = %while3A_131) -> (i32)  : i32 {
      %mul3A_358 = arith.constant 128 : i32
      %mul3A_359 = arith.muli %while3A_356, %mul3A_358 : i32
      %multiple_of3A = tpu.assume_multiple %mul3A_359, 128 : i32
      %get3A_360 = arith.index_cast %multiple_of3A : i32 to index
      %get3A_361 = arith.constant 0 : index
      %get3A_362 = vector.load %arg0[%get3A_360, %get3A_361] : memref<5120x8xf32, #tpu.memory_space<vmem>>, vector<128x8xf32>
      %slice3A = vector.extract_strided_slice %get3A_362 {offsets = [0, 4], sizes = [128, 1], strides = [1, 1]} : vector<128x8xf32> to vector<128x1xf32>
      %mul3A_363 = vector.broadcast %add3A_6 : f32 to vector<128x1xf32>
      %mul3A_364 = arith.mulf %slice3A, %mul3A_363 : vector<128x1xf32>
      %slice3A_365 = vector.extract_strided_slice %get3A_362 {offsets = [0, 0], sizes = [128, 1], strides = [1, 1]} : vector<128x8xf32> to vector<128x1xf32>
      %add3A_366 = arith.addf %slice3A_365, %mul3A_364 : vector<128x1xf32>
      %slice3A_367 = vector.extract_strided_slice %get3A_362 {offsets = [0, 1], sizes = [128, 1], strides = [1, 1]} : vector<128x8xf32> to vector<128x1xf32>
      %add3A_368 = arith.addf %slice3A_367, %mul3A_364 : vector<128x1xf32>
      %slice3A_369 = vector.extract_strided_slice %get3A_362 {offsets = [0, 2], sizes = [128, 1], strides = [1, 1]} : vector<128x8xf32> to vector<128x1xf32>
      %add3A_370 = arith.addf %slice3A_369, %mul3A_364 : vector<128x1xf32>
      %slice3A_371 = vector.extract_strided_slice %get3A_362 {offsets = [0, 3], sizes = [128, 1], strides = [1, 1]} : vector<128x8xf32> to vector<128x1xf32>
      %add3A_372 = arith.addf %slice3A_371, %mul3A_364 : vector<128x1xf32>
      %sub3A_373 = arith.subf %add3A_370, %add3A_366 : vector<128x1xf32>
      %sub3A_374 = arith.subf %add3A_372, %add3A_368 : vector<128x1xf32>
      %mul3A_375 = arith.mulf %sub3A_373, %sub3A_374 : vector<128x1xf32>
      %min3A_376 = vector.broadcast %add3A_370 : vector<128x1xf32> to vector<128x4480xf32>
      %min3A_377 = vector.broadcast %get3A_119 : vector<1x4480xf32> to vector<128x4480xf32>
      %min3A_378 = arith.minimumf %min3A_376, %min3A_377 : vector<128x4480xf32>
      %max3A = vector.broadcast %add3A_366 : vector<128x1xf32> to vector<128x4480xf32>
      %max3A_379 = vector.broadcast %get3A_113 : vector<1x4480xf32> to vector<128x4480xf32>
      %max3A_380 = arith.maximumf %max3A, %max3A_379 : vector<128x4480xf32>
      %sub3A_381 = arith.subf %min3A_378, %max3A_380 : vector<128x4480xf32>
      %max3A_382 = arith.constant 0.000000e+00 : f32
      %max3A_383 = vector.broadcast %max3A_382 : f32 to vector<128x4480xf32>
      %max3A_384 = arith.maximumf %sub3A_381, %max3A_383 : vector<128x4480xf32>
      %min3A_385 = vector.broadcast %add3A_372 : vector<128x1xf32> to vector<128x4480xf32>
      %min3A_386 = vector.broadcast %get3A_122 : vector<1x4480xf32> to vector<128x4480xf32>
      %min3A_387 = arith.minimumf %min3A_385, %min3A_386 : vector<128x4480xf32>
      %max3A_388 = vector.broadcast %add3A_368 : vector<128x1xf32> to vector<128x4480xf32>
      %max3A_389 = vector.broadcast %get3A_116 : vector<1x4480xf32> to vector<128x4480xf32>
      %max3A_390 = arith.maximumf %max3A_388, %max3A_389 : vector<128x4480xf32>
      %sub3A_391 = arith.subf %min3A_387, %max3A_390 : vector<128x4480xf32>
      %mul3A_392 = arith.mulf %max3A_384, %sub3A_391 : vector<128x4480xf32>
      %add3A_393 = vector.broadcast %mul3A_375 : vector<128x1xf32> to vector<128x4480xf32>
      %add3A_394 = vector.broadcast %get3A_125 : vector<1x4480xf32> to vector<128x4480xf32>
      %add3A_395 = arith.addf %add3A_393, %add3A_394 : vector<128x4480xf32>
      %sub3A_396 = arith.subf %add3A_395, %mul3A_392 : vector<128x4480xf32>
      %mul3A_397 = arith.constant 5.000000e-01 : f32
      %mul3A_398 = vector.broadcast %mul3A_397 : f32 to vector<128x4480xf32>
      %mul3A_399 = arith.mulf %mul3A_398, %sub3A_396 : vector<128x4480xf32>
      %gt3A = arith.cmpf ogt, %mul3A_392, %mul3A_399 : vector<128x4480xf32>
      %convert_element_type3A_400 = arith.extui %gt3A : vector<128x4480xi1> to vector<128x4480xi32>
      %convert_element_type3A_401 = arith.sitofp %convert_element_type3A_400 : vector<128x4480xi32> to vector<128x4480xf32>
      %get3A_402 = arith.constant 0 : index
      %get3A_403 = arith.index_cast %multiple_of3A : i32 to index
      %get3A_404 = vector.load %arg5[%get3A_402, %get3A_403] : memref<8x5120xf32, #tpu.memory_space<vmem>>, vector<1x128xf32>
      %get3A_405 = arith.constant 1 : index
      %get3A_406 = arith.index_cast %multiple_of3A : i32 to index
      %get3A_407 = vector.load %arg5[%get3A_405, %get3A_406] : memref<8x5120xf32, #tpu.memory_space<vmem>>, vector<1x128xf32>
      %get3A_408 = arith.constant 2 : index
      %get3A_409 = arith.index_cast %multiple_of3A : i32 to index
      %get3A_410 = vector.load %arg5[%get3A_408, %get3A_409] : memref<8x5120xf32, #tpu.memory_space<vmem>>, vector<1x128xf32>
      %get3A_411 = arith.constant 3 : index
      %get3A_412 = arith.index_cast %multiple_of3A : i32 to index
      %get3A_413 = vector.load %arg5[%get3A_411, %get3A_412] : memref<8x5120xf32, #tpu.memory_space<vmem>>, vector<1x128xf32>
      %get3A_414 = arith.constant 4 : index
      %get3A_415 = arith.index_cast %multiple_of3A : i32 to index
      %get3A_416 = vector.load %arg5[%get3A_414, %get3A_415] : memref<8x5120xf32, #tpu.memory_space<vmem>>, vector<1x128xf32>
      %min3A_417 = vector.broadcast %add3A_370 : vector<128x1xf32> to vector<128x128xf32>
      %min3A_418 = vector.broadcast %get3A_410 : vector<1x128xf32> to vector<128x128xf32>
      %min3A_419 = arith.minimumf %min3A_417, %min3A_418 : vector<128x128xf32>
      %max3A_420 = vector.broadcast %add3A_366 : vector<128x1xf32> to vector<128x128xf32>
      %max3A_421 = vector.broadcast %get3A_404 : vector<1x128xf32> to vector<128x128xf32>
      %max3A_422 = arith.maximumf %max3A_420, %max3A_421 : vector<128x128xf32>
      %sub3A_423 = arith.subf %min3A_419, %max3A_422 : vector<128x128xf32>
      %max3A_424 = arith.constant 0.000000e+00 : f32
      %max3A_425 = vector.broadcast %max3A_424 : f32 to vector<128x128xf32>
      %max3A_426 = arith.maximumf %sub3A_423, %max3A_425 : vector<128x128xf32>
      %min3A_427 = vector.broadcast %add3A_372 : vector<128x1xf32> to vector<128x128xf32>
      %min3A_428 = vector.broadcast %get3A_413 : vector<1x128xf32> to vector<128x128xf32>
      %min3A_429 = arith.minimumf %min3A_427, %min3A_428 : vector<128x128xf32>
      %max3A_430 = vector.broadcast %add3A_368 : vector<128x1xf32> to vector<128x128xf32>
      %max3A_431 = vector.broadcast %get3A_407 : vector<1x128xf32> to vector<128x128xf32>
      %max3A_432 = arith.maximumf %max3A_430, %max3A_431 : vector<128x128xf32>
      %sub3A_433 = arith.subf %min3A_429, %max3A_432 : vector<128x128xf32>
      %mul3A_434 = arith.mulf %max3A_426, %sub3A_433 : vector<128x128xf32>
      %add3A_435 = vector.broadcast %mul3A_375 : vector<128x1xf32> to vector<128x128xf32>
      %add3A_436 = vector.broadcast %get3A_416 : vector<1x128xf32> to vector<128x128xf32>
      %add3A_437 = arith.addf %add3A_435, %add3A_436 : vector<128x128xf32>
      %sub3A_438 = arith.subf %add3A_437, %mul3A_434 : vector<128x128xf32>
      %mul3A_439 = arith.constant 5.000000e-01 : f32
      %mul3A_440 = vector.broadcast %mul3A_439 : f32 to vector<128x128xf32>
      %mul3A_441 = arith.mulf %mul3A_440, %sub3A_438 : vector<128x128xf32>
      %gt3A_442 = arith.cmpf ogt, %mul3A_434, %mul3A_441 : vector<128x128xf32>
      %convert_element_type3A_443 = arith.extui %gt3A_442 : vector<128x128xi1> to vector<128x128xi32>
      %convert_element_type3A_444 = arith.sitofp %convert_element_type3A_443 : vector<128x128xi32> to vector<128x128xf32>
      %mul3A_445 = arith.mulf %convert_element_type3A_444, %convert_element_type3A_77 : vector<128x128xf32>
      %get3A_446 = arith.index_cast %while3A_356 : i32 to index
      %get3A_447 = arith.constant 0 : index
      %get3A_448 = vector.load %arg4[%get3A_446, %get3A_447] : memref<40x128xf32, #tpu.memory_space<vmem>>, vector<1x128xf32>
      %while3A_449 = arith.constant true
      %while3A_450:2 = scf.while (%while3A_474 = %get3A_448, %while3A_475 = %while3A_449) : (vector<1x128xf32>, i1) -> (vector<1x128xf32>, i1) {
        scf.condition(%while3A_475) %while3A_474, %while3A_475 : vector<1x128xf32>, i1
      } do {
      ^bb0(%while3A_474: vector<1x128xf32>, %while3A_475: i1):
        %dot_general3A_476 = arith.constant dense<0.000000e+00> : vector<1x128xf32>
        %dot_general3A_477 = tpu.matmul %while3A_474, %mul3A_445, %dot_general3A_476 {dimension_numbers = #tpu.dot_dimension_numbers<[1], [0], [0], [1], [0, 0, 1, 1], [], []>, transpose_lhs_hint = false} : vector<1x128xf32>, vector<128x128xf32>, vector<1x128xf32> -> vector<1x128xf32>
        %lt3A_478 = arith.constant 5.000000e-01 : f32
        %lt3A_479 = vector.broadcast %lt3A_478 : f32 to vector<1x128xf32>
        %lt3A_480 = arith.cmpf olt, %dot_general3A_477, %lt3A_479 : vector<1x128xf32>
        %convert_element_type3A_481 = arith.extui %lt3A_480 : vector<1x128xi1> to vector<1x128xi32>
        %convert_element_type3A_482 = arith.sitofp %convert_element_type3A_481 : vector<1x128xi32> to vector<1x128xf32>
        %mul3A_483 = arith.mulf %get3A_448, %convert_element_type3A_482 : vector<1x128xf32>
        %dot_general3A_484 = arith.constant dense<0.000000e+00> : vector<1x128xf32>
        %dot_general3A_485 = tpu.matmul %mul3A_483, %mul3A_445, %dot_general3A_484 {dimension_numbers = #tpu.dot_dimension_numbers<[1], [0], [0], [1], [0, 0, 1, 1], [], []>, transpose_lhs_hint = false} : vector<1x128xf32>, vector<128x128xf32>, vector<1x128xf32> -> vector<1x128xf32>
        %lt3A_486 = arith.constant 5.000000e-01 : f32
        %lt3A_487 = vector.broadcast %lt3A_486 : f32 to vector<1x128xf32>
        %lt3A_488 = arith.cmpf olt, %dot_general3A_485, %lt3A_487 : vector<1x128xf32>
        %convert_element_type3A_489 = arith.extui %lt3A_488 : vector<1x128xi1> to vector<1x128xi32>
        %convert_element_type3A_490 = arith.sitofp %convert_element_type3A_489 : vector<1x128xi32> to vector<1x128xf32>
        %mul3A_491 = arith.mulf %get3A_448, %convert_element_type3A_490 : vector<1x128xf32>
        %ne3A_492 = arith.cmpf one, %mul3A_491, %mul3A_483 : vector<1x128xf32>
        %reduce_or3A = arith.constant 1.000000e+00 : f32
        %reduce_or3A_493 = arith.constant 0.000000e+00 : f32
        %reduce_or3A_494 = vector.broadcast %reduce_or3A : f32 to vector<1x128xf32>
        %reduce_or3A_495 = vector.broadcast %reduce_or3A_493 : f32 to vector<1x128xf32>
        %reduce_or3A_496 = arith.select %ne3A_492, %reduce_or3A_494, %reduce_or3A_495 : vector<1x128xi1>, vector<1x128xf32>
        %reduce_or3A_497 = vector.shape_cast %reduce_or3A_496 : vector<1x128xf32> to vector<1x1x128xf32>
        %reduce_or3A_498 = arith.constant dense<0xFF800000> : vector<1xf32>
        %reduce_or3A_499 = vector.multi_reduction <maximumf>, %reduce_or3A_497, %reduce_or3A_498 [1, 2] : vector<1x1x128xf32> to vector<1xf32>
        %reduce_or3A_500 = vector.shape_cast %reduce_or3A_499 : vector<1xf32> to vector<1x1x1xf32>
        %reduce_or3A_501 = vector.extract %reduce_or3A_500[0, 0, 0] : f32 from vector<1x1x1xf32>
        %reduce_or3A_502 = arith.constant 0.000000e+00 : f32
        %reduce_or3A_503 = arith.cmpf ogt, %reduce_or3A_501, %reduce_or3A_502 : f32
        scf.yield %mul3A_491, %reduce_or3A_503 : vector<1x128xf32>, i1
      }
      %swap3A_451 = arith.index_cast %while3A_356 : i32 to index
      %swap3A_452 = arith.constant 0 : index
      %swap3A_453 = vector.load %arg4[%swap3A_451, %swap3A_452] : memref<40x128xf32, #tpu.memory_space<vmem>>, vector<1x128xf32>
      tpu.vector_store %arg4[%swap3A_451, %swap3A_452], %while3A_450#0 {strides = array<i32>} : memref<40x128xf32, #tpu.memory_space<vmem>>, vector<1x128xf32>,
      %dot_general3A = arith.constant dense<0.000000e+00> : vector<1x4480xf32>
      %dot_general3A_454 = tpu.matmul %while3A_450#0, %convert_element_type3A_401, %dot_general3A {dimension_numbers = #tpu.dot_dimension_numbers<[1], [0], [0], [1], [0, 0, 1, 1], [], []>, transpose_lhs_hint = false} : vector<1x128xf32>, vector<128x4480xf32>, vector<1x4480xf32> -> vector<1x4480xf32>
      %reshape3A = vector.shape_cast %dot_general3A_454 : vector<1x4480xf32> to vector<35x128xf32>
      %gt3A_455 = vector.broadcast %while3A_356 : i32 to vector<35x128xi32>
      %gt3A_456 = arith.cmpi sgt, %add3A_129, %gt3A_455 : vector<35x128xi32>
      %gt3A_457 = arith.constant 5.000000e-01 : f32
      %gt3A_458 = vector.broadcast %gt3A_457 : f32 to vector<35x128xf32>
      %gt3A_459 = arith.cmpf ogt, %reshape3A, %gt3A_458 : vector<35x128xf32>
      %and3A_460 = arith.andi %gt3A_456, %gt3A_459 : vector<35x128xi1>
      %convert_element_type3A_461 = arith.extui %and3A_460 : vector<35x128xi1> to vector<35x128xi32>
      %convert_element_type3A_462 = arith.sitofp %convert_element_type3A_461 : vector<35x128xi32> to vector<35x128xf32>
      %get3A_463 = arith.constant 5 : index
      %get3A_464 = arith.constant 0 : index
      %get3A_465 = vector.load %arg4[%get3A_463, %get3A_464] : memref<40x128xf32, #tpu.memory_space<vmem>>, vector<35x128xf32>
      %sub3A_466 = arith.constant 1.000000e+00 : f32
      %sub3A_467 = vector.broadcast %sub3A_466 : f32 to vector<35x128xf32>
      %sub3A_468 = arith.subf %sub3A_467, %convert_element_type3A_462 : vector<35x128xf32>
      %mul3A_469 = arith.mulf %get3A_465, %sub3A_468 : vector<35x128xf32>
      %swap3A_470 = arith.constant 5 : index
      %swap3A_471 = arith.constant 0 : index
      %swap3A_472 = vector.load %arg4[%swap3A_470, %swap3A_471] : memref<40x128xf32, #tpu.memory_space<vmem>>, vector<35x128xf32>
      tpu.vector_store %arg4[%swap3A_470, %swap3A_471], %mul3A_469 {strides = array<i32>} : memref<40x128xf32, #tpu.memory_space<vmem>>, vector<35x128xf32>,
      %while3A_473 = arith.constant 0 : i32
      scf.yield %while3A_473 : i32
    }
    %while3A_140 = arith.constant 1 : i32
    %while3A_141 = scf.for %while3A_356 = %while3A_137 to %while3A_133 step %while3A_140 iter_args(%while3A_357 = %while3A_139) -> (i32)  : i32 {
      %mul3A_358 = arith.constant 128 : i32
      %mul3A_359 = arith.muli %while3A_356, %mul3A_358 : i32
      %multiple_of3A = tpu.assume_multiple %mul3A_359, 128 : i32
      %get3A_360 = arith.index_cast %multiple_of3A : i32 to index
      %get3A_361 = arith.constant 0 : index
      %get3A_362 = vector.load %arg0[%get3A_360, %get3A_361] : memref<5120x8xf32, #tpu.memory_space<vmem>>, vector<128x8xf32>
      %slice3A = vector.extract_strided_slice %get3A_362 {offsets = [0, 4], sizes = [128, 1], strides = [1, 1]} : vector<128x8xf32> to vector<128x1xf32>
      %mul3A_363 = vector.broadcast %add3A_6 : f32 to vector<128x1xf32>
      %mul3A_364 = arith.mulf %slice3A, %mul3A_363 : vector<128x1xf32>
      %slice3A_365 = vector.extract_strided_slice %get3A_362 {offsets = [0, 0], sizes = [128, 1], strides = [1, 1]} : vector<128x8xf32> to vector<128x1xf32>
      %add3A_366 = arith.addf %slice3A_365, %mul3A_364 : vector<128x1xf32>
      %slice3A_367 = vector.extract_strided_slice %get3A_362 {offsets = [0, 1], sizes = [128, 1], strides = [1, 1]} : vector<128x8xf32> to vector<128x1xf32>
      %add3A_368 = arith.addf %slice3A_367, %mul3A_364 : vector<128x1xf32>
      %slice3A_369 = vector.extract_strided_slice %get3A_362 {offsets = [0, 2], sizes = [128, 1], strides = [1, 1]} : vector<128x8xf32> to vector<128x1xf32>
      %add3A_370 = arith.addf %slice3A_369, %mul3A_364 : vector<128x1xf32>
      %slice3A_371 = vector.extract_strided_slice %get3A_362 {offsets = [0, 3], sizes = [128, 1], strides = [1, 1]} : vector<128x8xf32> to vector<128x1xf32>
      %add3A_372 = arith.addf %slice3A_371, %mul3A_364 : vector<128x1xf32>
      %sub3A_373 = arith.subf %add3A_370, %add3A_366 : vector<128x1xf32>
      %sub3A_374 = arith.subf %add3A_372, %add3A_368 : vector<128x1xf32>
      %mul3A_375 = arith.mulf %sub3A_373, %sub3A_374 : vector<128x1xf32>
      %min3A_376 = vector.broadcast %add3A_370 : vector<128x1xf32> to vector<128x4480xf32>
      %min3A_377 = vector.broadcast %get3A_119 : vector<1x4480xf32> to vector<128x4480xf32>
      %min3A_378 = arith.minimumf %min3A_376, %min3A_377 : vector<128x4480xf32>
      %max3A = vector.broadcast %add3A_366 : vector<128x1xf32> to vector<128x4480xf32>
      %max3A_379 = vector.broadcast %get3A_113 : vector<1x4480xf32> to vector<128x4480xf32>
      %max3A_380 = arith.maximumf %max3A, %max3A_379 : vector<128x4480xf32>
      %sub3A_381 = arith.subf %min3A_378, %max3A_380 : vector<128x4480xf32>
      %max3A_382 = arith.constant 0.000000e+00 : f32
      %max3A_383 = vector.broadcast %max3A_382 : f32 to vector<128x4480xf32>
      %max3A_384 = arith.maximumf %sub3A_381, %max3A_383 : vector<128x4480xf32>
      %min3A_385 = vector.broadcast %add3A_372 : vector<128x1xf32> to vector<128x4480xf32>
      %min3A_386 = vector.broadcast %get3A_122 : vector<1x4480xf32> to vector<128x4480xf32>
      %min3A_387 = arith.minimumf %min3A_385, %min3A_386 : vector<128x4480xf32>
      %max3A_388 = vector.broadcast %add3A_368 : vector<128x1xf32> to vector<128x4480xf32>
      %max3A_389 = vector.broadcast %get3A_116 : vector<1x4480xf32> to vector<128x4480xf32>
      %max3A_390 = arith.maximumf %max3A_388, %max3A_389 : vector<128x4480xf32>
      %sub3A_391 = arith.subf %min3A_387, %max3A_390 : vector<128x4480xf32>
      %mul3A_392 = arith.mulf %max3A_384, %sub3A_391 : vector<128x4480xf32>
      %add3A_393 = vector.broadcast %mul3A_375 : vector<128x1xf32> to vector<128x4480xf32>
      %add3A_394 = vector.broadcast %get3A_125 : vector<1x4480xf32> to vector<128x4480xf32>
      %add3A_395 = arith.addf %add3A_393, %add3A_394 : vector<128x4480xf32>
      %sub3A_396 = arith.subf %add3A_395, %mul3A_392 : vector<128x4480xf32>
      %mul3A_397 = arith.constant 5.000000e-01 : f32
      %mul3A_398 = vector.broadcast %mul3A_397 : f32 to vector<128x4480xf32>
      %mul3A_399 = arith.mulf %mul3A_398, %sub3A_396 : vector<128x4480xf32>
      %gt3A = arith.cmpf ogt, %mul3A_392, %mul3A_399 : vector<128x4480xf32>
      %convert_element_type3A_400 = arith.extui %gt3A : vector<128x4480xi1> to vector<128x4480xi32>
      %convert_element_type3A_401 = arith.sitofp %convert_element_type3A_400 : vector<128x4480xi32> to vector<128x4480xf32>
      %get3A_402 = arith.constant 0 : index
      %get3A_403 = arith.index_cast %multiple_of3A : i32 to index
      %get3A_404 = vector.load %arg5[%get3A_402, %get3A_403] : memref<8x5120xf32, #tpu.memory_space<vmem>>, vector<1x128xf32>
      %get3A_405 = arith.constant 1 : index
      %get3A_406 = arith.index_cast %multiple_of3A : i32 to index
      %get3A_407 = vector.load %arg5[%get3A_405, %get3A_406] : memref<8x5120xf32, #tpu.memory_space<vmem>>, vector<1x128xf32>
      %get3A_408 = arith.constant 2 : index
      %get3A_409 = arith.index_cast %multiple_of3A : i32 to index
      %get3A_410 = vector.load %arg5[%get3A_408, %get3A_409] : memref<8x5120xf32, #tpu.memory_space<vmem>>, vector<1x128xf32>
      %get3A_411 = arith.constant 3 : index
      %get3A_412 = arith.index_cast %multiple_of3A : i32 to index
      %get3A_413 = vector.load %arg5[%get3A_411, %get3A_412] : memref<8x5120xf32, #tpu.memory_space<vmem>>, vector<1x128xf32>
      %get3A_414 = arith.constant 4 : index
      %get3A_415 = arith.index_cast %multiple_of3A : i32 to index
      %get3A_416 = vector.load %arg5[%get3A_414, %get3A_415] : memref<8x5120xf32, #tpu.memory_space<vmem>>, vector<1x128xf32>
      %min3A_417 = vector.broadcast %add3A_370 : vector<128x1xf32> to vector<128x128xf32>
      %min3A_418 = vector.broadcast %get3A_410 : vector<1x128xf32> to vector<128x128xf32>
      %min3A_419 = arith.minimumf %min3A_417, %min3A_418 : vector<128x128xf32>
      %max3A_420 = vector.broadcast %add3A_366 : vector<128x1xf32> to vector<128x128xf32>
      %max3A_421 = vector.broadcast %get3A_404 : vector<1x128xf32> to vector<128x128xf32>
      %max3A_422 = arith.maximumf %max3A_420, %max3A_421 : vector<128x128xf32>
      %sub3A_423 = arith.subf %min3A_419, %max3A_422 : vector<128x128xf32>
      %max3A_424 = arith.constant 0.000000e+00 : f32
      %max3A_425 = vector.broadcast %max3A_424 : f32 to vector<128x128xf32>
      %max3A_426 = arith.maximumf %sub3A_423, %max3A_425 : vector<128x128xf32>
      %min3A_427 = vector.broadcast %add3A_372 : vector<128x1xf32> to vector<128x128xf32>
      %min3A_428 = vector.broadcast %get3A_413 : vector<1x128xf32> to vector<128x128xf32>
      %min3A_429 = arith.minimumf %min3A_427, %min3A_428 : vector<128x128xf32>
      %max3A_430 = vector.broadcast %add3A_368 : vector<128x1xf32> to vector<128x128xf32>
      %max3A_431 = vector.broadcast %get3A_407 : vector<1x128xf32> to vector<128x128xf32>
      %max3A_432 = arith.maximumf %max3A_430, %max3A_431 : vector<128x128xf32>
      %sub3A_433 = arith.subf %min3A_429, %max3A_432 : vector<128x128xf32>
      %mul3A_434 = arith.mulf %max3A_426, %sub3A_433 : vector<128x128xf32>
      %add3A_435 = vector.broadcast %mul3A_375 : vector<128x1xf32> to vector<128x128xf32>
      %add3A_436 = vector.broadcast %get3A_416 : vector<1x128xf32> to vector<128x128xf32>
      %add3A_437 = arith.addf %add3A_435, %add3A_436 : vector<128x128xf32>
      %sub3A_438 = arith.subf %add3A_437, %mul3A_434 : vector<128x128xf32>
      %mul3A_439 = arith.constant 5.000000e-01 : f32
      %mul3A_440 = vector.broadcast %mul3A_439 : f32 to vector<128x128xf32>
      %mul3A_441 = arith.mulf %mul3A_440, %sub3A_438 : vector<128x128xf32>
      %gt3A_442 = arith.cmpf ogt, %mul3A_434, %mul3A_441 : vector<128x128xf32>
      %convert_element_type3A_443 = arith.extui %gt3A_442 : vector<128x128xi1> to vector<128x128xi32>
      %convert_element_type3A_444 = arith.sitofp %convert_element_type3A_443 : vector<128x128xi32> to vector<128x128xf32>
      %mul3A_445 = arith.mulf %convert_element_type3A_444, %convert_element_type3A_77 : vector<128x128xf32>
      %get3A_446 = arith.index_cast %while3A_356 : i32 to index
      %get3A_447 = arith.constant 0 : index
      %get3A_448 = vector.load %arg4[%get3A_446, %get3A_447] : memref<40x128xf32, #tpu.memory_space<vmem>>, vector<1x128xf32>
      %while3A_449 = arith.constant true
      %while3A_450:2 = scf.while (%while3A_474 = %get3A_448, %while3A_475 = %while3A_449) : (vector<1x128xf32>, i1) -> (vector<1x128xf32>, i1) {
        scf.condition(%while3A_475) %while3A_474, %while3A_475 : vector<1x128xf32>, i1
      } do {
      ^bb0(%while3A_474: vector<1x128xf32>, %while3A_475: i1):
        %dot_general3A_476 = arith.constant dense<0.000000e+00> : vector<1x128xf32>
        %dot_general3A_477 = tpu.matmul %while3A_474, %mul3A_445, %dot_general3A_476 {dimension_numbers = #tpu.dot_dimension_numbers<[1], [0], [0], [1], [0, 0, 1, 1], [], []>, transpose_lhs_hint = false} : vector<1x128xf32>, vector<128x128xf32>, vector<1x128xf32> -> vector<1x128xf32>
        %lt3A_478 = arith.constant 5.000000e-01 : f32
        %lt3A_479 = vector.broadcast %lt3A_478 : f32 to vector<1x128xf32>
        %lt3A_480 = arith.cmpf olt, %dot_general3A_477, %lt3A_479 : vector<1x128xf32>
        %convert_element_type3A_481 = arith.extui %lt3A_480 : vector<1x128xi1> to vector<1x128xi32>
        %convert_element_type3A_482 = arith.sitofp %convert_element_type3A_481 : vector<1x128xi32> to vector<1x128xf32>
        %mul3A_483 = arith.mulf %get3A_448, %convert_element_type3A_482 : vector<1x128xf32>
        %dot_general3A_484 = arith.constant dense<0.000000e+00> : vector<1x128xf32>
        %dot_general3A_485 = tpu.matmul %mul3A_483, %mul3A_445, %dot_general3A_484 {dimension_numbers = #tpu.dot_dimension_numbers<[1], [0], [0], [1], [0, 0, 1, 1], [], []>, transpose_lhs_hint = false} : vector<1x128xf32>, vector<128x128xf32>, vector<1x128xf32> -> vector<1x128xf32>
        %lt3A_486 = arith.constant 5.000000e-01 : f32
        %lt3A_487 = vector.broadcast %lt3A_486 : f32 to vector<1x128xf32>
        %lt3A_488 = arith.cmpf olt, %dot_general3A_485, %lt3A_487 : vector<1x128xf32>
        %convert_element_type3A_489 = arith.extui %lt3A_488 : vector<1x128xi1> to vector<1x128xi32>
        %convert_element_type3A_490 = arith.sitofp %convert_element_type3A_489 : vector<1x128xi32> to vector<1x128xf32>
        %mul3A_491 = arith.mulf %get3A_448, %convert_element_type3A_490 : vector<1x128xf32>
        %ne3A_492 = arith.cmpf one, %mul3A_491, %mul3A_483 : vector<1x128xf32>
        %reduce_or3A = arith.constant 1.000000e+00 : f32
        %reduce_or3A_493 = arith.constant 0.000000e+00 : f32
        %reduce_or3A_494 = vector.broadcast %reduce_or3A : f32 to vector<1x128xf32>
        %reduce_or3A_495 = vector.broadcast %reduce_or3A_493 : f32 to vector<1x128xf32>
        %reduce_or3A_496 = arith.select %ne3A_492, %reduce_or3A_494, %reduce_or3A_495 : vector<1x128xi1>, vector<1x128xf32>
        %reduce_or3A_497 = vector.shape_cast %reduce_or3A_496 : vector<1x128xf32> to vector<1x1x128xf32>
        %reduce_or3A_498 = arith.constant dense<0xFF800000> : vector<1xf32>
        %reduce_or3A_499 = vector.multi_reduction <maximumf>, %reduce_or3A_497, %reduce_or3A_498 [1, 2] : vector<1x1x128xf32> to vector<1xf32>
        %reduce_or3A_500 = vector.shape_cast %reduce_or3A_499 : vector<1xf32> to vector<1x1x1xf32>
        %reduce_or3A_501 = vector.extract %reduce_or3A_500[0, 0, 0] : f32 from vector<1x1x1xf32>
        %reduce_or3A_502 = arith.constant 0.000000e+00 : f32
        %reduce_or3A_503 = arith.cmpf ogt, %reduce_or3A_501, %reduce_or3A_502 : f32
        scf.yield %mul3A_491, %reduce_or3A_503 : vector<1x128xf32>, i1
      }
      %swap3A_451 = arith.index_cast %while3A_356 : i32 to index
      %swap3A_452 = arith.constant 0 : index
      %swap3A_453 = vector.load %arg4[%swap3A_451, %swap3A_452] : memref<40x128xf32, #tpu.memory_space<vmem>>, vector<1x128xf32>
      tpu.vector_store %arg4[%swap3A_451, %swap3A_452], %while3A_450#0 {strides = array<i32>} : memref<40x128xf32, #tpu.memory_space<vmem>>, vector<1x128xf32>,
      %dot_general3A = arith.constant dense<0.000000e+00> : vector<1x4480xf32>
      %dot_general3A_454 = tpu.matmul %while3A_450#0, %convert_element_type3A_401, %dot_general3A {dimension_numbers = #tpu.dot_dimension_numbers<[1], [0], [0], [1], [0, 0, 1, 1], [], []>, transpose_lhs_hint = false} : vector<1x128xf32>, vector<128x4480xf32>, vector<1x4480xf32> -> vector<1x4480xf32>
      %reshape3A = vector.shape_cast %dot_general3A_454 : vector<1x4480xf32> to vector<35x128xf32>
      %gt3A_455 = vector.broadcast %while3A_356 : i32 to vector<35x128xi32>
      %gt3A_456 = arith.cmpi sgt, %add3A_129, %gt3A_455 : vector<35x128xi32>
      %gt3A_457 = arith.constant 5.000000e-01 : f32
      %gt3A_458 = vector.broadcast %gt3A_457 : f32 to vector<35x128xf32>
      %gt3A_459 = arith.cmpf ogt, %reshape3A, %gt3A_458 : vector<35x128xf32>
      %and3A_460 = arith.andi %gt3A_456, %gt3A_459 : vector<35x128xi1>
      %convert_element_type3A_461 = arith.extui %and3A_460 : vector<35x128xi1> to vector<35x128xi32>
      %convert_element_type3A_462 = arith.sitofp %convert_element_type3A_461 : vector<35x128xi32> to vector<35x128xf32>
      %get3A_463 = arith.constant 5 : index
      %get3A_464 = arith.constant 0 : index
      %get3A_465 = vector.load %arg4[%get3A_463, %get3A_464] : memref<40x128xf32, #tpu.memory_space<vmem>>, vector<35x128xf32>
      %sub3A_466 = arith.constant 1.000000e+00 : f32
      %sub3A_467 = vector.broadcast %sub3A_466 : f32 to vector<35x128xf32>
      %sub3A_468 = arith.subf %sub3A_467, %convert_element_type3A_462 : vector<35x128xf32>
      %mul3A_469 = arith.mulf %get3A_465, %sub3A_468 : vector<35x128xf32>
      %swap3A_470 = arith.constant 5 : index
      %swap3A_471 = arith.constant 0 : index
      %swap3A_472 = vector.load %arg4[%swap3A_470, %swap3A_471] : memref<40x128xf32, #tpu.memory_space<vmem>>, vector<35x128xf32>
      tpu.vector_store %arg4[%swap3A_470, %swap3A_471], %mul3A_469 {strides = array<i32>} : memref<40x128xf32, #tpu.memory_space<vmem>>, vector<35x128xf32>,
      %while3A_473 = arith.constant 0 : i32
      scf.yield %while3A_473 : i32
    }
    %min3A_142 = arith.constant 15 : i32
    %min3A_143 = arith.minsi %min3A_142, %select_n3A : i32
    %get3A_144 = arith.constant 0 : index
    %get3A_145 = arith.constant 1280 : index
    %get3A_146 = vector.load %arg5[%get3A_144, %get3A_145] : memref<8x5120xf32, #tpu.memory_space<vmem>>, vector<1x3840xf32>
    %get3A_147 = arith.constant 1 : index
    %get3A_148 = arith.constant 1280 : index
    %get3A_149 = vector.load %arg5[%get3A_147, %get3A_148] : memref<8x5120xf32, #tpu.memory_space<vmem>>, vector<1x3840xf32>
    %get3A_150 = arith.constant 2 : index
    %get3A_151 = arith.constant 1280 : index
    %get3A_152 = vector.load %arg5[%get3A_150, %get3A_151] : memref<8x5120xf32, #tpu.memory_space<vmem>>, vector<1x3840xf32>
    %get3A_153 = arith.constant 3 : index
    %get3A_154 = arith.constant 1280 : index
    %get3A_155 = vector.load %arg5[%get3A_153, %get3A_154] : memref<8x5120xf32, #tpu.memory_space<vmem>>, vector<1x3840xf32>
    %get3A_156 = arith.constant 4 : index
    %get3A_157 = arith.constant 1280 : index
    %get3A_158 = vector.load %arg5[%get3A_156, %get3A_157] : memref<8x5120xf32, #tpu.memory_space<vmem>>, vector<1x3840xf32>
    %iota3A_159 = tpu.iota {dimensions = array<i32: 0>} : vector<30x128xi32>
    %add3A_160 = arith.constant 10 : i32
    %add3A_161 = vector.broadcast %add3A_160 : i32 to vector<30x128xi32>
    %add3A_162 = arith.addi %iota3A_159, %add3A_161 : vector<30x128xi32>
    %while3A_163 = arith.constant 10 : i32
    %while3A_164 = arith.constant 0 : i32
    %while3A_165 = arith.subi %min3A_143, %while3A_163 : i32
    %while3A_166 = arith.addi %while3A_163, %while3A_165 : i32
    %while3A_167 = arith.constant 1 : i32
    %while3A_168 = arith.divsi %while3A_165, %while3A_167 : i32
    %while3A_169 = arith.muli %while3A_168, %while3A_167 : i32
    %while3A_170 = arith.addi %while3A_163, %while3A_169 : i32
    %while3A_171 = arith.constant 1 : i32
    %while3A_172 = scf.for %while3A_356 = %while3A_163 to %while3A_170 step %while3A_171 iter_args(%while3A_357 = %while3A_164) -> (i32)  : i32 {
      %mul3A_358 = arith.constant 128 : i32
      %mul3A_359 = arith.muli %while3A_356, %mul3A_358 : i32
      %multiple_of3A = tpu.assume_multiple %mul3A_359, 128 : i32
      %get3A_360 = arith.index_cast %multiple_of3A : i32 to index
      %get3A_361 = arith.constant 0 : index
      %get3A_362 = vector.load %arg0[%get3A_360, %get3A_361] : memref<5120x8xf32, #tpu.memory_space<vmem>>, vector<128x8xf32>
      %slice3A = vector.extract_strided_slice %get3A_362 {offsets = [0, 4], sizes = [128, 1], strides = [1, 1]} : vector<128x8xf32> to vector<128x1xf32>
      %mul3A_363 = vector.broadcast %add3A_6 : f32 to vector<128x1xf32>
      %mul3A_364 = arith.mulf %slice3A, %mul3A_363 : vector<128x1xf32>
      %slice3A_365 = vector.extract_strided_slice %get3A_362 {offsets = [0, 0], sizes = [128, 1], strides = [1, 1]} : vector<128x8xf32> to vector<128x1xf32>
      %add3A_366 = arith.addf %slice3A_365, %mul3A_364 : vector<128x1xf32>
      %slice3A_367 = vector.extract_strided_slice %get3A_362 {offsets = [0, 1], sizes = [128, 1], strides = [1, 1]} : vector<128x8xf32> to vector<128x1xf32>
      %add3A_368 = arith.addf %slice3A_367, %mul3A_364 : vector<128x1xf32>
      %slice3A_369 = vector.extract_strided_slice %get3A_362 {offsets = [0, 2], sizes = [128, 1], strides = [1, 1]} : vector<128x8xf32> to vector<128x1xf32>
      %add3A_370 = arith.addf %slice3A_369, %mul3A_364 : vector<128x1xf32>
      %slice3A_371 = vector.extract_strided_slice %get3A_362 {offsets = [0, 3], sizes = [128, 1], strides = [1, 1]} : vector<128x8xf32> to vector<128x1xf32>
      %add3A_372 = arith.addf %slice3A_371, %mul3A_364 : vector<128x1xf32>
      %sub3A_373 = arith.subf %add3A_370, %add3A_366 : vector<128x1xf32>
      %sub3A_374 = arith.subf %add3A_372, %add3A_368 : vector<128x1xf32>
      %mul3A_375 = arith.mulf %sub3A_373, %sub3A_374 : vector<128x1xf32>
      %min3A_376 = vector.broadcast %add3A_370 : vector<128x1xf32> to vector<128x3840xf32>
      %min3A_377 = vector.broadcast %get3A_152 : vector<1x3840xf32> to vector<128x3840xf32>
      %min3A_378 = arith.minimumf %min3A_376, %min3A_377 : vector<128x3840xf32>
      %max3A = vector.broadcast %add3A_366 : vector<128x1xf32> to vector<128x3840xf32>
      %max3A_379 = vector.broadcast %get3A_146 : vector<1x3840xf32> to vector<128x3840xf32>
      %max3A_380 = arith.maximumf %max3A, %max3A_379 : vector<128x3840xf32>
      %sub3A_381 = arith.subf %min3A_378, %max3A_380 : vector<128x3840xf32>
      %max3A_382 = arith.constant 0.000000e+00 : f32
      %max3A_383 = vector.broadcast %max3A_382 : f32 to vector<128x3840xf32>
      %max3A_384 = arith.maximumf %sub3A_381, %max3A_383 : vector<128x3840xf32>
      %min3A_385 = vector.broadcast %add3A_372 : vector<128x1xf32> to vector<128x3840xf32>
      %min3A_386 = vector.broadcast %get3A_155 : vector<1x3840xf32> to vector<128x3840xf32>
      %min3A_387 = arith.minimumf %min3A_385, %min3A_386 : vector<128x3840xf32>
      %max3A_388 = vector.broadcast %add3A_368 : vector<128x1xf32> to vector<128x3840xf32>
      %max3A_389 = vector.broadcast %get3A_149 : vector<1x3840xf32> to vector<128x3840xf32>
      %max3A_390 = arith.maximumf %max3A_388, %max3A_389 : vector<128x3840xf32>
      %sub3A_391 = arith.subf %min3A_387, %max3A_390 : vector<128x3840xf32>
      %mul3A_392 = arith.mulf %max3A_384, %sub3A_391 : vector<128x3840xf32>
      %add3A_393 = vector.broadcast %mul3A_375 : vector<128x1xf32> to vector<128x3840xf32>
      %add3A_394 = vector.broadcast %get3A_158 : vector<1x3840xf32> to vector<128x3840xf32>
      %add3A_395 = arith.addf %add3A_393, %add3A_394 : vector<128x3840xf32>
      %sub3A_396 = arith.subf %add3A_395, %mul3A_392 : vector<128x3840xf32>
      %mul3A_397 = arith.constant 5.000000e-01 : f32
      %mul3A_398 = vector.broadcast %mul3A_397 : f32 to vector<128x3840xf32>
      %mul3A_399 = arith.mulf %mul3A_398, %sub3A_396 : vector<128x3840xf32>
      %gt3A = arith.cmpf ogt, %mul3A_392, %mul3A_399 : vector<128x3840xf32>
      %convert_element_type3A_400 = arith.extui %gt3A : vector<128x3840xi1> to vector<128x3840xi32>
      %convert_element_type3A_401 = arith.sitofp %convert_element_type3A_400 : vector<128x3840xi32> to vector<128x3840xf32>
      %get3A_402 = arith.constant 0 : index
      %get3A_403 = arith.index_cast %multiple_of3A : i32 to index
      %get3A_404 = vector.load %arg5[%get3A_402, %get3A_403] : memref<8x5120xf32, #tpu.memory_space<vmem>>, vector<1x128xf32>
      %get3A_405 = arith.constant 1 : index
      %get3A_406 = arith.index_cast %multiple_of3A : i32 to index
      %get3A_407 = vector.load %arg5[%get3A_405, %get3A_406] : memref<8x5120xf32, #tpu.memory_space<vmem>>, vector<1x128xf32>
      %get3A_408 = arith.constant 2 : index
      %get3A_409 = arith.index_cast %multiple_of3A : i32 to index
      %get3A_410 = vector.load %arg5[%get3A_408, %get3A_409] : memref<8x5120xf32, #tpu.memory_space<vmem>>, vector<1x128xf32>
      %get3A_411 = arith.constant 3 : index
      %get3A_412 = arith.index_cast %multiple_of3A : i32 to index
      %get3A_413 = vector.load %arg5[%get3A_411, %get3A_412] : memref<8x5120xf32, #tpu.memory_space<vmem>>, vector<1x128xf32>
      %get3A_414 = arith.constant 4 : index
      %get3A_415 = arith.index_cast %multiple_of3A : i32 to index
      %get3A_416 = vector.load %arg5[%get3A_414, %get3A_415] : memref<8x5120xf32, #tpu.memory_space<vmem>>, vector<1x128xf32>
      %min3A_417 = vector.broadcast %add3A_370 : vector<128x1xf32> to vector<128x128xf32>
      %min3A_418 = vector.broadcast %get3A_410 : vector<1x128xf32> to vector<128x128xf32>
      %min3A_419 = arith.minimumf %min3A_417, %min3A_418 : vector<128x128xf32>
      %max3A_420 = vector.broadcast %add3A_366 : vector<128x1xf32> to vector<128x128xf32>
      %max3A_421 = vector.broadcast %get3A_404 : vector<1x128xf32> to vector<128x128xf32>
      %max3A_422 = arith.maximumf %max3A_420, %max3A_421 : vector<128x128xf32>
      %sub3A_423 = arith.subf %min3A_419, %max3A_422 : vector<128x128xf32>
      %max3A_424 = arith.constant 0.000000e+00 : f32
      %max3A_425 = vector.broadcast %max3A_424 : f32 to vector<128x128xf32>
      %max3A_426 = arith.maximumf %sub3A_423, %max3A_425 : vector<128x128xf32>
      %min3A_427 = vector.broadcast %add3A_372 : vector<128x1xf32> to vector<128x128xf32>
      %min3A_428 = vector.broadcast %get3A_413 : vector<1x128xf32> to vector<128x128xf32>
      %min3A_429 = arith.minimumf %min3A_427, %min3A_428 : vector<128x128xf32>
      %max3A_430 = vector.broadcast %add3A_368 : vector<128x1xf32> to vector<128x128xf32>
      %max3A_431 = vector.broadcast %get3A_407 : vector<1x128xf32> to vector<128x128xf32>
      %max3A_432 = arith.maximumf %max3A_430, %max3A_431 : vector<128x128xf32>
      %sub3A_433 = arith.subf %min3A_429, %max3A_432 : vector<128x128xf32>
      %mul3A_434 = arith.mulf %max3A_426, %sub3A_433 : vector<128x128xf32>
      %add3A_435 = vector.broadcast %mul3A_375 : vector<128x1xf32> to vector<128x128xf32>
      %add3A_436 = vector.broadcast %get3A_416 : vector<1x128xf32> to vector<128x128xf32>
      %add3A_437 = arith.addf %add3A_435, %add3A_436 : vector<128x128xf32>
      %sub3A_438 = arith.subf %add3A_437, %mul3A_434 : vector<128x128xf32>
      %mul3A_439 = arith.constant 5.000000e-01 : f32
      %mul3A_440 = vector.broadcast %mul3A_439 : f32 to vector<128x128xf32>
      %mul3A_441 = arith.mulf %mul3A_440, %sub3A_438 : vector<128x128xf32>
      %gt3A_442 = arith.cmpf ogt, %mul3A_434, %mul3A_441 : vector<128x128xf32>
      %convert_element_type3A_443 = arith.extui %gt3A_442 : vector<128x128xi1> to vector<128x128xi32>
      %convert_element_type3A_444 = arith.sitofp %convert_element_type3A_443 : vector<128x128xi32> to vector<128x128xf32>
      %mul3A_445 = arith.mulf %convert_element_type3A_444, %convert_element_type3A_77 : vector<128x128xf32>
      %get3A_446 = arith.index_cast %while3A_356 : i32 to index
      %get3A_447 = arith.constant 0 : index
      %get3A_448 = vector.load %arg4[%get3A_446, %get3A_447] : memref<40x128xf32, #tpu.memory_space<vmem>>, vector<1x128xf32>
      %while3A_449 = arith.constant true
      %while3A_450:2 = scf.while (%while3A_474 = %get3A_448, %while3A_475 = %while3A_449) : (vector<1x128xf32>, i1) -> (vector<1x128xf32>, i1) {
        scf.condition(%while3A_475) %while3A_474, %while3A_475 : vector<1x128xf32>, i1
      } do {
      ^bb0(%while3A_474: vector<1x128xf32>, %while3A_475: i1):
        %dot_general3A_476 = arith.constant dense<0.000000e+00> : vector<1x128xf32>
        %dot_general3A_477 = tpu.matmul %while3A_474, %mul3A_445, %dot_general3A_476 {dimension_numbers = #tpu.dot_dimension_numbers<[1], [0], [0], [1], [0, 0, 1, 1], [], []>, transpose_lhs_hint = false} : vector<1x128xf32>, vector<128x128xf32>, vector<1x128xf32> -> vector<1x128xf32>
        %lt3A_478 = arith.constant 5.000000e-01 : f32
        %lt3A_479 = vector.broadcast %lt3A_478 : f32 to vector<1x128xf32>
        %lt3A_480 = arith.cmpf olt, %dot_general3A_477, %lt3A_479 : vector<1x128xf32>
        %convert_element_type3A_481 = arith.extui %lt3A_480 : vector<1x128xi1> to vector<1x128xi32>
        %convert_element_type3A_482 = arith.sitofp %convert_element_type3A_481 : vector<1x128xi32> to vector<1x128xf32>
        %mul3A_483 = arith.mulf %get3A_448, %convert_element_type3A_482 : vector<1x128xf32>
        %dot_general3A_484 = arith.constant dense<0.000000e+00> : vector<1x128xf32>
        %dot_general3A_485 = tpu.matmul %mul3A_483, %mul3A_445, %dot_general3A_484 {dimension_numbers = #tpu.dot_dimension_numbers<[1], [0], [0], [1], [0, 0, 1, 1], [], []>, transpose_lhs_hint = false} : vector<1x128xf32>, vector<128x128xf32>, vector<1x128xf32> -> vector<1x128xf32>
        %lt3A_486 = arith.constant 5.000000e-01 : f32
        %lt3A_487 = vector.broadcast %lt3A_486 : f32 to vector<1x128xf32>
        %lt3A_488 = arith.cmpf olt, %dot_general3A_485, %lt3A_487 : vector<1x128xf32>
        %convert_element_type3A_489 = arith.extui %lt3A_488 : vector<1x128xi1> to vector<1x128xi32>
        %convert_element_type3A_490 = arith.sitofp %convert_element_type3A_489 : vector<1x128xi32> to vector<1x128xf32>
        %mul3A_491 = arith.mulf %get3A_448, %convert_element_type3A_490 : vector<1x128xf32>
        %ne3A_492 = arith.cmpf one, %mul3A_491, %mul3A_483 : vector<1x128xf32>
        %reduce_or3A = arith.constant 1.000000e+00 : f32
        %reduce_or3A_493 = arith.constant 0.000000e+00 : f32
        %reduce_or3A_494 = vector.broadcast %reduce_or3A : f32 to vector<1x128xf32>
        %reduce_or3A_495 = vector.broadcast %reduce_or3A_493 : f32 to vector<1x128xf32>
        %reduce_or3A_496 = arith.select %ne3A_492, %reduce_or3A_494, %reduce_or3A_495 : vector<1x128xi1>, vector<1x128xf32>
        %reduce_or3A_497 = vector.shape_cast %reduce_or3A_496 : vector<1x128xf32> to vector<1x1x128xf32>
        %reduce_or3A_498 = arith.constant dense<0xFF800000> : vector<1xf32>
        %reduce_or3A_499 = vector.multi_reduction <maximumf>, %reduce_or3A_497, %reduce_or3A_498 [1, 2] : vector<1x1x128xf32> to vector<1xf32>
        %reduce_or3A_500 = vector.shape_cast %reduce_or3A_499 : vector<1xf32> to vector<1x1x1xf32>
        %reduce_or3A_501 = vector.extract %reduce_or3A_500[0, 0, 0] : f32 from vector<1x1x1xf32>
        %reduce_or3A_502 = arith.constant 0.000000e+00 : f32
        %reduce_or3A_503 = arith.cmpf ogt, %reduce_or3A_501, %reduce_or3A_502 : f32
        scf.yield %mul3A_491, %reduce_or3A_503 : vector<1x128xf32>, i1
      }
      %swap3A_451 = arith.index_cast %while3A_356 : i32 to index
      %swap3A_452 = arith.constant 0 : index
      %swap3A_453 = vector.load %arg4[%swap3A_451, %swap3A_452] : memref<40x128xf32, #tpu.memory_space<vmem>>, vector<1x128xf32>
      tpu.vector_store %arg4[%swap3A_451, %swap3A_452], %while3A_450#0 {strides = array<i32>} : memref<40x128xf32, #tpu.memory_space<vmem>>, vector<1x128xf32>,
      %dot_general3A = arith.constant dense<0.000000e+00> : vector<1x3840xf32>
      %dot_general3A_454 = tpu.matmul %while3A_450#0, %convert_element_type3A_401, %dot_general3A {dimension_numbers = #tpu.dot_dimension_numbers<[1], [0], [0], [1], [0, 0, 1, 1], [], []>, transpose_lhs_hint = false} : vector<1x128xf32>, vector<128x3840xf32>, vector<1x3840xf32> -> vector<1x3840xf32>
      %reshape3A = vector.shape_cast %dot_general3A_454 : vector<1x3840xf32> to vector<30x128xf32>
      %gt3A_455 = vector.broadcast %while3A_356 : i32 to vector<30x128xi32>
      %gt3A_456 = arith.cmpi sgt, %add3A_162, %gt3A_455 : vector<30x128xi32>
      %gt3A_457 = arith.constant 5.000000e-01 : f32
      %gt3A_458 = vector.broadcast %gt3A_457 : f32 to vector<30x128xf32>
      %gt3A_459 = arith.cmpf ogt, %reshape3A, %gt3A_458 : vector<30x128xf32>
      %and3A_460 = arith.andi %gt3A_456, %gt3A_459 : vector<30x128xi1>
      %convert_element_type3A_461 = arith.extui %and3A_460 : vector<30x128xi1> to vector<30x128xi32>
      %convert_element_type3A_462 = arith.sitofp %convert_element_type3A_461 : vector<30x128xi32> to vector<30x128xf32>
      %get3A_463 = arith.constant 10 : index
      %get3A_464 = arith.constant 0 : index
      %get3A_465 = vector.load %arg4[%get3A_463, %get3A_464] : memref<40x128xf32, #tpu.memory_space<vmem>>, vector<30x128xf32>
      %sub3A_466 = arith.constant 1.000000e+00 : f32
      %sub3A_467 = vector.broadcast %sub3A_466 : f32 to vector<30x128xf32>
      %sub3A_468 = arith.subf %sub3A_467, %convert_element_type3A_462 : vector<30x128xf32>
      %mul3A_469 = arith.mulf %get3A_465, %sub3A_468 : vector<30x128xf32>
      %swap3A_470 = arith.constant 10 : index
      %swap3A_471 = arith.constant 0 : index
      %swap3A_472 = vector.load %arg4[%swap3A_470, %swap3A_471] : memref<40x128xf32, #tpu.memory_space<vmem>>, vector<30x128xf32>
      tpu.vector_store %arg4[%swap3A_470, %swap3A_471], %mul3A_469 {strides = array<i32>} : memref<40x128xf32, #tpu.memory_space<vmem>>, vector<30x128xf32>,
      %while3A_473 = arith.constant 0 : i32
      scf.yield %while3A_473 : i32
    }
    %while3A_173 = arith.constant 1 : i32
    %while3A_174 = scf.for %while3A_356 = %while3A_170 to %while3A_166 step %while3A_173 iter_args(%while3A_357 = %while3A_172) -> (i32)  : i32 {
      %mul3A_358 = arith.constant 128 : i32
      %mul3A_359 = arith.muli %while3A_356, %mul3A_358 : i32
      %multiple_of3A = tpu.assume_multiple %mul3A_359, 128 : i32
      %get3A_360 = arith.index_cast %multiple_of3A : i32 to index
      %get3A_361 = arith.constant 0 : index
      %get3A_362 = vector.load %arg0[%get3A_360, %get3A_361] : memref<5120x8xf32, #tpu.memory_space<vmem>>, vector<128x8xf32>
      %slice3A = vector.extract_strided_slice %get3A_362 {offsets = [0, 4], sizes = [128, 1], strides = [1, 1]} : vector<128x8xf32> to vector<128x1xf32>
      %mul3A_363 = vector.broadcast %add3A_6 : f32 to vector<128x1xf32>
      %mul3A_364 = arith.mulf %slice3A, %mul3A_363 : vector<128x1xf32>
      %slice3A_365 = vector.extract_strided_slice %get3A_362 {offsets = [0, 0], sizes = [128, 1], strides = [1, 1]} : vector<128x8xf32> to vector<128x1xf32>
      %add3A_366 = arith.addf %slice3A_365, %mul3A_364 : vector<128x1xf32>
      %slice3A_367 = vector.extract_strided_slice %get3A_362 {offsets = [0, 1], sizes = [128, 1], strides = [1, 1]} : vector<128x8xf32> to vector<128x1xf32>
      %add3A_368 = arith.addf %slice3A_367, %mul3A_364 : vector<128x1xf32>
      %slice3A_369 = vector.extract_strided_slice %get3A_362 {offsets = [0, 2], sizes = [128, 1], strides = [1, 1]} : vector<128x8xf32> to vector<128x1xf32>
      %add3A_370 = arith.addf %slice3A_369, %mul3A_364 : vector<128x1xf32>
      %slice3A_371 = vector.extract_strided_slice %get3A_362 {offsets = [0, 3], sizes = [128, 1], strides = [1, 1]} : vector<128x8xf32> to vector<128x1xf32>
      %add3A_372 = arith.addf %slice3A_371, %mul3A_364 : vector<128x1xf32>
      %sub3A_373 = arith.subf %add3A_370, %add3A_366 : vector<128x1xf32>
      %sub3A_374 = arith.subf %add3A_372, %add3A_368 : vector<128x1xf32>
      %mul3A_375 = arith.mulf %sub3A_373, %sub3A_374 : vector<128x1xf32>
      %min3A_376 = vector.broadcast %add3A_370 : vector<128x1xf32> to vector<128x3840xf32>
      %min3A_377 = vector.broadcast %get3A_152 : vector<1x3840xf32> to vector<128x3840xf32>
      %min3A_378 = arith.minimumf %min3A_376, %min3A_377 : vector<128x3840xf32>
      %max3A = vector.broadcast %add3A_366 : vector<128x1xf32> to vector<128x3840xf32>
      %max3A_379 = vector.broadcast %get3A_146 : vector<1x3840xf32> to vector<128x3840xf32>
      %max3A_380 = arith.maximumf %max3A, %max3A_379 : vector<128x3840xf32>
      %sub3A_381 = arith.subf %min3A_378, %max3A_380 : vector<128x3840xf32>
      %max3A_382 = arith.constant 0.000000e+00 : f32
      %max3A_383 = vector.broadcast %max3A_382 : f32 to vector<128x3840xf32>
      %max3A_384 = arith.maximumf %sub3A_381, %max3A_383 : vector<128x3840xf32>
      %min3A_385 = vector.broadcast %add3A_372 : vector<128x1xf32> to vector<128x3840xf32>
      %min3A_386 = vector.broadcast %get3A_155 : vector<1x3840xf32> to vector<128x3840xf32>
      %min3A_387 = arith.minimumf %min3A_385, %min3A_386 : vector<128x3840xf32>
      %max3A_388 = vector.broadcast %add3A_368 : vector<128x1xf32> to vector<128x3840xf32>
      %max3A_389 = vector.broadcast %get3A_149 : vector<1x3840xf32> to vector<128x3840xf32>
      %max3A_390 = arith.maximumf %max3A_388, %max3A_389 : vector<128x3840xf32>
      %sub3A_391 = arith.subf %min3A_387, %max3A_390 : vector<128x3840xf32>
      %mul3A_392 = arith.mulf %max3A_384, %sub3A_391 : vector<128x3840xf32>
      %add3A_393 = vector.broadcast %mul3A_375 : vector<128x1xf32> to vector<128x3840xf32>
      %add3A_394 = vector.broadcast %get3A_158 : vector<1x3840xf32> to vector<128x3840xf32>
      %add3A_395 = arith.addf %add3A_393, %add3A_394 : vector<128x3840xf32>
      %sub3A_396 = arith.subf %add3A_395, %mul3A_392 : vector<128x3840xf32>
      %mul3A_397 = arith.constant 5.000000e-01 : f32
      %mul3A_398 = vector.broadcast %mul3A_397 : f32 to vector<128x3840xf32>
      %mul3A_399 = arith.mulf %mul3A_398, %sub3A_396 : vector<128x3840xf32>
      %gt3A = arith.cmpf ogt, %mul3A_392, %mul3A_399 : vector<128x3840xf32>
      %convert_element_type3A_400 = arith.extui %gt3A : vector<128x3840xi1> to vector<128x3840xi32>
      %convert_element_type3A_401 = arith.sitofp %convert_element_type3A_400 : vector<128x3840xi32> to vector<128x3840xf32>
      %get3A_402 = arith.constant 0 : index
      %get3A_403 = arith.index_cast %multiple_of3A : i32 to index
      %get3A_404 = vector.load %arg5[%get3A_402, %get3A_403] : memref<8x5120xf32, #tpu.memory_space<vmem>>, vector<1x128xf32>
      %get3A_405 = arith.constant 1 : index
      %get3A_406 = arith.index_cast %multiple_of3A : i32 to index
      %get3A_407 = vector.load %arg5[%get3A_405, %get3A_406] : memref<8x5120xf32, #tpu.memory_space<vmem>>, vector<1x128xf32>
      %get3A_408 = arith.constant 2 : index
      %get3A_409 = arith.index_cast %multiple_of3A : i32 to index
      %get3A_410 = vector.load %arg5[%get3A_408, %get3A_409] : memref<8x5120xf32, #tpu.memory_space<vmem>>, vector<1x128xf32>
      %get3A_411 = arith.constant 3 : index
      %get3A_412 = arith.index_cast %multiple_of3A : i32 to index
      %get3A_413 = vector.load %arg5[%get3A_411, %get3A_412] : memref<8x5120xf32, #tpu.memory_space<vmem>>, vector<1x128xf32>
      %get3A_414 = arith.constant 4 : index
      %get3A_415 = arith.index_cast %multiple_of3A : i32 to index
      %get3A_416 = vector.load %arg5[%get3A_414, %get3A_415] : memref<8x5120xf32, #tpu.memory_space<vmem>>, vector<1x128xf32>
      %min3A_417 = vector.broadcast %add3A_370 : vector<128x1xf32> to vector<128x128xf32>
      %min3A_418 = vector.broadcast %get3A_410 : vector<1x128xf32> to vector<128x128xf32>
      %min3A_419 = arith.minimumf %min3A_417, %min3A_418 : vector<128x128xf32>
      %max3A_420 = vector.broadcast %add3A_366 : vector<128x1xf32> to vector<128x128xf32>
      %max3A_421 = vector.broadcast %get3A_404 : vector<1x128xf32> to vector<128x128xf32>
      %max3A_422 = arith.maximumf %max3A_420, %max3A_421 : vector<128x128xf32>
      %sub3A_423 = arith.subf %min3A_419, %max3A_422 : vector<128x128xf32>
      %max3A_424 = arith.constant 0.000000e+00 : f32
      %max3A_425 = vector.broadcast %max3A_424 : f32 to vector<128x128xf32>
      %max3A_426 = arith.maximumf %sub3A_423, %max3A_425 : vector<128x128xf32>
      %min3A_427 = vector.broadcast %add3A_372 : vector<128x1xf32> to vector<128x128xf32>
      %min3A_428 = vector.broadcast %get3A_413 : vector<1x128xf32> to vector<128x128xf32>
      %min3A_429 = arith.minimumf %min3A_427, %min3A_428 : vector<128x128xf32>
      %max3A_430 = vector.broadcast %add3A_368 : vector<128x1xf32> to vector<128x128xf32>
      %max3A_431 = vector.broadcast %get3A_407 : vector<1x128xf32> to vector<128x128xf32>
      %max3A_432 = arith.maximumf %max3A_430, %max3A_431 : vector<128x128xf32>
      %sub3A_433 = arith.subf %min3A_429, %max3A_432 : vector<128x128xf32>
      %mul3A_434 = arith.mulf %max3A_426, %sub3A_433 : vector<128x128xf32>
      %add3A_435 = vector.broadcast %mul3A_375 : vector<128x1xf32> to vector<128x128xf32>
      %add3A_436 = vector.broadcast %get3A_416 : vector<1x128xf32> to vector<128x128xf32>
      %add3A_437 = arith.addf %add3A_435, %add3A_436 : vector<128x128xf32>
      %sub3A_438 = arith.subf %add3A_437, %mul3A_434 : vector<128x128xf32>
      %mul3A_439 = arith.constant 5.000000e-01 : f32
      %mul3A_440 = vector.broadcast %mul3A_439 : f32 to vector<128x128xf32>
      %mul3A_441 = arith.mulf %mul3A_440, %sub3A_438 : vector<128x128xf32>
      %gt3A_442 = arith.cmpf ogt, %mul3A_434, %mul3A_441 : vector<128x128xf32>
      %convert_element_type3A_443 = arith.extui %gt3A_442 : vector<128x128xi1> to vector<128x128xi32>
      %convert_element_type3A_444 = arith.sitofp %convert_element_type3A_443 : vector<128x128xi32> to vector<128x128xf32>
      %mul3A_445 = arith.mulf %convert_element_type3A_444, %convert_element_type3A_77 : vector<128x128xf32>
      %get3A_446 = arith.index_cast %while3A_356 : i32 to index
      %get3A_447 = arith.constant 0 : index
      %get3A_448 = vector.load %arg4[%get3A_446, %get3A_447] : memref<40x128xf32, #tpu.memory_space<vmem>>, vector<1x128xf32>
      %while3A_449 = arith.constant true
      %while3A_450:2 = scf.while (%while3A_474 = %get3A_448, %while3A_475 = %while3A_449) : (vector<1x128xf32>, i1) -> (vector<1x128xf32>, i1) {
        scf.condition(%while3A_475) %while3A_474, %while3A_475 : vector<1x128xf32>, i1
      } do {
      ^bb0(%while3A_474: vector<1x128xf32>, %while3A_475: i1):
        %dot_general3A_476 = arith.constant dense<0.000000e+00> : vector<1x128xf32>
        %dot_general3A_477 = tpu.matmul %while3A_474, %mul3A_445, %dot_general3A_476 {dimension_numbers = #tpu.dot_dimension_numbers<[1], [0], [0], [1], [0, 0, 1, 1], [], []>, transpose_lhs_hint = false} : vector<1x128xf32>, vector<128x128xf32>, vector<1x128xf32> -> vector<1x128xf32>
        %lt3A_478 = arith.constant 5.000000e-01 : f32
        %lt3A_479 = vector.broadcast %lt3A_478 : f32 to vector<1x128xf32>
        %lt3A_480 = arith.cmpf olt, %dot_general3A_477, %lt3A_479 : vector<1x128xf32>
        %convert_element_type3A_481 = arith.extui %lt3A_480 : vector<1x128xi1> to vector<1x128xi32>
        %convert_element_type3A_482 = arith.sitofp %convert_element_type3A_481 : vector<1x128xi32> to vector<1x128xf32>
        %mul3A_483 = arith.mulf %get3A_448, %convert_element_type3A_482 : vector<1x128xf32>
        %dot_general3A_484 = arith.constant dense<0.000000e+00> : vector<1x128xf32>
        %dot_general3A_485 = tpu.matmul %mul3A_483, %mul3A_445, %dot_general3A_484 {dimension_numbers = #tpu.dot_dimension_numbers<[1], [0], [0], [1], [0, 0, 1, 1], [], []>, transpose_lhs_hint = false} : vector<1x128xf32>, vector<128x128xf32>, vector<1x128xf32> -> vector<1x128xf32>
        %lt3A_486 = arith.constant 5.000000e-01 : f32
        %lt3A_487 = vector.broadcast %lt3A_486 : f32 to vector<1x128xf32>
        %lt3A_488 = arith.cmpf olt, %dot_general3A_485, %lt3A_487 : vector<1x128xf32>
        %convert_element_type3A_489 = arith.extui %lt3A_488 : vector<1x128xi1> to vector<1x128xi32>
        %convert_element_type3A_490 = arith.sitofp %convert_element_type3A_489 : vector<1x128xi32> to vector<1x128xf32>
        %mul3A_491 = arith.mulf %get3A_448, %convert_element_type3A_490 : vector<1x128xf32>
        %ne3A_492 = arith.cmpf one, %mul3A_491, %mul3A_483 : vector<1x128xf32>
        %reduce_or3A = arith.constant 1.000000e+00 : f32
        %reduce_or3A_493 = arith.constant 0.000000e+00 : f32
        %reduce_or3A_494 = vector.broadcast %reduce_or3A : f32 to vector<1x128xf32>
        %reduce_or3A_495 = vector.broadcast %reduce_or3A_493 : f32 to vector<1x128xf32>
        %reduce_or3A_496 = arith.select %ne3A_492, %reduce_or3A_494, %reduce_or3A_495 : vector<1x128xi1>, vector<1x128xf32>
        %reduce_or3A_497 = vector.shape_cast %reduce_or3A_496 : vector<1x128xf32> to vector<1x1x128xf32>
        %reduce_or3A_498 = arith.constant dense<0xFF800000> : vector<1xf32>
        %reduce_or3A_499 = vector.multi_reduction <maximumf>, %reduce_or3A_497, %reduce_or3A_498 [1, 2] : vector<1x1x128xf32> to vector<1xf32>
        %reduce_or3A_500 = vector.shape_cast %reduce_or3A_499 : vector<1xf32> to vector<1x1x1xf32>
        %reduce_or3A_501 = vector.extract %reduce_or3A_500[0, 0, 0] : f32 from vector<1x1x1xf32>
        %reduce_or3A_502 = arith.constant 0.000000e+00 : f32
        %reduce_or3A_503 = arith.cmpf ogt, %reduce_or3A_501, %reduce_or3A_502 : f32
        scf.yield %mul3A_491, %reduce_or3A_503 : vector<1x128xf32>, i1
      }
      %swap3A_451 = arith.index_cast %while3A_356 : i32 to index
      %swap3A_452 = arith.constant 0 : index
      %swap3A_453 = vector.load %arg4[%swap3A_451, %swap3A_452] : memref<40x128xf32, #tpu.memory_space<vmem>>, vector<1x128xf32>
      tpu.vector_store %arg4[%swap3A_451, %swap3A_452], %while3A_450#0 {strides = array<i32>} : memref<40x128xf32, #tpu.memory_space<vmem>>, vector<1x128xf32>,
      %dot_general3A = arith.constant dense<0.000000e+00> : vector<1x3840xf32>
      %dot_general3A_454 = tpu.matmul %while3A_450#0, %convert_element_type3A_401, %dot_general3A {dimension_numbers = #tpu.dot_dimension_numbers<[1], [0], [0], [1], [0, 0, 1, 1], [], []>, transpose_lhs_hint = false} : vector<1x128xf32>, vector<128x3840xf32>, vector<1x3840xf32> -> vector<1x3840xf32>
      %reshape3A = vector.shape_cast %dot_general3A_454 : vector<1x3840xf32> to vector<30x128xf32>
      %gt3A_455 = vector.broadcast %while3A_356 : i32 to vector<30x128xi32>
      %gt3A_456 = arith.cmpi sgt, %add3A_162, %gt3A_455 : vector<30x128xi32>
      %gt3A_457 = arith.constant 5.000000e-01 : f32
      %gt3A_458 = vector.broadcast %gt3A_457 : f32 to vector<30x128xf32>
      %gt3A_459 = arith.cmpf ogt, %reshape3A, %gt3A_458 : vector<30x128xf32>
      %and3A_460 = arith.andi %gt3A_456, %gt3A_459 : vector<30x128xi1>
      %convert_element_type3A_461 = arith.extui %and3A_460 : vector<30x128xi1> to vector<30x128xi32>
      %convert_element_type3A_462 = arith.sitofp %convert_element_type3A_461 : vector<30x128xi32> to vector<30x128xf32>
      %get3A_463 = arith.constant 10 : index
      %get3A_464 = arith.constant 0 : index
      %get3A_465 = vector.load %arg4[%get3A_463, %get3A_464] : memref<40x128xf32, #tpu.memory_space<vmem>>, vector<30x128xf32>
      %sub3A_466 = arith.constant 1.000000e+00 : f32
      %sub3A_467 = vector.broadcast %sub3A_466 : f32 to vector<30x128xf32>
      %sub3A_468 = arith.subf %sub3A_467, %convert_element_type3A_462 : vector<30x128xf32>
      %mul3A_469 = arith.mulf %get3A_465, %sub3A_468 : vector<30x128xf32>
      %swap3A_470 = arith.constant 10 : index
      %swap3A_471 = arith.constant 0 : index
      %swap3A_472 = vector.load %arg4[%swap3A_470, %swap3A_471] : memref<40x128xf32, #tpu.memory_space<vmem>>, vector<30x128xf32>
      tpu.vector_store %arg4[%swap3A_470, %swap3A_471], %mul3A_469 {strides = array<i32>} : memref<40x128xf32, #tpu.memory_space<vmem>>, vector<30x128xf32>,
      %while3A_473 = arith.constant 0 : i32
      scf.yield %while3A_473 : i32
    }
    %min3A_175 = arith.constant 20 : i32
    %min3A_176 = arith.minsi %min3A_175, %select_n3A : i32
    %get3A_177 = arith.constant 0 : index
    %get3A_178 = arith.constant 1920 : index
    %get3A_179 = vector.load %arg5[%get3A_177, %get3A_178] : memref<8x5120xf32, #tpu.memory_space<vmem>>, vector<1x3200xf32>
    %get3A_180 = arith.constant 1 : index
    %get3A_181 = arith.constant 1920 : index
    %get3A_182 = vector.load %arg5[%get3A_180, %get3A_181] : memref<8x5120xf32, #tpu.memory_space<vmem>>, vector<1x3200xf32>
    %get3A_183 = arith.constant 2 : index
    %get3A_184 = arith.constant 1920 : index
    %get3A_185 = vector.load %arg5[%get3A_183, %get3A_184] : memref<8x5120xf32, #tpu.memory_space<vmem>>, vector<1x3200xf32>
    %get3A_186 = arith.constant 3 : index
    %get3A_187 = arith.constant 1920 : index
    %get3A_188 = vector.load %arg5[%get3A_186, %get3A_187] : memref<8x5120xf32, #tpu.memory_space<vmem>>, vector<1x3200xf32>
    %get3A_189 = arith.constant 4 : index
    %get3A_190 = arith.constant 1920 : index
    %get3A_191 = vector.load %arg5[%get3A_189, %get3A_190] : memref<8x5120xf32, #tpu.memory_space<vmem>>, vector<1x3200xf32>
    %iota3A_192 = tpu.iota {dimensions = array<i32: 0>} : vector<25x128xi32>
    %add3A_193 = arith.constant 15 : i32
    %add3A_194 = vector.broadcast %add3A_193 : i32 to vector<25x128xi32>
    %add3A_195 = arith.addi %iota3A_192, %add3A_194 : vector<25x128xi32>
    %while3A_196 = arith.constant 15 : i32
    %while3A_197 = arith.constant 0 : i32
    %while3A_198 = arith.subi %min3A_176, %while3A_196 : i32
    %while3A_199 = arith.addi %while3A_196, %while3A_198 : i32
    %while3A_200 = arith.constant 1 : i32
    %while3A_201 = arith.divsi %while3A_198, %while3A_200 : i32
    %while3A_202 = arith.muli %while3A_201, %while3A_200 : i32
    %while3A_203 = arith.addi %while3A_196, %while3A_202 : i32
    %while3A_204 = arith.constant 1 : i32
    %while3A_205 = scf.for %while3A_356 = %while3A_196 to %while3A_203 step %while3A_204 iter_args(%while3A_357 = %while3A_197) -> (i32)  : i32 {
      %mul3A_358 = arith.constant 128 : i32
      %mul3A_359 = arith.muli %while3A_356, %mul3A_358 : i32
      %multiple_of3A = tpu.assume_multiple %mul3A_359, 128 : i32
      %get3A_360 = arith.index_cast %multiple_of3A : i32 to index
      %get3A_361 = arith.constant 0 : index
      %get3A_362 = vector.load %arg0[%get3A_360, %get3A_361] : memref<5120x8xf32, #tpu.memory_space<vmem>>, vector<128x8xf32>
      %slice3A = vector.extract_strided_slice %get3A_362 {offsets = [0, 4], sizes = [128, 1], strides = [1, 1]} : vector<128x8xf32> to vector<128x1xf32>
      %mul3A_363 = vector.broadcast %add3A_6 : f32 to vector<128x1xf32>
      %mul3A_364 = arith.mulf %slice3A, %mul3A_363 : vector<128x1xf32>
      %slice3A_365 = vector.extract_strided_slice %get3A_362 {offsets = [0, 0], sizes = [128, 1], strides = [1, 1]} : vector<128x8xf32> to vector<128x1xf32>
      %add3A_366 = arith.addf %slice3A_365, %mul3A_364 : vector<128x1xf32>
      %slice3A_367 = vector.extract_strided_slice %get3A_362 {offsets = [0, 1], sizes = [128, 1], strides = [1, 1]} : vector<128x8xf32> to vector<128x1xf32>
      %add3A_368 = arith.addf %slice3A_367, %mul3A_364 : vector<128x1xf32>
      %slice3A_369 = vector.extract_strided_slice %get3A_362 {offsets = [0, 2], sizes = [128, 1], strides = [1, 1]} : vector<128x8xf32> to vector<128x1xf32>
      %add3A_370 = arith.addf %slice3A_369, %mul3A_364 : vector<128x1xf32>
      %slice3A_371 = vector.extract_strided_slice %get3A_362 {offsets = [0, 3], sizes = [128, 1], strides = [1, 1]} : vector<128x8xf32> to vector<128x1xf32>
      %add3A_372 = arith.addf %slice3A_371, %mul3A_364 : vector<128x1xf32>
      %sub3A_373 = arith.subf %add3A_370, %add3A_366 : vector<128x1xf32>
      %sub3A_374 = arith.subf %add3A_372, %add3A_368 : vector<128x1xf32>
      %mul3A_375 = arith.mulf %sub3A_373, %sub3A_374 : vector<128x1xf32>
      %min3A_376 = vector.broadcast %add3A_370 : vector<128x1xf32> to vector<128x3200xf32>
      %min3A_377 = vector.broadcast %get3A_185 : vector<1x3200xf32> to vector<128x3200xf32>
      %min3A_378 = arith.minimumf %min3A_376, %min3A_377 : vector<128x3200xf32>
      %max3A = vector.broadcast %add3A_366 : vector<128x1xf32> to vector<128x3200xf32>
      %max3A_379 = vector.broadcast %get3A_179 : vector<1x3200xf32> to vector<128x3200xf32>
      %max3A_380 = arith.maximumf %max3A, %max3A_379 : vector<128x3200xf32>
      %sub3A_381 = arith.subf %min3A_378, %max3A_380 : vector<128x3200xf32>
      %max3A_382 = arith.constant 0.000000e+00 : f32
      %max3A_383 = vector.broadcast %max3A_382 : f32 to vector<128x3200xf32>
      %max3A_384 = arith.maximumf %sub3A_381, %max3A_383 : vector<128x3200xf32>
      %min3A_385 = vector.broadcast %add3A_372 : vector<128x1xf32> to vector<128x3200xf32>
      %min3A_386 = vector.broadcast %get3A_188 : vector<1x3200xf32> to vector<128x3200xf32>
      %min3A_387 = arith.minimumf %min3A_385, %min3A_386 : vector<128x3200xf32>
      %max3A_388 = vector.broadcast %add3A_368 : vector<128x1xf32> to vector<128x3200xf32>
      %max3A_389 = vector.broadcast %get3A_182 : vector<1x3200xf32> to vector<128x3200xf32>
      %max3A_390 = arith.maximumf %max3A_388, %max3A_389 : vector<128x3200xf32>
      %sub3A_391 = arith.subf %min3A_387, %max3A_390 : vector<128x3200xf32>
      %mul3A_392 = arith.mulf %max3A_384, %sub3A_391 : vector<128x3200xf32>
      %add3A_393 = vector.broadcast %mul3A_375 : vector<128x1xf32> to vector<128x3200xf32>
      %add3A_394 = vector.broadcast %get3A_191 : vector<1x3200xf32> to vector<128x3200xf32>
      %add3A_395 = arith.addf %add3A_393, %add3A_394 : vector<128x3200xf32>
      %sub3A_396 = arith.subf %add3A_395, %mul3A_392 : vector<128x3200xf32>
      %mul3A_397 = arith.constant 5.000000e-01 : f32
      %mul3A_398 = vector.broadcast %mul3A_397 : f32 to vector<128x3200xf32>
      %mul3A_399 = arith.mulf %mul3A_398, %sub3A_396 : vector<128x3200xf32>
      %gt3A = arith.cmpf ogt, %mul3A_392, %mul3A_399 : vector<128x3200xf32>
      %convert_element_type3A_400 = arith.extui %gt3A : vector<128x3200xi1> to vector<128x3200xi32>
      %convert_element_type3A_401 = arith.sitofp %convert_element_type3A_400 : vector<128x3200xi32> to vector<128x3200xf32>
      %get3A_402 = arith.constant 0 : index
      %get3A_403 = arith.index_cast %multiple_of3A : i32 to index
      %get3A_404 = vector.load %arg5[%get3A_402, %get3A_403] : memref<8x5120xf32, #tpu.memory_space<vmem>>, vector<1x128xf32>
      %get3A_405 = arith.constant 1 : index
      %get3A_406 = arith.index_cast %multiple_of3A : i32 to index
      %get3A_407 = vector.load %arg5[%get3A_405, %get3A_406] : memref<8x5120xf32, #tpu.memory_space<vmem>>, vector<1x128xf32>
      %get3A_408 = arith.constant 2 : index
      %get3A_409 = arith.index_cast %multiple_of3A : i32 to index
      %get3A_410 = vector.load %arg5[%get3A_408, %get3A_409] : memref<8x5120xf32, #tpu.memory_space<vmem>>, vector<1x128xf32>
      %get3A_411 = arith.constant 3 : index
      %get3A_412 = arith.index_cast %multiple_of3A : i32 to index
      %get3A_413 = vector.load %arg5[%get3A_411, %get3A_412] : memref<8x5120xf32, #tpu.memory_space<vmem>>, vector<1x128xf32>
      %get3A_414 = arith.constant 4 : index
      %get3A_415 = arith.index_cast %multiple_of3A : i32 to index
      %get3A_416 = vector.load %arg5[%get3A_414, %get3A_415] : memref<8x5120xf32, #tpu.memory_space<vmem>>, vector<1x128xf32>
      %min3A_417 = vector.broadcast %add3A_370 : vector<128x1xf32> to vector<128x128xf32>
      %min3A_418 = vector.broadcast %get3A_410 : vector<1x128xf32> to vector<128x128xf32>
      %min3A_419 = arith.minimumf %min3A_417, %min3A_418 : vector<128x128xf32>
      %max3A_420 = vector.broadcast %add3A_366 : vector<128x1xf32> to vector<128x128xf32>
      %max3A_421 = vector.broadcast %get3A_404 : vector<1x128xf32> to vector<128x128xf32>
      %max3A_422 = arith.maximumf %max3A_420, %max3A_421 : vector<128x128xf32>
      %sub3A_423 = arith.subf %min3A_419, %max3A_422 : vector<128x128xf32>
      %max3A_424 = arith.constant 0.000000e+00 : f32
      %max3A_425 = vector.broadcast %max3A_424 : f32 to vector<128x128xf32>
      %max3A_426 = arith.maximumf %sub3A_423, %max3A_425 : vector<128x128xf32>
      %min3A_427 = vector.broadcast %add3A_372 : vector<128x1xf32> to vector<128x128xf32>
      %min3A_428 = vector.broadcast %get3A_413 : vector<1x128xf32> to vector<128x128xf32>
      %min3A_429 = arith.minimumf %min3A_427, %min3A_428 : vector<128x128xf32>
      %max3A_430 = vector.broadcast %add3A_368 : vector<128x1xf32> to vector<128x128xf32>
      %max3A_431 = vector.broadcast %get3A_407 : vector<1x128xf32> to vector<128x128xf32>
      %max3A_432 = arith.maximumf %max3A_430, %max3A_431 : vector<128x128xf32>
      %sub3A_433 = arith.subf %min3A_429, %max3A_432 : vector<128x128xf32>
      %mul3A_434 = arith.mulf %max3A_426, %sub3A_433 : vector<128x128xf32>
      %add3A_435 = vector.broadcast %mul3A_375 : vector<128x1xf32> to vector<128x128xf32>
      %add3A_436 = vector.broadcast %get3A_416 : vector<1x128xf32> to vector<128x128xf32>
      %add3A_437 = arith.addf %add3A_435, %add3A_436 : vector<128x128xf32>
      %sub3A_438 = arith.subf %add3A_437, %mul3A_434 : vector<128x128xf32>
      %mul3A_439 = arith.constant 5.000000e-01 : f32
      %mul3A_440 = vector.broadcast %mul3A_439 : f32 to vector<128x128xf32>
      %mul3A_441 = arith.mulf %mul3A_440, %sub3A_438 : vector<128x128xf32>
      %gt3A_442 = arith.cmpf ogt, %mul3A_434, %mul3A_441 : vector<128x128xf32>
      %convert_element_type3A_443 = arith.extui %gt3A_442 : vector<128x128xi1> to vector<128x128xi32>
      %convert_element_type3A_444 = arith.sitofp %convert_element_type3A_443 : vector<128x128xi32> to vector<128x128xf32>
      %mul3A_445 = arith.mulf %convert_element_type3A_444, %convert_element_type3A_77 : vector<128x128xf32>
      %get3A_446 = arith.index_cast %while3A_356 : i32 to index
      %get3A_447 = arith.constant 0 : index
      %get3A_448 = vector.load %arg4[%get3A_446, %get3A_447] : memref<40x128xf32, #tpu.memory_space<vmem>>, vector<1x128xf32>
      %while3A_449 = arith.constant true
      %while3A_450:2 = scf.while (%while3A_474 = %get3A_448, %while3A_475 = %while3A_449) : (vector<1x128xf32>, i1) -> (vector<1x128xf32>, i1) {
        scf.condition(%while3A_475) %while3A_474, %while3A_475 : vector<1x128xf32>, i1
      } do {
      ^bb0(%while3A_474: vector<1x128xf32>, %while3A_475: i1):
        %dot_general3A_476 = arith.constant dense<0.000000e+00> : vector<1x128xf32>
        %dot_general3A_477 = tpu.matmul %while3A_474, %mul3A_445, %dot_general3A_476 {dimension_numbers = #tpu.dot_dimension_numbers<[1], [0], [0], [1], [0, 0, 1, 1], [], []>, transpose_lhs_hint = false} : vector<1x128xf32>, vector<128x128xf32>, vector<1x128xf32> -> vector<1x128xf32>
        %lt3A_478 = arith.constant 5.000000e-01 : f32
        %lt3A_479 = vector.broadcast %lt3A_478 : f32 to vector<1x128xf32>
        %lt3A_480 = arith.cmpf olt, %dot_general3A_477, %lt3A_479 : vector<1x128xf32>
        %convert_element_type3A_481 = arith.extui %lt3A_480 : vector<1x128xi1> to vector<1x128xi32>
        %convert_element_type3A_482 = arith.sitofp %convert_element_type3A_481 : vector<1x128xi32> to vector<1x128xf32>
        %mul3A_483 = arith.mulf %get3A_448, %convert_element_type3A_482 : vector<1x128xf32>
        %dot_general3A_484 = arith.constant dense<0.000000e+00> : vector<1x128xf32>
        %dot_general3A_485 = tpu.matmul %mul3A_483, %mul3A_445, %dot_general3A_484 {dimension_numbers = #tpu.dot_dimension_numbers<[1], [0], [0], [1], [0, 0, 1, 1], [], []>, transpose_lhs_hint = false} : vector<1x128xf32>, vector<128x128xf32>, vector<1x128xf32> -> vector<1x128xf32>
        %lt3A_486 = arith.constant 5.000000e-01 : f32
        %lt3A_487 = vector.broadcast %lt3A_486 : f32 to vector<1x128xf32>
        %lt3A_488 = arith.cmpf olt, %dot_general3A_485, %lt3A_487 : vector<1x128xf32>
        %convert_element_type3A_489 = arith.extui %lt3A_488 : vector<1x128xi1> to vector<1x128xi32>
        %convert_element_type3A_490 = arith.sitofp %convert_element_type3A_489 : vector<1x128xi32> to vector<1x128xf32>
        %mul3A_491 = arith.mulf %get3A_448, %convert_element_type3A_490 : vector<1x128xf32>
        %ne3A_492 = arith.cmpf one, %mul3A_491, %mul3A_483 : vector<1x128xf32>
        %reduce_or3A = arith.constant 1.000000e+00 : f32
        %reduce_or3A_493 = arith.constant 0.000000e+00 : f32
        %reduce_or3A_494 = vector.broadcast %reduce_or3A : f32 to vector<1x128xf32>
        %reduce_or3A_495 = vector.broadcast %reduce_or3A_493 : f32 to vector<1x128xf32>
        %reduce_or3A_496 = arith.select %ne3A_492, %reduce_or3A_494, %reduce_or3A_495 : vector<1x128xi1>, vector<1x128xf32>
        %reduce_or3A_497 = vector.shape_cast %reduce_or3A_496 : vector<1x128xf32> to vector<1x1x128xf32>
        %reduce_or3A_498 = arith.constant dense<0xFF800000> : vector<1xf32>
        %reduce_or3A_499 = vector.multi_reduction <maximumf>, %reduce_or3A_497, %reduce_or3A_498 [1, 2] : vector<1x1x128xf32> to vector<1xf32>
        %reduce_or3A_500 = vector.shape_cast %reduce_or3A_499 : vector<1xf32> to vector<1x1x1xf32>
        %reduce_or3A_501 = vector.extract %reduce_or3A_500[0, 0, 0] : f32 from vector<1x1x1xf32>
        %reduce_or3A_502 = arith.constant 0.000000e+00 : f32
        %reduce_or3A_503 = arith.cmpf ogt, %reduce_or3A_501, %reduce_or3A_502 : f32
        scf.yield %mul3A_491, %reduce_or3A_503 : vector<1x128xf32>, i1
      }
      %swap3A_451 = arith.index_cast %while3A_356 : i32 to index
      %swap3A_452 = arith.constant 0 : index
      %swap3A_453 = vector.load %arg4[%swap3A_451, %swap3A_452] : memref<40x128xf32, #tpu.memory_space<vmem>>, vector<1x128xf32>
      tpu.vector_store %arg4[%swap3A_451, %swap3A_452], %while3A_450#0 {strides = array<i32>} : memref<40x128xf32, #tpu.memory_space<vmem>>, vector<1x128xf32>,
      %dot_general3A = arith.constant dense<0.000000e+00> : vector<1x3200xf32>
      %dot_general3A_454 = tpu.matmul %while3A_450#0, %convert_element_type3A_401, %dot_general3A {dimension_numbers = #tpu.dot_dimension_numbers<[1], [0], [0], [1], [0, 0, 1, 1], [], []>, transpose_lhs_hint = false} : vector<1x128xf32>, vector<128x3200xf32>, vector<1x3200xf32> -> vector<1x3200xf32>
      %reshape3A = vector.shape_cast %dot_general3A_454 : vector<1x3200xf32> to vector<25x128xf32>
      %gt3A_455 = vector.broadcast %while3A_356 : i32 to vector<25x128xi32>
      %gt3A_456 = arith.cmpi sgt, %add3A_195, %gt3A_455 : vector<25x128xi32>
      %gt3A_457 = arith.constant 5.000000e-01 : f32
      %gt3A_458 = vector.broadcast %gt3A_457 : f32 to vector<25x128xf32>
      %gt3A_459 = arith.cmpf ogt, %reshape3A, %gt3A_458 : vector<25x128xf32>
      %and3A_460 = arith.andi %gt3A_456, %gt3A_459 : vector<25x128xi1>
      %convert_element_type3A_461 = arith.extui %and3A_460 : vector<25x128xi1> to vector<25x128xi32>
      %convert_element_type3A_462 = arith.sitofp %convert_element_type3A_461 : vector<25x128xi32> to vector<25x128xf32>
      %get3A_463 = arith.constant 15 : index
      %get3A_464 = arith.constant 0 : index
      %get3A_465 = vector.load %arg4[%get3A_463, %get3A_464] : memref<40x128xf32, #tpu.memory_space<vmem>>, vector<25x128xf32>
      %sub3A_466 = arith.constant 1.000000e+00 : f32
      %sub3A_467 = vector.broadcast %sub3A_466 : f32 to vector<25x128xf32>
      %sub3A_468 = arith.subf %sub3A_467, %convert_element_type3A_462 : vector<25x128xf32>
      %mul3A_469 = arith.mulf %get3A_465, %sub3A_468 : vector<25x128xf32>
      %swap3A_470 = arith.constant 15 : index
      %swap3A_471 = arith.constant 0 : index
      %swap3A_472 = vector.load %arg4[%swap3A_470, %swap3A_471] : memref<40x128xf32, #tpu.memory_space<vmem>>, vector<25x128xf32>
      tpu.vector_store %arg4[%swap3A_470, %swap3A_471], %mul3A_469 {strides = array<i32>} : memref<40x128xf32, #tpu.memory_space<vmem>>, vector<25x128xf32>,
      %while3A_473 = arith.constant 0 : i32
      scf.yield %while3A_473 : i32
    }
    %while3A_206 = arith.constant 1 : i32
    %while3A_207 = scf.for %while3A_356 = %while3A_203 to %while3A_199 step %while3A_206 iter_args(%while3A_357 = %while3A_205) -> (i32)  : i32 {
      %mul3A_358 = arith.constant 128 : i32
      %mul3A_359 = arith.muli %while3A_356, %mul3A_358 : i32
      %multiple_of3A = tpu.assume_multiple %mul3A_359, 128 : i32
      %get3A_360 = arith.index_cast %multiple_of3A : i32 to index
      %get3A_361 = arith.constant 0 : index
      %get3A_362 = vector.load %arg0[%get3A_360, %get3A_361] : memref<5120x8xf32, #tpu.memory_space<vmem>>, vector<128x8xf32>
      %slice3A = vector.extract_strided_slice %get3A_362 {offsets = [0, 4], sizes = [128, 1], strides = [1, 1]} : vector<128x8xf32> to vector<128x1xf32>
      %mul3A_363 = vector.broadcast %add3A_6 : f32 to vector<128x1xf32>
      %mul3A_364 = arith.mulf %slice3A, %mul3A_363 : vector<128x1xf32>
      %slice3A_365 = vector.extract_strided_slice %get3A_362 {offsets = [0, 0], sizes = [128, 1], strides = [1, 1]} : vector<128x8xf32> to vector<128x1xf32>
      %add3A_366 = arith.addf %slice3A_365, %mul3A_364 : vector<128x1xf32>
      %slice3A_367 = vector.extract_strided_slice %get3A_362 {offsets = [0, 1], sizes = [128, 1], strides = [1, 1]} : vector<128x8xf32> to vector<128x1xf32>
      %add3A_368 = arith.addf %slice3A_367, %mul3A_364 : vector<128x1xf32>
      %slice3A_369 = vector.extract_strided_slice %get3A_362 {offsets = [0, 2], sizes = [128, 1], strides = [1, 1]} : vector<128x8xf32> to vector<128x1xf32>
      %add3A_370 = arith.addf %slice3A_369, %mul3A_364 : vector<128x1xf32>
      %slice3A_371 = vector.extract_strided_slice %get3A_362 {offsets = [0, 3], sizes = [128, 1], strides = [1, 1]} : vector<128x8xf32> to vector<128x1xf32>
      %add3A_372 = arith.addf %slice3A_371, %mul3A_364 : vector<128x1xf32>
      %sub3A_373 = arith.subf %add3A_370, %add3A_366 : vector<128x1xf32>
      %sub3A_374 = arith.subf %add3A_372, %add3A_368 : vector<128x1xf32>
      %mul3A_375 = arith.mulf %sub3A_373, %sub3A_374 : vector<128x1xf32>
      %min3A_376 = vector.broadcast %add3A_370 : vector<128x1xf32> to vector<128x3200xf32>
      %min3A_377 = vector.broadcast %get3A_185 : vector<1x3200xf32> to vector<128x3200xf32>
      %min3A_378 = arith.minimumf %min3A_376, %min3A_377 : vector<128x3200xf32>
      %max3A = vector.broadcast %add3A_366 : vector<128x1xf32> to vector<128x3200xf32>
      %max3A_379 = vector.broadcast %get3A_179 : vector<1x3200xf32> to vector<128x3200xf32>
      %max3A_380 = arith.maximumf %max3A, %max3A_379 : vector<128x3200xf32>
      %sub3A_381 = arith.subf %min3A_378, %max3A_380 : vector<128x3200xf32>
      %max3A_382 = arith.constant 0.000000e+00 : f32
      %max3A_383 = vector.broadcast %max3A_382 : f32 to vector<128x3200xf32>
      %max3A_384 = arith.maximumf %sub3A_381, %max3A_383 : vector<128x3200xf32>
      %min3A_385 = vector.broadcast %add3A_372 : vector<128x1xf32> to vector<128x3200xf32>
      %min3A_386 = vector.broadcast %get3A_188 : vector<1x3200xf32> to vector<128x3200xf32>
      %min3A_387 = arith.minimumf %min3A_385, %min3A_386 : vector<128x3200xf32>
      %max3A_388 = vector.broadcast %add3A_368 : vector<128x1xf32> to vector<128x3200xf32>
      %max3A_389 = vector.broadcast %get3A_182 : vector<1x3200xf32> to vector<128x3200xf32>
      %max3A_390 = arith.maximumf %max3A_388, %max3A_389 : vector<128x3200xf32>
      %sub3A_391 = arith.subf %min3A_387, %max3A_390 : vector<128x3200xf32>
      %mul3A_392 = arith.mulf %max3A_384, %sub3A_391 : vector<128x3200xf32>
      %add3A_393 = vector.broadcast %mul3A_375 : vector<128x1xf32> to vector<128x3200xf32>
      %add3A_394 = vector.broadcast %get3A_191 : vector<1x3200xf32> to vector<128x3200xf32>
      %add3A_395 = arith.addf %add3A_393, %add3A_394 : vector<128x3200xf32>
      %sub3A_396 = arith.subf %add3A_395, %mul3A_392 : vector<128x3200xf32>
      %mul3A_397 = arith.constant 5.000000e-01 : f32
      %mul3A_398 = vector.broadcast %mul3A_397 : f32 to vector<128x3200xf32>
      %mul3A_399 = arith.mulf %mul3A_398, %sub3A_396 : vector<128x3200xf32>
      %gt3A = arith.cmpf ogt, %mul3A_392, %mul3A_399 : vector<128x3200xf32>
      %convert_element_type3A_400 = arith.extui %gt3A : vector<128x3200xi1> to vector<128x3200xi32>
      %convert_element_type3A_401 = arith.sitofp %convert_element_type3A_400 : vector<128x3200xi32> to vector<128x3200xf32>
      %get3A_402 = arith.constant 0 : index
      %get3A_403 = arith.index_cast %multiple_of3A : i32 to index
      %get3A_404 = vector.load %arg5[%get3A_402, %get3A_403] : memref<8x5120xf32, #tpu.memory_space<vmem>>, vector<1x128xf32>
      %get3A_405 = arith.constant 1 : index
      %get3A_406 = arith.index_cast %multiple_of3A : i32 to index
      %get3A_407 = vector.load %arg5[%get3A_405, %get3A_406] : memref<8x5120xf32, #tpu.memory_space<vmem>>, vector<1x128xf32>
      %get3A_408 = arith.constant 2 : index
      %get3A_409 = arith.index_cast %multiple_of3A : i32 to index
      %get3A_410 = vector.load %arg5[%get3A_408, %get3A_409] : memref<8x5120xf32, #tpu.memory_space<vmem>>, vector<1x128xf32>
      %get3A_411 = arith.constant 3 : index
      %get3A_412 = arith.index_cast %multiple_of3A : i32 to index
      %get3A_413 = vector.load %arg5[%get3A_411, %get3A_412] : memref<8x5120xf32, #tpu.memory_space<vmem>>, vector<1x128xf32>
      %get3A_414 = arith.constant 4 : index
      %get3A_415 = arith.index_cast %multiple_of3A : i32 to index
      %get3A_416 = vector.load %arg5[%get3A_414, %get3A_415] : memref<8x5120xf32, #tpu.memory_space<vmem>>, vector<1x128xf32>
      %min3A_417 = vector.broadcast %add3A_370 : vector<128x1xf32> to vector<128x128xf32>
      %min3A_418 = vector.broadcast %get3A_410 : vector<1x128xf32> to vector<128x128xf32>
      %min3A_419 = arith.minimumf %min3A_417, %min3A_418 : vector<128x128xf32>
      %max3A_420 = vector.broadcast %add3A_366 : vector<128x1xf32> to vector<128x128xf32>
      %max3A_421 = vector.broadcast %get3A_404 : vector<1x128xf32> to vector<128x128xf32>
      %max3A_422 = arith.maximumf %max3A_420, %max3A_421 : vector<128x128xf32>
      %sub3A_423 = arith.subf %min3A_419, %max3A_422 : vector<128x128xf32>
      %max3A_424 = arith.constant 0.000000e+00 : f32
      %max3A_425 = vector.broadcast %max3A_424 : f32 to vector<128x128xf32>
      %max3A_426 = arith.maximumf %sub3A_423, %max3A_425 : vector<128x128xf32>
      %min3A_427 = vector.broadcast %add3A_372 : vector<128x1xf32> to vector<128x128xf32>
      %min3A_428 = vector.broadcast %get3A_413 : vector<1x128xf32> to vector<128x128xf32>
      %min3A_429 = arith.minimumf %min3A_427, %min3A_428 : vector<128x128xf32>
      %max3A_430 = vector.broadcast %add3A_368 : vector<128x1xf32> to vector<128x128xf32>
      %max3A_431 = vector.broadcast %get3A_407 : vector<1x128xf32> to vector<128x128xf32>
      %max3A_432 = arith.maximumf %max3A_430, %max3A_431 : vector<128x128xf32>
      %sub3A_433 = arith.subf %min3A_429, %max3A_432 : vector<128x128xf32>
      %mul3A_434 = arith.mulf %max3A_426, %sub3A_433 : vector<128x128xf32>
      %add3A_435 = vector.broadcast %mul3A_375 : vector<128x1xf32> to vector<128x128xf32>
      %add3A_436 = vector.broadcast %get3A_416 : vector<1x128xf32> to vector<128x128xf32>
      %add3A_437 = arith.addf %add3A_435, %add3A_436 : vector<128x128xf32>
      %sub3A_438 = arith.subf %add3A_437, %mul3A_434 : vector<128x128xf32>
      %mul3A_439 = arith.constant 5.000000e-01 : f32
      %mul3A_440 = vector.broadcast %mul3A_439 : f32 to vector<128x128xf32>
      %mul3A_441 = arith.mulf %mul3A_440, %sub3A_438 : vector<128x128xf32>
      %gt3A_442 = arith.cmpf ogt, %mul3A_434, %mul3A_441 : vector<128x128xf32>
      %convert_element_type3A_443 = arith.extui %gt3A_442 : vector<128x128xi1> to vector<128x128xi32>
      %convert_element_type3A_444 = arith.sitofp %convert_element_type3A_443 : vector<128x128xi32> to vector<128x128xf32>
      %mul3A_445 = arith.mulf %convert_element_type3A_444, %convert_element_type3A_77 : vector<128x128xf32>
      %get3A_446 = arith.index_cast %while3A_356 : i32 to index
      %get3A_447 = arith.constant 0 : index
      %get3A_448 = vector.load %arg4[%get3A_446, %get3A_447] : memref<40x128xf32, #tpu.memory_space<vmem>>, vector<1x128xf32>
      %while3A_449 = arith.constant true
      %while3A_450:2 = scf.while (%while3A_474 = %get3A_448, %while3A_475 = %while3A_449) : (vector<1x128xf32>, i1) -> (vector<1x128xf32>, i1) {
        scf.condition(%while3A_475) %while3A_474, %while3A_475 : vector<1x128xf32>, i1
      } do {
      ^bb0(%while3A_474: vector<1x128xf32>, %while3A_475: i1):
        %dot_general3A_476 = arith.constant dense<0.000000e+00> : vector<1x128xf32>
        %dot_general3A_477 = tpu.matmul %while3A_474, %mul3A_445, %dot_general3A_476 {dimension_numbers = #tpu.dot_dimension_numbers<[1], [0], [0], [1], [0, 0, 1, 1], [], []>, transpose_lhs_hint = false} : vector<1x128xf32>, vector<128x128xf32>, vector<1x128xf32> -> vector<1x128xf32>
        %lt3A_478 = arith.constant 5.000000e-01 : f32
        %lt3A_479 = vector.broadcast %lt3A_478 : f32 to vector<1x128xf32>
        %lt3A_480 = arith.cmpf olt, %dot_general3A_477, %lt3A_479 : vector<1x128xf32>
        %convert_element_type3A_481 = arith.extui %lt3A_480 : vector<1x128xi1> to vector<1x128xi32>
        %convert_element_type3A_482 = arith.sitofp %convert_element_type3A_481 : vector<1x128xi32> to vector<1x128xf32>
        %mul3A_483 = arith.mulf %get3A_448, %convert_element_type3A_482 : vector<1x128xf32>
        %dot_general3A_484 = arith.constant dense<0.000000e+00> : vector<1x128xf32>
        %dot_general3A_485 = tpu.matmul %mul3A_483, %mul3A_445, %dot_general3A_484 {dimension_numbers = #tpu.dot_dimension_numbers<[1], [0], [0], [1], [0, 0, 1, 1], [], []>, transpose_lhs_hint = false} : vector<1x128xf32>, vector<128x128xf32>, vector<1x128xf32> -> vector<1x128xf32>
        %lt3A_486 = arith.constant 5.000000e-01 : f32
        %lt3A_487 = vector.broadcast %lt3A_486 : f32 to vector<1x128xf32>
        %lt3A_488 = arith.cmpf olt, %dot_general3A_485, %lt3A_487 : vector<1x128xf32>
        %convert_element_type3A_489 = arith.extui %lt3A_488 : vector<1x128xi1> to vector<1x128xi32>
        %convert_element_type3A_490 = arith.sitofp %convert_element_type3A_489 : vector<1x128xi32> to vector<1x128xf32>
        %mul3A_491 = arith.mulf %get3A_448, %convert_element_type3A_490 : vector<1x128xf32>
        %ne3A_492 = arith.cmpf one, %mul3A_491, %mul3A_483 : vector<1x128xf32>
        %reduce_or3A = arith.constant 1.000000e+00 : f32
        %reduce_or3A_493 = arith.constant 0.000000e+00 : f32
        %reduce_or3A_494 = vector.broadcast %reduce_or3A : f32 to vector<1x128xf32>
        %reduce_or3A_495 = vector.broadcast %reduce_or3A_493 : f32 to vector<1x128xf32>
        %reduce_or3A_496 = arith.select %ne3A_492, %reduce_or3A_494, %reduce_or3A_495 : vector<1x128xi1>, vector<1x128xf32>
        %reduce_or3A_497 = vector.shape_cast %reduce_or3A_496 : vector<1x128xf32> to vector<1x1x128xf32>
        %reduce_or3A_498 = arith.constant dense<0xFF800000> : vector<1xf32>
        %reduce_or3A_499 = vector.multi_reduction <maximumf>, %reduce_or3A_497, %reduce_or3A_498 [1, 2] : vector<1x1x128xf32> to vector<1xf32>
        %reduce_or3A_500 = vector.shape_cast %reduce_or3A_499 : vector<1xf32> to vector<1x1x1xf32>
        %reduce_or3A_501 = vector.extract %reduce_or3A_500[0, 0, 0] : f32 from vector<1x1x1xf32>
        %reduce_or3A_502 = arith.constant 0.000000e+00 : f32
        %reduce_or3A_503 = arith.cmpf ogt, %reduce_or3A_501, %reduce_or3A_502 : f32
        scf.yield %mul3A_491, %reduce_or3A_503 : vector<1x128xf32>, i1
      }
      %swap3A_451 = arith.index_cast %while3A_356 : i32 to index
      %swap3A_452 = arith.constant 0 : index
      %swap3A_453 = vector.load %arg4[%swap3A_451, %swap3A_452] : memref<40x128xf32, #tpu.memory_space<vmem>>, vector<1x128xf32>
      tpu.vector_store %arg4[%swap3A_451, %swap3A_452], %while3A_450#0 {strides = array<i32>} : memref<40x128xf32, #tpu.memory_space<vmem>>, vector<1x128xf32>,
      %dot_general3A = arith.constant dense<0.000000e+00> : vector<1x3200xf32>
      %dot_general3A_454 = tpu.matmul %while3A_450#0, %convert_element_type3A_401, %dot_general3A {dimension_numbers = #tpu.dot_dimension_numbers<[1], [0], [0], [1], [0, 0, 1, 1], [], []>, transpose_lhs_hint = false} : vector<1x128xf32>, vector<128x3200xf32>, vector<1x3200xf32> -> vector<1x3200xf32>
      %reshape3A = vector.shape_cast %dot_general3A_454 : vector<1x3200xf32> to vector<25x128xf32>
      %gt3A_455 = vector.broadcast %while3A_356 : i32 to vector<25x128xi32>
      %gt3A_456 = arith.cmpi sgt, %add3A_195, %gt3A_455 : vector<25x128xi32>
      %gt3A_457 = arith.constant 5.000000e-01 : f32
      %gt3A_458 = vector.broadcast %gt3A_457 : f32 to vector<25x128xf32>
      %gt3A_459 = arith.cmpf ogt, %reshape3A, %gt3A_458 : vector<25x128xf32>
      %and3A_460 = arith.andi %gt3A_456, %gt3A_459 : vector<25x128xi1>
      %convert_element_type3A_461 = arith.extui %and3A_460 : vector<25x128xi1> to vector<25x128xi32>
      %convert_element_type3A_462 = arith.sitofp %convert_element_type3A_461 : vector<25x128xi32> to vector<25x128xf32>
      %get3A_463 = arith.constant 15 : index
      %get3A_464 = arith.constant 0 : index
      %get3A_465 = vector.load %arg4[%get3A_463, %get3A_464] : memref<40x128xf32, #tpu.memory_space<vmem>>, vector<25x128xf32>
      %sub3A_466 = arith.constant 1.000000e+00 : f32
      %sub3A_467 = vector.broadcast %sub3A_466 : f32 to vector<25x128xf32>
      %sub3A_468 = arith.subf %sub3A_467, %convert_element_type3A_462 : vector<25x128xf32>
      %mul3A_469 = arith.mulf %get3A_465, %sub3A_468 : vector<25x128xf32>
      %swap3A_470 = arith.constant 15 : index
      %swap3A_471 = arith.constant 0 : index
      %swap3A_472 = vector.load %arg4[%swap3A_470, %swap3A_471] : memref<40x128xf32, #tpu.memory_space<vmem>>, vector<25x128xf32>
      tpu.vector_store %arg4[%swap3A_470, %swap3A_471], %mul3A_469 {strides = array<i32>} : memref<40x128xf32, #tpu.memory_space<vmem>>, vector<25x128xf32>,
      %while3A_473 = arith.constant 0 : i32
      scf.yield %while3A_473 : i32
    }
    %min3A_208 = arith.constant 25 : i32
    %min3A_209 = arith.minsi %min3A_208, %select_n3A : i32
    %get3A_210 = arith.constant 0 : index
    %get3A_211 = arith.constant 2560 : index
    %get3A_212 = vector.load %arg5[%get3A_210, %get3A_211] : memref<8x5120xf32, #tpu.memory_space<vmem>>, vector<1x2560xf32>
    %get3A_213 = arith.constant 1 : index
    %get3A_214 = arith.constant 2560 : index
    %get3A_215 = vector.load %arg5[%get3A_213, %get3A_214] : memref<8x5120xf32, #tpu.memory_space<vmem>>, vector<1x2560xf32>
    %get3A_216 = arith.constant 2 : index
    %get3A_217 = arith.constant 2560 : index
    %get3A_218 = vector.load %arg5[%get3A_216, %get3A_217] : memref<8x5120xf32, #tpu.memory_space<vmem>>, vector<1x2560xf32>
    %get3A_219 = arith.constant 3 : index
    %get3A_220 = arith.constant 2560 : index
    %get3A_221 = vector.load %arg5[%get3A_219, %get3A_220] : memref<8x5120xf32, #tpu.memory_space<vmem>>, vector<1x2560xf32>
    %get3A_222 = arith.constant 4 : index
    %get3A_223 = arith.constant 2560 : index
    %get3A_224 = vector.load %arg5[%get3A_222, %get3A_223] : memref<8x5120xf32, #tpu.memory_space<vmem>>, vector<1x2560xf32>
    %iota3A_225 = tpu.iota {dimensions = array<i32: 0>} : vector<20x128xi32>
    %add3A_226 = arith.constant 20 : i32
    %add3A_227 = vector.broadcast %add3A_226 : i32 to vector<20x128xi32>
    %add3A_228 = arith.addi %iota3A_225, %add3A_227 : vector<20x128xi32>
    %while3A_229 = arith.constant 20 : i32
    %while3A_230 = arith.constant 0 : i32
    %while3A_231 = arith.subi %min3A_209, %while3A_229 : i32
    %while3A_232 = arith.addi %while3A_229, %while3A_231 : i32
    %while3A_233 = arith.constant 1 : i32
    %while3A_234 = arith.divsi %while3A_231, %while3A_233 : i32
    %while3A_235 = arith.muli %while3A_234, %while3A_233 : i32
    %while3A_236 = arith.addi %while3A_229, %while3A_235 : i32
    %while3A_237 = arith.constant 1 : i32
    %while3A_238 = scf.for %while3A_356 = %while3A_229 to %while3A_236 step %while3A_237 iter_args(%while3A_357 = %while3A_230) -> (i32)  : i32 {
      %mul3A_358 = arith.constant 128 : i32
      %mul3A_359 = arith.muli %while3A_356, %mul3A_358 : i32
      %multiple_of3A = tpu.assume_multiple %mul3A_359, 128 : i32
      %get3A_360 = arith.index_cast %multiple_of3A : i32 to index
      %get3A_361 = arith.constant 0 : index
      %get3A_362 = vector.load %arg0[%get3A_360, %get3A_361] : memref<5120x8xf32, #tpu.memory_space<vmem>>, vector<128x8xf32>
      %slice3A = vector.extract_strided_slice %get3A_362 {offsets = [0, 4], sizes = [128, 1], strides = [1, 1]} : vector<128x8xf32> to vector<128x1xf32>
      %mul3A_363 = vector.broadcast %add3A_6 : f32 to vector<128x1xf32>
      %mul3A_364 = arith.mulf %slice3A, %mul3A_363 : vector<128x1xf32>
      %slice3A_365 = vector.extract_strided_slice %get3A_362 {offsets = [0, 0], sizes = [128, 1], strides = [1, 1]} : vector<128x8xf32> to vector<128x1xf32>
      %add3A_366 = arith.addf %slice3A_365, %mul3A_364 : vector<128x1xf32>
      %slice3A_367 = vector.extract_strided_slice %get3A_362 {offsets = [0, 1], sizes = [128, 1], strides = [1, 1]} : vector<128x8xf32> to vector<128x1xf32>
      %add3A_368 = arith.addf %slice3A_367, %mul3A_364 : vector<128x1xf32>
      %slice3A_369 = vector.extract_strided_slice %get3A_362 {offsets = [0, 2], sizes = [128, 1], strides = [1, 1]} : vector<128x8xf32> to vector<128x1xf32>
      %add3A_370 = arith.addf %slice3A_369, %mul3A_364 : vector<128x1xf32>
      %slice3A_371 = vector.extract_strided_slice %get3A_362 {offsets = [0, 3], sizes = [128, 1], strides = [1, 1]} : vector<128x8xf32> to vector<128x1xf32>
      %add3A_372 = arith.addf %slice3A_371, %mul3A_364 : vector<128x1xf32>
      %sub3A_373 = arith.subf %add3A_370, %add3A_366 : vector<128x1xf32>
      %sub3A_374 = arith.subf %add3A_372, %add3A_368 : vector<128x1xf32>
      %mul3A_375 = arith.mulf %sub3A_373, %sub3A_374 : vector<128x1xf32>
      %min3A_376 = vector.broadcast %add3A_370 : vector<128x1xf32> to vector<128x2560xf32>
      %min3A_377 = vector.broadcast %get3A_218 : vector<1x2560xf32> to vector<128x2560xf32>
      %min3A_378 = arith.minimumf %min3A_376, %min3A_377 : vector<128x2560xf32>
      %max3A = vector.broadcast %add3A_366 : vector<128x1xf32> to vector<128x2560xf32>
      %max3A_379 = vector.broadcast %get3A_212 : vector<1x2560xf32> to vector<128x2560xf32>
      %max3A_380 = arith.maximumf %max3A, %max3A_379 : vector<128x2560xf32>
      %sub3A_381 = arith.subf %min3A_378, %max3A_380 : vector<128x2560xf32>
      %max3A_382 = arith.constant 0.000000e+00 : f32
      %max3A_383 = vector.broadcast %max3A_382 : f32 to vector<128x2560xf32>
      %max3A_384 = arith.maximumf %sub3A_381, %max3A_383 : vector<128x2560xf32>
      %min3A_385 = vector.broadcast %add3A_372 : vector<128x1xf32> to vector<128x2560xf32>
      %min3A_386 = vector.broadcast %get3A_221 : vector<1x2560xf32> to vector<128x2560xf32>
      %min3A_387 = arith.minimumf %min3A_385, %min3A_386 : vector<128x2560xf32>
      %max3A_388 = vector.broadcast %add3A_368 : vector<128x1xf32> to vector<128x2560xf32>
      %max3A_389 = vector.broadcast %get3A_215 : vector<1x2560xf32> to vector<128x2560xf32>
      %max3A_390 = arith.maximumf %max3A_388, %max3A_389 : vector<128x2560xf32>
      %sub3A_391 = arith.subf %min3A_387, %max3A_390 : vector<128x2560xf32>
      %mul3A_392 = arith.mulf %max3A_384, %sub3A_391 : vector<128x2560xf32>
      %add3A_393 = vector.broadcast %mul3A_375 : vector<128x1xf32> to vector<128x2560xf32>
      %add3A_394 = vector.broadcast %get3A_224 : vector<1x2560xf32> to vector<128x2560xf32>
      %add3A_395 = arith.addf %add3A_393, %add3A_394 : vector<128x2560xf32>
      %sub3A_396 = arith.subf %add3A_395, %mul3A_392 : vector<128x2560xf32>
      %mul3A_397 = arith.constant 5.000000e-01 : f32
      %mul3A_398 = vector.broadcast %mul3A_397 : f32 to vector<128x2560xf32>
      %mul3A_399 = arith.mulf %mul3A_398, %sub3A_396 : vector<128x2560xf32>
      %gt3A = arith.cmpf ogt, %mul3A_392, %mul3A_399 : vector<128x2560xf32>
      %convert_element_type3A_400 = arith.extui %gt3A : vector<128x2560xi1> to vector<128x2560xi32>
      %convert_element_type3A_401 = arith.sitofp %convert_element_type3A_400 : vector<128x2560xi32> to vector<128x2560xf32>
      %get3A_402 = arith.constant 0 : index
      %get3A_403 = arith.index_cast %multiple_of3A : i32 to index
      %get3A_404 = vector.load %arg5[%get3A_402, %get3A_403] : memref<8x5120xf32, #tpu.memory_space<vmem>>, vector<1x128xf32>
      %get3A_405 = arith.constant 1 : index
      %get3A_406 = arith.index_cast %multiple_of3A : i32 to index
      %get3A_407 = vector.load %arg5[%get3A_405, %get3A_406] : memref<8x5120xf32, #tpu.memory_space<vmem>>, vector<1x128xf32>
      %get3A_408 = arith.constant 2 : index
      %get3A_409 = arith.index_cast %multiple_of3A : i32 to index
      %get3A_410 = vector.load %arg5[%get3A_408, %get3A_409] : memref<8x5120xf32, #tpu.memory_space<vmem>>, vector<1x128xf32>
      %get3A_411 = arith.constant 3 : index
      %get3A_412 = arith.index_cast %multiple_of3A : i32 to index
      %get3A_413 = vector.load %arg5[%get3A_411, %get3A_412] : memref<8x5120xf32, #tpu.memory_space<vmem>>, vector<1x128xf32>
      %get3A_414 = arith.constant 4 : index
      %get3A_415 = arith.index_cast %multiple_of3A : i32 to index
      %get3A_416 = vector.load %arg5[%get3A_414, %get3A_415] : memref<8x5120xf32, #tpu.memory_space<vmem>>, vector<1x128xf32>
      %min3A_417 = vector.broadcast %add3A_370 : vector<128x1xf32> to vector<128x128xf32>
      %min3A_418 = vector.broadcast %get3A_410 : vector<1x128xf32> to vector<128x128xf32>
      %min3A_419 = arith.minimumf %min3A_417, %min3A_418 : vector<128x128xf32>
      %max3A_420 = vector.broadcast %add3A_366 : vector<128x1xf32> to vector<128x128xf32>
      %max3A_421 = vector.broadcast %get3A_404 : vector<1x128xf32> to vector<128x128xf32>
      %max3A_422 = arith.maximumf %max3A_420, %max3A_421 : vector<128x128xf32>
      %sub3A_423 = arith.subf %min3A_419, %max3A_422 : vector<128x128xf32>
      %max3A_424 = arith.constant 0.000000e+00 : f32
      %max3A_425 = vector.broadcast %max3A_424 : f32 to vector<128x128xf32>
      %max3A_426 = arith.maximumf %sub3A_423, %max3A_425 : vector<128x128xf32>
      %min3A_427 = vector.broadcast %add3A_372 : vector<128x1xf32> to vector<128x128xf32>
      %min3A_428 = vector.broadcast %get3A_413 : vector<1x128xf32> to vector<128x128xf32>
      %min3A_429 = arith.minimumf %min3A_427, %min3A_428 : vector<128x128xf32>
      %max3A_430 = vector.broadcast %add3A_368 : vector<128x1xf32> to vector<128x128xf32>
      %max3A_431 = vector.broadcast %get3A_407 : vector<1x128xf32> to vector<128x128xf32>
      %max3A_432 = arith.maximumf %max3A_430, %max3A_431 : vector<128x128xf32>
      %sub3A_433 = arith.subf %min3A_429, %max3A_432 : vector<128x128xf32>
      %mul3A_434 = arith.mulf %max3A_426, %sub3A_433 : vector<128x128xf32>
      %add3A_435 = vector.broadcast %mul3A_375 : vector<128x1xf32> to vector<128x128xf32>
      %add3A_436 = vector.broadcast %get3A_416 : vector<1x128xf32> to vector<128x128xf32>
      %add3A_437 = arith.addf %add3A_435, %add3A_436 : vector<128x128xf32>
      %sub3A_438 = arith.subf %add3A_437, %mul3A_434 : vector<128x128xf32>
      %mul3A_439 = arith.constant 5.000000e-01 : f32
      %mul3A_440 = vector.broadcast %mul3A_439 : f32 to vector<128x128xf32>
      %mul3A_441 = arith.mulf %mul3A_440, %sub3A_438 : vector<128x128xf32>
      %gt3A_442 = arith.cmpf ogt, %mul3A_434, %mul3A_441 : vector<128x128xf32>
      %convert_element_type3A_443 = arith.extui %gt3A_442 : vector<128x128xi1> to vector<128x128xi32>
      %convert_element_type3A_444 = arith.sitofp %convert_element_type3A_443 : vector<128x128xi32> to vector<128x128xf32>
      %mul3A_445 = arith.mulf %convert_element_type3A_444, %convert_element_type3A_77 : vector<128x128xf32>
      %get3A_446 = arith.index_cast %while3A_356 : i32 to index
      %get3A_447 = arith.constant 0 : index
      %get3A_448 = vector.load %arg4[%get3A_446, %get3A_447] : memref<40x128xf32, #tpu.memory_space<vmem>>, vector<1x128xf32>
      %while3A_449 = arith.constant true
      %while3A_450:2 = scf.while (%while3A_474 = %get3A_448, %while3A_475 = %while3A_449) : (vector<1x128xf32>, i1) -> (vector<1x128xf32>, i1) {
        scf.condition(%while3A_475) %while3A_474, %while3A_475 : vector<1x128xf32>, i1
      } do {
      ^bb0(%while3A_474: vector<1x128xf32>, %while3A_475: i1):
        %dot_general3A_476 = arith.constant dense<0.000000e+00> : vector<1x128xf32>
        %dot_general3A_477 = tpu.matmul %while3A_474, %mul3A_445, %dot_general3A_476 {dimension_numbers = #tpu.dot_dimension_numbers<[1], [0], [0], [1], [0, 0, 1, 1], [], []>, transpose_lhs_hint = false} : vector<1x128xf32>, vector<128x128xf32>, vector<1x128xf32> -> vector<1x128xf32>
        %lt3A_478 = arith.constant 5.000000e-01 : f32
        %lt3A_479 = vector.broadcast %lt3A_478 : f32 to vector<1x128xf32>
        %lt3A_480 = arith.cmpf olt, %dot_general3A_477, %lt3A_479 : vector<1x128xf32>
        %convert_element_type3A_481 = arith.extui %lt3A_480 : vector<1x128xi1> to vector<1x128xi32>
        %convert_element_type3A_482 = arith.sitofp %convert_element_type3A_481 : vector<1x128xi32> to vector<1x128xf32>
        %mul3A_483 = arith.mulf %get3A_448, %convert_element_type3A_482 : vector<1x128xf32>
        %dot_general3A_484 = arith.constant dense<0.000000e+00> : vector<1x128xf32>
        %dot_general3A_485 = tpu.matmul %mul3A_483, %mul3A_445, %dot_general3A_484 {dimension_numbers = #tpu.dot_dimension_numbers<[1], [0], [0], [1], [0, 0, 1, 1], [], []>, transpose_lhs_hint = false} : vector<1x128xf32>, vector<128x128xf32>, vector<1x128xf32> -> vector<1x128xf32>
        %lt3A_486 = arith.constant 5.000000e-01 : f32
        %lt3A_487 = vector.broadcast %lt3A_486 : f32 to vector<1x128xf32>
        %lt3A_488 = arith.cmpf olt, %dot_general3A_485, %lt3A_487 : vector<1x128xf32>
        %convert_element_type3A_489 = arith.extui %lt3A_488 : vector<1x128xi1> to vector<1x128xi32>
        %convert_element_type3A_490 = arith.sitofp %convert_element_type3A_489 : vector<1x128xi32> to vector<1x128xf32>
        %mul3A_491 = arith.mulf %get3A_448, %convert_element_type3A_490 : vector<1x128xf32>
        %ne3A_492 = arith.cmpf one, %mul3A_491, %mul3A_483 : vector<1x128xf32>
        %reduce_or3A = arith.constant 1.000000e+00 : f32
        %reduce_or3A_493 = arith.constant 0.000000e+00 : f32
        %reduce_or3A_494 = vector.broadcast %reduce_or3A : f32 to vector<1x128xf32>
        %reduce_or3A_495 = vector.broadcast %reduce_or3A_493 : f32 to vector<1x128xf32>
        %reduce_or3A_496 = arith.select %ne3A_492, %reduce_or3A_494, %reduce_or3A_495 : vector<1x128xi1>, vector<1x128xf32>
        %reduce_or3A_497 = vector.shape_cast %reduce_or3A_496 : vector<1x128xf32> to vector<1x1x128xf32>
        %reduce_or3A_498 = arith.constant dense<0xFF800000> : vector<1xf32>
        %reduce_or3A_499 = vector.multi_reduction <maximumf>, %reduce_or3A_497, %reduce_or3A_498 [1, 2] : vector<1x1x128xf32> to vector<1xf32>
        %reduce_or3A_500 = vector.shape_cast %reduce_or3A_499 : vector<1xf32> to vector<1x1x1xf32>
        %reduce_or3A_501 = vector.extract %reduce_or3A_500[0, 0, 0] : f32 from vector<1x1x1xf32>
        %reduce_or3A_502 = arith.constant 0.000000e+00 : f32
        %reduce_or3A_503 = arith.cmpf ogt, %reduce_or3A_501, %reduce_or3A_502 : f32
        scf.yield %mul3A_491, %reduce_or3A_503 : vector<1x128xf32>, i1
      }
      %swap3A_451 = arith.index_cast %while3A_356 : i32 to index
      %swap3A_452 = arith.constant 0 : index
      %swap3A_453 = vector.load %arg4[%swap3A_451, %swap3A_452] : memref<40x128xf32, #tpu.memory_space<vmem>>, vector<1x128xf32>
      tpu.vector_store %arg4[%swap3A_451, %swap3A_452], %while3A_450#0 {strides = array<i32>} : memref<40x128xf32, #tpu.memory_space<vmem>>, vector<1x128xf32>,
      %dot_general3A = arith.constant dense<0.000000e+00> : vector<1x2560xf32>
      %dot_general3A_454 = tpu.matmul %while3A_450#0, %convert_element_type3A_401, %dot_general3A {dimension_numbers = #tpu.dot_dimension_numbers<[1], [0], [0], [1], [0, 0, 1, 1], [], []>, transpose_lhs_hint = false} : vector<1x128xf32>, vector<128x2560xf32>, vector<1x2560xf32> -> vector<1x2560xf32>
      %reshape3A = vector.shape_cast %dot_general3A_454 : vector<1x2560xf32> to vector<20x128xf32>
      %gt3A_455 = vector.broadcast %while3A_356 : i32 to vector<20x128xi32>
      %gt3A_456 = arith.cmpi sgt, %add3A_228, %gt3A_455 : vector<20x128xi32>
      %gt3A_457 = arith.constant 5.000000e-01 : f32
      %gt3A_458 = vector.broadcast %gt3A_457 : f32 to vector<20x128xf32>
      %gt3A_459 = arith.cmpf ogt, %reshape3A, %gt3A_458 : vector<20x128xf32>
      %and3A_460 = arith.andi %gt3A_456, %gt3A_459 : vector<20x128xi1>
      %convert_element_type3A_461 = arith.extui %and3A_460 : vector<20x128xi1> to vector<20x128xi32>
      %convert_element_type3A_462 = arith.sitofp %convert_element_type3A_461 : vector<20x128xi32> to vector<20x128xf32>
      %get3A_463 = arith.constant 20 : index
      %get3A_464 = arith.constant 0 : index
      %get3A_465 = vector.load %arg4[%get3A_463, %get3A_464] : memref<40x128xf32, #tpu.memory_space<vmem>>, vector<20x128xf32>
      %sub3A_466 = arith.constant 1.000000e+00 : f32
      %sub3A_467 = vector.broadcast %sub3A_466 : f32 to vector<20x128xf32>
      %sub3A_468 = arith.subf %sub3A_467, %convert_element_type3A_462 : vector<20x128xf32>
      %mul3A_469 = arith.mulf %get3A_465, %sub3A_468 : vector<20x128xf32>
      %swap3A_470 = arith.constant 20 : index
      %swap3A_471 = arith.constant 0 : index
      %swap3A_472 = vector.load %arg4[%swap3A_470, %swap3A_471] : memref<40x128xf32, #tpu.memory_space<vmem>>, vector<20x128xf32>
      tpu.vector_store %arg4[%swap3A_470, %swap3A_471], %mul3A_469 {strides = array<i32>} : memref<40x128xf32, #tpu.memory_space<vmem>>, vector<20x128xf32>,
      %while3A_473 = arith.constant 0 : i32
      scf.yield %while3A_473 : i32
    }
    %while3A_239 = arith.constant 1 : i32
    %while3A_240 = scf.for %while3A_356 = %while3A_236 to %while3A_232 step %while3A_239 iter_args(%while3A_357 = %while3A_238) -> (i32)  : i32 {
      %mul3A_358 = arith.constant 128 : i32
      %mul3A_359 = arith.muli %while3A_356, %mul3A_358 : i32
      %multiple_of3A = tpu.assume_multiple %mul3A_359, 128 : i32
      %get3A_360 = arith.index_cast %multiple_of3A : i32 to index
      %get3A_361 = arith.constant 0 : index
      %get3A_362 = vector.load %arg0[%get3A_360, %get3A_361] : memref<5120x8xf32, #tpu.memory_space<vmem>>, vector<128x8xf32>
      %slice3A = vector.extract_strided_slice %get3A_362 {offsets = [0, 4], sizes = [128, 1], strides = [1, 1]} : vector<128x8xf32> to vector<128x1xf32>
      %mul3A_363 = vector.broadcast %add3A_6 : f32 to vector<128x1xf32>
      %mul3A_364 = arith.mulf %slice3A, %mul3A_363 : vector<128x1xf32>
      %slice3A_365 = vector.extract_strided_slice %get3A_362 {offsets = [0, 0], sizes = [128, 1], strides = [1, 1]} : vector<128x8xf32> to vector<128x1xf32>
      %add3A_366 = arith.addf %slice3A_365, %mul3A_364 : vector<128x1xf32>
      %slice3A_367 = vector.extract_strided_slice %get3A_362 {offsets = [0, 1], sizes = [128, 1], strides = [1, 1]} : vector<128x8xf32> to vector<128x1xf32>
      %add3A_368 = arith.addf %slice3A_367, %mul3A_364 : vector<128x1xf32>
      %slice3A_369 = vector.extract_strided_slice %get3A_362 {offsets = [0, 2], sizes = [128, 1], strides = [1, 1]} : vector<128x8xf32> to vector<128x1xf32>
      %add3A_370 = arith.addf %slice3A_369, %mul3A_364 : vector<128x1xf32>
      %slice3A_371 = vector.extract_strided_slice %get3A_362 {offsets = [0, 3], sizes = [128, 1], strides = [1, 1]} : vector<128x8xf32> to vector<128x1xf32>
      %add3A_372 = arith.addf %slice3A_371, %mul3A_364 : vector<128x1xf32>
      %sub3A_373 = arith.subf %add3A_370, %add3A_366 : vector<128x1xf32>
      %sub3A_374 = arith.subf %add3A_372, %add3A_368 : vector<128x1xf32>
      %mul3A_375 = arith.mulf %sub3A_373, %sub3A_374 : vector<128x1xf32>
      %min3A_376 = vector.broadcast %add3A_370 : vector<128x1xf32> to vector<128x2560xf32>
      %min3A_377 = vector.broadcast %get3A_218 : vector<1x2560xf32> to vector<128x2560xf32>
      %min3A_378 = arith.minimumf %min3A_376, %min3A_377 : vector<128x2560xf32>
      %max3A = vector.broadcast %add3A_366 : vector<128x1xf32> to vector<128x2560xf32>
      %max3A_379 = vector.broadcast %get3A_212 : vector<1x2560xf32> to vector<128x2560xf32>
      %max3A_380 = arith.maximumf %max3A, %max3A_379 : vector<128x2560xf32>
      %sub3A_381 = arith.subf %min3A_378, %max3A_380 : vector<128x2560xf32>
      %max3A_382 = arith.constant 0.000000e+00 : f32
      %max3A_383 = vector.broadcast %max3A_382 : f32 to vector<128x2560xf32>
      %max3A_384 = arith.maximumf %sub3A_381, %max3A_383 : vector<128x2560xf32>
      %min3A_385 = vector.broadcast %add3A_372 : vector<128x1xf32> to vector<128x2560xf32>
      %min3A_386 = vector.broadcast %get3A_221 : vector<1x2560xf32> to vector<128x2560xf32>
      %min3A_387 = arith.minimumf %min3A_385, %min3A_386 : vector<128x2560xf32>
      %max3A_388 = vector.broadcast %add3A_368 : vector<128x1xf32> to vector<128x2560xf32>
      %max3A_389 = vector.broadcast %get3A_215 : vector<1x2560xf32> to vector<128x2560xf32>
      %max3A_390 = arith.maximumf %max3A_388, %max3A_389 : vector<128x2560xf32>
      %sub3A_391 = arith.subf %min3A_387, %max3A_390 : vector<128x2560xf32>
      %mul3A_392 = arith.mulf %max3A_384, %sub3A_391 : vector<128x2560xf32>
      %add3A_393 = vector.broadcast %mul3A_375 : vector<128x1xf32> to vector<128x2560xf32>
      %add3A_394 = vector.broadcast %get3A_224 : vector<1x2560xf32> to vector<128x2560xf32>
      %add3A_395 = arith.addf %add3A_393, %add3A_394 : vector<128x2560xf32>
      %sub3A_396 = arith.subf %add3A_395, %mul3A_392 : vector<128x2560xf32>
      %mul3A_397 = arith.constant 5.000000e-01 : f32
      %mul3A_398 = vector.broadcast %mul3A_397 : f32 to vector<128x2560xf32>
      %mul3A_399 = arith.mulf %mul3A_398, %sub3A_396 : vector<128x2560xf32>
      %gt3A = arith.cmpf ogt, %mul3A_392, %mul3A_399 : vector<128x2560xf32>
      %convert_element_type3A_400 = arith.extui %gt3A : vector<128x2560xi1> to vector<128x2560xi32>
      %convert_element_type3A_401 = arith.sitofp %convert_element_type3A_400 : vector<128x2560xi32> to vector<128x2560xf32>
      %get3A_402 = arith.constant 0 : index
      %get3A_403 = arith.index_cast %multiple_of3A : i32 to index
      %get3A_404 = vector.load %arg5[%get3A_402, %get3A_403] : memref<8x5120xf32, #tpu.memory_space<vmem>>, vector<1x128xf32>
      %get3A_405 = arith.constant 1 : index
      %get3A_406 = arith.index_cast %multiple_of3A : i32 to index
      %get3A_407 = vector.load %arg5[%get3A_405, %get3A_406] : memref<8x5120xf32, #tpu.memory_space<vmem>>, vector<1x128xf32>
      %get3A_408 = arith.constant 2 : index
      %get3A_409 = arith.index_cast %multiple_of3A : i32 to index
      %get3A_410 = vector.load %arg5[%get3A_408, %get3A_409] : memref<8x5120xf32, #tpu.memory_space<vmem>>, vector<1x128xf32>
      %get3A_411 = arith.constant 3 : index
      %get3A_412 = arith.index_cast %multiple_of3A : i32 to index
      %get3A_413 = vector.load %arg5[%get3A_411, %get3A_412] : memref<8x5120xf32, #tpu.memory_space<vmem>>, vector<1x128xf32>
      %get3A_414 = arith.constant 4 : index
      %get3A_415 = arith.index_cast %multiple_of3A : i32 to index
      %get3A_416 = vector.load %arg5[%get3A_414, %get3A_415] : memref<8x5120xf32, #tpu.memory_space<vmem>>, vector<1x128xf32>
      %min3A_417 = vector.broadcast %add3A_370 : vector<128x1xf32> to vector<128x128xf32>
      %min3A_418 = vector.broadcast %get3A_410 : vector<1x128xf32> to vector<128x128xf32>
      %min3A_419 = arith.minimumf %min3A_417, %min3A_418 : vector<128x128xf32>
      %max3A_420 = vector.broadcast %add3A_366 : vector<128x1xf32> to vector<128x128xf32>
      %max3A_421 = vector.broadcast %get3A_404 : vector<1x128xf32> to vector<128x128xf32>
      %max3A_422 = arith.maximumf %max3A_420, %max3A_421 : vector<128x128xf32>
      %sub3A_423 = arith.subf %min3A_419, %max3A_422 : vector<128x128xf32>
      %max3A_424 = arith.constant 0.000000e+00 : f32
      %max3A_425 = vector.broadcast %max3A_424 : f32 to vector<128x128xf32>
      %max3A_426 = arith.maximumf %sub3A_423, %max3A_425 : vector<128x128xf32>
      %min3A_427 = vector.broadcast %add3A_372 : vector<128x1xf32> to vector<128x128xf32>
      %min3A_428 = vector.broadcast %get3A_413 : vector<1x128xf32> to vector<128x128xf32>
      %min3A_429 = arith.minimumf %min3A_427, %min3A_428 : vector<128x128xf32>
      %max3A_430 = vector.broadcast %add3A_368 : vector<128x1xf32> to vector<128x128xf32>
      %max3A_431 = vector.broadcast %get3A_407 : vector<1x128xf32> to vector<128x128xf32>
      %max3A_432 = arith.maximumf %max3A_430, %max3A_431 : vector<128x128xf32>
      %sub3A_433 = arith.subf %min3A_429, %max3A_432 : vector<128x128xf32>
      %mul3A_434 = arith.mulf %max3A_426, %sub3A_433 : vector<128x128xf32>
      %add3A_435 = vector.broadcast %mul3A_375 : vector<128x1xf32> to vector<128x128xf32>
      %add3A_436 = vector.broadcast %get3A_416 : vector<1x128xf32> to vector<128x128xf32>
      %add3A_437 = arith.addf %add3A_435, %add3A_436 : vector<128x128xf32>
      %sub3A_438 = arith.subf %add3A_437, %mul3A_434 : vector<128x128xf32>
      %mul3A_439 = arith.constant 5.000000e-01 : f32
      %mul3A_440 = vector.broadcast %mul3A_439 : f32 to vector<128x128xf32>
      %mul3A_441 = arith.mulf %mul3A_440, %sub3A_438 : vector<128x128xf32>
      %gt3A_442 = arith.cmpf ogt, %mul3A_434, %mul3A_441 : vector<128x128xf32>
      %convert_element_type3A_443 = arith.extui %gt3A_442 : vector<128x128xi1> to vector<128x128xi32>
      %convert_element_type3A_444 = arith.sitofp %convert_element_type3A_443 : vector<128x128xi32> to vector<128x128xf32>
      %mul3A_445 = arith.mulf %convert_element_type3A_444, %convert_element_type3A_77 : vector<128x128xf32>
      %get3A_446 = arith.index_cast %while3A_356 : i32 to index
      %get3A_447 = arith.constant 0 : index
      %get3A_448 = vector.load %arg4[%get3A_446, %get3A_447] : memref<40x128xf32, #tpu.memory_space<vmem>>, vector<1x128xf32>
      %while3A_449 = arith.constant true
      %while3A_450:2 = scf.while (%while3A_474 = %get3A_448, %while3A_475 = %while3A_449) : (vector<1x128xf32>, i1) -> (vector<1x128xf32>, i1) {
        scf.condition(%while3A_475) %while3A_474, %while3A_475 : vector<1x128xf32>, i1
      } do {
      ^bb0(%while3A_474: vector<1x128xf32>, %while3A_475: i1):
        %dot_general3A_476 = arith.constant dense<0.000000e+00> : vector<1x128xf32>
        %dot_general3A_477 = tpu.matmul %while3A_474, %mul3A_445, %dot_general3A_476 {dimension_numbers = #tpu.dot_dimension_numbers<[1], [0], [0], [1], [0, 0, 1, 1], [], []>, transpose_lhs_hint = false} : vector<1x128xf32>, vector<128x128xf32>, vector<1x128xf32> -> vector<1x128xf32>
        %lt3A_478 = arith.constant 5.000000e-01 : f32
        %lt3A_479 = vector.broadcast %lt3A_478 : f32 to vector<1x128xf32>
        %lt3A_480 = arith.cmpf olt, %dot_general3A_477, %lt3A_479 : vector<1x128xf32>
        %convert_element_type3A_481 = arith.extui %lt3A_480 : vector<1x128xi1> to vector<1x128xi32>
        %convert_element_type3A_482 = arith.sitofp %convert_element_type3A_481 : vector<1x128xi32> to vector<1x128xf32>
        %mul3A_483 = arith.mulf %get3A_448, %convert_element_type3A_482 : vector<1x128xf32>
        %dot_general3A_484 = arith.constant dense<0.000000e+00> : vector<1x128xf32>
        %dot_general3A_485 = tpu.matmul %mul3A_483, %mul3A_445, %dot_general3A_484 {dimension_numbers = #tpu.dot_dimension_numbers<[1], [0], [0], [1], [0, 0, 1, 1], [], []>, transpose_lhs_hint = false} : vector<1x128xf32>, vector<128x128xf32>, vector<1x128xf32> -> vector<1x128xf32>
        %lt3A_486 = arith.constant 5.000000e-01 : f32
        %lt3A_487 = vector.broadcast %lt3A_486 : f32 to vector<1x128xf32>
        %lt3A_488 = arith.cmpf olt, %dot_general3A_485, %lt3A_487 : vector<1x128xf32>
        %convert_element_type3A_489 = arith.extui %lt3A_488 : vector<1x128xi1> to vector<1x128xi32>
        %convert_element_type3A_490 = arith.sitofp %convert_element_type3A_489 : vector<1x128xi32> to vector<1x128xf32>
        %mul3A_491 = arith.mulf %get3A_448, %convert_element_type3A_490 : vector<1x128xf32>
        %ne3A_492 = arith.cmpf one, %mul3A_491, %mul3A_483 : vector<1x128xf32>
        %reduce_or3A = arith.constant 1.000000e+00 : f32
        %reduce_or3A_493 = arith.constant 0.000000e+00 : f32
        %reduce_or3A_494 = vector.broadcast %reduce_or3A : f32 to vector<1x128xf32>
        %reduce_or3A_495 = vector.broadcast %reduce_or3A_493 : f32 to vector<1x128xf32>
        %reduce_or3A_496 = arith.select %ne3A_492, %reduce_or3A_494, %reduce_or3A_495 : vector<1x128xi1>, vector<1x128xf32>
        %reduce_or3A_497 = vector.shape_cast %reduce_or3A_496 : vector<1x128xf32> to vector<1x1x128xf32>
        %reduce_or3A_498 = arith.constant dense<0xFF800000> : vector<1xf32>
        %reduce_or3A_499 = vector.multi_reduction <maximumf>, %reduce_or3A_497, %reduce_or3A_498 [1, 2] : vector<1x1x128xf32> to vector<1xf32>
        %reduce_or3A_500 = vector.shape_cast %reduce_or3A_499 : vector<1xf32> to vector<1x1x1xf32>
        %reduce_or3A_501 = vector.extract %reduce_or3A_500[0, 0, 0] : f32 from vector<1x1x1xf32>
        %reduce_or3A_502 = arith.constant 0.000000e+00 : f32
        %reduce_or3A_503 = arith.cmpf ogt, %reduce_or3A_501, %reduce_or3A_502 : f32
        scf.yield %mul3A_491, %reduce_or3A_503 : vector<1x128xf32>, i1
      }
      %swap3A_451 = arith.index_cast %while3A_356 : i32 to index
      %swap3A_452 = arith.constant 0 : index
      %swap3A_453 = vector.load %arg4[%swap3A_451, %swap3A_452] : memref<40x128xf32, #tpu.memory_space<vmem>>, vector<1x128xf32>
      tpu.vector_store %arg4[%swap3A_451, %swap3A_452], %while3A_450#0 {strides = array<i32>} : memref<40x128xf32, #tpu.memory_space<vmem>>, vector<1x128xf32>,
      %dot_general3A = arith.constant dense<0.000000e+00> : vector<1x2560xf32>
      %dot_general3A_454 = tpu.matmul %while3A_450#0, %convert_element_type3A_401, %dot_general3A {dimension_numbers = #tpu.dot_dimension_numbers<[1], [0], [0], [1], [0, 0, 1, 1], [], []>, transpose_lhs_hint = false} : vector<1x128xf32>, vector<128x2560xf32>, vector<1x2560xf32> -> vector<1x2560xf32>
      %reshape3A = vector.shape_cast %dot_general3A_454 : vector<1x2560xf32> to vector<20x128xf32>
      %gt3A_455 = vector.broadcast %while3A_356 : i32 to vector<20x128xi32>
      %gt3A_456 = arith.cmpi sgt, %add3A_228, %gt3A_455 : vector<20x128xi32>
      %gt3A_457 = arith.constant 5.000000e-01 : f32
      %gt3A_458 = vector.broadcast %gt3A_457 : f32 to vector<20x128xf32>
      %gt3A_459 = arith.cmpf ogt, %reshape3A, %gt3A_458 : vector<20x128xf32>
      %and3A_460 = arith.andi %gt3A_456, %gt3A_459 : vector<20x128xi1>
      %convert_element_type3A_461 = arith.extui %and3A_460 : vector<20x128xi1> to vector<20x128xi32>
      %convert_element_type3A_462 = arith.sitofp %convert_element_type3A_461 : vector<20x128xi32> to vector<20x128xf32>
      %get3A_463 = arith.constant 20 : index
      %get3A_464 = arith.constant 0 : index
      %get3A_465 = vector.load %arg4[%get3A_463, %get3A_464] : memref<40x128xf32, #tpu.memory_space<vmem>>, vector<20x128xf32>
      %sub3A_466 = arith.constant 1.000000e+00 : f32
      %sub3A_467 = vector.broadcast %sub3A_466 : f32 to vector<20x128xf32>
      %sub3A_468 = arith.subf %sub3A_467, %convert_element_type3A_462 : vector<20x128xf32>
      %mul3A_469 = arith.mulf %get3A_465, %sub3A_468 : vector<20x128xf32>
      %swap3A_470 = arith.constant 20 : index
      %swap3A_471 = arith.constant 0 : index
      %swap3A_472 = vector.load %arg4[%swap3A_470, %swap3A_471] : memref<40x128xf32, #tpu.memory_space<vmem>>, vector<20x128xf32>
      tpu.vector_store %arg4[%swap3A_470, %swap3A_471], %mul3A_469 {strides = array<i32>} : memref<40x128xf32, #tpu.memory_space<vmem>>, vector<20x128xf32>,
      %while3A_473 = arith.constant 0 : i32
      scf.yield %while3A_473 : i32
    }
    %min3A_241 = arith.constant 30 : i32
    %min3A_242 = arith.minsi %min3A_241, %select_n3A : i32
    %get3A_243 = arith.constant 0 : index
    %get3A_244 = arith.constant 3200 : index
    %get3A_245 = vector.load %arg5[%get3A_243, %get3A_244] : memref<8x5120xf32, #tpu.memory_space<vmem>>, vector<1x1920xf32>
    %get3A_246 = arith.constant 1 : index
    %get3A_247 = arith.constant 3200 : index
    %get3A_248 = vector.load %arg5[%get3A_246, %get3A_247] : memref<8x5120xf32, #tpu.memory_space<vmem>>, vector<1x1920xf32>
    %get3A_249 = arith.constant 2 : index
    %get3A_250 = arith.constant 3200 : index
    %get3A_251 = vector.load %arg5[%get3A_249, %get3A_250] : memref<8x5120xf32, #tpu.memory_space<vmem>>, vector<1x1920xf32>
    %get3A_252 = arith.constant 3 : index
    %get3A_253 = arith.constant 3200 : index
    %get3A_254 = vector.load %arg5[%get3A_252, %get3A_253] : memref<8x5120xf32, #tpu.memory_space<vmem>>, vector<1x1920xf32>
    %get3A_255 = arith.constant 4 : index
    %get3A_256 = arith.constant 3200 : index
    %get3A_257 = vector.load %arg5[%get3A_255, %get3A_256] : memref<8x5120xf32, #tpu.memory_space<vmem>>, vector<1x1920xf32>
    %iota3A_258 = tpu.iota {dimensions = array<i32: 0>} : vector<15x128xi32>
    %add3A_259 = arith.constant 25 : i32
    %add3A_260 = vector.broadcast %add3A_259 : i32 to vector<15x128xi32>
    %add3A_261 = arith.addi %iota3A_258, %add3A_260 : vector<15x128xi32>
    %while3A_262 = arith.constant 25 : i32
    %while3A_263 = arith.constant 0 : i32
    %while3A_264 = arith.subi %min3A_242, %while3A_262 : i32
    %while3A_265 = arith.addi %while3A_262, %while3A_264 : i32
    %while3A_266 = arith.constant 1 : i32
    %while3A_267 = arith.divsi %while3A_264, %while3A_266 : i32
    %while3A_268 = arith.muli %while3A_267, %while3A_266 : i32
    %while3A_269 = arith.addi %while3A_262, %while3A_268 : i32
    %while3A_270 = arith.constant 1 : i32
    %while3A_271 = scf.for %while3A_356 = %while3A_262 to %while3A_269 step %while3A_270 iter_args(%while3A_357 = %while3A_263) -> (i32)  : i32 {
      %mul3A_358 = arith.constant 128 : i32
      %mul3A_359 = arith.muli %while3A_356, %mul3A_358 : i32
      %multiple_of3A = tpu.assume_multiple %mul3A_359, 128 : i32
      %get3A_360 = arith.index_cast %multiple_of3A : i32 to index
      %get3A_361 = arith.constant 0 : index
      %get3A_362 = vector.load %arg0[%get3A_360, %get3A_361] : memref<5120x8xf32, #tpu.memory_space<vmem>>, vector<128x8xf32>
      %slice3A = vector.extract_strided_slice %get3A_362 {offsets = [0, 4], sizes = [128, 1], strides = [1, 1]} : vector<128x8xf32> to vector<128x1xf32>
      %mul3A_363 = vector.broadcast %add3A_6 : f32 to vector<128x1xf32>
      %mul3A_364 = arith.mulf %slice3A, %mul3A_363 : vector<128x1xf32>
      %slice3A_365 = vector.extract_strided_slice %get3A_362 {offsets = [0, 0], sizes = [128, 1], strides = [1, 1]} : vector<128x8xf32> to vector<128x1xf32>
      %add3A_366 = arith.addf %slice3A_365, %mul3A_364 : vector<128x1xf32>
      %slice3A_367 = vector.extract_strided_slice %get3A_362 {offsets = [0, 1], sizes = [128, 1], strides = [1, 1]} : vector<128x8xf32> to vector<128x1xf32>
      %add3A_368 = arith.addf %slice3A_367, %mul3A_364 : vector<128x1xf32>
      %slice3A_369 = vector.extract_strided_slice %get3A_362 {offsets = [0, 2], sizes = [128, 1], strides = [1, 1]} : vector<128x8xf32> to vector<128x1xf32>
      %add3A_370 = arith.addf %slice3A_369, %mul3A_364 : vector<128x1xf32>
      %slice3A_371 = vector.extract_strided_slice %get3A_362 {offsets = [0, 3], sizes = [128, 1], strides = [1, 1]} : vector<128x8xf32> to vector<128x1xf32>
      %add3A_372 = arith.addf %slice3A_371, %mul3A_364 : vector<128x1xf32>
      %sub3A_373 = arith.subf %add3A_370, %add3A_366 : vector<128x1xf32>
      %sub3A_374 = arith.subf %add3A_372, %add3A_368 : vector<128x1xf32>
      %mul3A_375 = arith.mulf %sub3A_373, %sub3A_374 : vector<128x1xf32>
      %min3A_376 = vector.broadcast %add3A_370 : vector<128x1xf32> to vector<128x1920xf32>
      %min3A_377 = vector.broadcast %get3A_251 : vector<1x1920xf32> to vector<128x1920xf32>
      %min3A_378 = arith.minimumf %min3A_376, %min3A_377 : vector<128x1920xf32>
      %max3A = vector.broadcast %add3A_366 : vector<128x1xf32> to vector<128x1920xf32>
      %max3A_379 = vector.broadcast %get3A_245 : vector<1x1920xf32> to vector<128x1920xf32>
      %max3A_380 = arith.maximumf %max3A, %max3A_379 : vector<128x1920xf32>
      %sub3A_381 = arith.subf %min3A_378, %max3A_380 : vector<128x1920xf32>
      %max3A_382 = arith.constant 0.000000e+00 : f32
      %max3A_383 = vector.broadcast %max3A_382 : f32 to vector<128x1920xf32>
      %max3A_384 = arith.maximumf %sub3A_381, %max3A_383 : vector<128x1920xf32>
      %min3A_385 = vector.broadcast %add3A_372 : vector<128x1xf32> to vector<128x1920xf32>
      %min3A_386 = vector.broadcast %get3A_254 : vector<1x1920xf32> to vector<128x1920xf32>
      %min3A_387 = arith.minimumf %min3A_385, %min3A_386 : vector<128x1920xf32>
      %max3A_388 = vector.broadcast %add3A_368 : vector<128x1xf32> to vector<128x1920xf32>
      %max3A_389 = vector.broadcast %get3A_248 : vector<1x1920xf32> to vector<128x1920xf32>
      %max3A_390 = arith.maximumf %max3A_388, %max3A_389 : vector<128x1920xf32>
      %sub3A_391 = arith.subf %min3A_387, %max3A_390 : vector<128x1920xf32>
      %mul3A_392 = arith.mulf %max3A_384, %sub3A_391 : vector<128x1920xf32>
      %add3A_393 = vector.broadcast %mul3A_375 : vector<128x1xf32> to vector<128x1920xf32>
      %add3A_394 = vector.broadcast %get3A_257 : vector<1x1920xf32> to vector<128x1920xf32>
      %add3A_395 = arith.addf %add3A_393, %add3A_394 : vector<128x1920xf32>
      %sub3A_396 = arith.subf %add3A_395, %mul3A_392 : vector<128x1920xf32>
      %mul3A_397 = arith.constant 5.000000e-01 : f32
      %mul3A_398 = vector.broadcast %mul3A_397 : f32 to vector<128x1920xf32>
      %mul3A_399 = arith.mulf %mul3A_398, %sub3A_396 : vector<128x1920xf32>
      %gt3A = arith.cmpf ogt, %mul3A_392, %mul3A_399 : vector<128x1920xf32>
      %convert_element_type3A_400 = arith.extui %gt3A : vector<128x1920xi1> to vector<128x1920xi32>
      %convert_element_type3A_401 = arith.sitofp %convert_element_type3A_400 : vector<128x1920xi32> to vector<128x1920xf32>
      %get3A_402 = arith.constant 0 : index
      %get3A_403 = arith.index_cast %multiple_of3A : i32 to index
      %get3A_404 = vector.load %arg5[%get3A_402, %get3A_403] : memref<8x5120xf32, #tpu.memory_space<vmem>>, vector<1x128xf32>
      %get3A_405 = arith.constant 1 : index
      %get3A_406 = arith.index_cast %multiple_of3A : i32 to index
      %get3A_407 = vector.load %arg5[%get3A_405, %get3A_406] : memref<8x5120xf32, #tpu.memory_space<vmem>>, vector<1x128xf32>
      %get3A_408 = arith.constant 2 : index
      %get3A_409 = arith.index_cast %multiple_of3A : i32 to index
      %get3A_410 = vector.load %arg5[%get3A_408, %get3A_409] : memref<8x5120xf32, #tpu.memory_space<vmem>>, vector<1x128xf32>
      %get3A_411 = arith.constant 3 : index
      %get3A_412 = arith.index_cast %multiple_of3A : i32 to index
      %get3A_413 = vector.load %arg5[%get3A_411, %get3A_412] : memref<8x5120xf32, #tpu.memory_space<vmem>>, vector<1x128xf32>
      %get3A_414 = arith.constant 4 : index
      %get3A_415 = arith.index_cast %multiple_of3A : i32 to index
      %get3A_416 = vector.load %arg5[%get3A_414, %get3A_415] : memref<8x5120xf32, #tpu.memory_space<vmem>>, vector<1x128xf32>
      %min3A_417 = vector.broadcast %add3A_370 : vector<128x1xf32> to vector<128x128xf32>
      %min3A_418 = vector.broadcast %get3A_410 : vector<1x128xf32> to vector<128x128xf32>
      %min3A_419 = arith.minimumf %min3A_417, %min3A_418 : vector<128x128xf32>
      %max3A_420 = vector.broadcast %add3A_366 : vector<128x1xf32> to vector<128x128xf32>
      %max3A_421 = vector.broadcast %get3A_404 : vector<1x128xf32> to vector<128x128xf32>
      %max3A_422 = arith.maximumf %max3A_420, %max3A_421 : vector<128x128xf32>
      %sub3A_423 = arith.subf %min3A_419, %max3A_422 : vector<128x128xf32>
      %max3A_424 = arith.constant 0.000000e+00 : f32
      %max3A_425 = vector.broadcast %max3A_424 : f32 to vector<128x128xf32>
      %max3A_426 = arith.maximumf %sub3A_423, %max3A_425 : vector<128x128xf32>
      %min3A_427 = vector.broadcast %add3A_372 : vector<128x1xf32> to vector<128x128xf32>
      %min3A_428 = vector.broadcast %get3A_413 : vector<1x128xf32> to vector<128x128xf32>
      %min3A_429 = arith.minimumf %min3A_427, %min3A_428 : vector<128x128xf32>
      %max3A_430 = vector.broadcast %add3A_368 : vector<128x1xf32> to vector<128x128xf32>
      %max3A_431 = vector.broadcast %get3A_407 : vector<1x128xf32> to vector<128x128xf32>
      %max3A_432 = arith.maximumf %max3A_430, %max3A_431 : vector<128x128xf32>
      %sub3A_433 = arith.subf %min3A_429, %max3A_432 : vector<128x128xf32>
      %mul3A_434 = arith.mulf %max3A_426, %sub3A_433 : vector<128x128xf32>
      %add3A_435 = vector.broadcast %mul3A_375 : vector<128x1xf32> to vector<128x128xf32>
      %add3A_436 = vector.broadcast %get3A_416 : vector<1x128xf32> to vector<128x128xf32>
      %add3A_437 = arith.addf %add3A_435, %add3A_436 : vector<128x128xf32>
      %sub3A_438 = arith.subf %add3A_437, %mul3A_434 : vector<128x128xf32>
      %mul3A_439 = arith.constant 5.000000e-01 : f32
      %mul3A_440 = vector.broadcast %mul3A_439 : f32 to vector<128x128xf32>
      %mul3A_441 = arith.mulf %mul3A_440, %sub3A_438 : vector<128x128xf32>
      %gt3A_442 = arith.cmpf ogt, %mul3A_434, %mul3A_441 : vector<128x128xf32>
      %convert_element_type3A_443 = arith.extui %gt3A_442 : vector<128x128xi1> to vector<128x128xi32>
      %convert_element_type3A_444 = arith.sitofp %convert_element_type3A_443 : vector<128x128xi32> to vector<128x128xf32>
      %mul3A_445 = arith.mulf %convert_element_type3A_444, %convert_element_type3A_77 : vector<128x128xf32>
      %get3A_446 = arith.index_cast %while3A_356 : i32 to index
      %get3A_447 = arith.constant 0 : index
      %get3A_448 = vector.load %arg4[%get3A_446, %get3A_447] : memref<40x128xf32, #tpu.memory_space<vmem>>, vector<1x128xf32>
      %while3A_449 = arith.constant true
      %while3A_450:2 = scf.while (%while3A_474 = %get3A_448, %while3A_475 = %while3A_449) : (vector<1x128xf32>, i1) -> (vector<1x128xf32>, i1) {
        scf.condition(%while3A_475) %while3A_474, %while3A_475 : vector<1x128xf32>, i1
      } do {
      ^bb0(%while3A_474: vector<1x128xf32>, %while3A_475: i1):
        %dot_general3A_476 = arith.constant dense<0.000000e+00> : vector<1x128xf32>
        %dot_general3A_477 = tpu.matmul %while3A_474, %mul3A_445, %dot_general3A_476 {dimension_numbers = #tpu.dot_dimension_numbers<[1], [0], [0], [1], [0, 0, 1, 1], [], []>, transpose_lhs_hint = false} : vector<1x128xf32>, vector<128x128xf32>, vector<1x128xf32> -> vector<1x128xf32>
        %lt3A_478 = arith.constant 5.000000e-01 : f32
        %lt3A_479 = vector.broadcast %lt3A_478 : f32 to vector<1x128xf32>
        %lt3A_480 = arith.cmpf olt, %dot_general3A_477, %lt3A_479 : vector<1x128xf32>
        %convert_element_type3A_481 = arith.extui %lt3A_480 : vector<1x128xi1> to vector<1x128xi32>
        %convert_element_type3A_482 = arith.sitofp %convert_element_type3A_481 : vector<1x128xi32> to vector<1x128xf32>
        %mul3A_483 = arith.mulf %get3A_448, %convert_element_type3A_482 : vector<1x128xf32>
        %dot_general3A_484 = arith.constant dense<0.000000e+00> : vector<1x128xf32>
        %dot_general3A_485 = tpu.matmul %mul3A_483, %mul3A_445, %dot_general3A_484 {dimension_numbers = #tpu.dot_dimension_numbers<[1], [0], [0], [1], [0, 0, 1, 1], [], []>, transpose_lhs_hint = false} : vector<1x128xf32>, vector<128x128xf32>, vector<1x128xf32> -> vector<1x128xf32>
        %lt3A_486 = arith.constant 5.000000e-01 : f32
        %lt3A_487 = vector.broadcast %lt3A_486 : f32 to vector<1x128xf32>
        %lt3A_488 = arith.cmpf olt, %dot_general3A_485, %lt3A_487 : vector<1x128xf32>
        %convert_element_type3A_489 = arith.extui %lt3A_488 : vector<1x128xi1> to vector<1x128xi32>
        %convert_element_type3A_490 = arith.sitofp %convert_element_type3A_489 : vector<1x128xi32> to vector<1x128xf32>
        %mul3A_491 = arith.mulf %get3A_448, %convert_element_type3A_490 : vector<1x128xf32>
        %ne3A_492 = arith.cmpf one, %mul3A_491, %mul3A_483 : vector<1x128xf32>
        %reduce_or3A = arith.constant 1.000000e+00 : f32
        %reduce_or3A_493 = arith.constant 0.000000e+00 : f32
        %reduce_or3A_494 = vector.broadcast %reduce_or3A : f32 to vector<1x128xf32>
        %reduce_or3A_495 = vector.broadcast %reduce_or3A_493 : f32 to vector<1x128xf32>
        %reduce_or3A_496 = arith.select %ne3A_492, %reduce_or3A_494, %reduce_or3A_495 : vector<1x128xi1>, vector<1x128xf32>
        %reduce_or3A_497 = vector.shape_cast %reduce_or3A_496 : vector<1x128xf32> to vector<1x1x128xf32>
        %reduce_or3A_498 = arith.constant dense<0xFF800000> : vector<1xf32>
        %reduce_or3A_499 = vector.multi_reduction <maximumf>, %reduce_or3A_497, %reduce_or3A_498 [1, 2] : vector<1x1x128xf32> to vector<1xf32>
        %reduce_or3A_500 = vector.shape_cast %reduce_or3A_499 : vector<1xf32> to vector<1x1x1xf32>
        %reduce_or3A_501 = vector.extract %reduce_or3A_500[0, 0, 0] : f32 from vector<1x1x1xf32>
        %reduce_or3A_502 = arith.constant 0.000000e+00 : f32
        %reduce_or3A_503 = arith.cmpf ogt, %reduce_or3A_501, %reduce_or3A_502 : f32
        scf.yield %mul3A_491, %reduce_or3A_503 : vector<1x128xf32>, i1
      }
      %swap3A_451 = arith.index_cast %while3A_356 : i32 to index
      %swap3A_452 = arith.constant 0 : index
      %swap3A_453 = vector.load %arg4[%swap3A_451, %swap3A_452] : memref<40x128xf32, #tpu.memory_space<vmem>>, vector<1x128xf32>
      tpu.vector_store %arg4[%swap3A_451, %swap3A_452], %while3A_450#0 {strides = array<i32>} : memref<40x128xf32, #tpu.memory_space<vmem>>, vector<1x128xf32>,
      %dot_general3A = arith.constant dense<0.000000e+00> : vector<1x1920xf32>
      %dot_general3A_454 = tpu.matmul %while3A_450#0, %convert_element_type3A_401, %dot_general3A {dimension_numbers = #tpu.dot_dimension_numbers<[1], [0], [0], [1], [0, 0, 1, 1], [], []>, transpose_lhs_hint = false} : vector<1x128xf32>, vector<128x1920xf32>, vector<1x1920xf32> -> vector<1x1920xf32>
      %reshape3A = vector.shape_cast %dot_general3A_454 : vector<1x1920xf32> to vector<15x128xf32>
      %gt3A_455 = vector.broadcast %while3A_356 : i32 to vector<15x128xi32>
      %gt3A_456 = arith.cmpi sgt, %add3A_261, %gt3A_455 : vector<15x128xi32>
      %gt3A_457 = arith.constant 5.000000e-01 : f32
      %gt3A_458 = vector.broadcast %gt3A_457 : f32 to vector<15x128xf32>
      %gt3A_459 = arith.cmpf ogt, %reshape3A, %gt3A_458 : vector<15x128xf32>
      %and3A_460 = arith.andi %gt3A_456, %gt3A_459 : vector<15x128xi1>
      %convert_element_type3A_461 = arith.extui %and3A_460 : vector<15x128xi1> to vector<15x128xi32>
      %convert_element_type3A_462 = arith.sitofp %convert_element_type3A_461 : vector<15x128xi32> to vector<15x128xf32>
      %get3A_463 = arith.constant 25 : index
      %get3A_464 = arith.constant 0 : index
      %get3A_465 = vector.load %arg4[%get3A_463, %get3A_464] : memref<40x128xf32, #tpu.memory_space<vmem>>, vector<15x128xf32>
      %sub3A_466 = arith.constant 1.000000e+00 : f32
      %sub3A_467 = vector.broadcast %sub3A_466 : f32 to vector<15x128xf32>
      %sub3A_468 = arith.subf %sub3A_467, %convert_element_type3A_462 : vector<15x128xf32>
      %mul3A_469 = arith.mulf %get3A_465, %sub3A_468 : vector<15x128xf32>
      %swap3A_470 = arith.constant 25 : index
      %swap3A_471 = arith.constant 0 : index
      %swap3A_472 = vector.load %arg4[%swap3A_470, %swap3A_471] : memref<40x128xf32, #tpu.memory_space<vmem>>, vector<15x128xf32>
      tpu.vector_store %arg4[%swap3A_470, %swap3A_471], %mul3A_469 {strides = array<i32>} : memref<40x128xf32, #tpu.memory_space<vmem>>, vector<15x128xf32>,
      %while3A_473 = arith.constant 0 : i32
      scf.yield %while3A_473 : i32
    }
    %while3A_272 = arith.constant 1 : i32
    %while3A_273 = scf.for %while3A_356 = %while3A_269 to %while3A_265 step %while3A_272 iter_args(%while3A_357 = %while3A_271) -> (i32)  : i32 {
      %mul3A_358 = arith.constant 128 : i32
      %mul3A_359 = arith.muli %while3A_356, %mul3A_358 : i32
      %multiple_of3A = tpu.assume_multiple %mul3A_359, 128 : i32
      %get3A_360 = arith.index_cast %multiple_of3A : i32 to index
      %get3A_361 = arith.constant 0 : index
      %get3A_362 = vector.load %arg0[%get3A_360, %get3A_361] : memref<5120x8xf32, #tpu.memory_space<vmem>>, vector<128x8xf32>
      %slice3A = vector.extract_strided_slice %get3A_362 {offsets = [0, 4], sizes = [128, 1], strides = [1, 1]} : vector<128x8xf32> to vector<128x1xf32>
      %mul3A_363 = vector.broadcast %add3A_6 : f32 to vector<128x1xf32>
      %mul3A_364 = arith.mulf %slice3A, %mul3A_363 : vector<128x1xf32>
      %slice3A_365 = vector.extract_strided_slice %get3A_362 {offsets = [0, 0], sizes = [128, 1], strides = [1, 1]} : vector<128x8xf32> to vector<128x1xf32>
      %add3A_366 = arith.addf %slice3A_365, %mul3A_364 : vector<128x1xf32>
      %slice3A_367 = vector.extract_strided_slice %get3A_362 {offsets = [0, 1], sizes = [128, 1], strides = [1, 1]} : vector<128x8xf32> to vector<128x1xf32>
      %add3A_368 = arith.addf %slice3A_367, %mul3A_364 : vector<128x1xf32>
      %slice3A_369 = vector.extract_strided_slice %get3A_362 {offsets = [0, 2], sizes = [128, 1], strides = [1, 1]} : vector<128x8xf32> to vector<128x1xf32>
      %add3A_370 = arith.addf %slice3A_369, %mul3A_364 : vector<128x1xf32>
      %slice3A_371 = vector.extract_strided_slice %get3A_362 {offsets = [0, 3], sizes = [128, 1], strides = [1, 1]} : vector<128x8xf32> to vector<128x1xf32>
      %add3A_372 = arith.addf %slice3A_371, %mul3A_364 : vector<128x1xf32>
      %sub3A_373 = arith.subf %add3A_370, %add3A_366 : vector<128x1xf32>
      %sub3A_374 = arith.subf %add3A_372, %add3A_368 : vector<128x1xf32>
      %mul3A_375 = arith.mulf %sub3A_373, %sub3A_374 : vector<128x1xf32>
      %min3A_376 = vector.broadcast %add3A_370 : vector<128x1xf32> to vector<128x1920xf32>
      %min3A_377 = vector.broadcast %get3A_251 : vector<1x1920xf32> to vector<128x1920xf32>
      %min3A_378 = arith.minimumf %min3A_376, %min3A_377 : vector<128x1920xf32>
      %max3A = vector.broadcast %add3A_366 : vector<128x1xf32> to vector<128x1920xf32>
      %max3A_379 = vector.broadcast %get3A_245 : vector<1x1920xf32> to vector<128x1920xf32>
      %max3A_380 = arith.maximumf %max3A, %max3A_379 : vector<128x1920xf32>
      %sub3A_381 = arith.subf %min3A_378, %max3A_380 : vector<128x1920xf32>
      %max3A_382 = arith.constant 0.000000e+00 : f32
      %max3A_383 = vector.broadcast %max3A_382 : f32 to vector<128x1920xf32>
      %max3A_384 = arith.maximumf %sub3A_381, %max3A_383 : vector<128x1920xf32>
      %min3A_385 = vector.broadcast %add3A_372 : vector<128x1xf32> to vector<128x1920xf32>
      %min3A_386 = vector.broadcast %get3A_254 : vector<1x1920xf32> to vector<128x1920xf32>
      %min3A_387 = arith.minimumf %min3A_385, %min3A_386 : vector<128x1920xf32>
      %max3A_388 = vector.broadcast %add3A_368 : vector<128x1xf32> to vector<128x1920xf32>
      %max3A_389 = vector.broadcast %get3A_248 : vector<1x1920xf32> to vector<128x1920xf32>
      %max3A_390 = arith.maximumf %max3A_388, %max3A_389 : vector<128x1920xf32>
      %sub3A_391 = arith.subf %min3A_387, %max3A_390 : vector<128x1920xf32>
      %mul3A_392 = arith.mulf %max3A_384, %sub3A_391 : vector<128x1920xf32>
      %add3A_393 = vector.broadcast %mul3A_375 : vector<128x1xf32> to vector<128x1920xf32>
      %add3A_394 = vector.broadcast %get3A_257 : vector<1x1920xf32> to vector<128x1920xf32>
      %add3A_395 = arith.addf %add3A_393, %add3A_394 : vector<128x1920xf32>
      %sub3A_396 = arith.subf %add3A_395, %mul3A_392 : vector<128x1920xf32>
      %mul3A_397 = arith.constant 5.000000e-01 : f32
      %mul3A_398 = vector.broadcast %mul3A_397 : f32 to vector<128x1920xf32>
      %mul3A_399 = arith.mulf %mul3A_398, %sub3A_396 : vector<128x1920xf32>
      %gt3A = arith.cmpf ogt, %mul3A_392, %mul3A_399 : vector<128x1920xf32>
      %convert_element_type3A_400 = arith.extui %gt3A : vector<128x1920xi1> to vector<128x1920xi32>
      %convert_element_type3A_401 = arith.sitofp %convert_element_type3A_400 : vector<128x1920xi32> to vector<128x1920xf32>
      %get3A_402 = arith.constant 0 : index
      %get3A_403 = arith.index_cast %multiple_of3A : i32 to index
      %get3A_404 = vector.load %arg5[%get3A_402, %get3A_403] : memref<8x5120xf32, #tpu.memory_space<vmem>>, vector<1x128xf32>
      %get3A_405 = arith.constant 1 : index
      %get3A_406 = arith.index_cast %multiple_of3A : i32 to index
      %get3A_407 = vector.load %arg5[%get3A_405, %get3A_406] : memref<8x5120xf32, #tpu.memory_space<vmem>>, vector<1x128xf32>
      %get3A_408 = arith.constant 2 : index
      %get3A_409 = arith.index_cast %multiple_of3A : i32 to index
      %get3A_410 = vector.load %arg5[%get3A_408, %get3A_409] : memref<8x5120xf32, #tpu.memory_space<vmem>>, vector<1x128xf32>
      %get3A_411 = arith.constant 3 : index
      %get3A_412 = arith.index_cast %multiple_of3A : i32 to index
      %get3A_413 = vector.load %arg5[%get3A_411, %get3A_412] : memref<8x5120xf32, #tpu.memory_space<vmem>>, vector<1x128xf32>
      %get3A_414 = arith.constant 4 : index
      %get3A_415 = arith.index_cast %multiple_of3A : i32 to index
      %get3A_416 = vector.load %arg5[%get3A_414, %get3A_415] : memref<8x5120xf32, #tpu.memory_space<vmem>>, vector<1x128xf32>
      %min3A_417 = vector.broadcast %add3A_370 : vector<128x1xf32> to vector<128x128xf32>
      %min3A_418 = vector.broadcast %get3A_410 : vector<1x128xf32> to vector<128x128xf32>
      %min3A_419 = arith.minimumf %min3A_417, %min3A_418 : vector<128x128xf32>
      %max3A_420 = vector.broadcast %add3A_366 : vector<128x1xf32> to vector<128x128xf32>
      %max3A_421 = vector.broadcast %get3A_404 : vector<1x128xf32> to vector<128x128xf32>
      %max3A_422 = arith.maximumf %max3A_420, %max3A_421 : vector<128x128xf32>
      %sub3A_423 = arith.subf %min3A_419, %max3A_422 : vector<128x128xf32>
      %max3A_424 = arith.constant 0.000000e+00 : f32
      %max3A_425 = vector.broadcast %max3A_424 : f32 to vector<128x128xf32>
      %max3A_426 = arith.maximumf %sub3A_423, %max3A_425 : vector<128x128xf32>
      %min3A_427 = vector.broadcast %add3A_372 : vector<128x1xf32> to vector<128x128xf32>
      %min3A_428 = vector.broadcast %get3A_413 : vector<1x128xf32> to vector<128x128xf32>
      %min3A_429 = arith.minimumf %min3A_427, %min3A_428 : vector<128x128xf32>
      %max3A_430 = vector.broadcast %add3A_368 : vector<128x1xf32> to vector<128x128xf32>
      %max3A_431 = vector.broadcast %get3A_407 : vector<1x128xf32> to vector<128x128xf32>
      %max3A_432 = arith.maximumf %max3A_430, %max3A_431 : vector<128x128xf32>
      %sub3A_433 = arith.subf %min3A_429, %max3A_432 : vector<128x128xf32>
      %mul3A_434 = arith.mulf %max3A_426, %sub3A_433 : vector<128x128xf32>
      %add3A_435 = vector.broadcast %mul3A_375 : vector<128x1xf32> to vector<128x128xf32>
      %add3A_436 = vector.broadcast %get3A_416 : vector<1x128xf32> to vector<128x128xf32>
      %add3A_437 = arith.addf %add3A_435, %add3A_436 : vector<128x128xf32>
      %sub3A_438 = arith.subf %add3A_437, %mul3A_434 : vector<128x128xf32>
      %mul3A_439 = arith.constant 5.000000e-01 : f32
      %mul3A_440 = vector.broadcast %mul3A_439 : f32 to vector<128x128xf32>
      %mul3A_441 = arith.mulf %mul3A_440, %sub3A_438 : vector<128x128xf32>
      %gt3A_442 = arith.cmpf ogt, %mul3A_434, %mul3A_441 : vector<128x128xf32>
      %convert_element_type3A_443 = arith.extui %gt3A_442 : vector<128x128xi1> to vector<128x128xi32>
      %convert_element_type3A_444 = arith.sitofp %convert_element_type3A_443 : vector<128x128xi32> to vector<128x128xf32>
      %mul3A_445 = arith.mulf %convert_element_type3A_444, %convert_element_type3A_77 : vector<128x128xf32>
      %get3A_446 = arith.index_cast %while3A_356 : i32 to index
      %get3A_447 = arith.constant 0 : index
      %get3A_448 = vector.load %arg4[%get3A_446, %get3A_447] : memref<40x128xf32, #tpu.memory_space<vmem>>, vector<1x128xf32>
      %while3A_449 = arith.constant true
      %while3A_450:2 = scf.while (%while3A_474 = %get3A_448, %while3A_475 = %while3A_449) : (vector<1x128xf32>, i1) -> (vector<1x128xf32>, i1) {
        scf.condition(%while3A_475) %while3A_474, %while3A_475 : vector<1x128xf32>, i1
      } do {
      ^bb0(%while3A_474: vector<1x128xf32>, %while3A_475: i1):
        %dot_general3A_476 = arith.constant dense<0.000000e+00> : vector<1x128xf32>
        %dot_general3A_477 = tpu.matmul %while3A_474, %mul3A_445, %dot_general3A_476 {dimension_numbers = #tpu.dot_dimension_numbers<[1], [0], [0], [1], [0, 0, 1, 1], [], []>, transpose_lhs_hint = false} : vector<1x128xf32>, vector<128x128xf32>, vector<1x128xf32> -> vector<1x128xf32>
        %lt3A_478 = arith.constant 5.000000e-01 : f32
        %lt3A_479 = vector.broadcast %lt3A_478 : f32 to vector<1x128xf32>
        %lt3A_480 = arith.cmpf olt, %dot_general3A_477, %lt3A_479 : vector<1x128xf32>
        %convert_element_type3A_481 = arith.extui %lt3A_480 : vector<1x128xi1> to vector<1x128xi32>
        %convert_element_type3A_482 = arith.sitofp %convert_element_type3A_481 : vector<1x128xi32> to vector<1x128xf32>
        %mul3A_483 = arith.mulf %get3A_448, %convert_element_type3A_482 : vector<1x128xf32>
        %dot_general3A_484 = arith.constant dense<0.000000e+00> : vector<1x128xf32>
        %dot_general3A_485 = tpu.matmul %mul3A_483, %mul3A_445, %dot_general3A_484 {dimension_numbers = #tpu.dot_dimension_numbers<[1], [0], [0], [1], [0, 0, 1, 1], [], []>, transpose_lhs_hint = false} : vector<1x128xf32>, vector<128x128xf32>, vector<1x128xf32> -> vector<1x128xf32>
        %lt3A_486 = arith.constant 5.000000e-01 : f32
        %lt3A_487 = vector.broadcast %lt3A_486 : f32 to vector<1x128xf32>
        %lt3A_488 = arith.cmpf olt, %dot_general3A_485, %lt3A_487 : vector<1x128xf32>
        %convert_element_type3A_489 = arith.extui %lt3A_488 : vector<1x128xi1> to vector<1x128xi32>
        %convert_element_type3A_490 = arith.sitofp %convert_element_type3A_489 : vector<1x128xi32> to vector<1x128xf32>
        %mul3A_491 = arith.mulf %get3A_448, %convert_element_type3A_490 : vector<1x128xf32>
        %ne3A_492 = arith.cmpf one, %mul3A_491, %mul3A_483 : vector<1x128xf32>
        %reduce_or3A = arith.constant 1.000000e+00 : f32
        %reduce_or3A_493 = arith.constant 0.000000e+00 : f32
        %reduce_or3A_494 = vector.broadcast %reduce_or3A : f32 to vector<1x128xf32>
        %reduce_or3A_495 = vector.broadcast %reduce_or3A_493 : f32 to vector<1x128xf32>
        %reduce_or3A_496 = arith.select %ne3A_492, %reduce_or3A_494, %reduce_or3A_495 : vector<1x128xi1>, vector<1x128xf32>
        %reduce_or3A_497 = vector.shape_cast %reduce_or3A_496 : vector<1x128xf32> to vector<1x1x128xf32>
        %reduce_or3A_498 = arith.constant dense<0xFF800000> : vector<1xf32>
        %reduce_or3A_499 = vector.multi_reduction <maximumf>, %reduce_or3A_497, %reduce_or3A_498 [1, 2] : vector<1x1x128xf32> to vector<1xf32>
        %reduce_or3A_500 = vector.shape_cast %reduce_or3A_499 : vector<1xf32> to vector<1x1x1xf32>
        %reduce_or3A_501 = vector.extract %reduce_or3A_500[0, 0, 0] : f32 from vector<1x1x1xf32>
        %reduce_or3A_502 = arith.constant 0.000000e+00 : f32
        %reduce_or3A_503 = arith.cmpf ogt, %reduce_or3A_501, %reduce_or3A_502 : f32
        scf.yield %mul3A_491, %reduce_or3A_503 : vector<1x128xf32>, i1
      }
      %swap3A_451 = arith.index_cast %while3A_356 : i32 to index
      %swap3A_452 = arith.constant 0 : index
      %swap3A_453 = vector.load %arg4[%swap3A_451, %swap3A_452] : memref<40x128xf32, #tpu.memory_space<vmem>>, vector<1x128xf32>
      tpu.vector_store %arg4[%swap3A_451, %swap3A_452], %while3A_450#0 {strides = array<i32>} : memref<40x128xf32, #tpu.memory_space<vmem>>, vector<1x128xf32>,
      %dot_general3A = arith.constant dense<0.000000e+00> : vector<1x1920xf32>
      %dot_general3A_454 = tpu.matmul %while3A_450#0, %convert_element_type3A_401, %dot_general3A {dimension_numbers = #tpu.dot_dimension_numbers<[1], [0], [0], [1], [0, 0, 1, 1], [], []>, transpose_lhs_hint = false} : vector<1x128xf32>, vector<128x1920xf32>, vector<1x1920xf32> -> vector<1x1920xf32>
      %reshape3A = vector.shape_cast %dot_general3A_454 : vector<1x1920xf32> to vector<15x128xf32>
      %gt3A_455 = vector.broadcast %while3A_356 : i32 to vector<15x128xi32>
      %gt3A_456 = arith.cmpi sgt, %add3A_261, %gt3A_455 : vector<15x128xi32>
      %gt3A_457 = arith.constant 5.000000e-01 : f32
      %gt3A_458 = vector.broadcast %gt3A_457 : f32 to vector<15x128xf32>
      %gt3A_459 = arith.cmpf ogt, %reshape3A, %gt3A_458 : vector<15x128xf32>
      %and3A_460 = arith.andi %gt3A_456, %gt3A_459 : vector<15x128xi1>
      %convert_element_type3A_461 = arith.extui %and3A_460 : vector<15x128xi1> to vector<15x128xi32>
      %convert_element_type3A_462 = arith.sitofp %convert_element_type3A_461 : vector<15x128xi32> to vector<15x128xf32>
      %get3A_463 = arith.constant 25 : index
      %get3A_464 = arith.constant 0 : index
      %get3A_465 = vector.load %arg4[%get3A_463, %get3A_464] : memref<40x128xf32, #tpu.memory_space<vmem>>, vector<15x128xf32>
      %sub3A_466 = arith.constant 1.000000e+00 : f32
      %sub3A_467 = vector.broadcast %sub3A_466 : f32 to vector<15x128xf32>
      %sub3A_468 = arith.subf %sub3A_467, %convert_element_type3A_462 : vector<15x128xf32>
      %mul3A_469 = arith.mulf %get3A_465, %sub3A_468 : vector<15x128xf32>
      %swap3A_470 = arith.constant 25 : index
      %swap3A_471 = arith.constant 0 : index
      %swap3A_472 = vector.load %arg4[%swap3A_470, %swap3A_471] : memref<40x128xf32, #tpu.memory_space<vmem>>, vector<15x128xf32>
      tpu.vector_store %arg4[%swap3A_470, %swap3A_471], %mul3A_469 {strides = array<i32>} : memref<40x128xf32, #tpu.memory_space<vmem>>, vector<15x128xf32>,
      %while3A_473 = arith.constant 0 : i32
      scf.yield %while3A_473 : i32
    }
    %min3A_274 = arith.constant 35 : i32
    %min3A_275 = arith.minsi %min3A_274, %select_n3A : i32
    %get3A_276 = arith.constant 0 : index
    %get3A_277 = arith.constant 3840 : index
    %get3A_278 = vector.load %arg5[%get3A_276, %get3A_277] : memref<8x5120xf32, #tpu.memory_space<vmem>>, vector<1x1280xf32>
    %get3A_279 = arith.constant 1 : index
    %get3A_280 = arith.constant 3840 : index
    %get3A_281 = vector.load %arg5[%get3A_279, %get3A_280] : memref<8x5120xf32, #tpu.memory_space<vmem>>, vector<1x1280xf32>
    %get3A_282 = arith.constant 2 : index
    %get3A_283 = arith.constant 3840 : index
    %get3A_284 = vector.load %arg5[%get3A_282, %get3A_283] : memref<8x5120xf32, #tpu.memory_space<vmem>>, vector<1x1280xf32>
    %get3A_285 = arith.constant 3 : index
    %get3A_286 = arith.constant 3840 : index
    %get3A_287 = vector.load %arg5[%get3A_285, %get3A_286] : memref<8x5120xf32, #tpu.memory_space<vmem>>, vector<1x1280xf32>
    %get3A_288 = arith.constant 4 : index
    %get3A_289 = arith.constant 3840 : index
    %get3A_290 = vector.load %arg5[%get3A_288, %get3A_289] : memref<8x5120xf32, #tpu.memory_space<vmem>>, vector<1x1280xf32>
    %iota3A_291 = tpu.iota {dimensions = array<i32: 0>} : vector<10x128xi32>
    %add3A_292 = arith.constant 30 : i32
    %add3A_293 = vector.broadcast %add3A_292 : i32 to vector<10x128xi32>
    %add3A_294 = arith.addi %iota3A_291, %add3A_293 : vector<10x128xi32>
    %while3A_295 = arith.constant 30 : i32
    %while3A_296 = arith.constant 0 : i32
    %while3A_297 = arith.subi %min3A_275, %while3A_295 : i32
    %while3A_298 = arith.addi %while3A_295, %while3A_297 : i32
    %while3A_299 = arith.constant 1 : i32
    %while3A_300 = arith.divsi %while3A_297, %while3A_299 : i32
    %while3A_301 = arith.muli %while3A_300, %while3A_299 : i32
    %while3A_302 = arith.addi %while3A_295, %while3A_301 : i32
    %while3A_303 = arith.constant 1 : i32
    %while3A_304 = scf.for %while3A_356 = %while3A_295 to %while3A_302 step %while3A_303 iter_args(%while3A_357 = %while3A_296) -> (i32)  : i32 {
      %mul3A_358 = arith.constant 128 : i32
      %mul3A_359 = arith.muli %while3A_356, %mul3A_358 : i32
      %multiple_of3A = tpu.assume_multiple %mul3A_359, 128 : i32
      %get3A_360 = arith.index_cast %multiple_of3A : i32 to index
      %get3A_361 = arith.constant 0 : index
      %get3A_362 = vector.load %arg0[%get3A_360, %get3A_361] : memref<5120x8xf32, #tpu.memory_space<vmem>>, vector<128x8xf32>
      %slice3A = vector.extract_strided_slice %get3A_362 {offsets = [0, 4], sizes = [128, 1], strides = [1, 1]} : vector<128x8xf32> to vector<128x1xf32>
      %mul3A_363 = vector.broadcast %add3A_6 : f32 to vector<128x1xf32>
      %mul3A_364 = arith.mulf %slice3A, %mul3A_363 : vector<128x1xf32>
      %slice3A_365 = vector.extract_strided_slice %get3A_362 {offsets = [0, 0], sizes = [128, 1], strides = [1, 1]} : vector<128x8xf32> to vector<128x1xf32>
      %add3A_366 = arith.addf %slice3A_365, %mul3A_364 : vector<128x1xf32>
      %slice3A_367 = vector.extract_strided_slice %get3A_362 {offsets = [0, 1], sizes = [128, 1], strides = [1, 1]} : vector<128x8xf32> to vector<128x1xf32>
      %add3A_368 = arith.addf %slice3A_367, %mul3A_364 : vector<128x1xf32>
      %slice3A_369 = vector.extract_strided_slice %get3A_362 {offsets = [0, 2], sizes = [128, 1], strides = [1, 1]} : vector<128x8xf32> to vector<128x1xf32>
      %add3A_370 = arith.addf %slice3A_369, %mul3A_364 : vector<128x1xf32>
      %slice3A_371 = vector.extract_strided_slice %get3A_362 {offsets = [0, 3], sizes = [128, 1], strides = [1, 1]} : vector<128x8xf32> to vector<128x1xf32>
      %add3A_372 = arith.addf %slice3A_371, %mul3A_364 : vector<128x1xf32>
      %sub3A_373 = arith.subf %add3A_370, %add3A_366 : vector<128x1xf32>
      %sub3A_374 = arith.subf %add3A_372, %add3A_368 : vector<128x1xf32>
      %mul3A_375 = arith.mulf %sub3A_373, %sub3A_374 : vector<128x1xf32>
      %min3A_376 = vector.broadcast %add3A_370 : vector<128x1xf32> to vector<128x1280xf32>
      %min3A_377 = vector.broadcast %get3A_284 : vector<1x1280xf32> to vector<128x1280xf32>
      %min3A_378 = arith.minimumf %min3A_376, %min3A_377 : vector<128x1280xf32>
      %max3A = vector.broadcast %add3A_366 : vector<128x1xf32> to vector<128x1280xf32>
      %max3A_379 = vector.broadcast %get3A_278 : vector<1x1280xf32> to vector<128x1280xf32>
      %max3A_380 = arith.maximumf %max3A, %max3A_379 : vector<128x1280xf32>
      %sub3A_381 = arith.subf %min3A_378, %max3A_380 : vector<128x1280xf32>
      %max3A_382 = arith.constant 0.000000e+00 : f32
      %max3A_383 = vector.broadcast %max3A_382 : f32 to vector<128x1280xf32>
      %max3A_384 = arith.maximumf %sub3A_381, %max3A_383 : vector<128x1280xf32>
      %min3A_385 = vector.broadcast %add3A_372 : vector<128x1xf32> to vector<128x1280xf32>
      %min3A_386 = vector.broadcast %get3A_287 : vector<1x1280xf32> to vector<128x1280xf32>
      %min3A_387 = arith.minimumf %min3A_385, %min3A_386 : vector<128x1280xf32>
      %max3A_388 = vector.broadcast %add3A_368 : vector<128x1xf32> to vector<128x1280xf32>
      %max3A_389 = vector.broadcast %get3A_281 : vector<1x1280xf32> to vector<128x1280xf32>
      %max3A_390 = arith.maximumf %max3A_388, %max3A_389 : vector<128x1280xf32>
      %sub3A_391 = arith.subf %min3A_387, %max3A_390 : vector<128x1280xf32>
      %mul3A_392 = arith.mulf %max3A_384, %sub3A_391 : vector<128x1280xf32>
      %add3A_393 = vector.broadcast %mul3A_375 : vector<128x1xf32> to vector<128x1280xf32>
      %add3A_394 = vector.broadcast %get3A_290 : vector<1x1280xf32> to vector<128x1280xf32>
      %add3A_395 = arith.addf %add3A_393, %add3A_394 : vector<128x1280xf32>
      %sub3A_396 = arith.subf %add3A_395, %mul3A_392 : vector<128x1280xf32>
      %mul3A_397 = arith.constant 5.000000e-01 : f32
      %mul3A_398 = vector.broadcast %mul3A_397 : f32 to vector<128x1280xf32>
      %mul3A_399 = arith.mulf %mul3A_398, %sub3A_396 : vector<128x1280xf32>
      %gt3A = arith.cmpf ogt, %mul3A_392, %mul3A_399 : vector<128x1280xf32>
      %convert_element_type3A_400 = arith.extui %gt3A : vector<128x1280xi1> to vector<128x1280xi32>
      %convert_element_type3A_401 = arith.sitofp %convert_element_type3A_400 : vector<128x1280xi32> to vector<128x1280xf32>
      %get3A_402 = arith.constant 0 : index
      %get3A_403 = arith.index_cast %multiple_of3A : i32 to index
      %get3A_404 = vector.load %arg5[%get3A_402, %get3A_403] : memref<8x5120xf32, #tpu.memory_space<vmem>>, vector<1x128xf32>
      %get3A_405 = arith.constant 1 : index
      %get3A_406 = arith.index_cast %multiple_of3A : i32 to index
      %get3A_407 = vector.load %arg5[%get3A_405, %get3A_406] : memref<8x5120xf32, #tpu.memory_space<vmem>>, vector<1x128xf32>
      %get3A_408 = arith.constant 2 : index
      %get3A_409 = arith.index_cast %multiple_of3A : i32 to index
      %get3A_410 = vector.load %arg5[%get3A_408, %get3A_409] : memref<8x5120xf32, #tpu.memory_space<vmem>>, vector<1x128xf32>
      %get3A_411 = arith.constant 3 : index
      %get3A_412 = arith.index_cast %multiple_of3A : i32 to index
      %get3A_413 = vector.load %arg5[%get3A_411, %get3A_412] : memref<8x5120xf32, #tpu.memory_space<vmem>>, vector<1x128xf32>
      %get3A_414 = arith.constant 4 : index
      %get3A_415 = arith.index_cast %multiple_of3A : i32 to index
      %get3A_416 = vector.load %arg5[%get3A_414, %get3A_415] : memref<8x5120xf32, #tpu.memory_space<vmem>>, vector<1x128xf32>
      %min3A_417 = vector.broadcast %add3A_370 : vector<128x1xf32> to vector<128x128xf32>
      %min3A_418 = vector.broadcast %get3A_410 : vector<1x128xf32> to vector<128x128xf32>
      %min3A_419 = arith.minimumf %min3A_417, %min3A_418 : vector<128x128xf32>
      %max3A_420 = vector.broadcast %add3A_366 : vector<128x1xf32> to vector<128x128xf32>
      %max3A_421 = vector.broadcast %get3A_404 : vector<1x128xf32> to vector<128x128xf32>
      %max3A_422 = arith.maximumf %max3A_420, %max3A_421 : vector<128x128xf32>
      %sub3A_423 = arith.subf %min3A_419, %max3A_422 : vector<128x128xf32>
      %max3A_424 = arith.constant 0.000000e+00 : f32
      %max3A_425 = vector.broadcast %max3A_424 : f32 to vector<128x128xf32>
      %max3A_426 = arith.maximumf %sub3A_423, %max3A_425 : vector<128x128xf32>
      %min3A_427 = vector.broadcast %add3A_372 : vector<128x1xf32> to vector<128x128xf32>
      %min3A_428 = vector.broadcast %get3A_413 : vector<1x128xf32> to vector<128x128xf32>
      %min3A_429 = arith.minimumf %min3A_427, %min3A_428 : vector<128x128xf32>
      %max3A_430 = vector.broadcast %add3A_368 : vector<128x1xf32> to vector<128x128xf32>
      %max3A_431 = vector.broadcast %get3A_407 : vector<1x128xf32> to vector<128x128xf32>
      %max3A_432 = arith.maximumf %max3A_430, %max3A_431 : vector<128x128xf32>
      %sub3A_433 = arith.subf %min3A_429, %max3A_432 : vector<128x128xf32>
      %mul3A_434 = arith.mulf %max3A_426, %sub3A_433 : vector<128x128xf32>
      %add3A_435 = vector.broadcast %mul3A_375 : vector<128x1xf32> to vector<128x128xf32>
      %add3A_436 = vector.broadcast %get3A_416 : vector<1x128xf32> to vector<128x128xf32>
      %add3A_437 = arith.addf %add3A_435, %add3A_436 : vector<128x128xf32>
      %sub3A_438 = arith.subf %add3A_437, %mul3A_434 : vector<128x128xf32>
      %mul3A_439 = arith.constant 5.000000e-01 : f32
      %mul3A_440 = vector.broadcast %mul3A_439 : f32 to vector<128x128xf32>
      %mul3A_441 = arith.mulf %mul3A_440, %sub3A_438 : vector<128x128xf32>
      %gt3A_442 = arith.cmpf ogt, %mul3A_434, %mul3A_441 : vector<128x128xf32>
      %convert_element_type3A_443 = arith.extui %gt3A_442 : vector<128x128xi1> to vector<128x128xi32>
      %convert_element_type3A_444 = arith.sitofp %convert_element_type3A_443 : vector<128x128xi32> to vector<128x128xf32>
      %mul3A_445 = arith.mulf %convert_element_type3A_444, %convert_element_type3A_77 : vector<128x128xf32>
      %get3A_446 = arith.index_cast %while3A_356 : i32 to index
      %get3A_447 = arith.constant 0 : index
      %get3A_448 = vector.load %arg4[%get3A_446, %get3A_447] : memref<40x128xf32, #tpu.memory_space<vmem>>, vector<1x128xf32>
      %while3A_449 = arith.constant true
      %while3A_450:2 = scf.while (%while3A_474 = %get3A_448, %while3A_475 = %while3A_449) : (vector<1x128xf32>, i1) -> (vector<1x128xf32>, i1) {
        scf.condition(%while3A_475) %while3A_474, %while3A_475 : vector<1x128xf32>, i1
      } do {
      ^bb0(%while3A_474: vector<1x128xf32>, %while3A_475: i1):
        %dot_general3A_476 = arith.constant dense<0.000000e+00> : vector<1x128xf32>
        %dot_general3A_477 = tpu.matmul %while3A_474, %mul3A_445, %dot_general3A_476 {dimension_numbers = #tpu.dot_dimension_numbers<[1], [0], [0], [1], [0, 0, 1, 1], [], []>, transpose_lhs_hint = false} : vector<1x128xf32>, vector<128x128xf32>, vector<1x128xf32> -> vector<1x128xf32>
        %lt3A_478 = arith.constant 5.000000e-01 : f32
        %lt3A_479 = vector.broadcast %lt3A_478 : f32 to vector<1x128xf32>
        %lt3A_480 = arith.cmpf olt, %dot_general3A_477, %lt3A_479 : vector<1x128xf32>
        %convert_element_type3A_481 = arith.extui %lt3A_480 : vector<1x128xi1> to vector<1x128xi32>
        %convert_element_type3A_482 = arith.sitofp %convert_element_type3A_481 : vector<1x128xi32> to vector<1x128xf32>
        %mul3A_483 = arith.mulf %get3A_448, %convert_element_type3A_482 : vector<1x128xf32>
        %dot_general3A_484 = arith.constant dense<0.000000e+00> : vector<1x128xf32>
        %dot_general3A_485 = tpu.matmul %mul3A_483, %mul3A_445, %dot_general3A_484 {dimension_numbers = #tpu.dot_dimension_numbers<[1], [0], [0], [1], [0, 0, 1, 1], [], []>, transpose_lhs_hint = false} : vector<1x128xf32>, vector<128x128xf32>, vector<1x128xf32> -> vector<1x128xf32>
        %lt3A_486 = arith.constant 5.000000e-01 : f32
        %lt3A_487 = vector.broadcast %lt3A_486 : f32 to vector<1x128xf32>
        %lt3A_488 = arith.cmpf olt, %dot_general3A_485, %lt3A_487 : vector<1x128xf32>
        %convert_element_type3A_489 = arith.extui %lt3A_488 : vector<1x128xi1> to vector<1x128xi32>
        %convert_element_type3A_490 = arith.sitofp %convert_element_type3A_489 : vector<1x128xi32> to vector<1x128xf32>
        %mul3A_491 = arith.mulf %get3A_448, %convert_element_type3A_490 : vector<1x128xf32>
        %ne3A_492 = arith.cmpf one, %mul3A_491, %mul3A_483 : vector<1x128xf32>
        %reduce_or3A = arith.constant 1.000000e+00 : f32
        %reduce_or3A_493 = arith.constant 0.000000e+00 : f32
        %reduce_or3A_494 = vector.broadcast %reduce_or3A : f32 to vector<1x128xf32>
        %reduce_or3A_495 = vector.broadcast %reduce_or3A_493 : f32 to vector<1x128xf32>
        %reduce_or3A_496 = arith.select %ne3A_492, %reduce_or3A_494, %reduce_or3A_495 : vector<1x128xi1>, vector<1x128xf32>
        %reduce_or3A_497 = vector.shape_cast %reduce_or3A_496 : vector<1x128xf32> to vector<1x1x128xf32>
        %reduce_or3A_498 = arith.constant dense<0xFF800000> : vector<1xf32>
        %reduce_or3A_499 = vector.multi_reduction <maximumf>, %reduce_or3A_497, %reduce_or3A_498 [1, 2] : vector<1x1x128xf32> to vector<1xf32>
        %reduce_or3A_500 = vector.shape_cast %reduce_or3A_499 : vector<1xf32> to vector<1x1x1xf32>
        %reduce_or3A_501 = vector.extract %reduce_or3A_500[0, 0, 0] : f32 from vector<1x1x1xf32>
        %reduce_or3A_502 = arith.constant 0.000000e+00 : f32
        %reduce_or3A_503 = arith.cmpf ogt, %reduce_or3A_501, %reduce_or3A_502 : f32
        scf.yield %mul3A_491, %reduce_or3A_503 : vector<1x128xf32>, i1
      }
      %swap3A_451 = arith.index_cast %while3A_356 : i32 to index
      %swap3A_452 = arith.constant 0 : index
      %swap3A_453 = vector.load %arg4[%swap3A_451, %swap3A_452] : memref<40x128xf32, #tpu.memory_space<vmem>>, vector<1x128xf32>
      tpu.vector_store %arg4[%swap3A_451, %swap3A_452], %while3A_450#0 {strides = array<i32>} : memref<40x128xf32, #tpu.memory_space<vmem>>, vector<1x128xf32>,
      %dot_general3A = arith.constant dense<0.000000e+00> : vector<1x1280xf32>
      %dot_general3A_454 = tpu.matmul %while3A_450#0, %convert_element_type3A_401, %dot_general3A {dimension_numbers = #tpu.dot_dimension_numbers<[1], [0], [0], [1], [0, 0, 1, 1], [], []>, transpose_lhs_hint = false} : vector<1x128xf32>, vector<128x1280xf32>, vector<1x1280xf32> -> vector<1x1280xf32>
      %reshape3A = vector.shape_cast %dot_general3A_454 : vector<1x1280xf32> to vector<10x128xf32>
      %gt3A_455 = vector.broadcast %while3A_356 : i32 to vector<10x128xi32>
      %gt3A_456 = arith.cmpi sgt, %add3A_294, %gt3A_455 : vector<10x128xi32>
      %gt3A_457 = arith.constant 5.000000e-01 : f32
      %gt3A_458 = vector.broadcast %gt3A_457 : f32 to vector<10x128xf32>
      %gt3A_459 = arith.cmpf ogt, %reshape3A, %gt3A_458 : vector<10x128xf32>
      %and3A_460 = arith.andi %gt3A_456, %gt3A_459 : vector<10x128xi1>
      %convert_element_type3A_461 = arith.extui %and3A_460 : vector<10x128xi1> to vector<10x128xi32>
      %convert_element_type3A_462 = arith.sitofp %convert_element_type3A_461 : vector<10x128xi32> to vector<10x128xf32>
      %get3A_463 = arith.constant 30 : index
      %get3A_464 = arith.constant 0 : index
      %get3A_465 = vector.load %arg4[%get3A_463, %get3A_464] : memref<40x128xf32, #tpu.memory_space<vmem>>, vector<10x128xf32>
      %sub3A_466 = arith.constant 1.000000e+00 : f32
      %sub3A_467 = vector.broadcast %sub3A_466 : f32 to vector<10x128xf32>
      %sub3A_468 = arith.subf %sub3A_467, %convert_element_type3A_462 : vector<10x128xf32>
      %mul3A_469 = arith.mulf %get3A_465, %sub3A_468 : vector<10x128xf32>
      %swap3A_470 = arith.constant 30 : index
      %swap3A_471 = arith.constant 0 : index
      %swap3A_472 = vector.load %arg4[%swap3A_470, %swap3A_471] : memref<40x128xf32, #tpu.memory_space<vmem>>, vector<10x128xf32>
      tpu.vector_store %arg4[%swap3A_470, %swap3A_471], %mul3A_469 {strides = array<i32>} : memref<40x128xf32, #tpu.memory_space<vmem>>, vector<10x128xf32>,
      %while3A_473 = arith.constant 0 : i32
      scf.yield %while3A_473 : i32
    }
    %while3A_305 = arith.constant 1 : i32
    %while3A_306 = scf.for %while3A_356 = %while3A_302 to %while3A_298 step %while3A_305 iter_args(%while3A_357 = %while3A_304) -> (i32)  : i32 {
      %mul3A_358 = arith.constant 128 : i32
      %mul3A_359 = arith.muli %while3A_356, %mul3A_358 : i32
      %multiple_of3A = tpu.assume_multiple %mul3A_359, 128 : i32
      %get3A_360 = arith.index_cast %multiple_of3A : i32 to index
      %get3A_361 = arith.constant 0 : index
      %get3A_362 = vector.load %arg0[%get3A_360, %get3A_361] : memref<5120x8xf32, #tpu.memory_space<vmem>>, vector<128x8xf32>
      %slice3A = vector.extract_strided_slice %get3A_362 {offsets = [0, 4], sizes = [128, 1], strides = [1, 1]} : vector<128x8xf32> to vector<128x1xf32>
      %mul3A_363 = vector.broadcast %add3A_6 : f32 to vector<128x1xf32>
      %mul3A_364 = arith.mulf %slice3A, %mul3A_363 : vector<128x1xf32>
      %slice3A_365 = vector.extract_strided_slice %get3A_362 {offsets = [0, 0], sizes = [128, 1], strides = [1, 1]} : vector<128x8xf32> to vector<128x1xf32>
      %add3A_366 = arith.addf %slice3A_365, %mul3A_364 : vector<128x1xf32>
      %slice3A_367 = vector.extract_strided_slice %get3A_362 {offsets = [0, 1], sizes = [128, 1], strides = [1, 1]} : vector<128x8xf32> to vector<128x1xf32>
      %add3A_368 = arith.addf %slice3A_367, %mul3A_364 : vector<128x1xf32>
      %slice3A_369 = vector.extract_strided_slice %get3A_362 {offsets = [0, 2], sizes = [128, 1], strides = [1, 1]} : vector<128x8xf32> to vector<128x1xf32>
      %add3A_370 = arith.addf %slice3A_369, %mul3A_364 : vector<128x1xf32>
      %slice3A_371 = vector.extract_strided_slice %get3A_362 {offsets = [0, 3], sizes = [128, 1], strides = [1, 1]} : vector<128x8xf32> to vector<128x1xf32>
      %add3A_372 = arith.addf %slice3A_371, %mul3A_364 : vector<128x1xf32>
      %sub3A_373 = arith.subf %add3A_370, %add3A_366 : vector<128x1xf32>
      %sub3A_374 = arith.subf %add3A_372, %add3A_368 : vector<128x1xf32>
      %mul3A_375 = arith.mulf %sub3A_373, %sub3A_374 : vector<128x1xf32>
      %min3A_376 = vector.broadcast %add3A_370 : vector<128x1xf32> to vector<128x1280xf32>
      %min3A_377 = vector.broadcast %get3A_284 : vector<1x1280xf32> to vector<128x1280xf32>
      %min3A_378 = arith.minimumf %min3A_376, %min3A_377 : vector<128x1280xf32>
      %max3A = vector.broadcast %add3A_366 : vector<128x1xf32> to vector<128x1280xf32>
      %max3A_379 = vector.broadcast %get3A_278 : vector<1x1280xf32> to vector<128x1280xf32>
      %max3A_380 = arith.maximumf %max3A, %max3A_379 : vector<128x1280xf32>
      %sub3A_381 = arith.subf %min3A_378, %max3A_380 : vector<128x1280xf32>
      %max3A_382 = arith.constant 0.000000e+00 : f32
      %max3A_383 = vector.broadcast %max3A_382 : f32 to vector<128x1280xf32>
      %max3A_384 = arith.maximumf %sub3A_381, %max3A_383 : vector<128x1280xf32>
      %min3A_385 = vector.broadcast %add3A_372 : vector<128x1xf32> to vector<128x1280xf32>
      %min3A_386 = vector.broadcast %get3A_287 : vector<1x1280xf32> to vector<128x1280xf32>
      %min3A_387 = arith.minimumf %min3A_385, %min3A_386 : vector<128x1280xf32>
      %max3A_388 = vector.broadcast %add3A_368 : vector<128x1xf32> to vector<128x1280xf32>
      %max3A_389 = vector.broadcast %get3A_281 : vector<1x1280xf32> to vector<128x1280xf32>
      %max3A_390 = arith.maximumf %max3A_388, %max3A_389 : vector<128x1280xf32>
      %sub3A_391 = arith.subf %min3A_387, %max3A_390 : vector<128x1280xf32>
      %mul3A_392 = arith.mulf %max3A_384, %sub3A_391 : vector<128x1280xf32>
      %add3A_393 = vector.broadcast %mul3A_375 : vector<128x1xf32> to vector<128x1280xf32>
      %add3A_394 = vector.broadcast %get3A_290 : vector<1x1280xf32> to vector<128x1280xf32>
      %add3A_395 = arith.addf %add3A_393, %add3A_394 : vector<128x1280xf32>
      %sub3A_396 = arith.subf %add3A_395, %mul3A_392 : vector<128x1280xf32>
      %mul3A_397 = arith.constant 5.000000e-01 : f32
      %mul3A_398 = vector.broadcast %mul3A_397 : f32 to vector<128x1280xf32>
      %mul3A_399 = arith.mulf %mul3A_398, %sub3A_396 : vector<128x1280xf32>
      %gt3A = arith.cmpf ogt, %mul3A_392, %mul3A_399 : vector<128x1280xf32>
      %convert_element_type3A_400 = arith.extui %gt3A : vector<128x1280xi1> to vector<128x1280xi32>
      %convert_element_type3A_401 = arith.sitofp %convert_element_type3A_400 : vector<128x1280xi32> to vector<128x1280xf32>
      %get3A_402 = arith.constant 0 : index
      %get3A_403 = arith.index_cast %multiple_of3A : i32 to index
      %get3A_404 = vector.load %arg5[%get3A_402, %get3A_403] : memref<8x5120xf32, #tpu.memory_space<vmem>>, vector<1x128xf32>
      %get3A_405 = arith.constant 1 : index
      %get3A_406 = arith.index_cast %multiple_of3A : i32 to index
      %get3A_407 = vector.load %arg5[%get3A_405, %get3A_406] : memref<8x5120xf32, #tpu.memory_space<vmem>>, vector<1x128xf32>
      %get3A_408 = arith.constant 2 : index
      %get3A_409 = arith.index_cast %multiple_of3A : i32 to index
      %get3A_410 = vector.load %arg5[%get3A_408, %get3A_409] : memref<8x5120xf32, #tpu.memory_space<vmem>>, vector<1x128xf32>
      %get3A_411 = arith.constant 3 : index
      %get3A_412 = arith.index_cast %multiple_of3A : i32 to index
      %get3A_413 = vector.load %arg5[%get3A_411, %get3A_412] : memref<8x5120xf32, #tpu.memory_space<vmem>>, vector<1x128xf32>
      %get3A_414 = arith.constant 4 : index
      %get3A_415 = arith.index_cast %multiple_of3A : i32 to index
      %get3A_416 = vector.load %arg5[%get3A_414, %get3A_415] : memref<8x5120xf32, #tpu.memory_space<vmem>>, vector<1x128xf32>
      %min3A_417 = vector.broadcast %add3A_370 : vector<128x1xf32> to vector<128x128xf32>
      %min3A_418 = vector.broadcast %get3A_410 : vector<1x128xf32> to vector<128x128xf32>
      %min3A_419 = arith.minimumf %min3A_417, %min3A_418 : vector<128x128xf32>
      %max3A_420 = vector.broadcast %add3A_366 : vector<128x1xf32> to vector<128x128xf32>
      %max3A_421 = vector.broadcast %get3A_404 : vector<1x128xf32> to vector<128x128xf32>
      %max3A_422 = arith.maximumf %max3A_420, %max3A_421 : vector<128x128xf32>
      %sub3A_423 = arith.subf %min3A_419, %max3A_422 : vector<128x128xf32>
      %max3A_424 = arith.constant 0.000000e+00 : f32
      %max3A_425 = vector.broadcast %max3A_424 : f32 to vector<128x128xf32>
      %max3A_426 = arith.maximumf %sub3A_423, %max3A_425 : vector<128x128xf32>
      %min3A_427 = vector.broadcast %add3A_372 : vector<128x1xf32> to vector<128x128xf32>
      %min3A_428 = vector.broadcast %get3A_413 : vector<1x128xf32> to vector<128x128xf32>
      %min3A_429 = arith.minimumf %min3A_427, %min3A_428 : vector<128x128xf32>
      %max3A_430 = vector.broadcast %add3A_368 : vector<128x1xf32> to vector<128x128xf32>
      %max3A_431 = vector.broadcast %get3A_407 : vector<1x128xf32> to vector<128x128xf32>
      %max3A_432 = arith.maximumf %max3A_430, %max3A_431 : vector<128x128xf32>
      %sub3A_433 = arith.subf %min3A_429, %max3A_432 : vector<128x128xf32>
      %mul3A_434 = arith.mulf %max3A_426, %sub3A_433 : vector<128x128xf32>
      %add3A_435 = vector.broadcast %mul3A_375 : vector<128x1xf32> to vector<128x128xf32>
      %add3A_436 = vector.broadcast %get3A_416 : vector<1x128xf32> to vector<128x128xf32>
      %add3A_437 = arith.addf %add3A_435, %add3A_436 : vector<128x128xf32>
      %sub3A_438 = arith.subf %add3A_437, %mul3A_434 : vector<128x128xf32>
      %mul3A_439 = arith.constant 5.000000e-01 : f32
      %mul3A_440 = vector.broadcast %mul3A_439 : f32 to vector<128x128xf32>
      %mul3A_441 = arith.mulf %mul3A_440, %sub3A_438 : vector<128x128xf32>
      %gt3A_442 = arith.cmpf ogt, %mul3A_434, %mul3A_441 : vector<128x128xf32>
      %convert_element_type3A_443 = arith.extui %gt3A_442 : vector<128x128xi1> to vector<128x128xi32>
      %convert_element_type3A_444 = arith.sitofp %convert_element_type3A_443 : vector<128x128xi32> to vector<128x128xf32>
      %mul3A_445 = arith.mulf %convert_element_type3A_444, %convert_element_type3A_77 : vector<128x128xf32>
      %get3A_446 = arith.index_cast %while3A_356 : i32 to index
      %get3A_447 = arith.constant 0 : index
      %get3A_448 = vector.load %arg4[%get3A_446, %get3A_447] : memref<40x128xf32, #tpu.memory_space<vmem>>, vector<1x128xf32>
      %while3A_449 = arith.constant true
      %while3A_450:2 = scf.while (%while3A_474 = %get3A_448, %while3A_475 = %while3A_449) : (vector<1x128xf32>, i1) -> (vector<1x128xf32>, i1) {
        scf.condition(%while3A_475) %while3A_474, %while3A_475 : vector<1x128xf32>, i1
      } do {
      ^bb0(%while3A_474: vector<1x128xf32>, %while3A_475: i1):
        %dot_general3A_476 = arith.constant dense<0.000000e+00> : vector<1x128xf32>
        %dot_general3A_477 = tpu.matmul %while3A_474, %mul3A_445, %dot_general3A_476 {dimension_numbers = #tpu.dot_dimension_numbers<[1], [0], [0], [1], [0, 0, 1, 1], [], []>, transpose_lhs_hint = false} : vector<1x128xf32>, vector<128x128xf32>, vector<1x128xf32> -> vector<1x128xf32>
        %lt3A_478 = arith.constant 5.000000e-01 : f32
        %lt3A_479 = vector.broadcast %lt3A_478 : f32 to vector<1x128xf32>
        %lt3A_480 = arith.cmpf olt, %dot_general3A_477, %lt3A_479 : vector<1x128xf32>
        %convert_element_type3A_481 = arith.extui %lt3A_480 : vector<1x128xi1> to vector<1x128xi32>
        %convert_element_type3A_482 = arith.sitofp %convert_element_type3A_481 : vector<1x128xi32> to vector<1x128xf32>
        %mul3A_483 = arith.mulf %get3A_448, %convert_element_type3A_482 : vector<1x128xf32>
        %dot_general3A_484 = arith.constant dense<0.000000e+00> : vector<1x128xf32>
        %dot_general3A_485 = tpu.matmul %mul3A_483, %mul3A_445, %dot_general3A_484 {dimension_numbers = #tpu.dot_dimension_numbers<[1], [0], [0], [1], [0, 0, 1, 1], [], []>, transpose_lhs_hint = false} : vector<1x128xf32>, vector<128x128xf32>, vector<1x128xf32> -> vector<1x128xf32>
        %lt3A_486 = arith.constant 5.000000e-01 : f32
        %lt3A_487 = vector.broadcast %lt3A_486 : f32 to vector<1x128xf32>
        %lt3A_488 = arith.cmpf olt, %dot_general3A_485, %lt3A_487 : vector<1x128xf32>
        %convert_element_type3A_489 = arith.extui %lt3A_488 : vector<1x128xi1> to vector<1x128xi32>
        %convert_element_type3A_490 = arith.sitofp %convert_element_type3A_489 : vector<1x128xi32> to vector<1x128xf32>
        %mul3A_491 = arith.mulf %get3A_448, %convert_element_type3A_490 : vector<1x128xf32>
        %ne3A_492 = arith.cmpf one, %mul3A_491, %mul3A_483 : vector<1x128xf32>
        %reduce_or3A = arith.constant 1.000000e+00 : f32
        %reduce_or3A_493 = arith.constant 0.000000e+00 : f32
        %reduce_or3A_494 = vector.broadcast %reduce_or3A : f32 to vector<1x128xf32>
        %reduce_or3A_495 = vector.broadcast %reduce_or3A_493 : f32 to vector<1x128xf32>
        %reduce_or3A_496 = arith.select %ne3A_492, %reduce_or3A_494, %reduce_or3A_495 : vector<1x128xi1>, vector<1x128xf32>
        %reduce_or3A_497 = vector.shape_cast %reduce_or3A_496 : vector<1x128xf32> to vector<1x1x128xf32>
        %reduce_or3A_498 = arith.constant dense<0xFF800000> : vector<1xf32>
        %reduce_or3A_499 = vector.multi_reduction <maximumf>, %reduce_or3A_497, %reduce_or3A_498 [1, 2] : vector<1x1x128xf32> to vector<1xf32>
        %reduce_or3A_500 = vector.shape_cast %reduce_or3A_499 : vector<1xf32> to vector<1x1x1xf32>
        %reduce_or3A_501 = vector.extract %reduce_or3A_500[0, 0, 0] : f32 from vector<1x1x1xf32>
        %reduce_or3A_502 = arith.constant 0.000000e+00 : f32
        %reduce_or3A_503 = arith.cmpf ogt, %reduce_or3A_501, %reduce_or3A_502 : f32
        scf.yield %mul3A_491, %reduce_or3A_503 : vector<1x128xf32>, i1
      }
      %swap3A_451 = arith.index_cast %while3A_356 : i32 to index
      %swap3A_452 = arith.constant 0 : index
      %swap3A_453 = vector.load %arg4[%swap3A_451, %swap3A_452] : memref<40x128xf32, #tpu.memory_space<vmem>>, vector<1x128xf32>
      tpu.vector_store %arg4[%swap3A_451, %swap3A_452], %while3A_450#0 {strides = array<i32>} : memref<40x128xf32, #tpu.memory_space<vmem>>, vector<1x128xf32>,
      %dot_general3A = arith.constant dense<0.000000e+00> : vector<1x1280xf32>
      %dot_general3A_454 = tpu.matmul %while3A_450#0, %convert_element_type3A_401, %dot_general3A {dimension_numbers = #tpu.dot_dimension_numbers<[1], [0], [0], [1], [0, 0, 1, 1], [], []>, transpose_lhs_hint = false} : vector<1x128xf32>, vector<128x1280xf32>, vector<1x1280xf32> -> vector<1x1280xf32>
      %reshape3A = vector.shape_cast %dot_general3A_454 : vector<1x1280xf32> to vector<10x128xf32>
      %gt3A_455 = vector.broadcast %while3A_356 : i32 to vector<10x128xi32>
      %gt3A_456 = arith.cmpi sgt, %add3A_294, %gt3A_455 : vector<10x128xi32>
      %gt3A_457 = arith.constant 5.000000e-01 : f32
      %gt3A_458 = vector.broadcast %gt3A_457 : f32 to vector<10x128xf32>
      %gt3A_459 = arith.cmpf ogt, %reshape3A, %gt3A_458 : vector<10x128xf32>
      %and3A_460 = arith.andi %gt3A_456, %gt3A_459 : vector<10x128xi1>
      %convert_element_type3A_461 = arith.extui %and3A_460 : vector<10x128xi1> to vector<10x128xi32>
      %convert_element_type3A_462 = arith.sitofp %convert_element_type3A_461 : vector<10x128xi32> to vector<10x128xf32>
      %get3A_463 = arith.constant 30 : index
      %get3A_464 = arith.constant 0 : index
      %get3A_465 = vector.load %arg4[%get3A_463, %get3A_464] : memref<40x128xf32, #tpu.memory_space<vmem>>, vector<10x128xf32>
      %sub3A_466 = arith.constant 1.000000e+00 : f32
      %sub3A_467 = vector.broadcast %sub3A_466 : f32 to vector<10x128xf32>
      %sub3A_468 = arith.subf %sub3A_467, %convert_element_type3A_462 : vector<10x128xf32>
      %mul3A_469 = arith.mulf %get3A_465, %sub3A_468 : vector<10x128xf32>
      %swap3A_470 = arith.constant 30 : index
      %swap3A_471 = arith.constant 0 : index
      %swap3A_472 = vector.load %arg4[%swap3A_470, %swap3A_471] : memref<40x128xf32, #tpu.memory_space<vmem>>, vector<10x128xf32>
      tpu.vector_store %arg4[%swap3A_470, %swap3A_471], %mul3A_469 {strides = array<i32>} : memref<40x128xf32, #tpu.memory_space<vmem>>, vector<10x128xf32>,
      %while3A_473 = arith.constant 0 : i32
      scf.yield %while3A_473 : i32
    }
    %min3A_307 = arith.constant 40 : i32
    %min3A_308 = arith.minsi %min3A_307, %select_n3A : i32
    %get3A_309 = arith.constant 0 : index
    %get3A_310 = arith.constant 4480 : index
    %get3A_311 = vector.load %arg5[%get3A_309, %get3A_310] : memref<8x5120xf32, #tpu.memory_space<vmem>>, vector<1x640xf32>
    %get3A_312 = arith.constant 1 : index
    %get3A_313 = arith.constant 4480 : index
    %get3A_314 = vector.load %arg5[%get3A_312, %get3A_313] : memref<8x5120xf32, #tpu.memory_space<vmem>>, vector<1x640xf32>
    %get3A_315 = arith.constant 2 : index
    %get3A_316 = arith.constant 4480 : index
    %get3A_317 = vector.load %arg5[%get3A_315, %get3A_316] : memref<8x5120xf32, #tpu.memory_space<vmem>>, vector<1x640xf32>
    %get3A_318 = arith.constant 3 : index
    %get3A_319 = arith.constant 4480 : index
    %get3A_320 = vector.load %arg5[%get3A_318, %get3A_319] : memref<8x5120xf32, #tpu.memory_space<vmem>>, vector<1x640xf32>
    %get3A_321 = arith.constant 4 : index
    %get3A_322 = arith.constant 4480 : index
    %get3A_323 = vector.load %arg5[%get3A_321, %get3A_322] : memref<8x5120xf32, #tpu.memory_space<vmem>>, vector<1x640xf32>
    %iota3A_324 = tpu.iota {dimensions = array<i32: 0>} : vector<5x128xi32>
    %add3A_325 = arith.constant 35 : i32
    %add3A_326 = vector.broadcast %add3A_325 : i32 to vector<5x128xi32>
    %add3A_327 = arith.addi %iota3A_324, %add3A_326 : vector<5x128xi32>
    %while3A_328 = arith.constant 35 : i32
    %while3A_329 = arith.constant 0 : i32
    %while3A_330 = arith.subi %min3A_308, %while3A_328 : i32
    %while3A_331 = arith.addi %while3A_328, %while3A_330 : i32
    %while3A_332 = arith.constant 1 : i32
    %while3A_333 = arith.divsi %while3A_330, %while3A_332 : i32
    %while3A_334 = arith.muli %while3A_333, %while3A_332 : i32
    %while3A_335 = arith.addi %while3A_328, %while3A_334 : i32
    %while3A_336 = arith.constant 1 : i32
    %while3A_337 = scf.for %while3A_356 = %while3A_328 to %while3A_335 step %while3A_336 iter_args(%while3A_357 = %while3A_329) -> (i32)  : i32 {
      %mul3A_358 = arith.constant 128 : i32
      %mul3A_359 = arith.muli %while3A_356, %mul3A_358 : i32
      %multiple_of3A = tpu.assume_multiple %mul3A_359, 128 : i32
      %get3A_360 = arith.index_cast %multiple_of3A : i32 to index
      %get3A_361 = arith.constant 0 : index
      %get3A_362 = vector.load %arg0[%get3A_360, %get3A_361] : memref<5120x8xf32, #tpu.memory_space<vmem>>, vector<128x8xf32>
      %slice3A = vector.extract_strided_slice %get3A_362 {offsets = [0, 4], sizes = [128, 1], strides = [1, 1]} : vector<128x8xf32> to vector<128x1xf32>
      %mul3A_363 = vector.broadcast %add3A_6 : f32 to vector<128x1xf32>
      %mul3A_364 = arith.mulf %slice3A, %mul3A_363 : vector<128x1xf32>
      %slice3A_365 = vector.extract_strided_slice %get3A_362 {offsets = [0, 0], sizes = [128, 1], strides = [1, 1]} : vector<128x8xf32> to vector<128x1xf32>
      %add3A_366 = arith.addf %slice3A_365, %mul3A_364 : vector<128x1xf32>
      %slice3A_367 = vector.extract_strided_slice %get3A_362 {offsets = [0, 1], sizes = [128, 1], strides = [1, 1]} : vector<128x8xf32> to vector<128x1xf32>
      %add3A_368 = arith.addf %slice3A_367, %mul3A_364 : vector<128x1xf32>
      %slice3A_369 = vector.extract_strided_slice %get3A_362 {offsets = [0, 2], sizes = [128, 1], strides = [1, 1]} : vector<128x8xf32> to vector<128x1xf32>
      %add3A_370 = arith.addf %slice3A_369, %mul3A_364 : vector<128x1xf32>
      %slice3A_371 = vector.extract_strided_slice %get3A_362 {offsets = [0, 3], sizes = [128, 1], strides = [1, 1]} : vector<128x8xf32> to vector<128x1xf32>
      %add3A_372 = arith.addf %slice3A_371, %mul3A_364 : vector<128x1xf32>
      %sub3A_373 = arith.subf %add3A_370, %add3A_366 : vector<128x1xf32>
      %sub3A_374 = arith.subf %add3A_372, %add3A_368 : vector<128x1xf32>
      %mul3A_375 = arith.mulf %sub3A_373, %sub3A_374 : vector<128x1xf32>
      %min3A_376 = vector.broadcast %add3A_370 : vector<128x1xf32> to vector<128x640xf32>
      %min3A_377 = vector.broadcast %get3A_317 : vector<1x640xf32> to vector<128x640xf32>
      %min3A_378 = arith.minimumf %min3A_376, %min3A_377 : vector<128x640xf32>
      %max3A = vector.broadcast %add3A_366 : vector<128x1xf32> to vector<128x640xf32>
      %max3A_379 = vector.broadcast %get3A_311 : vector<1x640xf32> to vector<128x640xf32>
      %max3A_380 = arith.maximumf %max3A, %max3A_379 : vector<128x640xf32>
      %sub3A_381 = arith.subf %min3A_378, %max3A_380 : vector<128x640xf32>
      %max3A_382 = arith.constant 0.000000e+00 : f32
      %max3A_383 = vector.broadcast %max3A_382 : f32 to vector<128x640xf32>
      %max3A_384 = arith.maximumf %sub3A_381, %max3A_383 : vector<128x640xf32>
      %min3A_385 = vector.broadcast %add3A_372 : vector<128x1xf32> to vector<128x640xf32>
      %min3A_386 = vector.broadcast %get3A_320 : vector<1x640xf32> to vector<128x640xf32>
      %min3A_387 = arith.minimumf %min3A_385, %min3A_386 : vector<128x640xf32>
      %max3A_388 = vector.broadcast %add3A_368 : vector<128x1xf32> to vector<128x640xf32>
      %max3A_389 = vector.broadcast %get3A_314 : vector<1x640xf32> to vector<128x640xf32>
      %max3A_390 = arith.maximumf %max3A_388, %max3A_389 : vector<128x640xf32>
      %sub3A_391 = arith.subf %min3A_387, %max3A_390 : vector<128x640xf32>
      %mul3A_392 = arith.mulf %max3A_384, %sub3A_391 : vector<128x640xf32>
      %add3A_393 = vector.broadcast %mul3A_375 : vector<128x1xf32> to vector<128x640xf32>
      %add3A_394 = vector.broadcast %get3A_323 : vector<1x640xf32> to vector<128x640xf32>
      %add3A_395 = arith.addf %add3A_393, %add3A_394 : vector<128x640xf32>
      %sub3A_396 = arith.subf %add3A_395, %mul3A_392 : vector<128x640xf32>
      %mul3A_397 = arith.constant 5.000000e-01 : f32
      %mul3A_398 = vector.broadcast %mul3A_397 : f32 to vector<128x640xf32>
      %mul3A_399 = arith.mulf %mul3A_398, %sub3A_396 : vector<128x640xf32>
      %gt3A = arith.cmpf ogt, %mul3A_392, %mul3A_399 : vector<128x640xf32>
      %convert_element_type3A_400 = arith.extui %gt3A : vector<128x640xi1> to vector<128x640xi32>
      %convert_element_type3A_401 = arith.sitofp %convert_element_type3A_400 : vector<128x640xi32> to vector<128x640xf32>
      %get3A_402 = arith.constant 0 : index
      %get3A_403 = arith.index_cast %multiple_of3A : i32 to index
      %get3A_404 = vector.load %arg5[%get3A_402, %get3A_403] : memref<8x5120xf32, #tpu.memory_space<vmem>>, vector<1x128xf32>
      %get3A_405 = arith.constant 1 : index
      %get3A_406 = arith.index_cast %multiple_of3A : i32 to index
      %get3A_407 = vector.load %arg5[%get3A_405, %get3A_406] : memref<8x5120xf32, #tpu.memory_space<vmem>>, vector<1x128xf32>
      %get3A_408 = arith.constant 2 : index
      %get3A_409 = arith.index_cast %multiple_of3A : i32 to index
      %get3A_410 = vector.load %arg5[%get3A_408, %get3A_409] : memref<8x5120xf32, #tpu.memory_space<vmem>>, vector<1x128xf32>
      %get3A_411 = arith.constant 3 : index
      %get3A_412 = arith.index_cast %multiple_of3A : i32 to index
      %get3A_413 = vector.load %arg5[%get3A_411, %get3A_412] : memref<8x5120xf32, #tpu.memory_space<vmem>>, vector<1x128xf32>
      %get3A_414 = arith.constant 4 : index
      %get3A_415 = arith.index_cast %multiple_of3A : i32 to index
      %get3A_416 = vector.load %arg5[%get3A_414, %get3A_415] : memref<8x5120xf32, #tpu.memory_space<vmem>>, vector<1x128xf32>
      %min3A_417 = vector.broadcast %add3A_370 : vector<128x1xf32> to vector<128x128xf32>
      %min3A_418 = vector.broadcast %get3A_410 : vector<1x128xf32> to vector<128x128xf32>
      %min3A_419 = arith.minimumf %min3A_417, %min3A_418 : vector<128x128xf32>
      %max3A_420 = vector.broadcast %add3A_366 : vector<128x1xf32> to vector<128x128xf32>
      %max3A_421 = vector.broadcast %get3A_404 : vector<1x128xf32> to vector<128x128xf32>
      %max3A_422 = arith.maximumf %max3A_420, %max3A_421 : vector<128x128xf32>
      %sub3A_423 = arith.subf %min3A_419, %max3A_422 : vector<128x128xf32>
      %max3A_424 = arith.constant 0.000000e+00 : f32
      %max3A_425 = vector.broadcast %max3A_424 : f32 to vector<128x128xf32>
      %max3A_426 = arith.maximumf %sub3A_423, %max3A_425 : vector<128x128xf32>
      %min3A_427 = vector.broadcast %add3A_372 : vector<128x1xf32> to vector<128x128xf32>
      %min3A_428 = vector.broadcast %get3A_413 : vector<1x128xf32> to vector<128x128xf32>
      %min3A_429 = arith.minimumf %min3A_427, %min3A_428 : vector<128x128xf32>
      %max3A_430 = vector.broadcast %add3A_368 : vector<128x1xf32> to vector<128x128xf32>
      %max3A_431 = vector.broadcast %get3A_407 : vector<1x128xf32> to vector<128x128xf32>
      %max3A_432 = arith.maximumf %max3A_430, %max3A_431 : vector<128x128xf32>
      %sub3A_433 = arith.subf %min3A_429, %max3A_432 : vector<128x128xf32>
      %mul3A_434 = arith.mulf %max3A_426, %sub3A_433 : vector<128x128xf32>
      %add3A_435 = vector.broadcast %mul3A_375 : vector<128x1xf32> to vector<128x128xf32>
      %add3A_436 = vector.broadcast %get3A_416 : vector<1x128xf32> to vector<128x128xf32>
      %add3A_437 = arith.addf %add3A_435, %add3A_436 : vector<128x128xf32>
      %sub3A_438 = arith.subf %add3A_437, %mul3A_434 : vector<128x128xf32>
      %mul3A_439 = arith.constant 5.000000e-01 : f32
      %mul3A_440 = vector.broadcast %mul3A_439 : f32 to vector<128x128xf32>
      %mul3A_441 = arith.mulf %mul3A_440, %sub3A_438 : vector<128x128xf32>
      %gt3A_442 = arith.cmpf ogt, %mul3A_434, %mul3A_441 : vector<128x128xf32>
      %convert_element_type3A_443 = arith.extui %gt3A_442 : vector<128x128xi1> to vector<128x128xi32>
      %convert_element_type3A_444 = arith.sitofp %convert_element_type3A_443 : vector<128x128xi32> to vector<128x128xf32>
      %mul3A_445 = arith.mulf %convert_element_type3A_444, %convert_element_type3A_77 : vector<128x128xf32>
      %get3A_446 = arith.index_cast %while3A_356 : i32 to index
      %get3A_447 = arith.constant 0 : index
      %get3A_448 = vector.load %arg4[%get3A_446, %get3A_447] : memref<40x128xf32, #tpu.memory_space<vmem>>, vector<1x128xf32>
      %while3A_449 = arith.constant true
      %while3A_450:2 = scf.while (%while3A_474 = %get3A_448, %while3A_475 = %while3A_449) : (vector<1x128xf32>, i1) -> (vector<1x128xf32>, i1) {
        scf.condition(%while3A_475) %while3A_474, %while3A_475 : vector<1x128xf32>, i1
      } do {
      ^bb0(%while3A_474: vector<1x128xf32>, %while3A_475: i1):
        %dot_general3A_476 = arith.constant dense<0.000000e+00> : vector<1x128xf32>
        %dot_general3A_477 = tpu.matmul %while3A_474, %mul3A_445, %dot_general3A_476 {dimension_numbers = #tpu.dot_dimension_numbers<[1], [0], [0], [1], [0, 0, 1, 1], [], []>, transpose_lhs_hint = false} : vector<1x128xf32>, vector<128x128xf32>, vector<1x128xf32> -> vector<1x128xf32>
        %lt3A_478 = arith.constant 5.000000e-01 : f32
        %lt3A_479 = vector.broadcast %lt3A_478 : f32 to vector<1x128xf32>
        %lt3A_480 = arith.cmpf olt, %dot_general3A_477, %lt3A_479 : vector<1x128xf32>
        %convert_element_type3A_481 = arith.extui %lt3A_480 : vector<1x128xi1> to vector<1x128xi32>
        %convert_element_type3A_482 = arith.sitofp %convert_element_type3A_481 : vector<1x128xi32> to vector<1x128xf32>
        %mul3A_483 = arith.mulf %get3A_448, %convert_element_type3A_482 : vector<1x128xf32>
        %dot_general3A_484 = arith.constant dense<0.000000e+00> : vector<1x128xf32>
        %dot_general3A_485 = tpu.matmul %mul3A_483, %mul3A_445, %dot_general3A_484 {dimension_numbers = #tpu.dot_dimension_numbers<[1], [0], [0], [1], [0, 0, 1, 1], [], []>, transpose_lhs_hint = false} : vector<1x128xf32>, vector<128x128xf32>, vector<1x128xf32> -> vector<1x128xf32>
        %lt3A_486 = arith.constant 5.000000e-01 : f32
        %lt3A_487 = vector.broadcast %lt3A_486 : f32 to vector<1x128xf32>
        %lt3A_488 = arith.cmpf olt, %dot_general3A_485, %lt3A_487 : vector<1x128xf32>
        %convert_element_type3A_489 = arith.extui %lt3A_488 : vector<1x128xi1> to vector<1x128xi32>
        %convert_element_type3A_490 = arith.sitofp %convert_element_type3A_489 : vector<1x128xi32> to vector<1x128xf32>
        %mul3A_491 = arith.mulf %get3A_448, %convert_element_type3A_490 : vector<1x128xf32>
        %ne3A_492 = arith.cmpf one, %mul3A_491, %mul3A_483 : vector<1x128xf32>
        %reduce_or3A = arith.constant 1.000000e+00 : f32
        %reduce_or3A_493 = arith.constant 0.000000e+00 : f32
        %reduce_or3A_494 = vector.broadcast %reduce_or3A : f32 to vector<1x128xf32>
        %reduce_or3A_495 = vector.broadcast %reduce_or3A_493 : f32 to vector<1x128xf32>
        %reduce_or3A_496 = arith.select %ne3A_492, %reduce_or3A_494, %reduce_or3A_495 : vector<1x128xi1>, vector<1x128xf32>
        %reduce_or3A_497 = vector.shape_cast %reduce_or3A_496 : vector<1x128xf32> to vector<1x1x128xf32>
        %reduce_or3A_498 = arith.constant dense<0xFF800000> : vector<1xf32>
        %reduce_or3A_499 = vector.multi_reduction <maximumf>, %reduce_or3A_497, %reduce_or3A_498 [1, 2] : vector<1x1x128xf32> to vector<1xf32>
        %reduce_or3A_500 = vector.shape_cast %reduce_or3A_499 : vector<1xf32> to vector<1x1x1xf32>
        %reduce_or3A_501 = vector.extract %reduce_or3A_500[0, 0, 0] : f32 from vector<1x1x1xf32>
        %reduce_or3A_502 = arith.constant 0.000000e+00 : f32
        %reduce_or3A_503 = arith.cmpf ogt, %reduce_or3A_501, %reduce_or3A_502 : f32
        scf.yield %mul3A_491, %reduce_or3A_503 : vector<1x128xf32>, i1
      }
      %swap3A_451 = arith.index_cast %while3A_356 : i32 to index
      %swap3A_452 = arith.constant 0 : index
      %swap3A_453 = vector.load %arg4[%swap3A_451, %swap3A_452] : memref<40x128xf32, #tpu.memory_space<vmem>>, vector<1x128xf32>
      tpu.vector_store %arg4[%swap3A_451, %swap3A_452], %while3A_450#0 {strides = array<i32>} : memref<40x128xf32, #tpu.memory_space<vmem>>, vector<1x128xf32>,
      %dot_general3A = arith.constant dense<0.000000e+00> : vector<1x640xf32>
      %dot_general3A_454 = tpu.matmul %while3A_450#0, %convert_element_type3A_401, %dot_general3A {dimension_numbers = #tpu.dot_dimension_numbers<[1], [0], [0], [1], [0, 0, 1, 1], [], []>, transpose_lhs_hint = false} : vector<1x128xf32>, vector<128x640xf32>, vector<1x640xf32> -> vector<1x640xf32>
      %reshape3A = vector.shape_cast %dot_general3A_454 : vector<1x640xf32> to vector<5x128xf32>
      %gt3A_455 = vector.broadcast %while3A_356 : i32 to vector<5x128xi32>
      %gt3A_456 = arith.cmpi sgt, %add3A_327, %gt3A_455 : vector<5x128xi32>
      %gt3A_457 = arith.constant 5.000000e-01 : f32
      %gt3A_458 = vector.broadcast %gt3A_457 : f32 to vector<5x128xf32>
      %gt3A_459 = arith.cmpf ogt, %reshape3A, %gt3A_458 : vector<5x128xf32>
      %and3A_460 = arith.andi %gt3A_456, %gt3A_459 : vector<5x128xi1>
      %convert_element_type3A_461 = arith.extui %and3A_460 : vector<5x128xi1> to vector<5x128xi32>
      %convert_element_type3A_462 = arith.sitofp %convert_element_type3A_461 : vector<5x128xi32> to vector<5x128xf32>
      %get3A_463 = arith.constant 35 : index
      %get3A_464 = arith.constant 0 : index
      %get3A_465 = vector.load %arg4[%get3A_463, %get3A_464] : memref<40x128xf32, #tpu.memory_space<vmem>>, vector<5x128xf32>
      %sub3A_466 = arith.constant 1.000000e+00 : f32
      %sub3A_467 = vector.broadcast %sub3A_466 : f32 to vector<5x128xf32>
      %sub3A_468 = arith.subf %sub3A_467, %convert_element_type3A_462 : vector<5x128xf32>
      %mul3A_469 = arith.mulf %get3A_465, %sub3A_468 : vector<5x128xf32>
      %swap3A_470 = arith.constant 35 : index
      %swap3A_471 = arith.constant 0 : index
      %swap3A_472 = vector.load %arg4[%swap3A_470, %swap3A_471] : memref<40x128xf32, #tpu.memory_space<vmem>>, vector<5x128xf32>
      tpu.vector_store %arg4[%swap3A_470, %swap3A_471], %mul3A_469 {strides = array<i32>} : memref<40x128xf32, #tpu.memory_space<vmem>>, vector<5x128xf32>,
      %while3A_473 = arith.constant 0 : i32
      scf.yield %while3A_473 : i32
    }
    %while3A_338 = arith.constant 1 : i32
    %while3A_339 = scf.for %while3A_356 = %while3A_335 to %while3A_331 step %while3A_338 iter_args(%while3A_357 = %while3A_337) -> (i32)  : i32 {
      %mul3A_358 = arith.constant 128 : i32
      %mul3A_359 = arith.muli %while3A_356, %mul3A_358 : i32
      %multiple_of3A = tpu.assume_multiple %mul3A_359, 128 : i32
      %get3A_360 = arith.index_cast %multiple_of3A : i32 to index
      %get3A_361 = arith.constant 0 : index
      %get3A_362 = vector.load %arg0[%get3A_360, %get3A_361] : memref<5120x8xf32, #tpu.memory_space<vmem>>, vector<128x8xf32>
      %slice3A = vector.extract_strided_slice %get3A_362 {offsets = [0, 4], sizes = [128, 1], strides = [1, 1]} : vector<128x8xf32> to vector<128x1xf32>
      %mul3A_363 = vector.broadcast %add3A_6 : f32 to vector<128x1xf32>
      %mul3A_364 = arith.mulf %slice3A, %mul3A_363 : vector<128x1xf32>
      %slice3A_365 = vector.extract_strided_slice %get3A_362 {offsets = [0, 0], sizes = [128, 1], strides = [1, 1]} : vector<128x8xf32> to vector<128x1xf32>
      %add3A_366 = arith.addf %slice3A_365, %mul3A_364 : vector<128x1xf32>
      %slice3A_367 = vector.extract_strided_slice %get3A_362 {offsets = [0, 1], sizes = [128, 1], strides = [1, 1]} : vector<128x8xf32> to vector<128x1xf32>
      %add3A_368 = arith.addf %slice3A_367, %mul3A_364 : vector<128x1xf32>
      %slice3A_369 = vector.extract_strided_slice %get3A_362 {offsets = [0, 2], sizes = [128, 1], strides = [1, 1]} : vector<128x8xf32> to vector<128x1xf32>
      %add3A_370 = arith.addf %slice3A_369, %mul3A_364 : vector<128x1xf32>
      %slice3A_371 = vector.extract_strided_slice %get3A_362 {offsets = [0, 3], sizes = [128, 1], strides = [1, 1]} : vector<128x8xf32> to vector<128x1xf32>
      %add3A_372 = arith.addf %slice3A_371, %mul3A_364 : vector<128x1xf32>
      %sub3A_373 = arith.subf %add3A_370, %add3A_366 : vector<128x1xf32>
      %sub3A_374 = arith.subf %add3A_372, %add3A_368 : vector<128x1xf32>
      %mul3A_375 = arith.mulf %sub3A_373, %sub3A_374 : vector<128x1xf32>
      %min3A_376 = vector.broadcast %add3A_370 : vector<128x1xf32> to vector<128x640xf32>
      %min3A_377 = vector.broadcast %get3A_317 : vector<1x640xf32> to vector<128x640xf32>
      %min3A_378 = arith.minimumf %min3A_376, %min3A_377 : vector<128x640xf32>
      %max3A = vector.broadcast %add3A_366 : vector<128x1xf32> to vector<128x640xf32>
      %max3A_379 = vector.broadcast %get3A_311 : vector<1x640xf32> to vector<128x640xf32>
      %max3A_380 = arith.maximumf %max3A, %max3A_379 : vector<128x640xf32>
      %sub3A_381 = arith.subf %min3A_378, %max3A_380 : vector<128x640xf32>
      %max3A_382 = arith.constant 0.000000e+00 : f32
      %max3A_383 = vector.broadcast %max3A_382 : f32 to vector<128x640xf32>
      %max3A_384 = arith.maximumf %sub3A_381, %max3A_383 : vector<128x640xf32>
      %min3A_385 = vector.broadcast %add3A_372 : vector<128x1xf32> to vector<128x640xf32>
      %min3A_386 = vector.broadcast %get3A_320 : vector<1x640xf32> to vector<128x640xf32>
      %min3A_387 = arith.minimumf %min3A_385, %min3A_386 : vector<128x640xf32>
      %max3A_388 = vector.broadcast %add3A_368 : vector<128x1xf32> to vector<128x640xf32>
      %max3A_389 = vector.broadcast %get3A_314 : vector<1x640xf32> to vector<128x640xf32>
      %max3A_390 = arith.maximumf %max3A_388, %max3A_389 : vector<128x640xf32>
      %sub3A_391 = arith.subf %min3A_387, %max3A_390 : vector<128x640xf32>
      %mul3A_392 = arith.mulf %max3A_384, %sub3A_391 : vector<128x640xf32>
      %add3A_393 = vector.broadcast %mul3A_375 : vector<128x1xf32> to vector<128x640xf32>
      %add3A_394 = vector.broadcast %get3A_323 : vector<1x640xf32> to vector<128x640xf32>
      %add3A_395 = arith.addf %add3A_393, %add3A_394 : vector<128x640xf32>
      %sub3A_396 = arith.subf %add3A_395, %mul3A_392 : vector<128x640xf32>
      %mul3A_397 = arith.constant 5.000000e-01 : f32
      %mul3A_398 = vector.broadcast %mul3A_397 : f32 to vector<128x640xf32>
      %mul3A_399 = arith.mulf %mul3A_398, %sub3A_396 : vector<128x640xf32>
      %gt3A = arith.cmpf ogt, %mul3A_392, %mul3A_399 : vector<128x640xf32>
      %convert_element_type3A_400 = arith.extui %gt3A : vector<128x640xi1> to vector<128x640xi32>
      %convert_element_type3A_401 = arith.sitofp %convert_element_type3A_400 : vector<128x640xi32> to vector<128x640xf32>
      %get3A_402 = arith.constant 0 : index
      %get3A_403 = arith.index_cast %multiple_of3A : i32 to index
      %get3A_404 = vector.load %arg5[%get3A_402, %get3A_403] : memref<8x5120xf32, #tpu.memory_space<vmem>>, vector<1x128xf32>
      %get3A_405 = arith.constant 1 : index
      %get3A_406 = arith.index_cast %multiple_of3A : i32 to index
      %get3A_407 = vector.load %arg5[%get3A_405, %get3A_406] : memref<8x5120xf32, #tpu.memory_space<vmem>>, vector<1x128xf32>
      %get3A_408 = arith.constant 2 : index
      %get3A_409 = arith.index_cast %multiple_of3A : i32 to index
      %get3A_410 = vector.load %arg5[%get3A_408, %get3A_409] : memref<8x5120xf32, #tpu.memory_space<vmem>>, vector<1x128xf32>
      %get3A_411 = arith.constant 3 : index
      %get3A_412 = arith.index_cast %multiple_of3A : i32 to index
      %get3A_413 = vector.load %arg5[%get3A_411, %get3A_412] : memref<8x5120xf32, #tpu.memory_space<vmem>>, vector<1x128xf32>
      %get3A_414 = arith.constant 4 : index
      %get3A_415 = arith.index_cast %multiple_of3A : i32 to index
      %get3A_416 = vector.load %arg5[%get3A_414, %get3A_415] : memref<8x5120xf32, #tpu.memory_space<vmem>>, vector<1x128xf32>
      %min3A_417 = vector.broadcast %add3A_370 : vector<128x1xf32> to vector<128x128xf32>
      %min3A_418 = vector.broadcast %get3A_410 : vector<1x128xf32> to vector<128x128xf32>
      %min3A_419 = arith.minimumf %min3A_417, %min3A_418 : vector<128x128xf32>
      %max3A_420 = vector.broadcast %add3A_366 : vector<128x1xf32> to vector<128x128xf32>
      %max3A_421 = vector.broadcast %get3A_404 : vector<1x128xf32> to vector<128x128xf32>
      %max3A_422 = arith.maximumf %max3A_420, %max3A_421 : vector<128x128xf32>
      %sub3A_423 = arith.subf %min3A_419, %max3A_422 : vector<128x128xf32>
      %max3A_424 = arith.constant 0.000000e+00 : f32
      %max3A_425 = vector.broadcast %max3A_424 : f32 to vector<128x128xf32>
      %max3A_426 = arith.maximumf %sub3A_423, %max3A_425 : vector<128x128xf32>
      %min3A_427 = vector.broadcast %add3A_372 : vector<128x1xf32> to vector<128x128xf32>
      %min3A_428 = vector.broadcast %get3A_413 : vector<1x128xf32> to vector<128x128xf32>
      %min3A_429 = arith.minimumf %min3A_427, %min3A_428 : vector<128x128xf32>
      %max3A_430 = vector.broadcast %add3A_368 : vector<128x1xf32> to vector<128x128xf32>
      %max3A_431 = vector.broadcast %get3A_407 : vector<1x128xf32> to vector<128x128xf32>
      %max3A_432 = arith.maximumf %max3A_430, %max3A_431 : vector<128x128xf32>
      %sub3A_433 = arith.subf %min3A_429, %max3A_432 : vector<128x128xf32>
      %mul3A_434 = arith.mulf %max3A_426, %sub3A_433 : vector<128x128xf32>
      %add3A_435 = vector.broadcast %mul3A_375 : vector<128x1xf32> to vector<128x128xf32>
      %add3A_436 = vector.broadcast %get3A_416 : vector<1x128xf32> to vector<128x128xf32>
      %add3A_437 = arith.addf %add3A_435, %add3A_436 : vector<128x128xf32>
      %sub3A_438 = arith.subf %add3A_437, %mul3A_434 : vector<128x128xf32>
      %mul3A_439 = arith.constant 5.000000e-01 : f32
      %mul3A_440 = vector.broadcast %mul3A_439 : f32 to vector<128x128xf32>
      %mul3A_441 = arith.mulf %mul3A_440, %sub3A_438 : vector<128x128xf32>
      %gt3A_442 = arith.cmpf ogt, %mul3A_434, %mul3A_441 : vector<128x128xf32>
      %convert_element_type3A_443 = arith.extui %gt3A_442 : vector<128x128xi1> to vector<128x128xi32>
      %convert_element_type3A_444 = arith.sitofp %convert_element_type3A_443 : vector<128x128xi32> to vector<128x128xf32>
      %mul3A_445 = arith.mulf %convert_element_type3A_444, %convert_element_type3A_77 : vector<128x128xf32>
      %get3A_446 = arith.index_cast %while3A_356 : i32 to index
      %get3A_447 = arith.constant 0 : index
      %get3A_448 = vector.load %arg4[%get3A_446, %get3A_447] : memref<40x128xf32, #tpu.memory_space<vmem>>, vector<1x128xf32>
      %while3A_449 = arith.constant true
      %while3A_450:2 = scf.while (%while3A_474 = %get3A_448, %while3A_475 = %while3A_449) : (vector<1x128xf32>, i1) -> (vector<1x128xf32>, i1) {
        scf.condition(%while3A_475) %while3A_474, %while3A_475 : vector<1x128xf32>, i1
      } do {
      ^bb0(%while3A_474: vector<1x128xf32>, %while3A_475: i1):
        %dot_general3A_476 = arith.constant dense<0.000000e+00> : vector<1x128xf32>
        %dot_general3A_477 = tpu.matmul %while3A_474, %mul3A_445, %dot_general3A_476 {dimension_numbers = #tpu.dot_dimension_numbers<[1], [0], [0], [1], [0, 0, 1, 1], [], []>, transpose_lhs_hint = false} : vector<1x128xf32>, vector<128x128xf32>, vector<1x128xf32> -> vector<1x128xf32>
        %lt3A_478 = arith.constant 5.000000e-01 : f32
        %lt3A_479 = vector.broadcast %lt3A_478 : f32 to vector<1x128xf32>
        %lt3A_480 = arith.cmpf olt, %dot_general3A_477, %lt3A_479 : vector<1x128xf32>
        %convert_element_type3A_481 = arith.extui %lt3A_480 : vector<1x128xi1> to vector<1x128xi32>
        %convert_element_type3A_482 = arith.sitofp %convert_element_type3A_481 : vector<1x128xi32> to vector<1x128xf32>
        %mul3A_483 = arith.mulf %get3A_448, %convert_element_type3A_482 : vector<1x128xf32>
        %dot_general3A_484 = arith.constant dense<0.000000e+00> : vector<1x128xf32>
        %dot_general3A_485 = tpu.matmul %mul3A_483, %mul3A_445, %dot_general3A_484 {dimension_numbers = #tpu.dot_dimension_numbers<[1], [0], [0], [1], [0, 0, 1, 1], [], []>, transpose_lhs_hint = false} : vector<1x128xf32>, vector<128x128xf32>, vector<1x128xf32> -> vector<1x128xf32>
        %lt3A_486 = arith.constant 5.000000e-01 : f32
        %lt3A_487 = vector.broadcast %lt3A_486 : f32 to vector<1x128xf32>
        %lt3A_488 = arith.cmpf olt, %dot_general3A_485, %lt3A_487 : vector<1x128xf32>
        %convert_element_type3A_489 = arith.extui %lt3A_488 : vector<1x128xi1> to vector<1x128xi32>
        %convert_element_type3A_490 = arith.sitofp %convert_element_type3A_489 : vector<1x128xi32> to vector<1x128xf32>
        %mul3A_491 = arith.mulf %get3A_448, %convert_element_type3A_490 : vector<1x128xf32>
        %ne3A_492 = arith.cmpf one, %mul3A_491, %mul3A_483 : vector<1x128xf32>
        %reduce_or3A = arith.constant 1.000000e+00 : f32
        %reduce_or3A_493 = arith.constant 0.000000e+00 : f32
        %reduce_or3A_494 = vector.broadcast %reduce_or3A : f32 to vector<1x128xf32>
        %reduce_or3A_495 = vector.broadcast %reduce_or3A_493 : f32 to vector<1x128xf32>
        %reduce_or3A_496 = arith.select %ne3A_492, %reduce_or3A_494, %reduce_or3A_495 : vector<1x128xi1>, vector<1x128xf32>
        %reduce_or3A_497 = vector.shape_cast %reduce_or3A_496 : vector<1x128xf32> to vector<1x1x128xf32>
        %reduce_or3A_498 = arith.constant dense<0xFF800000> : vector<1xf32>
        %reduce_or3A_499 = vector.multi_reduction <maximumf>, %reduce_or3A_497, %reduce_or3A_498 [1, 2] : vector<1x1x128xf32> to vector<1xf32>
        %reduce_or3A_500 = vector.shape_cast %reduce_or3A_499 : vector<1xf32> to vector<1x1x1xf32>
        %reduce_or3A_501 = vector.extract %reduce_or3A_500[0, 0, 0] : f32 from vector<1x1x1xf32>
        %reduce_or3A_502 = arith.constant 0.000000e+00 : f32
        %reduce_or3A_503 = arith.cmpf ogt, %reduce_or3A_501, %reduce_or3A_502 : f32
        scf.yield %mul3A_491, %reduce_or3A_503 : vector<1x128xf32>, i1
      }
      %swap3A_451 = arith.index_cast %while3A_356 : i32 to index
      %swap3A_452 = arith.constant 0 : index
      %swap3A_453 = vector.load %arg4[%swap3A_451, %swap3A_452] : memref<40x128xf32, #tpu.memory_space<vmem>>, vector<1x128xf32>
      tpu.vector_store %arg4[%swap3A_451, %swap3A_452], %while3A_450#0 {strides = array<i32>} : memref<40x128xf32, #tpu.memory_space<vmem>>, vector<1x128xf32>,
      %dot_general3A = arith.constant dense<0.000000e+00> : vector<1x640xf32>
      %dot_general3A_454 = tpu.matmul %while3A_450#0, %convert_element_type3A_401, %dot_general3A {dimension_numbers = #tpu.dot_dimension_numbers<[1], [0], [0], [1], [0, 0, 1, 1], [], []>, transpose_lhs_hint = false} : vector<1x128xf32>, vector<128x640xf32>, vector<1x640xf32> -> vector<1x640xf32>
      %reshape3A = vector.shape_cast %dot_general3A_454 : vector<1x640xf32> to vector<5x128xf32>
      %gt3A_455 = vector.broadcast %while3A_356 : i32 to vector<5x128xi32>
      %gt3A_456 = arith.cmpi sgt, %add3A_327, %gt3A_455 : vector<5x128xi32>
      %gt3A_457 = arith.constant 5.000000e-01 : f32
      %gt3A_458 = vector.broadcast %gt3A_457 : f32 to vector<5x128xf32>
      %gt3A_459 = arith.cmpf ogt, %reshape3A, %gt3A_458 : vector<5x128xf32>
      %and3A_460 = arith.andi %gt3A_456, %gt3A_459 : vector<5x128xi1>
      %convert_element_type3A_461 = arith.extui %and3A_460 : vector<5x128xi1> to vector<5x128xi32>
      %convert_element_type3A_462 = arith.sitofp %convert_element_type3A_461 : vector<5x128xi32> to vector<5x128xf32>
      %get3A_463 = arith.constant 35 : index
      %get3A_464 = arith.constant 0 : index
      %get3A_465 = vector.load %arg4[%get3A_463, %get3A_464] : memref<40x128xf32, #tpu.memory_space<vmem>>, vector<5x128xf32>
      %sub3A_466 = arith.constant 1.000000e+00 : f32
      %sub3A_467 = vector.broadcast %sub3A_466 : f32 to vector<5x128xf32>
      %sub3A_468 = arith.subf %sub3A_467, %convert_element_type3A_462 : vector<5x128xf32>
      %mul3A_469 = arith.mulf %get3A_465, %sub3A_468 : vector<5x128xf32>
      %swap3A_470 = arith.constant 35 : index
      %swap3A_471 = arith.constant 0 : index
      %swap3A_472 = vector.load %arg4[%swap3A_470, %swap3A_471] : memref<40x128xf32, #tpu.memory_space<vmem>>, vector<5x128xf32>
      tpu.vector_store %arg4[%swap3A_470, %swap3A_471], %mul3A_469 {strides = array<i32>} : memref<40x128xf32, #tpu.memory_space<vmem>>, vector<5x128xf32>,
      %while3A_473 = arith.constant 0 : i32
      scf.yield %while3A_473 : i32
    }
    %get3A_340 = arith.constant 0 : index
    %get3A_341 = arith.constant 0 : index
    %get3A_342 = vector.load %arg2[%get3A_340, %get3A_341] : memref<40x128xf32, #tpu.memory_space<vmem>>, vector<40x128xf32>
    %get3A_343 = arith.constant 0 : index
    %get3A_344 = arith.constant 0 : index
    %get3A_345 = vector.load %arg4[%get3A_343, %get3A_344] : memref<40x128xf32, #tpu.memory_space<vmem>>, vector<40x128xf32>
    %mul3A_346 = arith.mulf %get3A_345, %get3A_342 : vector<40x128xf32>
    %ge3A_347 = arith.constant 2.000000e-01 : f32
    %ge3A_348 = vector.broadcast %ge3A_347 : f32 to vector<40x128xf32>
    %ge3A_349 = arith.cmpf oge, %get3A_342, %ge3A_348 : vector<40x128xf32>
    %convert_element_type3A_350 = arith.extui %ge3A_349 : vector<40x128xi1> to vector<40x128xi32>
    %convert_element_type3A_351 = arith.sitofp %convert_element_type3A_350 : vector<40x128xi32> to vector<40x128xf32>
    %mul3A_352 = arith.mulf %mul3A_346, %convert_element_type3A_351 : vector<40x128xf32>
    %swap3A_353 = arith.constant 0 : index
    %swap3A_354 = arith.constant 0 : index
    %swap3A_355 = vector.load %arg3[%swap3A_353, %swap3A_354] : memref<40x128xf32, #tpu.memory_space<vmem>>, vector<40x128xf32>
    tpu.vector_store %arg3[%swap3A_353, %swap3A_354], %mul3A_352 {strides = array<i32>} : memref<40x128xf32, #tpu.memory_space<vmem>>, vector<40x128xf32>,
    return
  }
}

module attributes {stable_mosaic.version = 14 : i64} {
  func.func @_scale_body(%arg0: memref<5120x256xf32, #tpu.memory_space<vmem>>, %arg1: memref<5120x1xf32, #tpu.memory_space<vmem>>, %arg2: memref<5000x256xf32, #tpu.memory_space<vmem>>) attributes {dimension_semantics = [], scalar_prefetch = 0 : i64, scratch_operands = 0 : i64, tpu.core_type = #tpu.core_type<tc>} {
    %get3A = arith.constant 0 : index
    %get3A_0 = arith.constant 0 : index
    %get3A_1 = vector.load %arg0[%get3A, %get3A_0] : memref<5120x256xf32, #tpu.memory_space<vmem>>, vector<5000x256xf32>
    %get3A_2 = arith.constant 0 : index
    %get3A_3 = arith.constant 0 : index
    %get3A_4 = vector.load %arg1[%get3A_2, %get3A_3] : memref<5120x1xf32, #tpu.memory_space<vmem>>, vector<5000x1xf32>
    %mul3A = vector.broadcast %get3A_4 : vector<5000x1xf32> to vector<5000x256xf32>
    %mul3A_5 = arith.mulf %get3A_1, %mul3A : vector<5000x256xf32>
    %swap3A = arith.constant 0 : index
    %swap3A_6 = arith.constant 0 : index
    %swap3A_7 = vector.load %arg2[%swap3A, %swap3A_6] : memref<5000x256xf32, #tpu.memory_space<vmem>>, vector<5000x256xf32>
    tpu.vector_store %arg2[%swap3A, %swap3A_6], %mul3A_5 {strides = array<i32>} : memref<5000x256xf32, #tpu.memory_space<vmem>>, vector<5000x256xf32>,
    return
  }
}

</mosaic_0001>

<sc_bundles>
// kernel: gather_offload_async_start.1
scs
__scs_entry_jumppad:
0x0: {  	(pc) =	sbr.rel $0x88, $3  }
0x1: {  	(tag) =	ssettag $0x0;
	lr =	simm.s32 $0x1  }
0x2: {  	[smem:$0x3F9D] =	sst lr;
	_ =	strace $0xD0000000  }
0x3: {  	_ = 	snop  }
0x4: {  	_ = 	snop  }
0x5: {  	_ = 	snop  }
0x6: {  	_ = 	snop  }
0x7: {  	_ = 	snop  }
__scs_overlays_trampoline_lowered:
0x8: {  	[smem:$0x3FAC] =	sst s0  }
0x9: {  	[smem:$0x3FAD] =	sst s1  }
0xa: {  	[smem:$0x3FAE] =	sst s2  }
0xb: {  	[smem:$0x3FAF] =	sst s3  }
0xc: {  	[smem:$0x3FB0] =	sst s4  }
0xd: {  	[smem:$0x3FB1] =	sst s5  }
0xe: {  	[smem:$0x3FB2] =	sst s6  }
0xf: {  	[smem:$0x3FB3] =	sst s7  }
0x10: {  	[smem:$0x3FB4] =	sst s8  }
0x11: {  	[smem:$0x3FB5] =	sst s9;
	s0 =	simm.s32 @!p0 $0x0  }
0x12: {  	s1 =	sld [smem:$0x3F9B];
	s0 =	simm.s32 @p0 $0x1  }
0x13: {  	[smem:$0x3FB6] =	sst s0;
	s0 =	simm.s32 @!p1 $0x0  }
0x14: {  	s2 =	sld [smem:$0x3F9A];
	s0 =	simm.s32 @p1 $0x1  }
0x15: {  	[smem:$0x3FB7] =	sst s0;
	s0 =	simm.s32 @!p2 $0x0  }
0x16: {  	s3 =	sld [smem:$0x3FDB];
	s0 =	simm.s32 @p2 $0x1  }
0x17: {  	s4 =	simm.s32 $0x1BF5;
	[smem:$0x3FB9] =	sst s0  }
0x18: {  	s0 =	sld [smem:$0x3F9C];
	_ =	swait.ge [sflag:s4], $0x0  }
0x19: {  	s7 =	sld [smem:$0x3F9D]  }
0x1a: {  	s8 =	sadd.s32 $0xFFFFE003, lr  }
0x1b: {  	s9 =	sadd.s32 $0xFFFFFEF7, lr;
	s5 =	simm.s32 $0xFFFFFFFF;
	p2 =	slt.u32 s8, $0xFFFFF086  }
0x1c: {  	p1 =	slt.u32 s9, $0xF7A;
	s5 =	simm.s32 @!p2 $0x0  }
0x1d: {  	s5 =	simm.s32 @p1 $0x1;
	p0 =	seq.s32 s7, s2  }
0x1e: {  	s7 =	smul.u32 @!p0 $0xF7A, s2;
	p2 =	seq.s32 @!p0 s5, $0x0  }
0x1f: {  	s9 =	smul.u32 $0xF7A, s1;
	s8 =	simm.s32 @!p0 $0x1BF5;
	p2 =	por !p2, p0  }
0x20: {  	[sflag:s8] =	ssyncset.s32 @!p0 $0xFFFFF086;
	s6 =	sadd.s32 @!p0 s3, s7;
	s7 =	simm.s32 @!p0 $0x108  }
0x21: {  	s3 =	sadd.s32 s3, s9;
	s6 =	sadd.s32 @!p0 $0x88, s6;
	s7 =	simm.s32 @p2 $0x1082  }
0x22: {  	[simem:s7], [sflag:s8] =	dma.local @!p0 [hbm:s6], $0xF7A  }
0x23: {  	s9 =	sor.u32 $0xD0000000, s2;
	s6 =	simm.s32 $0x108;
	_ =	swait.ge @!p0 [sflag:s8], $0x0  }
0x24: {  	s3 =	sadd.s32 $0x88, s3;
	s6 =	simm.s32 @!p1 $0x1082;
	[sflag:s4] =	ssyncset.s32 $0xFFFFF086  }
0x25: {  	[simem:s6], [sflag:s4] =	dma.local [hbm:s3], $0xF7A  }
0x26: {  	[smem:$0x3F9D] =	sst s1;
	(tag) =	ssettag s2;
	_ =	strace s9  }
0x27: {  	s1 =	sld [smem:$0x3FAD]  }
0x28: {  	s2 =	sld [smem:$0x3FAE]  }
0x29: {  	s4 =	sld [smem:$0x3FB0]  }
0x2a: {  	p0 =	seq.s32 s5, $0x0;
	s5 =	sld [smem:$0x3FB1]  }
0x2b: {  	s6 =	sld [smem:$0x3FB2]  }
0x2c: {  	s7 =	sld [smem:$0x3FB3]  }
0x2d: {  	s3 =	simm.s32 $0x108;
	s8 =	sld [smem:$0x3FB4]  }
0x2e: {  	s3 =	simm.s32 @!p0 $0x1082;
	s9 =	sld [smem:$0x3FB5]  }
0x2f: {  	lr =	sadd.s32 s0, s3;
	s0 =	sld [smem:$0x3FAC]  }
0x30: {  	s3 =	sld [smem:$0x3FAF]  }
0x31: {  	[smem:$0x3FB8] =	sst s10  }
0x32: {  	s10 =	sld [smem:$0x3FB6];
	_ =	sdelay $0x3  }
0x33: {  	p0 =	seq.s32 s10, $0x1;
	s10 =	sld [smem:$0x3FB8];
	_ =	sdelay $0x3  }
0x34: {  	[smem:$0x3FB8] =	sst s10  }
0x35: {  	s10 =	sld [smem:$0x3FB7];
	_ =	sdelay $0x3  }
0x36: {  	p1 =	seq.s32 s10, $0x1;
	s10 =	sld [smem:$0x3FB8];
	_ =	sdelay $0x3  }
0x37: {  	[smem:$0x3FB8] =	sst s10  }
0x38: {  	s10 =	sld [smem:$0x3FB9]  }
0x39: {  	_ = 	snop;
	(pc) =	sbr.ind lr, $3  }
0x3a: {  	_ = 	snop  }
0x3b: {  	_ = 	snop  }
0x3c: {  	p2 =	seq.s32 s10, $0x1;
	s10 =	sld [smem:$0x3FB8]  }
0x3d: {  	_ =	shalt  }
0x3e: {  	_ =	shalt  }
0x3f: {  	_ =	shalt  }
0x40: {  	_ =	shalt  }
0x41: {  	_ =	shalt  }
0x42: {  	_ =	shalt  }
0x43: {  	_ =	shalt  }
0x44: {  	_ =	shalt  }
0x45: {  	_ =	shalt  }
0x46: {  	_ =	shalt  }
0x47: {  	_ =	shalt  }
0x48: {  	_ =	shalt  }
0x49: {  	_ =	shalt  }
0x4a: {  	_ =	shalt  }
0x4b: {  	_ =	shalt  }
0x4c: {  	_ =	shalt  }
0x4d: {  	_ =	shalt  }
0x4e: {  	_ =	shalt  }
0x4f: {  	_ =	shalt  }
0x50: {  	_ =	shalt  }
0x51: {  	_ =	shalt  }
0x52: {  	_ =	shalt  }
0x53: {  	_ =	shalt  }
0x54: {  	_ =	shalt  }
0x55: {  	_ =	shalt  }
0x56: {  	_ =	shalt  }
0x57: {  	_ =	shalt  }
0x58: {  	_ =	shalt  }
0x59: {  	_ =	shalt  }
0x5a: {  	_ =	shalt  }
0x5b: {  	_ =	shalt  }
0x5c: {  	_ =	shalt  }
0x5d: {  	_ =	shalt  }
0x5e: {  	_ =	shalt  }
0x5f: {  	_ =	shalt  }
0x60: {  	_ =	shalt  }
0x61: {  	_ =	shalt  }
0x62: {  	_ =	shalt  }
0x63: {  	_ =	shalt  }
0x64: {  	_ =	shalt  }
0x65: {  	_ =	shalt  }
0x66: {  	_ =	shalt  }
0x67: {  	_ =	shalt  }
0x68: {  	_ =	shalt  }
0x69: {  	_ =	shalt  }
0x6a: {  	_ =	shalt  }
0x6b: {  	_ =	shalt  }
0x6c: {  	_ =	shalt  }
0x6d: {  	_ =	shalt  }
0x6e: {  	_ =	shalt  }
0x6f: {  	_ =	shalt  }
0x70: {  	_ =	shalt  }
0x71: {  	_ =	shalt  }
0x72: {  	_ =	shalt  }
0x73: {  	_ =	shalt  }
0x74: {  	_ =	shalt  }
0x75: {  	_ =	shalt  }
0x76: {  	_ =	shalt  }
0x77: {  	_ =	shalt  }
0x78: {  	_ =	shalt  }
0x79: {  	_ =	shalt  }
0x7a: {  	_ =	shalt  }
0x7b: {  	_ =	shalt  }
0x7c: {  	_ =	shalt  }
0x7d: {  	_ =	shalt  }
0x7e: {  	_ =	shalt  }
0x7f: {  	_ =	shalt  }
0x80: {  	_ =	shalt  }
0x81: {  	_ =	shalt  }
0x82: {  	_ =	shalt  }
0x83: {  	_ =	shalt  }
0x84: {  	_ =	shalt  }
0x85: {  	_ =	shalt  }
0x86: {  	_ =	shalt  }
0x87: {  	_ =	shalt  }
.Lfunc_end0:
.L_simem_size_0:
called_computation.1_lowered:
.L_overlay_start_0:
0x88: {  	s0 =	sld [smem:$0x3FD9]  }
0x89: {  	s1 =	sld [smem:$0x3FFE];
	_ =	sdelay $0x3  }
0x8a: {  	s0 =	sadd.s32 s1, s0  }
0x8b: {  	[smem:$0x3FC4] =	sst s0  }
0x8c: {  	_ = 	snop  }
0x8d: {  	s0 =	sld [smem:$0x3FC8];
	(tm) =	ssettm $0x1  }
0x8e: {  	s16 =	sld [smem:$0x3FFB];
	_ =	sdelay $0x3  }
0x8f: {  	_ =	strace s16  }
0x90: {  	s1 =	sld [smem:$0x3FFC];
	_ =	sdelay $0x3  }
0x91: {  	_ =	strace s1  }
0x92: {  	s1 =	sld [smem:$0x3FFD];
	_ =	sdelay $0x3  }
0x93: {  	_ =	strace s1  }
0x94: {  	_ =	strace $0x8FFFFFFF  }
0x95: {  	s17 =	sld [smem:$0x3FDB];
	_ =	sdelay $0x1  }
0x96: {  	s2 =	simm.s32 $_scs_section_size  }
0x97: {  	s3 =	simm.s32 $_size__tile_overlayer_lowered;
	s4 =	simm.s32 $_tile_overlayer_lowered  }
0x98: {  	s20 =	simm.s32 $0x1BFF;
	s19 =	sshll.u32 s4, $0x1;
	s1 =	sadd.s32 s2, s17  }
0x99: {  	s5 =	simm.s32 $0x0;
	s18 =	sshll.u32 s3, $0x1;
	s3 =	sadd.s32 s19, s1  }
0x9a: {  	[timem:s5], [sflag:s20] =	dma.local [hbm:s3], s18  }
0x9b: {  	_ =	swait.ge [sflag:s20], s18  }
0x9c: {  	s2 =	ssub.s32 $0x0, s18;
	[sflag:s20] =	ssyncset.done $0x0  }
0x9d: {  	[sflag:s20] =	ssyncadd.s32 s2;
	_ =	sdelay $0x1  }
0x9e: {  	s21 =	simm.s32 $0x1B8B  }
0x9f: {  	_ =	swait.ge [sflag:s21], $0x1  }
0xa0: {  	[sflag:s21] =	ssyncset.done $0x0  }
0xa1: {  	s23 =	simm.s32 $0x1B8E;
	s22 =	sld [smem:$0x3FFE];
	[sflag:s21] =	ssyncadd.s32 $0xFFFFFFFF  }
0xa2: {  	s24 =	simm.s32 $execute0_lowered;
	[smem:$0x3FD2] =	sst s23  }
0xa3: {  	s3 =	sshll.u32 s24, $0x1;
	_ =	strace $0x80000049;
	[dreg:$0x1] =	wrdreg $0xFFFFFFFF  }
0xa4: {  	s25 =	simm.s32 $_size_execute0_lowered;
	s1 =	sadd.s32 s1, s3;
	[dreg:$0x0] =	wrdreg $0x0  }
0xa5: {  	s3 =	sshll.u32 s25, $0x1;
	[dreg:$0x2] =	wrdreg s1  }
0xa6: {  	[dreg:$0x3] =	wrdreg s3  }
0xa7: {  	[dreg:$0x4] =	wrdreg $0xC0  }
0xa8: {  	_ =	task [dreg:s5], $0x5FFFF  }
0xa9: {  	[dreg:$0x1] =	wrdreg $0xFFFFFFFF  }
0xaa: {  	[dreg:$0x0] =	wrdreg $0x60  }
0xab: {  	[dreg:$0x2] =	wrdreg s0  }
0xac: {  	[dreg:$0x3] =	wrdreg s22  }
0xad: {  	[dreg:$0x4] =	wrdreg $0xA  }
0xae: {  	_ =	task.clear_ibuf [dreg:s5], $0x5FFFF;
	_ =	strace $0x90000049  }
0xaf: {  	s26 =	simm.s32 $0xA;
	_ =	strace $0x8000004B  }
0xb0: {  	_ =	swait.ge [sflag:s26], $0x1  }
0xb1: {  	[sflag:s26] =	ssyncadd.s32 $0xFFFFFFFF  }
0xb2: {  	_ =	strace $0x9000004B  }
0xb3: {  	_ =	sfence  }
0xb4: {  	s28 =	sld [smem:$0x0];
	_ =	sdelay $0x1  }
0xb5: {  	s29 =	srdreg.scid  }
0xb6: {  	s30 =	sshll.u32 s29, $0xD;
	s31 =	sshrl.u32 s29, $0x2  }
0xb7: {  	s2 =	sand.u32 $0x4000, s30;
	s1 =	sand.u32 $0x1, s29;
	s0 =	sadd.s32 s31, s28  }
0xb8: {  	s1 =	sor.u32 s2, s1;
	s0 =	sshll.u32 s0, $0x11  }
0xb9: {  	s0 =	sor.u32 s0, s1  }
0xba: {  	s0 =	sadd.s32 $0x8F2B, s0  }
0xbb: {  	[sflag:s0] =	ssyncadd.remote.s32 $0x1  }
0xbc: {  	_ =	sfence.sel $0xFFFF  }
0xbd: {  	[dreg:$0x0] =	wrdreg $0xFFFFFFFF;
	(pc) =	sbr.abs _section_cstart, $3  }
0xbe: {  	[dreg:$0x1] =	wrdreg $0xFFFFFFFF  }
0xbf: {  	_ =	task.clear_ibuf [dreg:s5], $0x2FFFF;
	_ =	strace $0x9FFFFFFF  }
0xc0: {  	(tm) =	ssettm $0x7FFFFFFF  }
0xc1: {  	_ =	shalt  }
tec
execute0_lowered:
.L_overlay_start_1:
0x0: {  	(tag) =	ssettag $0x1  }
0x1: {  	s2 =	rddreg [dreg:$0x0]  }
0x2: {  	s3 =	rddreg [dreg:$0x1]  }
0x3: {  	s0 =	rddreg [dreg:$0x2];
	s1 =	stileid.u32  }
0x4: {  	_ =	strace $0x8000004A;
	s6 =	simm.s32 $0x1;
	s8 =	simm.s32 $0x2  }
0x5: {  	s30 =	simm.s32 $0x3;
	s12 =	simm.s32 $0x0;
	s4 =	sshll.u32 s1, $0x4  }
0x6: {  	s9 =	simm.s32 $0x0;
	s10 =	simm.s32 $0x0;
	s7 =	ssub.s32 $0x1380, s4  }
0x7: {  	s5 =	sadd.s32 $0x800, s3;
	[sflag:s6] =	ssyncpa.u1 $0x0;
	s6 =	sshrl.u32 s7, $0x8  }
0x8: {  	[sflag:s8] =	ssyncpa.u1 $0x0;
	s11 =	smov.u32 s4;
	s31 =	sshll.u32 s6, $0x4  }
0x9: {  	[sflag:s30] =	ssyncpa.u1 $0x0;
	s7 =	sadd.s32 $0x2, s6;
	s8 =	sadd.s32 $0x30, s31  }
.LBB2_1:
0xa: {  	p0 =	sgt.u32 s10, s6  }
0xb: {  	s13 =	sxor.u32 @!p0 $0xFFFFFFFF, s9;
	s14 =	sshrl.u32 @!p0 s11, $0x3  }
0xc: {  	s15 =	sand.u32 @!p0 $0x7, s11;
	s13 =	sand.u32 @!p0 $0x10, s13;
	s14 =	sadd.s32 @!p0 s3, s14  }
0xd: {  	[tilespmem:s13], [sflag:$0x2] =	stream.linear.gather @!p0 [hbm4b:s14+s15], $0x10, $0x38;
	[tilespmem:$0x40] =	vst v63  }
0xe: {  	p0 =	seq.s32 s9, $0x0  }
0xf: {  	p1 =	sge.u32 @!p0 s10, s7  }
0x10: {  	p0 =	por p1, p0  }
0x11: {  	s13 =	simm.s32 @!p0 $0x2  }
0x12: {  	_ =	swait.ge @!p0 [sflag:s13], $0x10  }
0x13: {  	[sflag:s13] =	ssyncset.done @!p0 $0x0  }
0x14: {  	[sflag:s13] =	ssyncadd.s32 @!p0 $0xFFFFFFF0;
	s13 =	sand.u32 @!p0 $0x10, s9  }
0x15: {  	(ifvalue) =	ssetifvalue @!p0 $0x7FFFFFFF;
	v0 =	vld.msk @!p0 [tilespmem:s13+$0x0 ss:$0x1], $0xffff;
	_ =	sdelay $0x4  }
0x16: {  	vm0 =	vgt.s32 @!p0 v0, $0x0  }
0x17: {  	v0 =	vnsel @!p0 vm0, $0x0, v0  }
0x18: {  	v0 =	vmin.u32 @!p0 v0, $0x1387;
	_ =	sdelay $0x3  }
0x19: {  	s14 =	simm.s32 @!p0 $0x0;
	s13 =	sor.u32 @!p0 $0x20, s13;
	(ifvalue) =	ssetifvalue @!p0 $0x7FFFFFFF;
	vm0 =	vmmov @!p0 $0xffff  }
0x1a: {  	[tilespmem:s13], [sflag:$0x1] =	stream.indirect_vreg.gather @!p0 [hbm4b:s2+s14], $0x1, v0, vm0, $0x4038;
	[tilespmem:$0x40] =	vst v63  }
0x1b: {  	s14 =	simm.s32 @!p0 $0x1  }
0x1c: {  	_ =	swait.ge @!p0 [sflag:s14], $0x10  }
0x1d: {  	s15 =	sshrl.u32 @!p0 s12, $0x3;
	[sflag:s14] =	ssyncset.done @!p0 $0x0  }
0x1e: {  	s12 =	sand.u32 @!p0 $0x7, s12;
	[sflag:s14] =	ssyncadd.s32 @!p0 $0xFFFFFFF0;
	s14 =	sadd.s32 @!p0 s5, s15  }
0x1f: {  	[hbm4b:s14+s12] =	stream.linear.scatter @!p0 [tilespmem:s13], [sflag:$0x3], $0x10, $0x38;
	[tilespmem:$0x40] =	vst v63  }
0x20: {  	s14 =	sadd.s32 $0x100, s11  }
0x21: {  	s9 =	sadd.s32 $0x10, s9;
	p1 =	sgt.s32 s14, $0x1387  }
0x22: {  	s14 =	smov.u32 @p1 s4;
	p1 =	sne.s32 s8, s9  }
.Ltmp0:
0x23: {  	p0 =	slt.u32 s10, $0x2;
	(pc) =	sbr.rel @p1 .LBB2_1-.Ltmp0, $4  }
0x24: {  	s13 =	simm.s32 @!p0 $0x3  }
0x25: {  	_ =	swait.ge @!p0 [sflag:s13], $0x10  }
0x26: {  	s12 =	smov.u32 s11;
	[sflag:s13] =	ssyncset.done @!p0 $0x0  }
0x27: {  	s10 =	sadd.s32 $0x1, s10;
	s11 =	smov.u32 s14;
	[sflag:s13] =	ssyncadd.s32 @!p0 $0xFFFFFFF0  }
0x28: {  	_ =	sfence.sel $0x180000  }
0x29: {  	s2 =	simm.s32 $0x2;
	[bflag:$0x0] =	sbarrier.arrive $0xFFFF  }
0x2a: {  	s30 =	simm.s32 $0x3;
	[sflag:s2] =	ssyncpa.u1 $0x1  }
0x2b: {  	s31 =	simm.s32 $0x1;
	[sflag:s30] =	ssyncpa.u1 $0x1  }
0x2c: {  	[sflag:s31] =	ssyncpa.u1 $0x1  }
0x2d: {  	p0 =	sne.s32 s1, $0x0;
	_ =	strace $0x9000004A  }
0x2e: {  	s0 =	sadd.s32 @!p0 $0x100000, s0;
	[bflag:$0x2] =	sbarrier.arrive $0xFFFF  }
0x2f: {  	[sflag:s0] =	ssyncadd.tile.s32 @!p0 $0x1;
	_ =	shalt  }
.Lfunc_end2:
_tile_overlayer_lowered:
.L_overlay_start_2:
0x30: {  	(tag) =	ssettag $0x2  }
0x31: {  	s0 =	rddreg [dreg:$0x0];
	s2 =	stileid.u32  }
0x32: {  	s1 =	rddreg [dreg:$0x1];
	p0 =	sne.s32 s2, $0x0  }
0x33: {  	s3 =	rddreg [dreg:$0x2];
	[bflag:$0x3] =	sbarrier.arrive $0xFFFF;
	s2 =	simm.s32 @!p0 $0x1C01  }
0x34: {  	[timem:s3], [sflag:s2] =	dma.local @!p0 [hbm:s0], s1  }
0x35: {  	s0 =	simm.s32 @!p0 $0x1  }
0x36: {  	_ =	swait.ge @!p0 [sflag:s0], s1  }
0x37: {  	s1 =	ssub.s32 @!p0 $0x0, s1;
	[sflag:s0] =	ssyncset.done @!p0 $0x0  }
0x38: {  	[sflag:s0] =	ssyncadd.s32 @!p0 s1  }
0x39: {  	[bflag:$0x3] =	sbarrier.arrive $0xFFFF  }
0x3a: {  	_ =	shalt  }

// kernel: gather_offload_async_start.2
scs
__scs_entry_jumppad:
0x0: {  	(pc) =	sbr.rel $0x88, $3  }
0x1: {  	(tag) =	ssettag $0x0;
	lr =	simm.s32 $0x1  }
0x2: {  	[smem:$0x3F9D] =	sst lr;
	_ =	strace $0xD0000000  }
0x3: {  	_ = 	snop  }
0x4: {  	_ = 	snop  }
0x5: {  	_ = 	snop  }
0x6: {  	_ = 	snop  }
0x7: {  	_ = 	snop  }
__scs_overlays_trampoline_lowered:
0x8: {  	[smem:$0x3FAC] =	sst s0  }
0x9: {  	[smem:$0x3FAD] =	sst s1  }
0xa: {  	[smem:$0x3FAE] =	sst s2  }
0xb: {  	[smem:$0x3FAF] =	sst s3  }
0xc: {  	[smem:$0x3FB0] =	sst s4  }
0xd: {  	[smem:$0x3FB1] =	sst s5  }
0xe: {  	[smem:$0x3FB2] =	sst s6  }
0xf: {  	[smem:$0x3FB3] =	sst s7  }
0x10: {  	[smem:$0x3FB4] =	sst s8  }
0x11: {  	[smem:$0x3FB5] =	sst s9;
	s0 =	simm.s32 @!p0 $0x0  }
0x12: {  	s1 =	sld [smem:$0x3F9B];
	s0 =	simm.s32 @p0 $0x1  }
0x13: {  	[smem:$0x3FB6] =	sst s0;
	s0 =	simm.s32 @!p1 $0x0  }
0x14: {  	s2 =	sld [smem:$0x3F9A];
	s0 =	simm.s32 @p1 $0x1  }
0x15: {  	[smem:$0x3FB7] =	sst s0;
	s0 =	simm.s32 @!p2 $0x0  }
0x16: {  	s3 =	sld [smem:$0x3FDB];
	s0 =	simm.s32 @p2 $0x1  }
0x17: {  	s4 =	simm.s32 $0x1BF5;
	[smem:$0x3FB9] =	sst s0  }
0x18: {  	s0 =	sld [smem:$0x3F9C];
	_ =	swait.ge [sflag:s4], $0x0  }
0x19: {  	s7 =	sld [smem:$0x3F9D]  }
0x1a: {  	s8 =	sadd.s32 $0xFFFFE003, lr  }
0x1b: {  	s9 =	sadd.s32 $0xFFFFFEF7, lr;
	s5 =	simm.s32 $0xFFFFFFFF;
	p2 =	slt.u32 s8, $0xFFFFF086  }
0x1c: {  	p1 =	slt.u32 s9, $0xF7A;
	s5 =	simm.s32 @!p2 $0x0  }
0x1d: {  	s5 =	simm.s32 @p1 $0x1;
	p0 =	seq.s32 s7, s2  }
0x1e: {  	s7 =	smul.u32 @!p0 $0xF7A, s2;
	p2 =	seq.s32 @!p0 s5, $0x0  }
0x1f: {  	s9 =	smul.u32 $0xF7A, s1;
	s8 =	simm.s32 @!p0 $0x1BF5;
	p2 =	por !p2, p0  }
0x20: {  	[sflag:s8] =	ssyncset.s32 @!p0 $0xFFFFF086;
	s6 =	sadd.s32 @!p0 s3, s7;
	s7 =	simm.s32 @!p0 $0x108  }
0x21: {  	s3 =	sadd.s32 s3, s9;
	s6 =	sadd.s32 @!p0 $0x88, s6;
	s7 =	simm.s32 @p2 $0x1082  }
0x22: {  	[simem:s7], [sflag:s8] =	dma.local @!p0 [hbm:s6], $0xF7A  }
0x23: {  	s9 =	sor.u32 $0xD0000000, s2;
	s6 =	simm.s32 $0x108;
	_ =	swait.ge @!p0 [sflag:s8], $0x0  }
0x24: {  	s3 =	sadd.s32 $0x88, s3;
	s6 =	simm.s32 @!p1 $0x1082;
	[sflag:s4] =	ssyncset.s32 $0xFFFFF086  }
0x25: {  	[simem:s6], [sflag:s4] =	dma.local [hbm:s3], $0xF7A  }
0x26: {  	[smem:$0x3F9D] =	sst s1;
	(tag) =	ssettag s2;
	_ =	strace s9  }
0x27: {  	s1 =	sld [smem:$0x3FAD]  }
0x28: {  	s2 =	sld [smem:$0x3FAE]  }
0x29: {  	s4 =	sld [smem:$0x3FB0]  }
0x2a: {  	p0 =	seq.s32 s5, $0x0;
	s5 =	sld [smem:$0x3FB1]  }
0x2b: {  	s6 =	sld [smem:$0x3FB2]  }
0x2c: {  	s7 =	sld [smem:$0x3FB3]  }
0x2d: {  	s3 =	simm.s32 $0x108;
	s8 =	sld [smem:$0x3FB4]  }
0x2e: {  	s3 =	simm.s32 @!p0 $0x1082;
	s9 =	sld [smem:$0x3FB5]  }
0x2f: {  	lr =	sadd.s32 s0, s3;
	s0 =	sld [smem:$0x3FAC]  }
0x30: {  	s3 =	sld [smem:$0x3FAF]  }
0x31: {  	[smem:$0x3FB8] =	sst s10  }
0x32: {  	s10 =	sld [smem:$0x3FB6];
	_ =	sdelay $0x3  }
0x33: {  	p0 =	seq.s32 s10, $0x1;
	s10 =	sld [smem:$0x3FB8];
	_ =	sdelay $0x3  }
0x34: {  	[smem:$0x3FB8] =	sst s10  }
0x35: {  	s10 =	sld [smem:$0x3FB7];
	_ =	sdelay $0x3  }
0x36: {  	p1 =	seq.s32 s10, $0x1;
	s10 =	sld [smem:$0x3FB8];
	_ =	sdelay $0x3  }
0x37: {  	[smem:$0x3FB8] =	sst s10  }
0x38: {  	s10 =	sld [smem:$0x3FB9]  }
0x39: {  	_ = 	snop;
	(pc) =	sbr.ind lr, $3  }
0x3a: {  	_ = 	snop  }
0x3b: {  	_ = 	snop  }
0x3c: {  	p2 =	seq.s32 s10, $0x1;
	s10 =	sld [smem:$0x3FB8]  }
0x3d: {  	_ =	shalt  }
0x3e: {  	_ =	shalt  }
0x3f: {  	_ =	shalt  }
0x40: {  	_ =	shalt  }
0x41: {  	_ =	shalt  }
0x42: {  	_ =	shalt  }
0x43: {  	_ =	shalt  }
0x44: {  	_ =	shalt  }
0x45: {  	_ =	shalt  }
0x46: {  	_ =	shalt  }
0x47: {  	_ =	shalt  }
0x48: {  	_ =	shalt  }
0x49: {  	_ =	shalt  }
0x4a: {  	_ =	shalt  }
0x4b: {  	_ =	shalt  }
0x4c: {  	_ =	shalt  }
0x4d: {  	_ =	shalt  }
0x4e: {  	_ =	shalt  }
0x4f: {  	_ =	shalt  }
0x50: {  	_ =	shalt  }
0x51: {  	_ =	shalt  }
0x52: {  	_ =	shalt  }
0x53: {  	_ =	shalt  }
0x54: {  	_ =	shalt  }
0x55: {  	_ =	shalt  }
0x56: {  	_ =	shalt  }
0x57: {  	_ =	shalt  }
0x58: {  	_ =	shalt  }
0x59: {  	_ =	shalt  }
0x5a: {  	_ =	shalt  }
0x5b: {  	_ =	shalt  }
0x5c: {  	_ =	shalt  }
0x5d: {  	_ =	shalt  }
0x5e: {  	_ =	shalt  }
0x5f: {  	_ =	shalt  }
0x60: {  	_ =	shalt  }
0x61: {  	_ =	shalt  }
0x62: {  	_ =	shalt  }
0x63: {  	_ =	shalt  }
0x64: {  	_ =	shalt  }
0x65: {  	_ =	shalt  }
0x66: {  	_ =	shalt  }
0x67: {  	_ =	shalt  }
0x68: {  	_ =	shalt  }
0x69: {  	_ =	shalt  }
0x6a: {  	_ =	shalt  }
0x6b: {  	_ =	shalt  }
0x6c: {  	_ =	shalt  }
0x6d: {  	_ =	shalt  }
0x6e: {  	_ =	shalt  }
0x6f: {  	_ =	shalt  }
0x70: {  	_ =	shalt  }
0x71: {  	_ =	shalt  }
0x72: {  	_ =	shalt  }
0x73: {  	_ =	shalt  }
0x74: {  	_ =	shalt  }
0x75: {  	_ =	shalt  }
0x76: {  	_ =	shalt  }
0x77: {  	_ =	shalt  }
0x78: {  	_ =	shalt  }
0x79: {  	_ =	shalt  }
0x7a: {  	_ =	shalt  }
0x7b: {  	_ =	shalt  }
0x7c: {  	_ =	shalt  }
0x7d: {  	_ =	shalt  }
0x7e: {  	_ =	shalt  }
0x7f: {  	_ =	shalt  }
0x80: {  	_ =	shalt  }
0x81: {  	_ =	shalt  }
0x82: {  	_ =	shalt  }
0x83: {  	_ =	shalt  }
0x84: {  	_ =	shalt  }
0x85: {  	_ =	shalt  }
0x86: {  	_ =	shalt  }
0x87: {  	_ =	shalt  }
.Lfunc_end0:
.L_simem_size_0:
called_computation.2_lowered:
.L_overlay_start_0:
0x88: {  	s0 =	sld [smem:$0x3FD9]  }
0x89: {  	s1 =	sld [smem:$0x3FFE];
	_ =	sdelay $0x3  }
0x8a: {  	s0 =	sadd.s32 s1, s0  }
0x8b: {  	[smem:$0x3FC4] =	sst s0  }
0x8c: {  	_ = 	snop  }
0x8d: {  	s0 =	sld [smem:$0x3FC7];
	(tm) =	ssettm $0x1  }
0x8e: {  	s16 =	sld [smem:$0x3FFB];
	_ =	sdelay $0x3  }
0x8f: {  	_ =	strace s16  }
0x90: {  	s1 =	sld [smem:$0x3FFC];
	_ =	sdelay $0x3  }
0x91: {  	_ =	strace s1  }
0x92: {  	s1 =	sld [smem:$0x3FFD];
	_ =	sdelay $0x3  }
0x93: {  	_ =	strace s1  }
0x94: {  	_ =	strace $0x8FFFFFFF  }
0x95: {  	s17 =	sld [smem:$0x3FDB];
	_ =	sdelay $0x1  }
0x96: {  	s2 =	simm.s32 $_scs_section_size  }
0x97: {  	s3 =	simm.s32 $_size__tile_overlayer_lowered;
	s4 =	simm.s32 $_tile_overlayer_lowered  }
0x98: {  	s20 =	simm.s32 $0x1BFF;
	s19 =	sshll.u32 s4, $0x1;
	s1 =	sadd.s32 s2, s17  }
0x99: {  	s5 =	simm.s32 $0x0;
	s18 =	sshll.u32 s3, $0x1;
	s3 =	sadd.s32 s19, s1  }
0x9a: {  	[timem:s5], [sflag:s20] =	dma.local [hbm:s3], s18  }
0x9b: {  	_ =	swait.ge [sflag:s20], s18  }
0x9c: {  	s2 =	ssub.s32 $0x0, s18;
	[sflag:s20] =	ssyncset.done $0x0  }
0x9d: {  	[sflag:s20] =	ssyncadd.s32 s2;
	_ =	sdelay $0x1  }
0x9e: {  	s21 =	simm.s32 $0x1B8B  }
0x9f: {  	_ =	swait.ge [sflag:s21], $0x1  }
0xa0: {  	[sflag:s21] =	ssyncset.done $0x0  }
0xa1: {  	s23 =	simm.s32 $0x1B8E;
	s22 =	sld [smem:$0x3FFE];
	[sflag:s21] =	ssyncadd.s32 $0xFFFFFFFF  }
0xa2: {  	s24 =	simm.s32 $execute0_lowered;
	[smem:$0x3FD2] =	sst s23  }
0xa3: {  	s3 =	sshll.u32 s24, $0x1;
	_ =	strace $0x80000046;
	[dreg:$0x1] =	wrdreg $0xFFFFFFFF  }
0xa4: {  	s25 =	simm.s32 $_size_execute0_lowered;
	s1 =	sadd.s32 s1, s3;
	[dreg:$0x0] =	wrdreg $0x0  }
0xa5: {  	s3 =	sshll.u32 s25, $0x1;
	[dreg:$0x2] =	wrdreg s1  }
0xa6: {  	[dreg:$0x3] =	wrdreg s3  }
0xa7: {  	[dreg:$0x4] =	wrdreg $0xC0  }
0xa8: {  	_ =	task [dreg:s5], $0x5FFFF  }
0xa9: {  	[dreg:$0x1] =	wrdreg $0xFFFFFFFF  }
0xaa: {  	[dreg:$0x0] =	wrdreg $0x60  }
0xab: {  	[dreg:$0x2] =	wrdreg s0  }
0xac: {  	[dreg:$0x3] =	wrdreg s22  }
0xad: {  	[dreg:$0x4] =	wrdreg $0xB  }
0xae: {  	_ =	task.clear_ibuf [dreg:s5], $0x5FFFF;
	_ =	strace $0x90000046  }
0xaf: {  	s26 =	simm.s32 $0xB;
	_ =	strace $0x80000048  }
0xb0: {  	_ =	swait.ge [sflag:s26], $0x1  }
0xb1: {  	[sflag:s26] =	ssyncadd.s32 $0xFFFFFFFF  }
0xb2: {  	_ =	strace $0x90000048  }
0xb3: {  	_ =	sfence  }
0xb4: {  	s28 =	sld [smem:$0x0];
	_ =	sdelay $0x1  }
0xb5: {  	s29 =	srdreg.scid  }
0xb6: {  	s30 =	sshll.u32 s29, $0xD;
	s31 =	sshrl.u32 s29, $0x2  }
0xb7: {  	s2 =	sand.u32 $0x4000, s30;
	s1 =	sand.u32 $0x1, s29;
	s0 =	sadd.s32 s31, s28  }
0xb8: {  	s1 =	sor.u32 s2, s1;
	s0 =	sshll.u32 s0, $0x11  }
0xb9: {  	s0 =	sor.u32 s0, s1  }
0xba: {  	s0 =	sadd.s32 $0x8F2B, s0  }
0xbb: {  	[sflag:s0] =	ssyncadd.remote.s32 $0x1  }
0xbc: {  	_ =	sfence.sel $0xFFFF  }
0xbd: {  	[dreg:$0x0] =	wrdreg $0xFFFFFFFF;
	(pc) =	sbr.abs _section_cstart, $3  }
0xbe: {  	[dreg:$0x1] =	wrdreg $0xFFFFFFFF  }
0xbf: {  	_ =	task.clear_ibuf [dreg:s5], $0x2FFFF;
	_ =	strace $0x9FFFFFFF  }
0xc0: {  	(tm) =	ssettm $0x7FFFFFFF  }
0xc1: {  	_ =	shalt  }
tec
execute0_lowered:
.L_overlay_start_1:
0x0: {  	(tag) =	ssettag $0x1  }
0x1: {  	s2 =	rddreg [dreg:$0x0]  }
0x2: {  	s3 =	rddreg [dreg:$0x1]  }
0x3: {  	s0 =	rddreg [dreg:$0x2];
	s1 =	stileid.u32  }
0x4: {  	_ =	strace $0x80000047;
	s6 =	simm.s32 $0x1;
	s8 =	simm.s32 $0x2  }
0x5: {  	s30 =	simm.s32 $0x3;
	s12 =	simm.s32 $0x0;
	s4 =	sshll.u32 s1, $0x4  }
0x6: {  	s9 =	simm.s32 $0x0;
	s10 =	simm.s32 $0x0;
	s7 =	ssub.s32 $0x1380, s4  }
0x7: {  	s5 =	sadd.s32 $0x400, s3;
	[sflag:s6] =	ssyncpa.u1 $0x0;
	s6 =	sshrl.u32 s7, $0x8  }
0x8: {  	[sflag:s8] =	ssyncpa.u1 $0x0;
	s11 =	smov.u32 s4;
	s31 =	sshll.u32 s6, $0x4  }
0x9: {  	[sflag:s30] =	ssyncpa.u1 $0x0;
	s7 =	sadd.s32 $0x2, s6;
	s8 =	sadd.s32 $0x30, s31  }
.LBB2_1:
0xa: {  	p0 =	sgt.u32 s10, s6  }
0xb: {  	s13 =	sxor.u32 @!p0 $0xFFFFFFFF, s9;
	s14 =	sshrl.u32 @!p0 s11, $0x3  }
0xc: {  	s15 =	sand.u32 @!p0 $0x7, s11;
	s13 =	sand.u32 @!p0 $0x10, s13;
	s14 =	sadd.s32 @!p0 s3, s14  }
0xd: {  	[tilespmem:s13], [sflag:$0x2] =	stream.linear.gather @!p0 [hbm4b:s14+s15], $0x10, $0x38;
	[tilespmem:$0x40] =	vst v63  }
0xe: {  	p0 =	seq.s32 s9, $0x0  }
0xf: {  	p1 =	sge.u32 @!p0 s10, s7  }
0x10: {  	p0 =	por p1, p0  }
0x11: {  	s13 =	simm.s32 @!p0 $0x2  }
0x12: {  	_ =	swait.ge @!p0 [sflag:s13], $0x10  }
0x13: {  	[sflag:s13] =	ssyncset.done @!p0 $0x0  }
0x14: {  	[sflag:s13] =	ssyncadd.s32 @!p0 $0xFFFFFFF0;
	s13 =	sand.u32 @!p0 $0x10, s9  }
0x15: {  	(ifvalue) =	ssetifvalue @!p0 $0x7FFFFFFF;
	v0 =	vld.msk @!p0 [tilespmem:s13+$0x0 ss:$0x1], $0xffff;
	_ =	sdelay $0x4  }
0x16: {  	vm0 =	vgt.s32 @!p0 v0, $0x0  }
0x17: {  	v0 =	vnsel @!p0 vm0, $0x0, v0  }
0x18: {  	v0 =	vmin.u32 @!p0 v0, $0x1387;
	_ =	sdelay $0x3  }
0x19: {  	s14 =	simm.s32 @!p0 $0x0;
	s13 =	sor.u32 @!p0 $0x20, s13;
	(ifvalue) =	ssetifvalue @!p0 $0x7FFFFFFF;
	vm0 =	vmmov @!p0 $0xffff  }
0x1a: {  	[tilespmem:s13], [sflag:$0x1] =	stream.indirect_vreg.gather @!p0 [hbm4b:s2+s14], $0x1, v0, vm0, $0x4038;
	[tilespmem:$0x40] =	vst v63  }
0x1b: {  	s14 =	simm.s32 @!p0 $0x1  }
0x1c: {  	_ =	swait.ge @!p0 [sflag:s14], $0x10  }
0x1d: {  	s15 =	sshrl.u32 @!p0 s12, $0x3;
	[sflag:s14] =	ssyncset.done @!p0 $0x0  }
0x1e: {  	s12 =	sand.u32 @!p0 $0x7, s12;
	[sflag:s14] =	ssyncadd.s32 @!p0 $0xFFFFFFF0;
	s14 =	sadd.s32 @!p0 s5, s15  }
0x1f: {  	[hbm4b:s14+s12] =	stream.linear.scatter @!p0 [tilespmem:s13], [sflag:$0x3], $0x10, $0x38;
	[tilespmem:$0x40] =	vst v63  }
0x20: {  	s14 =	sadd.s32 $0x100, s11  }
0x21: {  	s9 =	sadd.s32 $0x10, s9;
	p1 =	sgt.s32 s14, $0x1387  }
0x22: {  	s14 =	smov.u32 @p1 s4;
	p1 =	sne.s32 s8, s9  }
.Ltmp0:
0x23: {  	p0 =	slt.u32 s10, $0x2;
	(pc) =	sbr.rel @p1 .LBB2_1-.Ltmp0, $4  }
0x24: {  	s13 =	simm.s32 @!p0 $0x3  }
0x25: {  	_ =	swait.ge @!p0 [sflag:s13], $0x10  }
0x26: {  	s12 =	smov.u32 s11;
	[sflag:s13] =	ssyncset.done @!p0 $0x0  }
0x27: {  	s10 =	sadd.s32 $0x1, s10;
	s11 =	smov.u32 s14;
	[sflag:s13] =	ssyncadd.s32 @!p0 $0xFFFFFFF0  }
0x28: {  	_ =	sfence.sel $0x180000  }
0x29: {  	s2 =	simm.s32 $0x2;
	[bflag:$0x0] =	sbarrier.arrive $0xFFFF  }
0x2a: {  	s30 =	simm.s32 $0x3;
	[sflag:s2] =	ssyncpa.u1 $0x1  }
0x2b: {  	s31 =	simm.s32 $0x1;
	[sflag:s30] =	ssyncpa.u1 $0x1  }
0x2c: {  	[sflag:s31] =	ssyncpa.u1 $0x1  }
0x2d: {  	p0 =	sne.s32 s1, $0x0;
	_ =	strace $0x90000047  }
0x2e: {  	s0 =	sadd.s32 @!p0 $0x100000, s0;
	[bflag:$0x2] =	sbarrier.arrive $0xFFFF  }
0x2f: {  	[sflag:s0] =	ssyncadd.tile.s32 @!p0 $0x1;
	_ =	shalt  }
.Lfunc_end2:
_tile_overlayer_lowered:
.L_overlay_start_2:
0x30: {  	(tag) =	ssettag $0x2  }
0x31: {  	s0 =	rddreg [dreg:$0x0];
	s2 =	stileid.u32  }
0x32: {  	s1 =	rddreg [dreg:$0x1];
	p0 =	sne.s32 s2, $0x0  }
0x33: {  	s3 =	rddreg [dreg:$0x2];
	[bflag:$0x3] =	sbarrier.arrive $0xFFFF;
	s2 =	simm.s32 @!p0 $0x1C01  }
0x34: {  	[timem:s3], [sflag:s2] =	dma.local @!p0 [hbm:s0], s1  }
0x35: {  	s0 =	simm.s32 @!p0 $0x1  }
0x36: {  	_ =	swait.ge @!p0 [sflag:s0], s1  }
0x37: {  	s1 =	ssub.s32 @!p0 $0x0, s1;
	[sflag:s0] =	ssyncset.done @!p0 $0x0  }
0x38: {  	[sflag:s0] =	ssyncadd.s32 @!p0 s1  }
0x39: {  	[bflag:$0x3] =	sbarrier.arrive $0xFFFF  }
0x3a: {  	_ =	shalt  }

// kernel: gather_offload_async_start
scs
__scs_entry_jumppad:
0x0: {  	(pc) =	sbr.rel $0x88, $3  }
0x1: {  	(tag) =	ssettag $0x0;
	lr =	simm.s32 $0x1  }
0x2: {  	[smem:$0x3F9D] =	sst lr;
	_ =	strace $0xD0000000  }
0x3: {  	_ = 	snop  }
0x4: {  	_ = 	snop  }
0x5: {  	_ = 	snop  }
0x6: {  	_ = 	snop  }
0x7: {  	_ = 	snop  }
__scs_overlays_trampoline_lowered:
0x8: {  	[smem:$0x3FAC] =	sst s0  }
0x9: {  	[smem:$0x3FAD] =	sst s1  }
0xa: {  	[smem:$0x3FAE] =	sst s2  }
0xb: {  	[smem:$0x3FAF] =	sst s3  }
0xc: {  	[smem:$0x3FB0] =	sst s4  }
0xd: {  	[smem:$0x3FB1] =	sst s5  }
0xe: {  	[smem:$0x3FB2] =	sst s6  }
0xf: {  	[smem:$0x3FB3] =	sst s7  }
0x10: {  	[smem:$0x3FB4] =	sst s8  }
0x11: {  	[smem:$0x3FB5] =	sst s9;
	s0 =	simm.s32 @!p0 $0x0  }
0x12: {  	s1 =	sld [smem:$0x3F9B];
	s0 =	simm.s32 @p0 $0x1  }
0x13: {  	[smem:$0x3FB6] =	sst s0;
	s0 =	simm.s32 @!p1 $0x0  }
0x14: {  	s2 =	sld [smem:$0x3F9A];
	s0 =	simm.s32 @p1 $0x1  }
0x15: {  	[smem:$0x3FB7] =	sst s0;
	s0 =	simm.s32 @!p2 $0x0  }
0x16: {  	s3 =	sld [smem:$0x3FDB];
	s0 =	simm.s32 @p2 $0x1  }
0x17: {  	s4 =	simm.s32 $0x1BF5;
	[smem:$0x3FB9] =	sst s0  }
0x18: {  	s0 =	sld [smem:$0x3F9C];
	_ =	swait.ge [sflag:s4], $0x0  }
0x19: {  	s7 =	sld [smem:$0x3F9D]  }
0x1a: {  	s8 =	sadd.s32 $0xFFFFE003, lr  }
0x1b: {  	s9 =	sadd.s32 $0xFFFFFEF7, lr;
	s5 =	simm.s32 $0xFFFFFFFF;
	p2 =	slt.u32 s8, $0xFFFFF086  }
0x1c: {  	p1 =	slt.u32 s9, $0xF7A;
	s5 =	simm.s32 @!p2 $0x0  }
0x1d: {  	s5 =	simm.s32 @p1 $0x1;
	p0 =	seq.s32 s7, s2  }
0x1e: {  	s7 =	smul.u32 @!p0 $0xF7A, s2;
	p2 =	seq.s32 @!p0 s5, $0x0  }
0x1f: {  	s9 =	smul.u32 $0xF7A, s1;
	s8 =	simm.s32 @!p0 $0x1BF5;
	p2 =	por !p2, p0  }
0x20: {  	[sflag:s8] =	ssyncset.s32 @!p0 $0xFFFFF086;
	s6 =	sadd.s32 @!p0 s3, s7;
	s7 =	simm.s32 @!p0 $0x108  }
0x21: {  	s3 =	sadd.s32 s3, s9;
	s6 =	sadd.s32 @!p0 $0x88, s6;
	s7 =	simm.s32 @p2 $0x1082  }
0x22: {  	[simem:s7], [sflag:s8] =	dma.local @!p0 [hbm:s6], $0xF7A  }
0x23: {  	s9 =	sor.u32 $0xD0000000, s2;
	s6 =	simm.s32 $0x108;
	_ =	swait.ge @!p0 [sflag:s8], $0x0  }
0x24: {  	s3 =	sadd.s32 $0x88, s3;
	s6 =	simm.s32 @!p1 $0x1082;
	[sflag:s4] =	ssyncset.s32 $0xFFFFF086  }
0x25: {  	[simem:s6], [sflag:s4] =	dma.local [hbm:s3], $0xF7A  }
0x26: {  	[smem:$0x3F9D] =	sst s1;
	(tag) =	ssettag s2;
	_ =	strace s9  }
0x27: {  	s1 =	sld [smem:$0x3FAD]  }
0x28: {  	s2 =	sld [smem:$0x3FAE]  }
0x29: {  	s4 =	sld [smem:$0x3FB0]  }
0x2a: {  	p0 =	seq.s32 s5, $0x0;
	s5 =	sld [smem:$0x3FB1]  }
0x2b: {  	s6 =	sld [smem:$0x3FB2]  }
0x2c: {  	s7 =	sld [smem:$0x3FB3]  }
0x2d: {  	s3 =	simm.s32 $0x108;
	s8 =	sld [smem:$0x3FB4]  }
0x2e: {  	s3 =	simm.s32 @!p0 $0x1082;
	s9 =	sld [smem:$0x3FB5]  }
0x2f: {  	lr =	sadd.s32 s0, s3;
	s0 =	sld [smem:$0x3FAC]  }
0x30: {  	s3 =	sld [smem:$0x3FAF]  }
0x31: {  	[smem:$0x3FB8] =	sst s10  }
0x32: {  	s10 =	sld [smem:$0x3FB6];
	_ =	sdelay $0x3  }
0x33: {  	p0 =	seq.s32 s10, $0x1;
	s10 =	sld [smem:$0x3FB8];
	_ =	sdelay $0x3  }
0x34: {  	[smem:$0x3FB8] =	sst s10  }
0x35: {  	s10 =	sld [smem:$0x3FB7];
	_ =	sdelay $0x3  }
0x36: {  	p1 =	seq.s32 s10, $0x1;
	s10 =	sld [smem:$0x3FB8];
	_ =	sdelay $0x3  }
0x37: {  	[smem:$0x3FB8] =	sst s10  }
0x38: {  	s10 =	sld [smem:$0x3FB9]  }
0x39: {  	_ = 	snop;
	(pc) =	sbr.ind lr, $3  }
0x3a: {  	_ = 	snop  }
0x3b: {  	_ = 	snop  }
0x3c: {  	p2 =	seq.s32 s10, $0x1;
	s10 =	sld [smem:$0x3FB8]  }
0x3d: {  	_ =	shalt  }
0x3e: {  	_ =	shalt  }
0x3f: {  	_ =	shalt  }
0x40: {  	_ =	shalt  }
0x41: {  	_ =	shalt  }
0x42: {  	_ =	shalt  }
0x43: {  	_ =	shalt  }
0x44: {  	_ =	shalt  }
0x45: {  	_ =	shalt  }
0x46: {  	_ =	shalt  }
0x47: {  	_ =	shalt  }
0x48: {  	_ =	shalt  }
0x49: {  	_ =	shalt  }
0x4a: {  	_ =	shalt  }
0x4b: {  	_ =	shalt  }
0x4c: {  	_ =	shalt  }
0x4d: {  	_ =	shalt  }
0x4e: {  	_ =	shalt  }
0x4f: {  	_ =	shalt  }
0x50: {  	_ =	shalt  }
0x51: {  	_ =	shalt  }
0x52: {  	_ =	shalt  }
0x53: {  	_ =	shalt  }
0x54: {  	_ =	shalt  }
0x55: {  	_ =	shalt  }
0x56: {  	_ =	shalt  }
0x57: {  	_ =	shalt  }
0x58: {  	_ =	shalt  }
0x59: {  	_ =	shalt  }
0x5a: {  	_ =	shalt  }
0x5b: {  	_ =	shalt  }
0x5c: {  	_ =	shalt  }
0x5d: {  	_ =	shalt  }
0x5e: {  	_ =	shalt  }
0x5f: {  	_ =	shalt  }
0x60: {  	_ =	shalt  }
0x61: {  	_ =	shalt  }
0x62: {  	_ =	shalt  }
0x63: {  	_ =	shalt  }
0x64: {  	_ =	shalt  }
0x65: {  	_ =	shalt  }
0x66: {  	_ =	shalt  }
0x67: {  	_ =	shalt  }
0x68: {  	_ =	shalt  }
0x69: {  	_ =	shalt  }
0x6a: {  	_ =	shalt  }
0x6b: {  	_ =	shalt  }
0x6c: {  	_ =	shalt  }
0x6d: {  	_ =	shalt  }
0x6e: {  	_ =	shalt  }
0x6f: {  	_ =	shalt  }
0x70: {  	_ =	shalt  }
0x71: {  	_ =	shalt  }
0x72: {  	_ =	shalt  }
0x73: {  	_ =	shalt  }
0x74: {  	_ =	shalt  }
0x75: {  	_ =	shalt  }
0x76: {  	_ =	shalt  }
0x77: {  	_ =	shalt  }
0x78: {  	_ =	shalt  }
0x79: {  	_ =	shalt  }
0x7a: {  	_ =	shalt  }
0x7b: {  	_ =	shalt  }
0x7c: {  	_ =	shalt  }
0x7d: {  	_ =	shalt  }
0x7e: {  	_ =	shalt  }
0x7f: {  	_ =	shalt  }
0x80: {  	_ =	shalt  }
0x81: {  	_ =	shalt  }
0x82: {  	_ =	shalt  }
0x83: {  	_ =	shalt  }
0x84: {  	_ =	shalt  }
0x85: {  	_ =	shalt  }
0x86: {  	_ =	shalt  }
0x87: {  	_ =	shalt  }
.Lfunc_end0:
.L_simem_size_0:
called_computation_lowered:
.L_overlay_start_0:
0x88: {  	s0 =	sld [smem:$0x3FD9]  }
0x89: {  	s1 =	sld [smem:$0x3FFE];
	_ =	sdelay $0x3  }
0x8a: {  	s0 =	sadd.s32 s1, s0  }
0x8b: {  	[smem:$0x3FC4] =	sst s0  }
0x8c: {  	_ = 	snop  }
0x8d: {  	s0 =	sld [smem:$0x3FD0];
	(tm) =	ssettm $0x1  }
0x8e: {  	s16 =	sld [smem:$0x3FFB];
	_ =	sdelay $0x3  }
0x8f: {  	_ =	strace s16  }
0x90: {  	s1 =	sld [smem:$0x3FFC];
	_ =	sdelay $0x3  }
0x91: {  	_ =	strace s1  }
0x92: {  	s1 =	sld [smem:$0x3FFD];
	_ =	sdelay $0x3  }
0x93: {  	_ =	strace s1  }
0x94: {  	_ =	strace $0x8FFFFFFF  }
0x95: {  	s17 =	sld [smem:$0x3FDB];
	_ =	sdelay $0x1  }
0x96: {  	s2 =	simm.s32 $_scs_section_size  }
0x97: {  	s3 =	simm.s32 $_size__tile_overlayer_lowered;
	s4 =	simm.s32 $_tile_overlayer_lowered  }
0x98: {  	s20 =	simm.s32 $0x1BFF;
	s19 =	sshll.u32 s4, $0x1;
	s1 =	sadd.s32 s2, s17  }
0x99: {  	s5 =	simm.s32 $0x0;
	s18 =	sshll.u32 s3, $0x1;
	s3 =	sadd.s32 s19, s1  }
0x9a: {  	[timem:s5], [sflag:s20] =	dma.local [hbm:s3], s18  }
0x9b: {  	_ =	swait.ge [sflag:s20], s18  }
0x9c: {  	s2 =	ssub.s32 $0x0, s18;
	[sflag:s20] =	ssyncset.done $0x0  }
0x9d: {  	[sflag:s20] =	ssyncadd.s32 s2;
	_ =	sdelay $0x1  }
0x9e: {  	s21 =	simm.s32 $0x1B8B  }
0x9f: {  	_ =	swait.ge [sflag:s21], $0x1  }
0xa0: {  	[sflag:s21] =	ssyncset.done $0x0  }
0xa1: {  	s23 =	simm.s32 $0x1B8E;
	s22 =	sld [smem:$0x3FFE];
	[sflag:s21] =	ssyncadd.s32 $0xFFFFFFFF  }
0xa2: {  	s24 =	simm.s32 $execute0_lowered;
	[smem:$0x3FD2] =	sst s23  }
0xa3: {  	s3 =	sshll.u32 s24, $0x1;
	_ =	strace $0x8000004C;
	[dreg:$0x1] =	wrdreg $0xFFFFFFFF  }
0xa4: {  	s25 =	simm.s32 $_size_execute0_lowered;
	s1 =	sadd.s32 s1, s3;
	[dreg:$0x0] =	wrdreg $0x0  }
0xa5: {  	s3 =	sshll.u32 s25, $0x1;
	[dreg:$0x2] =	wrdreg s1  }
0xa6: {  	[dreg:$0x3] =	wrdreg s3  }
0xa7: {  	[dreg:$0x4] =	wrdreg $0xC0  }
0xa8: {  	_ =	task [dreg:s5], $0x5FFFF  }
0xa9: {  	[dreg:$0x1] =	wrdreg $0xFFFFFFFF  }
0xaa: {  	[dreg:$0x0] =	wrdreg $0x60  }
0xab: {  	[dreg:$0x2] =	wrdreg s0  }
0xac: {  	[dreg:$0x3] =	wrdreg s22  }
0xad: {  	[dreg:$0x4] =	wrdreg $0x9  }
0xae: {  	_ =	task.clear_ibuf [dreg:s5], $0x5FFFF;
	_ =	strace $0x9000004C  }
0xaf: {  	s26 =	simm.s32 $0x9;
	_ =	strace $0x8000004E  }
0xb0: {  	_ =	swait.ge [sflag:s26], $0x1  }
0xb1: {  	[sflag:s26] =	ssyncadd.s32 $0xFFFFFFFF  }
0xb2: {  	_ =	strace $0x9000004E  }
0xb3: {  	_ =	sfence  }
0xb4: {  	s28 =	sld [smem:$0x0];
	_ =	sdelay $0x1  }
0xb5: {  	s29 =	srdreg.scid  }
0xb6: {  	s30 =	sshll.u32 s29, $0xD;
	s31 =	sshrl.u32 s29, $0x2  }
0xb7: {  	s2 =	sand.u32 $0x4000, s30;
	s1 =	sand.u32 $0x1, s29;
	s0 =	sadd.s32 s31, s28  }
0xb8: {  	s1 =	sor.u32 s2, s1;
	s0 =	sshll.u32 s0, $0x11  }
0xb9: {  	s0 =	sor.u32 s0, s1  }
0xba: {  	s0 =	sadd.s32 $0x8F2B, s0  }
0xbb: {  	[sflag:s0] =	ssyncadd.remote.s32 $0x1  }
0xbc: {  	_ =	sfence.sel $0xFFFF  }
0xbd: {  	[dreg:$0x0] =	wrdreg $0xFFFFFFFF;
	(pc) =	sbr.abs _section_cstart, $3  }
0xbe: {  	[dreg:$0x1] =	wrdreg $0xFFFFFFFF  }
0xbf: {  	_ =	task.clear_ibuf [dreg:s5], $0x2FFFF;
	_ =	strace $0x9FFFFFFF  }
0xc0: {  	(tm) =	ssettm $0x7FFFFFFF  }
0xc1: {  	_ =	shalt  }
tec
execute0_lowered:
.L_overlay_start_1:
0x0: {  	(tag) =	ssettag $0x1  }
0x1: {  	s0 =	stileid.u32  }
0x2: {  	s1 =	smin.u32 s0, $0x9  }
0x3: {  	s1 =	sadd.s32 s0, s1  }
0x4: {  	s2 =	simm.s32 $0x190;
	p0 =	slt.u32 s0, $0x9;
	s1 =	smul.u32 $0xC8, s1  }
0x5: {  	s2 =	simm.s32 @!p0 $0xC8  }
0x6: {  	s2 =	sadd.s32 s2, s1  }
0x7: {  	s3 =	smin.u32 s2, $0x1388  }
0x8: {  	s7 =	ssub.s32 s3, s1  }
0x9: {  	p0 =	sgt.s32 s7, $0x0  }
0xa: {  	s7 =	simm.s32 @!p0 $0x0  }
0xb: {  	s31 =	sand.u32 $0xFFF8, s7  }
0xc: {  	s2 =	sshrl.u32 s31, $0x3  }
0xd: {  	s4 =	rddreg [dreg:$0x0];
	s2 =	smul.u32 $0x147B, s2  }
0xe: {  	s5 =	rddreg [dreg:$0x1]  }
0xf: {  	s6 =	simm.s32 $0x1;
	s10 =	simm.s32 $0x3;
	s8 =	sshrl.u32 s2, $0x11  }
0x10: {  	s13 =	simm.s32 $0x0;
	s12 =	simm.s32 $0x0;
	s9 =	smul.u32 $0xC8, s8  }
.Ltmp0:
0x11: {  	s11 =	smov.u32 s1;
	s2 =	rddreg [dreg:$0x2];
	(pc) =	sbr.rel .LBB2_1-.Ltmp0, $4  }
0x12: {  	_ =	strace $0x8000004D;
	p0 =	sne.s32 s7, s9;
	s9 =	simm.s32 $0x1  }
0x13: {  	[sflag:s6] =	ssyncpa.u1 $0x0;
	s7 =	simm.s32 $0x2;
	s9 =	simm.s32 @!p0 $0x0  }
0x14: {  	[sflag:s7] =	ssyncpa.u1 $0x0;
	p0 =	por $0x0, $0x0;
	s8 =	sadd.s32 s8, s9  }
0x15: {  	vm0 =	vmmov $0xff;
	vm1 =	vcmask $0x3F20;
	s9 =	sadd.s32 $0xC00, s5;
	[sflag:s10] =	ssyncpa.u1 $0x0;
	s10 =	sadd.s32 $0x1, s8  }
.LBB2_6:
0x16: {  	[hbm:s17] =	stream.linear.scatter [tilespmem:s14], [sflag:$0x3], $0x400, $0x38;
	[tilespmem:$0xC990] =	vst v63  }
.LBB2_7:
0x17: {  	s13 =	sadd.s32 $0xC8, s11  }
0x18: {  	s15 =	smov.u32 s1;
	p2 =	slt.s32 s13, s3  }
0x19: {  	s15 =	smov.u32 @p2 s13;
	p2 =	sne.s32 s12, s10  }
.Ltmp1:
0x1a: {  	p1 =	slt.u32 s12, $0x2;
	(pc) =	sbr.rel @!p2 .LBB2_8-.Ltmp1, $4  }
0x1b: {  	s14 =	simm.s32 @!p1 $0x3  }
0x1c: {  	s16 =	sadd.s32 $0x1, s12;
	_ =	swait.ge @!p1 [sflag:s14], $0x6400  }
0x1d: {  	p0 =	por !p0, !p0;
	s13 =	smov.u32 s11;
	[sflag:s14] =	ssyncset.done @!p1 $0x0  }
0x1e: {  	s12 =	smov.u32 s16;
	s11 =	smov.u32 s15;
	[sflag:s14] =	ssyncadd.s32 @!p1 $0xFFFF9C00  }
.LBB2_1:
0x1f: {  	p1 =	sge.u32 s12, s8  }
0x20: {  	s14 =	sxor.u32 @!p1 $0xFFFFFFFF, s12  }
0x21: {  	s14 =	sand.u32 @!p1 $0x1, s14  }
0x22: {  	s14 =	smul.u32 @!p1 $0x320, s14  }
0x23: {  	s31 =	sadd.s32 $0xFFFFFFFF, s12;
	s15 =	sshrl.u32 @!p1 s11, $0x3  }
0x24: {  	s16 =	sand.u32 @!p1 $0x7, s11;
	s15 =	sadd.s32 @!p1 s5, s15;
	s14 =	sshrl.u32 @!p1 s14, $0x2  }
0x25: {  	[tilespmem:s14], [sflag:$0x2] =	stream.linear.gather @!p1 [hbm4b:s15+s16], $0xC8, $0x38;
	[tilespmem:$0xC990] =	vst v63  }
0x26: {  	p1 =	sge.u32 s31, s8  }
.Ltmp2:
0x27: {  	_ = 	snop;
	(pc) =	sbr.rel @p1 .LBB2_7-.Ltmp2, $1  }
0x28: {  	_ =	sdelay $0x3  }
0x29: {  	s14 =	simm.s32 $0x1  }
0x2a: {  	s14 =	simm.s32 @!p0 $0x0  }
0x2b: {  	s15 =	smul.u32 $0x320, s14  }
0x2c: {  	_ =	swait.ge [sflag:s7], $0xC8  }
0x2d: {  	[sflag:s7] =	ssyncset.done $0x0;
	s16 =	sshrl.u32 s15, $0x2  }
0x2e: {  	[sflag:s7] =	ssyncadd.s32 $0xFFFFFF38;
	s15 =	sadd.s32 $0x0, s16  }
0x2f: {  	v0 =	vld.msk [tilespmem:s15+$0x0 ss:$0x1], $0xffff;
	_ =	sdelay $0x4  }
0x30: {  	vm2 =	vgt.s32 v0, $0x0  }
0x31: {  	v0 =	vnsel vm2, $0x0, v0  }
0x32: {  	v0 =	vmin.u32 v0, $0x1387  }
0x33: {  	v0 =	vshll.u32 v0, $0x4  }
0x34: {  	s14 =	smul.u32 $0x19000, s14  }
0x35: {  	s31 =	sand.u32 $0x1, s12  }
0x36: {  	s17 =	smul.u32 $0x320, s31;
	s14 =	sshrl.u32 s14, $0x2  }
0x37: {  	s19 =	smul.u32 $0x19000, s31;
	s14 =	sor.u32 $0x190, s14  }
0x38: {  	[tilespmem:s14], [sflag:$0x1] =	stream.indirect_vreg.gather [hbm:s4], $0x80, v0, vm0, $0x38;
	[tilespmem:$0xC990] =	vst v63  }
0x39: {  	s18 =	sshrl.u32 s17, $0x2;
	s20 =	sadd.s32 $0x10, s16;
	s15 =	sadd.s32 $0x400, s14  }
0x3a: {  	[tilespmem:s15], [sflag:$0x1] =	stream.indirect_vreg.gather [hbm:s4], $0x80, v0, vm1, $0x38;
	[tilespmem:$0xC990] =	vst v63  }
0x3b: {  	s17 =	sshrl.u32 s19, $0x2;
	s19 =	smov.u32 s14;
	v0 =	vld.msk [tilespmem:s20+$0x0 ss:$0x1], $0xffff;
	s20 =	simm.s32 $0x80  }
.LBB2_3:
0x3c: {  	p1 =	sne.s32 s20, $0x2C0;
	_ =	sdelay $0x4  }
0x3d: {  	vm2 =	vgt.s32 v0, $0x0  }
0x3e: {  	v0 =	vnsel vm2, $0x0, v0  }
0x3f: {  	v0 =	vmin.u32 v0, $0x1387  }
0x40: {  	v0 =	vshll.u32 v0, $0x4;
	_ =	sdelay $0x3  }
.Ltmp3:
0x41: {  	s21 =	sshra.s32 s20, $0x2;
	s19 =	sadd.s32 $0x800, s19;
	(pc) =	sbr.rel @p1 .LBB2_3-.Ltmp3, $4  }
0x42: {  	[tilespmem:s19], [sflag:$0x1] =	stream.indirect_vreg.gather [hbm:s4], $0x80, v0, vm0, $0x38;
	[tilespmem:$0xC990] =	vst v63  }
0x43: {  	s21 =	sadd.s32 s21, s16;
	s22 =	sadd.s32 $0x400, s19  }
0x44: {  	[tilespmem:s22], [sflag:$0x1] =	stream.indirect_vreg.gather [hbm:s4], $0x80, v0, vm1, $0x38;
	[tilespmem:$0xC990] =	vst v63  }
0x45: {  	s20 =	sadd.s32 $0x40, s20;
	v0 =	vld.msk [tilespmem:s21+$0x0 ss:$0x1], $0xffff  }
0x46: {  	_ =	sdelay $0x3  }
0x47: {  	vm2 =	vgt.s32 v0, $0x0  }
0x48: {  	v0 =	vnsel vm2, $0x0, v0  }
0x49: {  	v0 =	vmin.u32 v0, $0x1387  }
0x4a: {  	v0 =	vshll.u32 v0, $0x4;
	_ =	sdelay $0x3  }
0x4b: {  	s16 =	sadd.s32 $0x800, s19  }
0x4c: {  	[tilespmem:s16], [sflag:$0x1] =	stream.indirect_vreg.gather [hbm:s4], $0x80, v0, vm0, $0x38;
	[tilespmem:$0xC990] =	vst v63  }
0x4d: {  	s16 =	sadd.s32 $0x400, s16  }
0x4e: {  	[tilespmem:s16], [sflag:$0x1] =	stream.indirect_vreg.gather [hbm:s4], $0x80, v0, vm1, $0x38;
	[tilespmem:$0xC990] =	vst v63  }
0x4f: {  	v0 =	vld.msk [tilespmem:s18+$0xC0 ss:$0x1], $0xff;
	_ =	sdelay $0x4  }
0x50: {  	vm2 =	vgt.s32 v0, $0x0  }
0x51: {  	v0 =	vnsel vm2, $0x0, v0  }
0x52: {  	v0 =	vmin.u32 v0, $0x1387  }
0x53: {  	v0 =	vshll.u32 v0, $0x4;
	_ =	sdelay $0x3  }
0x54: {  	s31 =	sadd.s32 $0x6190, s17  }
0x55: {  	[tilespmem:s31], [sflag:$0x1] =	stream.indirect_vreg.gather [hbm:s4], $0x80, v0, vm0, $0x38;
	[tilespmem:$0xC990] =	vst v63  }
0x56: {  	s13 =	sshll.u32 s13, $0x4;
	_ =	swait.ge [sflag:s6], $0x6400  }
0x57: {  	s13 =	sadd.s32 s13, s9;
	[sflag:s6] =	ssyncset.done $0x0  }
0x58: {  	s17 =	sadd.s32 $0x0, s13;
	s16 =	simm.s32 $0x80;
	[sflag:s6] =	ssyncadd.s32 $0xFFFF9C00  }
.LBB2_5:
0x59: {  	[hbm:s17] =	stream.linear.scatter [tilespmem:s14], [sflag:$0x3], $0x400, $0x38;
	[tilespmem:$0xC990] =	vst v63  }
0x5a: {  	s17 =	smov.u32 s16;
	s14 =	smov.u32 s15;
	p1 =	sne.s32 s16, $0xC00  }
.Ltmp4:
0x5b: {  	s16 =	sadd.s32 $0x80, s16;
	(pc) =	sbr.rel @p1 .LBB2_5-.Ltmp4, $2  }
0x5c: {  	_ =	sdelay $0x2  }
0x5d: {  	s15 =	sadd.s32 $0x400, s15;
	s17 =	sadd.s32 s17, s13  }
.Ltmp5:
0x5e: {  	_ = 	snop;
	(pc) =	sbr.rel .LBB2_6-.Ltmp5, $1  }
0x5f: {  	_ =	sdelay $0x3  }
.LBB2_8:
0x60: {  	_ =	sfence.sel $0x180000  }
0x61: {  	s1 =	simm.s32 $0x2;
	[bflag:$0x0] =	sbarrier.arrive $0xFFFF  }
0x62: {  	s30 =	simm.s32 $0x3;
	[sflag:s1] =	ssyncpa.u1 $0x1  }
0x63: {  	s31 =	simm.s32 $0x1;
	[sflag:s30] =	ssyncpa.u1 $0x1  }
0x64: {  	[sflag:s31] =	ssyncpa.u1 $0x1  }
0x65: {  	p0 =	sne.s32 s0, $0x0;
	_ =	strace $0x9000004D  }
0x66: {  	s0 =	sadd.s32 @!p0 $0x100000, s2;
	[bflag:$0x2] =	sbarrier.arrive $0xFFFF  }
0x67: {  	[sflag:s0] =	ssyncadd.tile.s32 @!p0 $0x1;
	_ =	shalt  }
.Lfunc_end2:
_tile_overlayer_lowered:
.L_overlay_start_2:
0x68: {  	(tag) =	ssettag $0x2  }
0x69: {  	s0 =	rddreg [dreg:$0x0];
	s2 =	stileid.u32  }
0x6a: {  	s1 =	rddreg [dreg:$0x1];
	p0 =	sne.s32 s2, $0x0  }
0x6b: {  	s3 =	rddreg [dreg:$0x2];
	[bflag:$0x3] =	sbarrier.arrive $0xFFFF;
	s2 =	simm.s32 @!p0 $0x1C01  }
0x6c: {  	[timem:s3], [sflag:s2] =	dma.local @!p0 [hbm:s0], s1  }
0x6d: {  	s0 =	simm.s32 @!p0 $0x1  }
0x6e: {  	_ =	swait.ge @!p0 [sflag:s0], s1  }
0x6f: {  	s1 =	ssub.s32 @!p0 $0x0, s1;
	[sflag:s0] =	ssyncset.done @!p0 $0x0  }
0x70: {  	[sflag:s0] =	ssyncadd.s32 @!p0 s1  }
0x71: {  	[bflag:$0x3] =	sbarrier.arrive $0xFFFF  }
0x72: {  	_ =	shalt  }

// kernel: kernel.5.cloned.1.call-start
scs
__scs_entry_jumppad:
0x0: {  	(pc) =	sbr.rel $0x88, $3  }
0x1: {  	(tag) =	ssettag $0x0;
	lr =	simm.s32 $0x1  }
0x2: {  	[smem:$0x3F9D] =	sst lr;
	_ =	strace $0xD0000000  }
0x3: {  	_ = 	snop  }
0x4: {  	_ = 	snop  }
0x5: {  	_ = 	snop  }
0x6: {  	_ = 	snop  }
0x7: {  	_ = 	snop  }
__scs_overlays_trampoline_lowered:
0x8: {  	[smem:$0x3FAC] =	sst s0  }
0x9: {  	[smem:$0x3FAD] =	sst s1  }
0xa: {  	[smem:$0x3FAE] =	sst s2  }
0xb: {  	[smem:$0x3FAF] =	sst s3  }
0xc: {  	[smem:$0x3FB0] =	sst s4  }
0xd: {  	[smem:$0x3FB1] =	sst s5  }
0xe: {  	[smem:$0x3FB2] =	sst s6  }
0xf: {  	[smem:$0x3FB3] =	sst s7  }
0x10: {  	[smem:$0x3FB4] =	sst s8  }
0x11: {  	[smem:$0x3FB5] =	sst s9;
	s0 =	simm.s32 @!p0 $0x0  }
0x12: {  	s1 =	sld [smem:$0x3F9B];
	s0 =	simm.s32 @p0 $0x1  }
0x13: {  	[smem:$0x3FB6] =	sst s0;
	s0 =	simm.s32 @!p1 $0x0  }
0x14: {  	s2 =	sld [smem:$0x3F9A];
	s0 =	simm.s32 @p1 $0x1  }
0x15: {  	[smem:$0x3FB7] =	sst s0;
	s0 =	simm.s32 @!p2 $0x0  }
0x16: {  	s3 =	sld [smem:$0x3FDB];
	s0 =	simm.s32 @p2 $0x1  }
0x17: {  	s4 =	simm.s32 $0x1BF5;
	[smem:$0x3FB9] =	sst s0  }
0x18: {  	s0 =	sld [smem:$0x3F9C];
	_ =	swait.ge [sflag:s4], $0x0  }
0x19: {  	s7 =	sld [smem:$0x3F9D]  }
0x1a: {  	s8 =	sadd.s32 $0xFFFFE003, lr  }
0x1b: {  	s9 =	sadd.s32 $0xFFFFFEF7, lr;
	s5 =	simm.s32 $0xFFFFFFFF;
	p2 =	slt.u32 s8, $0xFFFFF086  }
0x1c: {  	p1 =	slt.u32 s9, $0xF7A;
	s5 =	simm.s32 @!p2 $0x0  }
0x1d: {  	s5 =	simm.s32 @p1 $0x1;
	p0 =	seq.s32 s7, s2  }
0x1e: {  	s7 =	smul.u32 @!p0 $0xF7A, s2;
	p2 =	seq.s32 @!p0 s5, $0x0  }
0x1f: {  	s9 =	smul.u32 $0xF7A, s1;
	s8 =	simm.s32 @!p0 $0x1BF5;
	p2 =	por !p2, p0  }
0x20: {  	[sflag:s8] =	ssyncset.s32 @!p0 $0xFFFFF086;
	s6 =	sadd.s32 @!p0 s3, s7;
	s7 =	simm.s32 @!p0 $0x108  }
0x21: {  	s3 =	sadd.s32 s3, s9;
	s6 =	sadd.s32 @!p0 $0x88, s6;
	s7 =	simm.s32 @p2 $0x1082  }
0x22: {  	[simem:s7], [sflag:s8] =	dma.local @!p0 [hbm:s6], $0xF7A  }
0x23: {  	s9 =	sor.u32 $0xD0000000, s2;
	s6 =	simm.s32 $0x108;
	_ =	swait.ge @!p0 [sflag:s8], $0x0  }
0x24: {  	s3 =	sadd.s32 $0x88, s3;
	s6 =	simm.s32 @!p1 $0x1082;
	[sflag:s4] =	ssyncset.s32 $0xFFFFF086  }
0x25: {  	[simem:s6], [sflag:s4] =	dma.local [hbm:s3], $0xF7A  }
0x26: {  	[smem:$0x3F9D] =	sst s1;
	(tag) =	ssettag s2;
	_ =	strace s9  }
0x27: {  	s1 =	sld [smem:$0x3FAD]  }
0x28: {  	s2 =	sld [smem:$0x3FAE]  }
0x29: {  	s4 =	sld [smem:$0x3FB0]  }
0x2a: {  	p0 =	seq.s32 s5, $0x0;
	s5 =	sld [smem:$0x3FB1]  }
0x2b: {  	s6 =	sld [smem:$0x3FB2]  }
0x2c: {  	s7 =	sld [smem:$0x3FB3]  }
0x2d: {  	s3 =	simm.s32 $0x108;
	s8 =	sld [smem:$0x3FB4]  }
0x2e: {  	s3 =	simm.s32 @!p0 $0x1082;
	s9 =	sld [smem:$0x3FB5]  }
0x2f: {  	lr =	sadd.s32 s0, s3;
	s0 =	sld [smem:$0x3FAC]  }
0x30: {  	s3 =	sld [smem:$0x3FAF]  }
0x31: {  	[smem:$0x3FB8] =	sst s10  }
0x32: {  	s10 =	sld [smem:$0x3FB6];
	_ =	sdelay $0x3  }
0x33: {  	p0 =	seq.s32 s10, $0x1;
	s10 =	sld [smem:$0x3FB8];
	_ =	sdelay $0x3  }
0x34: {  	[smem:$0x3FB8] =	sst s10  }
0x35: {  	s10 =	sld [smem:$0x3FB7];
	_ =	sdelay $0x3  }
0x36: {  	p1 =	seq.s32 s10, $0x1;
	s10 =	sld [smem:$0x3FB8];
	_ =	sdelay $0x3  }
0x37: {  	[smem:$0x3FB8] =	sst s10  }
0x38: {  	s10 =	sld [smem:$0x3FB9]  }
0x39: {  	_ = 	snop;
	(pc) =	sbr.ind lr, $3  }
0x3a: {  	_ = 	snop  }
0x3b: {  	_ = 	snop  }
0x3c: {  	p2 =	seq.s32 s10, $0x1;
	s10 =	sld [smem:$0x3FB8]  }
0x3d: {  	_ =	shalt  }
0x3e: {  	_ =	shalt  }
0x3f: {  	_ =	shalt  }
0x40: {  	_ =	shalt  }
0x41: {  	_ =	shalt  }
0x42: {  	_ =	shalt  }
0x43: {  	_ =	shalt  }
0x44: {  	_ =	shalt  }
0x45: {  	_ =	shalt  }
0x46: {  	_ =	shalt  }
0x47: {  	_ =	shalt  }
0x48: {  	_ =	shalt  }
0x49: {  	_ =	shalt  }
0x4a: {  	_ =	shalt  }
0x4b: {  	_ =	shalt  }
0x4c: {  	_ =	shalt  }
0x4d: {  	_ =	shalt  }
0x4e: {  	_ =	shalt  }
0x4f: {  	_ =	shalt  }
0x50: {  	_ =	shalt  }
0x51: {  	_ =	shalt  }
0x52: {  	_ =	shalt  }
0x53: {  	_ =	shalt  }
0x54: {  	_ =	shalt  }
0x55: {  	_ =	shalt  }
0x56: {  	_ =	shalt  }
0x57: {  	_ =	shalt  }
0x58: {  	_ =	shalt  }
0x59: {  	_ =	shalt  }
0x5a: {  	_ =	shalt  }
0x5b: {  	_ =	shalt  }
0x5c: {  	_ =	shalt  }
0x5d: {  	_ =	shalt  }
0x5e: {  	_ =	shalt  }
0x5f: {  	_ =	shalt  }
0x60: {  	_ =	shalt  }
0x61: {  	_ =	shalt  }
0x62: {  	_ =	shalt  }
0x63: {  	_ =	shalt  }
0x64: {  	_ =	shalt  }
0x65: {  	_ =	shalt  }
0x66: {  	_ =	shalt  }
0x67: {  	_ =	shalt  }
0x68: {  	_ =	shalt  }
0x69: {  	_ =	shalt  }
0x6a: {  	_ =	shalt  }
0x6b: {  	_ =	shalt  }
0x6c: {  	_ =	shalt  }
0x6d: {  	_ =	shalt  }
0x6e: {  	_ =	shalt  }
0x6f: {  	_ =	shalt  }
0x70: {  	_ =	shalt  }
0x71: {  	_ =	shalt  }
0x72: {  	_ =	shalt  }
0x73: {  	_ =	shalt  }
0x74: {  	_ =	shalt  }
0x75: {  	_ =	shalt  }
0x76: {  	_ =	shalt  }
0x77: {  	_ =	shalt  }
0x78: {  	_ =	shalt  }
0x79: {  	_ =	shalt  }
0x7a: {  	_ =	shalt  }
0x7b: {  	_ =	shalt  }
0x7c: {  	_ =	shalt  }
0x7d: {  	_ =	shalt  }
0x7e: {  	_ =	shalt  }
0x7f: {  	_ =	shalt  }
0x80: {  	_ =	shalt  }
0x81: {  	_ =	shalt  }
0x82: {  	_ =	shalt  }
0x83: {  	_ =	shalt  }
0x84: {  	_ =	shalt  }
0x85: {  	_ =	shalt  }
0x86: {  	_ =	shalt  }
0x87: {  	_ =	shalt  }
.Lfunc_end0:
.L_simem_size_0:
called_computation.3_lowered:
.L_overlay_start_0:
0x88: {  	s2 =	sld [smem:$0x3FD9]  }
0x89: {  	s3 =	sld [smem:$0x3FFE];
	_ =	sdelay $0x1  }
0x8a: {  	s1 =	srdreg.scid  }
0x8b: {  	s0 =	sand.u32 $0x1, s1  }
0x8c: {  	s17 =	sshll.u32 s0, $0xA;
	s2 =	sadd.s32 s3, s2  }
0x8d: {  	s2 =	sadd.s32 s2, s17  }
0x8e: {  	[smem:$0x3FC4] =	sst s2  }
0x8f: {  	_ = 	snop  }
0x90: {  	s18 =	sld [smem:$0x3FC6];
	(tm) =	ssettm $0x1  }
0x91: {  	s19 =	sld [smem:$0x3FFB];
	_ =	sdelay $0x3  }
0x92: {  	_ =	strace s19  }
0x93: {  	s2 =	sld [smem:$0x3FFC];
	_ =	sdelay $0x3  }
0x94: {  	_ =	strace s2  }
0x95: {  	s2 =	sld [smem:$0x3FFD];
	_ =	sdelay $0x3  }
0x96: {  	_ =	strace s2  }
0x97: {  	_ =	strace $0x8FFFFFFF  }
0x98: {  	s20 =	sld [smem:$0x3FDB];
	_ =	sdelay $0x1  }
0x99: {  	s4 =	simm.s32 $_scs_section_size  }
0x9a: {  	s5 =	simm.s32 $_size__tile_overlayer_lowered;
	s6 =	simm.s32 $_tile_overlayer_lowered  }
0x9b: {  	s7 =	simm.s32 $0x1BFF;
	s21 =	sshll.u32 s6, $0x1;
	s4 =	sadd.s32 s4, s20  }
0x9c: {  	s22 =	simm.s32 $0x0;
	s5 =	sshll.u32 s5, $0x1;
	s6 =	sadd.s32 s21, s4  }
0x9d: {  	[timem:s22], [sflag:s7] =	dma.local [hbm:s6], s5  }
0x9e: {  	_ =	swait.ge [sflag:s7], s5  }
0x9f: {  	s5 =	ssub.s32 $0x0, s5;
	[sflag:s7] =	ssyncset.done $0x0  }
0xa0: {  	[sflag:s7] =	ssyncadd.s32 s5;
	_ =	sdelay $0x1  }
0xa1: {  	s23 =	simm.s32 $0x1B8B  }
0xa2: {  	_ =	swait.ge [sflag:s23], $0x1  }
0xa3: {  	[sflag:s23] =	ssyncset.done $0x0  }
0xa4: {  	[sflag:s23] =	ssyncadd.s32 $0xFFFFFFFF  }
0xa5: {  	s5 =	sld [smem:$0x0]  }
0xa6: {  	s6 =	sand.u32 $0xFFFFFFFE, s1  }
0xa7: {  	p0 =	sne.s32 s1, s6  }
0xa8: {  	s6 =	sshll.u32 @p0 s6, $0xE  }
0xa9: {  	s6 =	sadd.s32 @p0 $0x11B8D, s6;
	s7 =	sshll.u32 @p0 s5, $0x11  }
0xaa: {  	s6 =	sor.u32 @p0 s7, s6  }
0xab: {  	[sflag:s6] =	ssyncadd.remote.s32 @p0 $0x1;
	_ =	sdelay $0x1  }
0xac: {  	s6 =	simm.s32 @p0 $0x1B8D  }
0xad: {  	_ =	swait.eq @p0 [sflag:s6], $0x1  }
0xae: {  	[sflag:s6] =	ssyncadd.s32 @p0 $0xFFFFFFFF  }
0xaf: {  	s7 =	sshll.u32 @!p0 s1, $0xE  }
0xb0: {  	s7 =	sor.u32 @!p0 $0x4000, s7;
	s6 =	simm.s32 @!p0 $0x1B8D  }
0xb1: {  	s5 =	sshll.u32 @!p0 s5, $0x11;
	s7 =	sadd.s32 @!p0 $0x11B8D, s7;
	_ =	swait.eq @!p0 [sflag:s6], $0x1  }
0xb2: {  	s5 =	sor.u32 @!p0 s5, s7;
	[sflag:s6] =	ssyncadd.s32 @!p0 $0xFFFFFFFF  }
0xb3: {  	s25 =	simm.s32 $0x1B8E;
	s24 =	sld [smem:$0x3FFE];
	[sflag:s5] =	ssyncadd.remote.s32 @!p0 $0x1  }
0xb4: {  	s26 =	simm.s32 $execute0_lowered;
	[smem:$0x3FD2] =	sst s25  }
0xb5: {  	s6 =	sshll.u32 s26, $0x1;
	_ =	strace $0x8000004F;
	[dreg:$0x1] =	wrdreg $0xFFFFFFFF  }
0xb6: {  	s28 =	simm.s32 $_size_execute0_lowered;
	s4 =	sadd.s32 s4, s6;
	[dreg:$0x0] =	wrdreg $0x0  }
0xb7: {  	s6 =	sshll.u32 s28, $0x1;
	[dreg:$0x2] =	wrdreg s4  }
0xb8: {  	[dreg:$0x3] =	wrdreg s6  }
0xb9: {  	[dreg:$0x4] =	wrdreg $0xC0  }
0xba: {  	_ =	task [dreg:s22], $0x5FFFF  }
0xbb: {  	[dreg:$0x1] =	wrdreg $0xFFFFFFFF  }
0xbc: {  	[dreg:$0x0] =	wrdreg $0x60  }
0xbd: {  	[dreg:$0x2] =	wrdreg s18  }
0xbe: {  	[dreg:$0x3] =	wrdreg s24  }
0xbf: {  	[dreg:$0x4] =	wrdreg $0xC  }
0xc0: {  	_ =	task.clear_ibuf [dreg:s22], $0x5FFFF;
	_ =	strace $0x9000004F  }
0xc1: {  	s29 =	simm.s32 $0xC;
	_ =	strace $0x80000051  }
0xc2: {  	_ =	swait.ge [sflag:s29], $0x1  }
0xc3: {  	[sflag:s29] =	ssyncadd.s32 $0xFFFFFFFF  }
0xc4: {  	_ =	strace $0x90000051  }
0xc5: {  	_ =	sfence  }
0xc6: {  	s30 =	sld [smem:$0x0];
	_ =	sdelay $0x2  }
0xc7: {  	s31 =	sshll.u32 s1, $0xD;
	s1 =	sshrl.u32 s1, $0x2  }
0xc8: {  	s4 =	sand.u32 $0x4000, s31;
	s1 =	sadd.s32 s1, s30  }
0xc9: {  	s0 =	sor.u32 s4, s0;
	s1 =	sshll.u32 s1, $0x11  }
0xca: {  	s0 =	sor.u32 s1, s0  }
0xcb: {  	s0 =	sadd.s32 $0x8F2B, s0  }
0xcc: {  	[sflag:s0] =	ssyncadd.remote.s32 $0x1  }
0xcd: {  	_ =	sfence.sel $0xFFFF  }
0xce: {  	[dreg:$0x0] =	wrdreg $0xFFFFFFFF;
	(pc) =	sbr.abs _section_cstart, $3  }
0xcf: {  	[dreg:$0x1] =	wrdreg $0xFFFFFFFF  }
0xd0: {  	_ =	task.clear_ibuf [dreg:s22], $0x2FFFF;
	_ =	strace $0x9FFFFFFF  }
0xd1: {  	(tm) =	ssettm $0x7FFFFFFF  }
tec
execute0_lowered:
.L_overlay_start_1:
0x0: {  	(tag) =	ssettag $0x1  }
0x1: {  	s1 =	srdreg.scid;
	s2 =	rddreg [dreg:$0x0]  }
0x2: {  	s0 =	stileid.u32;
	s5 =	rddreg [dreg:$0x1]  }
0x3: {  	s3 =	simm.s32 $0x0;
	s9 =	simm.s32 $0x900;
	s10 =	simm.s32 $0x1100  }
0x4: {  	s11 =	simm.s32 $0x1900;
	s12 =	simm.s32 $0x2100;
	s13 =	simm.s32 $0x2900  }
0x5: {  	s14 =	simm.s32 $0x3100;
	s15 =	simm.s32 $0x3900;
	s16 =	simm.s32 $0x4100  }
0x6: {  	s17 =	simm.s32 $0x4900;
	s18 =	simm.s32 $0x5100;
	s19 =	simm.s32 $0x5900  }
0x7: {  	s20 =	simm.s32 $0x6100;
	s21 =	simm.s32 $0x6900;
	s22 =	simm.s32 $0x7100  }
0x8: {  	s23 =	simm.s32 $0x7900;
	s24 =	simm.s32 $0x8100;
	s25 =	simm.s32 $0x8900  }
0x9: {  	s26 =	simm.s32 $0x9100;
	s4 =	sand.u32 $0x1, s1;
	s30 =	sshll.u32 s0, $0x1  }
0xa: {  	s28 =	simm.s32 $0x9900;
	s29 =	simm.s32 $0x1;
	s6 =	sor.u32 s4, s30  }
0xb: {  	s1 =	rddreg [dreg:$0x2];
	s4 =	ssub.s32 $0x2, s4;
	s7 =	smul.u32 $0x14, s6  }
0xc: {  	[smem:$0x7FF] =	sst s3;
	s6 =	smul.u32 $0x1400, s6;
	s8 =	sshrl.u32 s4, $0x1  }
0xd: {  	v2 =	vlaneseq.u32;
	_ =	strace $0x80000050;
	s31 =	ssub.s32 s4, s8;
	s8 =	simm.s32 $0x100  }
0xe: {  	vm0 =	vmmov $0xffff;
	v1 =	vshrl.u32 v2, $0x3;
	s7 =	sadd.s32 s7, s5;
	s5 =	sadd.s32 s6, s5;
	s6 =	smax.u32 s31, $0x1  }
0xf: {  	v0 =	vand.u32 $0x7, v2;
	v2 =	vor.u32 $0x8, v2;
	v1 =	vmul.u32 $0x8, v1;
	s4 =	sadd.s32 $0x14600, s7;
	s5 =	sadd.s32 $0x14A00, s5;
	s7 =	simm.s32 $0x2  }
.LBB2_1:
0x10: {  	[tilespmem:s3], [sflag:$0x2] =	stream.linear.gather [hbm4b:s4+s3], $0xA0, $0x38;
	[tilespmem:$0xA100] =	vst v63  }
0x11: {  	_ =	swait.ge [sflag:s7], $0xA0  }
0x12: {  	[sflag:s7] =	ssyncset.done $0x0  }
0x13: {  	[sflag:s7] =	ssyncadd.s32 $0xFFFFFF60  }
0x14: {  	v3 =	vld [tilespmem:$0x0];
	_ =	sdelay $0x4  }
0x15: {  	v4 =	vshll.u32 v3, $0x1  }
0x16: {  	v3 =	vand.u32 $0x7, v3;
	v4 =	vand.u32 $0xFFFFFFF0, v4  }
0x17: {  	v3 =	vor.u32 v3, v4  }
0x18: {  	v4 =	vperm.xlane v3, v0;
	_ =	sdelay $0x1  }
0x19: {  	v3 =	vperm.xlane v3, v2;
	v4 =	vadd.s32 v1, v4;
	_ =	sdelay $0x1  }
0x1a: {  	v3 =	vadd.s32 v1, v3;
	_ =	sdelay $0x2  }
0x1b: {  	[tilespmem:s8], [sflag:$0x1] =	stream.indirect_vreg.gather [hbm4b:s2+s3], $0x80, v4, vm0, $0xb8;
	[tilespmem:$0xA100] =	vst v63  }
0x1c: {  	_ = 	snop  }
0x1d: {  	[tilespmem:s9], [sflag:$0x1] =	stream.indirect_vreg.gather [hbm4b:s2+s3], $0x80, v3, vm0, $0xb8;
	[tilespmem:$0xA100] =	vst v63  }
0x1e: {  	v3 =	vld [tilespmem:$0x10];
	_ =	sdelay $0x4  }
0x1f: {  	v55 =	vshll.u32 v3, $0x1  }
0x20: {  	v3 =	vand.u32 $0x7, v3;
	v4 =	vand.u32 $0xFFFFFFF0, v55  }
0x21: {  	v3 =	vor.u32 v3, v4  }
0x22: {  	v4 =	vperm.xlane v3, v0;
	_ =	sdelay $0x1  }
0x23: {  	v3 =	vperm.xlane v3, v2;
	v4 =	vadd.s32 v1, v4;
	_ =	sdelay $0x1  }
0x24: {  	v3 =	vadd.s32 v1, v3;
	_ =	sdelay $0x2  }
0x25: {  	[tilespmem:s10], [sflag:$0x1] =	stream.indirect_vreg.gather [hbm4b:s2+s3], $0x80, v4, vm0, $0xb8;
	[tilespmem:$0xA100] =	vst v63  }
0x26: {  	_ = 	snop  }
0x27: {  	[tilespmem:s11], [sflag:$0x1] =	stream.indirect_vreg.gather [hbm4b:s2+s3], $0x80, v3, vm0, $0xb8;
	[tilespmem:$0xA100] =	vst v63  }
0x28: {  	v3 =	vld [tilespmem:$0x20];
	_ =	sdelay $0x4  }
0x29: {  	v56 =	vshll.u32 v3, $0x1  }
0x2a: {  	v3 =	vand.u32 $0x7, v3;
	v4 =	vand.u32 $0xFFFFFFF0, v56  }
0x2b: {  	v3 =	vor.u32 v3, v4  }
0x2c: {  	v4 =	vperm.xlane v3, v0;
	_ =	sdelay $0x1  }
0x2d: {  	v3 =	vperm.xlane v3, v2;
	v4 =	vadd.s32 v1, v4;
	_ =	sdelay $0x1  }
0x2e: {  	v3 =	vadd.s32 v1, v3;
	_ =	sdelay $0x2  }
0x2f: {  	[tilespmem:s12], [sflag:$0x1] =	stream.indirect_vreg.gather [hbm4b:s2+s3], $0x80, v4, vm0, $0xb8;
	[tilespmem:$0xA100] =	vst v63  }
0x30: {  	_ = 	snop  }
0x31: {  	[tilespmem:s13], [sflag:$0x1] =	stream.indirect_vreg.gather [hbm4b:s2+s3], $0x80, v3, vm0, $0xb8;
	[tilespmem:$0xA100] =	vst v63  }
0x32: {  	v3 =	vld [tilespmem:$0x30];
	_ =	sdelay $0x4  }
0x33: {  	v57 =	vshll.u32 v3, $0x1  }
0x34: {  	v3 =	vand.u32 $0x7, v3;
	v4 =	vand.u32 $0xFFFFFFF0, v57  }
0x35: {  	v3 =	vor.u32 v3, v4  }
0x36: {  	v4 =	vperm.xlane v3, v0;
	_ =	sdelay $0x1  }
0x37: {  	v3 =	vperm.xlane v3, v2;
	v4 =	vadd.s32 v1, v4;
	_ =	sdelay $0x1  }
0x38: {  	v3 =	vadd.s32 v1, v3;
	_ =	sdelay $0x2  }
0x39: {  	[tilespmem:s14], [sflag:$0x1] =	stream.indirect_vreg.gather [hbm4b:s2+s3], $0x80, v4, vm0, $0xb8;
	[tilespmem:$0xA100] =	vst v63  }
0x3a: {  	_ = 	snop  }
0x3b: {  	[tilespmem:s15], [sflag:$0x1] =	stream.indirect_vreg.gather [hbm4b:s2+s3], $0x80, v3, vm0, $0xb8;
	[tilespmem:$0xA100] =	vst v63  }
0x3c: {  	v3 =	vld [tilespmem:$0x40];
	_ =	sdelay $0x4  }
0x3d: {  	v58 =	vshll.u32 v3, $0x1  }
0x3e: {  	v3 =	vand.u32 $0x7, v3;
	v4 =	vand.u32 $0xFFFFFFF0, v58  }
0x3f: {  	v3 =	vor.u32 v3, v4  }
0x40: {  	v4 =	vperm.xlane v3, v0;
	_ =	sdelay $0x1  }
0x41: {  	v3 =	vperm.xlane v3, v2;
	v4 =	vadd.s32 v1, v4;
	_ =	sdelay $0x1  }
0x42: {  	v3 =	vadd.s32 v1, v3;
	_ =	sdelay $0x2  }
0x43: {  	[tilespmem:s16], [sflag:$0x1] =	stream.indirect_vreg.gather [hbm4b:s2+s3], $0x80, v4, vm0, $0xb8;
	[tilespmem:$0xA100] =	vst v63  }
0x44: {  	_ = 	snop  }
0x45: {  	[tilespmem:s17], [sflag:$0x1] =	stream.indirect_vreg.gather [hbm4b:s2+s3], $0x80, v3, vm0, $0xb8;
	[tilespmem:$0xA100] =	vst v63  }
0x46: {  	v3 =	vld [tilespmem:$0x50];
	_ =	sdelay $0x4  }
0x47: {  	v59 =	vshll.u32 v3, $0x1  }
0x48: {  	v3 =	vand.u32 $0x7, v3;
	v4 =	vand.u32 $0xFFFFFFF0, v59  }
0x49: {  	v3 =	vor.u32 v3, v4  }
0x4a: {  	v4 =	vperm.xlane v3, v0;
	_ =	sdelay $0x1  }
0x4b: {  	v3 =	vperm.xlane v3, v2;
	v4 =	vadd.s32 v1, v4;
	_ =	sdelay $0x1  }
0x4c: {  	v3 =	vadd.s32 v1, v3;
	_ =	sdelay $0x2  }
0x4d: {  	[tilespmem:s18], [sflag:$0x1] =	stream.indirect_vreg.gather [hbm4b:s2+s3], $0x80, v4, vm0, $0xb8;
	[tilespmem:$0xA100] =	vst v63  }
0x4e: {  	_ = 	snop  }
0x4f: {  	[tilespmem:s19], [sflag:$0x1] =	stream.indirect_vreg.gather [hbm4b:s2+s3], $0x80, v3, vm0, $0xb8;
	[tilespmem:$0xA100] =	vst v63  }
0x50: {  	v3 =	vld [tilespmem:$0x60];
	_ =	sdelay $0x4  }
0x51: {  	v60 =	vshll.u32 v3, $0x1  }
0x52: {  	v3 =	vand.u32 $0x7, v3;
	v4 =	vand.u32 $0xFFFFFFF0, v60  }
0x53: {  	v3 =	vor.u32 v3, v4  }
0x54: {  	v4 =	vperm.xlane v3, v0;
	_ =	sdelay $0x1  }
0x55: {  	v3 =	vperm.xlane v3, v2;
	v4 =	vadd.s32 v1, v4;
	_ =	sdelay $0x1  }
0x56: {  	v3 =	vadd.s32 v1, v3;
	_ =	sdelay $0x2  }
0x57: {  	[tilespmem:s20], [sflag:$0x1] =	stream.indirect_vreg.gather [hbm4b:s2+s3], $0x80, v4, vm0, $0xb8;
	[tilespmem:$0xA100] =	vst v63  }
0x58: {  	_ = 	snop  }
0x59: {  	[tilespmem:s21], [sflag:$0x1] =	stream.indirect_vreg.gather [hbm4b:s2+s3], $0x80, v3, vm0, $0xb8;
	[tilespmem:$0xA100] =	vst v63  }
0x5a: {  	v3 =	vld [tilespmem:$0x70];
	_ =	sdelay $0x4  }
0x5b: {  	v61 =	vshll.u32 v3, $0x1  }
0x5c: {  	v3 =	vand.u32 $0x7, v3;
	v4 =	vand.u32 $0xFFFFFFF0, v61  }
0x5d: {  	v3 =	vor.u32 v3, v4  }
0x5e: {  	v4 =	vperm.xlane v3, v0;
	_ =	sdelay $0x1  }
0x5f: {  	v3 =	vperm.xlane v3, v2;
	v4 =	vadd.s32 v1, v4;
	_ =	sdelay $0x1  }
0x60: {  	v3 =	vadd.s32 v1, v3;
	_ =	sdelay $0x2  }
0x61: {  	[tilespmem:s22], [sflag:$0x1] =	stream.indirect_vreg.gather [hbm4b:s2+s3], $0x80, v4, vm0, $0xb8;
	[tilespmem:$0xA100] =	vst v63  }
0x62: {  	_ = 	snop  }
0x63: {  	[tilespmem:s23], [sflag:$0x1] =	stream.indirect_vreg.gather [hbm4b:s2+s3], $0x80, v3, vm0, $0xb8;
	[tilespmem:$0xA100] =	vst v63  }
0x64: {  	v3 =	vld [tilespmem:$0x80];
	_ =	sdelay $0x4  }
0x65: {  	v62 =	vshll.u32 v3, $0x1  }
0x66: {  	v3 =	vand.u32 $0x7, v3;
	v4 =	vand.u32 $0xFFFFFFF0, v62  }
0x67: {  	v3 =	vor.u32 v3, v4  }
0x68: {  	v4 =	vperm.xlane v3, v0;
	_ =	sdelay $0x1  }
0x69: {  	v3 =	vperm.xlane v3, v2;
	v4 =	vadd.s32 v1, v4;
	_ =	sdelay $0x1  }
0x6a: {  	v3 =	vadd.s32 v1, v3;
	_ =	sdelay $0x2  }
0x6b: {  	[tilespmem:s24], [sflag:$0x1] =	stream.indirect_vreg.gather [hbm4b:s2+s3], $0x80, v4, vm0, $0xb8;
	[tilespmem:$0xA100] =	vst v63  }
0x6c: {  	_ = 	snop  }
0x6d: {  	[tilespmem:s25], [sflag:$0x1] =	stream.indirect_vreg.gather [hbm4b:s2+s3], $0x80, v3, vm0, $0xb8;
	[tilespmem:$0xA100] =	vst v63  }
0x6e: {  	v3 =	vld [tilespmem:$0x90];
	_ =	sdelay $0x4  }
0x6f: {  	v63 =	vshll.u32 v3, $0x1  }
0x70: {  	v3 =	vand.u32 $0x7, v3;
	v4 =	vand.u32 $0xFFFFFFF0, v63  }
0x71: {  	v3 =	vor.u32 v3, v4  }
0x72: {  	v4 =	vperm.xlane v3, v0;
	_ =	sdelay $0x1  }
0x73: {  	v3 =	vperm.xlane v3, v2;
	v4 =	vadd.s32 v1, v4;
	_ =	sdelay $0x1  }
0x74: {  	v3 =	vadd.s32 v1, v3;
	_ =	sdelay $0x2  }
0x75: {  	[tilespmem:s26], [sflag:$0x1] =	stream.indirect_vreg.gather [hbm4b:s2+s3], $0x80, v4, vm0, $0xb8;
	[tilespmem:$0xA100] =	vst v63  }
0x76: {  	_ = 	snop  }
0x77: {  	[tilespmem:s28], [sflag:$0x1] =	stream.indirect_vreg.gather [hbm4b:s2+s3], $0x80, v3, vm0, $0xb8;
	[tilespmem:$0xA100] =	vst v63  }
0x78: {  	_ =	swait.ge [sflag:s29], $0xA000  }
0x79: {  	p0 =	sne.s32 s6, $0x1;
	[sflag:s29] =	ssyncset.done $0x0  }
.Ltmp0:
0x7a: {  	[sflag:s29] =	ssyncadd.s32 $0xFFFF6000;
	(pc) =	sbr.rel @p0 .LBB2_1-.Ltmp0, $4  }
0x7b: {  	[hbm4b:s5+s3] =	stream.linear.scatter [tilespmem:s8], [sflag:$0x2], $0xA000, $0x38;
	[tilespmem:$0xA100] =	vst v63  }
0x7c: {  	_ =	swait.ge [sflag:s7], $0xA000  }
0x7d: {  	[sflag:s7] =	ssyncset.done $0x0  }
0x7e: {  	s6 =	sadd.s32 $0xFFFFFFFF, s6;
	[sflag:s7] =	ssyncadd.s32 $0xFFFF6000  }
0x7f: {  	_ =	sfence.sel $0x180000  }
0x80: {  	[bflag:$0x0] =	sbarrier.arrive $0xFFFF  }
0x81: {  	p0 =	sne.s32 s0, $0x0;
	_ =	strace $0x90000050  }
0x82: {  	s0 =	sadd.s32 @!p0 $0x100000, s1;
	[bflag:$0x2] =	sbarrier.arrive $0xFFFF  }
0x83: {  	[sflag:s0] =	ssyncadd.tile.s32 @!p0 $0x1;
	_ =	shalt  }
.Lfunc_end2:
_tile_overlayer_lowered:
.L_overlay_start_2:
0x84: {  	(tag) =	ssettag $0x2  }
0x85: {  	s0 =	rddreg [dreg:$0x0];
	s2 =	stileid.u32  }
0x86: {  	s1 =	rddreg [dreg:$0x1];
	p0 =	sne.s32 s2, $0x0  }
0x87: {  	s3 =	rddreg [dreg:$0x2];
	[bflag:$0x3] =	sbarrier.arrive $0xFFFF;
	s2 =	simm.s32 @!p0 $0x1C02  }
0x88: {  	[timem:s3], [sflag:s2] =	dma.local @!p0 [hbm:s0], s1  }
0x89: {  	s0 =	simm.s32 @!p0 $0x2  }
0x8a: {  	_ =	swait.ge @!p0 [sflag:s0], s1  }
0x8b: {  	s1 =	ssub.s32 @!p0 $0x0, s1;
	[sflag:s0] =	ssyncset.done @!p0 $0x0  }
0x8c: {  	[sflag:s0] =	ssyncadd.s32 @!p0 s1  }
0x8d: {  	[bflag:$0x3] =	sbarrier.arrive $0xFFFF  }
0x8e: {  	_ =	shalt  }

</sc_bundles>
